<compile_context>
chip_gen: v7x
topology: tpu7x:2x2x1
jax: 0.10.2.dev20260603
libtpu: 0.0.44.dev20260713+nightly
codegen_flags: <defaults>
</compile_context>

<pallas_src>
import functools

import jax
import jax.numpy as jnp
from jax import lax
from jax.experimental import pallas as pl
from jax.experimental.pallas import tpu as pltpu
from jax.experimental.pallas import tpu_sc as plsc

_V, _D = 1_000_000, 64
_B, _C, _K = 16384, 20, 20
_NC, _NS = 2, 16
_NW = _NC * _NS
_BPW = _B // _NW
_NB = 16
_NCHUNK = _BPW // _NB
_ROWS = _NB * _C
_NSTREAM = 4
_SROWS = _ROWS // _NSTREAM
_L = 16


def _phase_a_body(idxu_hbm, emb_u_hbm, su_hbm,
                  idx_u, rows_u, rows_u2, su_buf, sem):
    wid = lax.axis_index("s") * _NC + lax.axis_index("c")
    base = wid * _BPW
    pltpu.sync_copy(idxu_hbm.at[pl.ds(base * _C, _BPW * _C)], idx_u)

    def chunk_body(pi, _):
        cps = []
        for half, rows in ((0, rows_u), (1, rows_u2)):
            off = (2 * pi + half) * _ROWS
            cps.append([pltpu.async_copy(
                emb_u_hbm.at[idx_u.at[pl.ds(off + s * _SROWS, _SROWS)]],
                rows.at[pl.ds(s * _SROWS, _SROWS), :], sem)
                for s in range(_NSTREAM)])

        for half, rows in ((0, rows_u), (1, rows_u2)):
            ci = 2 * pi + half
            for cp in cps[half]:
                cp.wait()

            def b_body(j, _, rows=rows, ci=ci):
                rb = j * _C
                su = [jnp.zeros((_L,), jnp.float32) for _ in range(_D // _L)]
                for c in range(_C):
                    for blk in range(_D // _L):
                        su[blk] = su[blk] + rows[rb + c, pl.ds(blk * _L, _L)]
                for blk in range(_D // _L):
                    su_buf[ci * _NB + j, pl.ds(blk * _L, _L)] = su[blk]
                return 0

            lax.fori_loop(0, _NB, b_body, 0)
        return 0

    lax.fori_loop(0, _NCHUNK // 2, chunk_body, 0)
    pltpu.sync_copy(su_buf, su_hbm.at[pl.ds(base, _BPW), :])


def _phase_b_body(idxn_hbm, idxt_hbm, su_hbm, emb_v_hbm,
                  pos_hbm, neg_hbm,
                  idx_n, idx_t, rows_n, rows_n2, rows_t, rows_t2, su_buf,
                  pos_buf, neg_buf, sem):
    wid = lax.axis_index("s") * _NC + lax.axis_index("c")
    base = wid * _BPW
    pltpu.sync_copy(idxn_hbm.at[pl.ds(base * _K, _BPW * _K)], idx_n)
    pltpu.sync_copy(idxt_hbm.at[pl.ds(base, _BPW)], idx_t)
    pltpu.sync_copy(su_hbm.at[pl.ds(base, _BPW), :], su_buf)

    lanes = lax.iota(jnp.int32, _L)

    def _lane_sum(x):
        for s in (8, 4, 2, 1):
            x = x + x.at[(lanes + s) % _L].get(mode="promise_in_bounds")
        return x

    def chunk_body(pi, _):
        cps = []
        for half, rows, rt in ((0, rows_n, rows_t), (1, rows_n2, rows_t2)):
            ci = 2 * pi + half
            off = ci * _ROWS
            c_list = [pltpu.async_copy(
                emb_v_hbm.at[idx_n.at[pl.ds(off + s * _SROWS, _SROWS)]],
                rows.at[pl.ds(s * _SROWS, _SROWS), :], sem)
                for s in range(_NSTREAM)]
            c_list.append(pltpu.async_copy(
                emb_v_hbm.at[idx_t.at[pl.ds(ci * _NB, _NB)]], rt, sem))
            cps.append(c_list)

        for half, rows, rt in ((0, rows_n, rows_t), (1, rows_n2, rows_t2)):
            ci = 2 * pi + half
            for cp in cps[half]:
                cp.wait()

            def b_body(j, carry, rows=rows, rt=rt, ci=ci):
                acc_p, acc_n = carry
                rb = j * _C
                sn = [jnp.zeros((_L,), jnp.float32) for _ in range(_D // _L)]
                for c in range(_C):
                    for blk in range(_D // _L):
                        sn[blk] = sn[blk] + rows[rb + c, pl.ds(blk * _L, _L)]
                pp = jnp.zeros((_L,), jnp.float32)
                nn = jnp.zeros((_L,), jnp.float32)
                for blk in range(_D // _L):
                    su_blk = su_buf[ci * _NB + j, pl.ds(blk * _L, _L)]
                    t_blk = rt[j, pl.ds(blk * _L, _L)]
                    pp = pp + t_blk * su_blk
                    nn = nn + sn[blk] * su_blk
                m = lanes == j
                acc_p = jnp.where(m, _lane_sum(pp) * (1.0 / _C), acc_p)
                acc_n = jnp.where(m, _lane_sum(nn) * (1.0 / _C), acc_n)
                return acc_p, acc_n

            acc_p, acc_n = lax.fori_loop(
                0, _NB, b_body,
                (jnp.zeros((_L,), jnp.float32),
                 jnp.zeros((_L,), jnp.float32)))
            pos_buf[pl.ds(ci * _NB, _NB)] = acc_p
            neg_buf[pl.ds(ci * _NB, _NB)] = acc_n
        return 0

    lax.fori_loop(0, _NCHUNK // 2, chunk_body, 0)
    pltpu.sync_copy(pos_buf, pos_hbm.at[pl.ds(base, _BPW)])
    pltpu.sync_copy(neg_buf, neg_hbm.at[pl.ds(base, _BPW)])


_MESH = dict(core_axis_name="c", subcore_axis_name="s")


@functools.lru_cache(maxsize=None)
def _phase_a():
    return functools.partial(
        pl.kernel,
        mesh=plsc.VectorSubcoreMesh(**_MESH),
        compiler_params=pltpu.CompilerParams(use_tc_tiling_on_sc=False),
        out_type=jax.ShapeDtypeStruct((_B, _D), jnp.float32),
        scratch_types=[
            pltpu.VMEM((_BPW * _C,), jnp.int32),
            pltpu.VMEM((_ROWS, _D), jnp.float32),
            pltpu.VMEM((_ROWS, _D), jnp.float32),
            pltpu.VMEM((_BPW, _D), jnp.float32),
            pltpu.SemaphoreType.DMA,
        ],
    )(_phase_a_body)


@functools.lru_cache(maxsize=None)
def _phase_b():
    return functools.partial(
        pl.kernel,
        mesh=plsc.VectorSubcoreMesh(**_MESH),
        compiler_params=pltpu.CompilerParams(use_tc_tiling_on_sc=False),
        out_type=[jax.ShapeDtypeStruct((_B,), jnp.float32),
                  jax.ShapeDtypeStruct((_B,), jnp.float32)],
        scratch_types=[
            pltpu.VMEM((_BPW * _K,), jnp.int32),
            pltpu.VMEM((_BPW,), jnp.int32),
            pltpu.VMEM((_ROWS, _D), jnp.float32),
            pltpu.VMEM((_ROWS, _D), jnp.float32),
            pltpu.VMEM((_NB, _D), jnp.float32),
            pltpu.VMEM((_NB, _D), jnp.float32),
            pltpu.VMEM((_BPW, _D), jnp.float32),
            pltpu.VMEM((_BPW,), jnp.float32),
            pltpu.VMEM((_BPW,), jnp.float32),
            pltpu.SemaphoreType.DMA,
        ],
    )(_phase_b_body)


def _finish_body(pos_ref, neg_ref, out_ref):
    p = pos_ref[...]
    n = neg_ref[...]
    lsp = jnp.minimum(p, 0.0) - jnp.log1p(jnp.exp(-jnp.abs(p)))
    lsn = jnp.minimum(-n, 0.0) - jnp.log1p(jnp.exp(-jnp.abs(n)))
    out_ref[0, 0] = -(jnp.sum(lsp) + jnp.sum(lsn)) / _B


def _finish(pos2d, neg2d):
    return pl.pallas_call(
        _finish_body,
        out_shape=jax.ShapeDtypeStruct((1, 1), jnp.float32),
        out_specs=pl.BlockSpec(memory_space=pltpu.SMEM),
    )(pos2d, neg2d)


def kernel(inputs, targets, negatives, emb_u, emb_v):
    idxu = inputs.astype(jnp.int32).reshape(-1)
    idxn = negatives.astype(jnp.int32).reshape(-1)
    idxt = targets.astype(jnp.int32)
    su = _phase_a()(idxu, emb_u)
    pos, neg = _phase_b()(idxn, idxt, su, emb_v)
    res = _finish(pos.reshape(128, 128), neg.reshape(128, 128))
    return res[0, 0]

# --- scband reference (transcript-rebuilt; emitter-appended) ---
"""Pipeline reference for scband-negative-sampling-model-60670708023759 (READ-ONLY COPY).

The authoritative reference and input builder live on the scoring server;
editing this copy changes nothing except your own understanding.
"""

import jax, jax.numpy as jnp
import numpy as np

V, D = 1000000, 64
B, C, K = 16384, 20, 20

def setup_inputs(seed: int = 0):
    key = jax.random.key(seed)
    k1, k2, k3, k4, k5 = jax.random.split(key, 5)
    inputs = jax.random.randint(k1, (B, C), 0, V)
    targets = jax.random.randint(k2, (B,), 0, V)
    negatives = jax.random.randint(k3, (B, K), 0, V)
    emb_u = jax.random.normal(k4, (V, D), dtype=jnp.float32) * 0.02
    emb_v = jax.random.normal(k5, (V, D), dtype=jnp.float32) * 0.02
    return {"inputs": inputs, "targets": targets, "negatives": negatives, "emb_u": emb_u, "emb_v": emb_v}

def reference(inputs, targets, negatives, emb_u, emb_v):
    # u = mean over context-window embeddings (gather + mean)
    u = jnp.take(emb_u, inputs, axis=0).mean(axis=1)           # [B, D]
    v = jnp.take(emb_v, targets, axis=0)                        # [B, D]
    vp = jnp.take(emb_v, negatives, axis=0)                     # [B, K, D]
    loss = jax.nn.log_sigmoid(jnp.sum(v * u, axis=1))           # [B]
    # bmm(vp, u.unsqueeze(2)).squeeze() -> [B, K]
    neg_prod = jnp.einsum('bkd,bd->bk', vp, u)
    loss = loss + jax.nn.log_sigmoid(jnp.sum(-neg_prod, axis=1))
    return -loss.mean()

if __name__ == "__main__":
    import jax
    _d = setup_inputs()
    print(jax.jit(kernel)(*tuple(_d.values())))

</pallas_src>

<mosaic_0001>
#map = affine_map<(d0, d1) -> (0)>
#map1 = affine_map<(d0, d1) -> (0, 0)>
module attributes {stable_mosaic.version = 14 : i64} {
  func.func @_phase_b_body(%arg0: i32, %arg1: i32, %arg2: memref<327680xi32, #tpu.memory_space<hbm>>, %arg3: memref<16384xi32, #tpu.memory_space<hbm>>, %arg4: memref<16384x64xf32, #tpu.memory_space<hbm>>, %arg5: memref<1000000x64xf32, #tpu.memory_space<hbm>>, %arg6: memref<16384xf32, #tpu.memory_space<hbm>>, %arg7: memref<16384xf32, #tpu.memory_space<hbm>>, %arg8: memref<10240xi32, #tpu.memory_space<vmem>>, %arg9: memref<512xi32, #tpu.memory_space<vmem>>, %arg10: memref<320x64xf32, #tpu.memory_space<vmem>>, %arg11: memref<320x64xf32, #tpu.memory_space<vmem>>, %arg12: memref<16x64xf32, #tpu.memory_space<vmem>>, %arg13: memref<16x64xf32, #tpu.memory_space<vmem>>, %arg14: memref<512x64xf32, #tpu.memory_space<vmem>>, %arg15: memref<512xf32, #tpu.memory_space<vmem>>, %arg16: memref<512xf32, #tpu.memory_space<vmem>>, %arg17: memref<!tpu.dma_semaphore, #tpu.memory_space<semaphore_mem>>) attributes {dimension_semantics = [#tpu.dimension_semantics<core_parallel>, #tpu.dimension_semantics<subcore_parallel>], iteration_bounds = array<i64: 2, 16>, scalar_prefetch = 0 : i64, scratch_operands = 10 : i64, tpu.core_type = #tpu.core_type<sc_vector_subcore>, window_params = [{transform_indices = #map}, {transform_indices = #map}, {transform_indices = #map1}, {transform_indices = #map1}, {transform_indices = #map}, {transform_indices = #map}]} {
    %mul3A = arith.constant 2 : i32
    %mul3A_0 = arith.muli %arg1, %mul3A : i32
    %add3A = arith.addi %mul3A_0, %arg0 : i32
    %mul3A_1 = arith.constant 512 : i32
    %mul3A_2 = arith.muli %add3A, %mul3A_1 : i32
    %mul3A_3 = arith.constant 20 : i32
    %mul3A_4 = arith.muli %mul3A_2, %mul3A_3 : i32
    "tpu.region"() ({
      %run_scoped3A = tpu.sem_alloc : memref<!tpu.dma_semaphore, #tpu.memory_space<semaphore_mem>>
      %dma_start3A = tpu.memref_slice %arg2[%mul3A_4] : memref<327680xi32, #tpu.memory_space<hbm>> -> memref<10240xi32, #tpu.memory_space<hbm>>
      %dma_start3A_11 = tpu.memref_slice %arg2[%mul3A_4] : memref<327680xi32, #tpu.memory_space<hbm>> -> memref<10240xi32, #tpu.memory_space<hbm>>
      tpu.enqueue_dma source(%dma_start3A_11 : memref<10240xi32, #tpu.memory_space<hbm>>) target(%arg8 : memref<10240xi32, #tpu.memory_space<vmem>>) target_semaphore(%run_scoped3A : memref<!tpu.dma_semaphore, #tpu.memory_space<semaphore_mem>>)
      %dma_wait3A = tpu.memref_slice %arg2[%mul3A_4] : memref<327680xi32, #tpu.memory_space<hbm>> -> memref<10240xi32, #tpu.memory_space<hbm>>
      %dma_wait3A_12 = tpu.memref_slice %arg2[%mul3A_4] : memref<327680xi32, #tpu.memory_space<hbm>> -> memref<10240xi32, #tpu.memory_space<hbm>>
      tpu.wait_dma2 semaphore(%run_scoped3A : memref<!tpu.dma_semaphore, #tpu.memory_space<semaphore_mem>>) src(%dma_wait3A_12 : memref<10240xi32, #tpu.memory_space<hbm>>) dst(%arg8 : memref<10240xi32, #tpu.memory_space<vmem>>)
      tpu.yield
    }) : () -> ()
    "tpu.region"() ({
      %run_scoped3A = tpu.sem_alloc : memref<!tpu.dma_semaphore, #tpu.memory_space<semaphore_mem>>
      %dma_start3A = tpu.memref_slice %arg3[%mul3A_2] : memref<16384xi32, #tpu.memory_space<hbm>> -> memref<512xi32, #tpu.memory_space<hbm>>
      %dma_start3A_11 = tpu.memref_slice %arg3[%mul3A_2] : memref<16384xi32, #tpu.memory_space<hbm>> -> memref<512xi32, #tpu.memory_space<hbm>>
      tpu.enqueue_dma source(%dma_start3A_11 : memref<512xi32, #tpu.memory_space<hbm>>) target(%arg9 : memref<512xi32, #tpu.memory_space<vmem>>) target_semaphore(%run_scoped3A : memref<!tpu.dma_semaphore, #tpu.memory_space<semaphore_mem>>)
      %dma_wait3A = tpu.memref_slice %arg3[%mul3A_2] : memref<16384xi32, #tpu.memory_space<hbm>> -> memref<512xi32, #tpu.memory_space<hbm>>
      %dma_wait3A_12 = tpu.memref_slice %arg3[%mul3A_2] : memref<16384xi32, #tpu.memory_space<hbm>> -> memref<512xi32, #tpu.memory_space<hbm>>
      tpu.wait_dma2 semaphore(%run_scoped3A : memref<!tpu.dma_semaphore, #tpu.memory_space<semaphore_mem>>) src(%dma_wait3A_12 : memref<512xi32, #tpu.memory_space<hbm>>) dst(%arg9 : memref<512xi32, #tpu.memory_space<vmem>>)
      tpu.yield
    }) : () -> ()
    "tpu.region"() ({
      %run_scoped3A = tpu.sem_alloc : memref<!tpu.dma_semaphore, #tpu.memory_space<semaphore_mem>>
      %dma_start3A = arith.constant 0 : i32
      %dma_start3A_11 = tpu.memref_slice %arg4[%mul3A_2, %dma_start3A] : memref<16384x64xf32, #tpu.memory_space<hbm>> -> memref<512x64xf32, #tpu.memory_space<hbm>>
      %dma_start3A_12 = arith.constant 0 : i32
      %dma_start3A_13 = tpu.memref_slice %arg4[%mul3A_2, %dma_start3A_12] : memref<16384x64xf32, #tpu.memory_space<hbm>> -> memref<512x64xf32, #tpu.memory_space<hbm>>
      tpu.enqueue_dma source(%dma_start3A_13 : memref<512x64xf32, #tpu.memory_space<hbm>>) target(%arg14 : memref<512x64xf32, #tpu.memory_space<vmem>>) target_semaphore(%run_scoped3A : memref<!tpu.dma_semaphore, #tpu.memory_space<semaphore_mem>>)
      %dma_wait3A = arith.constant 0 : i32
      %dma_wait3A_14 = tpu.memref_slice %arg4[%mul3A_2, %dma_wait3A] : memref<16384x64xf32, #tpu.memory_space<hbm>> -> memref<512x64xf32, #tpu.memory_space<hbm>>
      %dma_wait3A_15 = arith.constant 0 : i32
      %dma_wait3A_16 = tpu.memref_slice %arg4[%mul3A_2, %dma_wait3A_15] : memref<16384x64xf32, #tpu.memory_space<hbm>> -> memref<512x64xf32, #tpu.memory_space<hbm>>
      tpu.wait_dma2 semaphore(%run_scoped3A : memref<!tpu.dma_semaphore, #tpu.memory_space<semaphore_mem>>) src(%dma_wait3A_16 : memref<512x64xf32, #tpu.memory_space<hbm>>) dst(%arg14 : memref<512x64xf32, #tpu.memory_space<vmem>>)
      tpu.yield
    }) : () -> ()
    %iota3A = tpu.iota {dimensions = array<i32: 0>} : vector<16xi32>
    %scan3A = arith.constant 0 : i32
    %scan3A_5 = arith.constant 0 : i32
    %scan3A_6 = arith.constant 16 : i32
    %scan3A_7 = arith.addi %scan3A_5, %scan3A_6 : i32
    %scan3A_8 = arith.constant 1 : i32
    %scan3A_9 = scf.for %scan3A_11 = %scan3A_5 to %scan3A_7 step %scan3A_8 iter_args(%scan3A_12 = %scan3A) -> (i32)  : i32 {
      %mul3A_13 = arith.constant 2 : i32
      %mul3A_14 = arith.muli %mul3A_13, %scan3A_11 : i32
      %add3A_15 = arith.constant 0 : i32
      %add3A_16 = arith.addi %mul3A_14, %add3A_15 : i32
      %mul3A_17 = arith.constant 320 : i32
      %mul3A_18 = arith.muli %add3A_16, %mul3A_17 : i32
      %add3A_19 = arith.constant 0 : i32
      %add3A_20 = arith.addi %mul3A_18, %add3A_19 : i32
      %dma_start3A = arith.constant 0 : i32
      %dma_start3A_21 = arith.constant 0 : i32
      %dma_start3A_22 = tpu.memref_slice %arg10[%dma_start3A, %dma_start3A_21] : memref<320x64xf32, #tpu.memory_space<vmem>> -> memref<80x64xf32, #tpu.memory_space<vmem>>
      %dma_start3A_23 = tpu.memref_slice %arg8[%add3A_20] : memref<10240xi32, #tpu.memory_space<vmem>> -> memref<80xi32, #tpu.memory_space<vmem>>
      %dma_start3A_24 = arith.constant 0 : i32
      %dma_start3A_25 = arith.constant 0 : i32
      %dma_start3A_26 = tpu.memref_slice %arg5[%dma_start3A_24, %dma_start3A_25] : memref<1000000x64xf32, #tpu.memory_space<hbm>> -> memref<1000000x64xf32, #tpu.memory_space<hbm>>
      tpu.enqueue_indirect_dma source(%dma_start3A_26 : memref<1000000x64xf32, #tpu.memory_space<hbm>>) target(%dma_start3A_22 : memref<80x64xf32, #tpu.memory_space<vmem>>) offsets(%dma_start3A_23 : memref<80xi32, #tpu.memory_space<vmem>>) semaphore(%arg17 : memref<!tpu.dma_semaphore, #tpu.memory_space<semaphore_mem>>)
      %add3A_27 = arith.constant 80 : i32
      %add3A_28 = arith.addi %mul3A_18, %add3A_27 : i32
      %dma_start3A_29 = arith.constant 80 : i32
      %dma_start3A_30 = arith.constant 0 : i32
      %dma_start3A_31 = tpu.memref_slice %arg10[%dma_start3A_29, %dma_start3A_30] : memref<320x64xf32, #tpu.memory_space<vmem>> -> memref<80x64xf32, #tpu.memory_space<vmem>>
      %dma_start3A_32 = tpu.memref_slice %arg8[%add3A_28] : memref<10240xi32, #tpu.memory_space<vmem>> -> memref<80xi32, #tpu.memory_space<vmem>>
      %dma_start3A_33 = arith.constant 0 : i32
      %dma_start3A_34 = arith.constant 0 : i32
      %dma_start3A_35 = tpu.memref_slice %arg5[%dma_start3A_33, %dma_start3A_34] : memref<1000000x64xf32, #tpu.memory_space<hbm>> -> memref<1000000x64xf32, #tpu.memory_space<hbm>>
      tpu.enqueue_indirect_dma source(%dma_start3A_35 : memref<1000000x64xf32, #tpu.memory_space<hbm>>) target(%dma_start3A_31 : memref<80x64xf32, #tpu.memory_space<vmem>>) offsets(%dma_start3A_32 : memref<80xi32, #tpu.memory_space<vmem>>) semaphore(%arg17 : memref<!tpu.dma_semaphore, #tpu.memory_space<semaphore_mem>>)
      %add3A_36 = arith.constant 160 : i32
      %add3A_37 = arith.addi %mul3A_18, %add3A_36 : i32
      %dma_start3A_38 = arith.constant 160 : i32
      %dma_start3A_39 = arith.constant 0 : i32
      %dma_start3A_40 = tpu.memref_slice %arg10[%dma_start3A_38, %dma_start3A_39] : memref<320x64xf32, #tpu.memory_space<vmem>> -> memref<80x64xf32, #tpu.memory_space<vmem>>
      %dma_start3A_41 = tpu.memref_slice %arg8[%add3A_37] : memref<10240xi32, #tpu.memory_space<vmem>> -> memref<80xi32, #tpu.memory_space<vmem>>
      %dma_start3A_42 = arith.constant 0 : i32
      %dma_start3A_43 = arith.constant 0 : i32
      %dma_start3A_44 = tpu.memref_slice %arg5[%dma_start3A_42, %dma_start3A_43] : memref<1000000x64xf32, #tpu.memory_space<hbm>> -> memref<1000000x64xf32, #tpu.memory_space<hbm>>
      tpu.enqueue_indirect_dma source(%dma_start3A_44 : memref<1000000x64xf32, #tpu.memory_space<hbm>>) target(%dma_start3A_40 : memref<80x64xf32, #tpu.memory_space<vmem>>) offsets(%dma_start3A_41 : memref<80xi32, #tpu.memory_space<vmem>>) semaphore(%arg17 : memref<!tpu.dma_semaphore, #tpu.memory_space<semaphore_mem>>)
      %add3A_45 = arith.constant 240 : i32
      %add3A_46 = arith.addi %mul3A_18, %add3A_45 : i32
      %dma_start3A_47 = arith.constant 240 : i32
      %dma_start3A_48 = arith.constant 0 : i32
      %dma_start3A_49 = tpu.memref_slice %arg10[%dma_start3A_47, %dma_start3A_48] : memref<320x64xf32, #tpu.memory_space<vmem>> -> memref<80x64xf32, #tpu.memory_space<vmem>>
      %dma_start3A_50 = tpu.memref_slice %arg8[%add3A_46] : memref<10240xi32, #tpu.memory_space<vmem>> -> memref<80xi32, #tpu.memory_space<vmem>>
      %dma_start3A_51 = arith.constant 0 : i32
      %dma_start3A_52 = arith.constant 0 : i32
      %dma_start3A_53 = tpu.memref_slice %arg5[%dma_start3A_51, %dma_start3A_52] : memref<1000000x64xf32, #tpu.memory_space<hbm>> -> memref<1000000x64xf32, #tpu.memory_space<hbm>>
      tpu.enqueue_indirect_dma source(%dma_start3A_53 : memref<1000000x64xf32, #tpu.memory_space<hbm>>) target(%dma_start3A_49 : memref<80x64xf32, #tpu.memory_space<vmem>>) offsets(%dma_start3A_50 : memref<80xi32, #tpu.memory_space<vmem>>) semaphore(%arg17 : memref<!tpu.dma_semaphore, #tpu.memory_space<semaphore_mem>>)
      %mul3A_54 = arith.constant 16 : i32
      %mul3A_55 = arith.muli %add3A_16, %mul3A_54 : i32
      %dma_start3A_56 = tpu.memref_slice %arg9[%mul3A_55] : memref<512xi32, #tpu.memory_space<vmem>> -> memref<16xi32, #tpu.memory_space<vmem>>
      %dma_start3A_57 = arith.constant 0 : i32
      %dma_start3A_58 = arith.constant 0 : i32
      %dma_start3A_59 = tpu.memref_slice %arg5[%dma_start3A_57, %dma_start3A_58] : memref<1000000x64xf32, #tpu.memory_space<hbm>> -> memref<1000000x64xf32, #tpu.memory_space<hbm>>
      tpu.enqueue_indirect_dma source(%dma_start3A_59 : memref<1000000x64xf32, #tpu.memory_space<hbm>>) target(%arg12 : memref<16x64xf32, #tpu.memory_space<vmem>>) offsets(%dma_start3A_56 : memref<16xi32, #tpu.memory_space<vmem>>) semaphore(%arg17 : memref<!tpu.dma_semaphore, #tpu.memory_space<semaphore_mem>>)
      %mul3A_60 = arith.constant 2 : i32
      %mul3A_61 = arith.muli %mul3A_60, %scan3A_11 : i32
      %add3A_62 = arith.constant 1 : i32
      %add3A_63 = arith.addi %mul3A_61, %add3A_62 : i32
      %mul3A_64 = arith.constant 320 : i32
      %mul3A_65 = arith.muli %add3A_63, %mul3A_64 : i32
      %add3A_66 = arith.constant 0 : i32
      %add3A_67 = arith.addi %mul3A_65, %add3A_66 : i32
      %dma_start3A_68 = arith.constant 0 : i32
      %dma_start3A_69 = arith.constant 0 : i32
      %dma_start3A_70 = tpu.memref_slice %arg11[%dma_start3A_68, %dma_start3A_69] : memref<320x64xf32, #tpu.memory_space<vmem>> -> memref<80x64xf32, #tpu.memory_space<vmem>>
      %dma_start3A_71 = tpu.memref_slice %arg8[%add3A_67] : memref<10240xi32, #tpu.memory_space<vmem>> -> memref<80xi32, #tpu.memory_space<vmem>>
      %dma_start3A_72 = arith.constant 0 : i32
      %dma_start3A_73 = arith.constant 0 : i32
      %dma_start3A_74 = tpu.memref_slice %arg5[%dma_start3A_72, %dma_start3A_73] : memref<1000000x64xf32, #tpu.memory_space<hbm>> -> memref<1000000x64xf32, #tpu.memory_space<hbm>>
      tpu.enqueue_indirect_dma source(%dma_start3A_74 : memref<1000000x64xf32, #tpu.memory_space<hbm>>) target(%dma_start3A_70 : memref<80x64xf32, #tpu.memory_space<vmem>>) offsets(%dma_start3A_71 : memref<80xi32, #tpu.memory_space<vmem>>) semaphore(%arg17 : memref<!tpu.dma_semaphore, #tpu.memory_space<semaphore_mem>>)
      %add3A_75 = arith.constant 80 : i32
      %add3A_76 = arith.addi %mul3A_65, %add3A_75 : i32
      %dma_start3A_77 = arith.constant 80 : i32
      %dma_start3A_78 = arith.constant 0 : i32
      %dma_start3A_79 = tpu.memref_slice %arg11[%dma_start3A_77, %dma_start3A_78] : memref<320x64xf32, #tpu.memory_space<vmem>> -> memref<80x64xf32, #tpu.memory_space<vmem>>
      %dma_start3A_80 = tpu.memref_slice %arg8[%add3A_76] : memref<10240xi32, #tpu.memory_space<vmem>> -> memref<80xi32, #tpu.memory_space<vmem>>
      %dma_start3A_81 = arith.constant 0 : i32
      %dma_start3A_82 = arith.constant 0 : i32
      %dma_start3A_83 = tpu.memref_slice %arg5[%dma_start3A_81, %dma_start3A_82] : memref<1000000x64xf32, #tpu.memory_space<hbm>> -> memref<1000000x64xf32, #tpu.memory_space<hbm>>
      tpu.enqueue_indirect_dma source(%dma_start3A_83 : memref<1000000x64xf32, #tpu.memory_space<hbm>>) target(%dma_start3A_79 : memref<80x64xf32, #tpu.memory_space<vmem>>) offsets(%dma_start3A_80 : memref<80xi32, #tpu.memory_space<vmem>>) semaphore(%arg17 : memref<!tpu.dma_semaphore, #tpu.memory_space<semaphore_mem>>)
      %add3A_84 = arith.constant 160 : i32
      %add3A_85 = arith.addi %mul3A_65, %add3A_84 : i32
      %dma_start3A_86 = arith.constant 160 : i32
      %dma_start3A_87 = arith.constant 0 : i32
      %dma_start3A_88 = tpu.memref_slice %arg11[%dma_start3A_86, %dma_start3A_87] : memref<320x64xf32, #tpu.memory_space<vmem>> -> memref<80x64xf32, #tpu.memory_space<vmem>>
      %dma_start3A_89 = tpu.memref_slice %arg8[%add3A_85] : memref<10240xi32, #tpu.memory_space<vmem>> -> memref<80xi32, #tpu.memory_space<vmem>>
      %dma_start3A_90 = arith.constant 0 : i32
      %dma_start3A_91 = arith.constant 0 : i32
      %dma_start3A_92 = tpu.memref_slice %arg5[%dma_start3A_90, %dma_start3A_91] : memref<1000000x64xf32, #tpu.memory_space<hbm>> -> memref<1000000x64xf32, #tpu.memory_space<hbm>>
      tpu.enqueue_indirect_dma source(%dma_start3A_92 : memref<1000000x64xf32, #tpu.memory_space<hbm>>) target(%dma_start3A_88 : memref<80x64xf32, #tpu.memory_space<vmem>>) offsets(%dma_start3A_89 : memref<80xi32, #tpu.memory_space<vmem>>) semaphore(%arg17 : memref<!tpu.dma_semaphore, #tpu.memory_space<semaphore_mem>>)
      %add3A_93 = arith.constant 240 : i32
      %add3A_94 = arith.addi %mul3A_65, %add3A_93 : i32
      %dma_start3A_95 = arith.constant 240 : i32
      %dma_start3A_96 = arith.constant 0 : i32
      %dma_start3A_97 = tpu.memref_slice %arg11[%dma_start3A_95, %dma_start3A_96] : memref<320x64xf32, #tpu.memory_space<vmem>> -> memref<80x64xf32, #tpu.memory_space<vmem>>
      %dma_start3A_98 = tpu.memref_slice %arg8[%add3A_94] : memref<10240xi32, #tpu.memory_space<vmem>> -> memref<80xi32, #tpu.memory_space<vmem>>
      %dma_start3A_99 = arith.constant 0 : i32
      %dma_start3A_100 = arith.constant 0 : i32
      %dma_start3A_101 = tpu.memref_slice %arg5[%dma_start3A_99, %dma_start3A_100] : memref<1000000x64xf32, #tpu.memory_space<hbm>> -> memref<1000000x64xf32, #tpu.memory_space<hbm>>
      tpu.enqueue_indirect_dma source(%dma_start3A_101 : memref<1000000x64xf32, #tpu.memory_space<hbm>>) target(%dma_start3A_97 : memref<80x64xf32, #tpu.memory_space<vmem>>) offsets(%dma_start3A_98 : memref<80xi32, #tpu.memory_space<vmem>>) semaphore(%arg17 : memref<!tpu.dma_semaphore, #tpu.memory_space<semaphore_mem>>)
      %mul3A_102 = arith.constant 16 : i32
      %mul3A_103 = arith.muli %add3A_63, %mul3A_102 : i32
      %dma_start3A_104 = tpu.memref_slice %arg9[%mul3A_103] : memref<512xi32, #tpu.memory_space<vmem>> -> memref<16xi32, #tpu.memory_space<vmem>>
      %dma_start3A_105 = arith.constant 0 : i32
      %dma_start3A_106 = arith.constant 0 : i32
      %dma_start3A_107 = tpu.memref_slice %arg5[%dma_start3A_105, %dma_start3A_106] : memref<1000000x64xf32, #tpu.memory_space<hbm>> -> memref<1000000x64xf32, #tpu.memory_space<hbm>>
      tpu.enqueue_indirect_dma source(%dma_start3A_107 : memref<1000000x64xf32, #tpu.memory_space<hbm>>) target(%arg13 : memref<16x64xf32, #tpu.memory_space<vmem>>) offsets(%dma_start3A_104 : memref<16xi32, #tpu.memory_space<vmem>>) semaphore(%arg17 : memref<!tpu.dma_semaphore, #tpu.memory_space<semaphore_mem>>)
      %mul3A_108 = arith.constant 2 : i32
      %mul3A_109 = arith.muli %mul3A_108, %scan3A_11 : i32
      %add3A_110 = arith.constant 0 : i32
      %add3A_111 = arith.addi %mul3A_109, %add3A_110 : i32
      %dma_wait3A = arith.constant 0 : i32
      %dma_wait3A_112 = arith.constant 0 : i32
      %dma_wait3A_113 = tpu.memref_slice %arg10[%dma_wait3A, %dma_wait3A_112] : memref<320x64xf32, #tpu.memory_space<vmem>> -> memref<80x64xf32, #tpu.memory_space<vmem>>
      %dma_wait3A_114 = tpu.memref_slice %arg8[%add3A_20] : memref<10240xi32, #tpu.memory_space<vmem>> -> memref<80xi32, #tpu.memory_space<vmem>>
      %dma_wait3A_115 = arith.constant 0 : i32
      %dma_wait3A_116 = arith.constant 0 : i32
      %dma_wait3A_117 = tpu.memref_slice %arg5[%dma_wait3A_115, %dma_wait3A_116] : memref<1000000x64xf32, #tpu.memory_space<hbm>> -> memref<1000000x64xf32, #tpu.memory_space<hbm>>
      tpu.wait_indirect_dma semaphore(%arg17 : memref<!tpu.dma_semaphore, #tpu.memory_space<semaphore_mem>>) src(%dma_wait3A_117 : memref<1000000x64xf32, #tpu.memory_space<hbm>>) dst(%dma_wait3A_113 : memref<80x64xf32, #tpu.memory_space<vmem>>)
      %dma_wait3A_118 = arith.constant 80 : i32
      %dma_wait3A_119 = arith.constant 0 : i32
      %dma_wait3A_120 = tpu.memref_slice %arg10[%dma_wait3A_118, %dma_wait3A_119] : memref<320x64xf32, #tpu.memory_space<vmem>> -> memref<80x64xf32, #tpu.memory_space<vmem>>
      %dma_wait3A_121 = tpu.memref_slice %arg8[%add3A_28] : memref<10240xi32, #tpu.memory_space<vmem>> -> memref<80xi32, #tpu.memory_space<vmem>>
      %dma_wait3A_122 = arith.constant 0 : i32
      %dma_wait3A_123 = arith.constant 0 : i32
      %dma_wait3A_124 = tpu.memref_slice %arg5[%dma_wait3A_122, %dma_wait3A_123] : memref<1000000x64xf32, #tpu.memory_space<hbm>> -> memref<1000000x64xf32, #tpu.memory_space<hbm>>
      tpu.wait_indirect_dma semaphore(%arg17 : memref<!tpu.dma_semaphore, #tpu.memory_space<semaphore_mem>>) src(%dma_wait3A_124 : memref<1000000x64xf32, #tpu.memory_space<hbm>>) dst(%dma_wait3A_120 : memref<80x64xf32, #tpu.memory_space<vmem>>)
      %dma_wait3A_125 = arith.constant 160 : i32
      %dma_wait3A_126 = arith.constant 0 : i32
      %dma_wait3A_127 = tpu.memref_slice %arg10[%dma_wait3A_125, %dma_wait3A_126] : memref<320x64xf32, #tpu.memory_space<vmem>> -> memref<80x64xf32, #tpu.memory_space<vmem>>
      %dma_wait3A_128 = tpu.memref_slice %arg8[%add3A_37] : memref<10240xi32, #tpu.memory_space<vmem>> -> memref<80xi32, #tpu.memory_space<vmem>>
      %dma_wait3A_129 = arith.constant 0 : i32
      %dma_wait3A_130 = arith.constant 0 : i32
      %dma_wait3A_131 = tpu.memref_slice %arg5[%dma_wait3A_129, %dma_wait3A_130] : memref<1000000x64xf32, #tpu.memory_space<hbm>> -> memref<1000000x64xf32, #tpu.memory_space<hbm>>
      tpu.wait_indirect_dma semaphore(%arg17 : memref<!tpu.dma_semaphore, #tpu.memory_space<semaphore_mem>>) src(%dma_wait3A_131 : memref<1000000x64xf32, #tpu.memory_space<hbm>>) dst(%dma_wait3A_127 : memref<80x64xf32, #tpu.memory_space<vmem>>)
      %dma_wait3A_132 = arith.constant 240 : i32
      %dma_wait3A_133 = arith.constant 0 : i32
      %dma_wait3A_134 = tpu.memref_slice %arg10[%dma_wait3A_132, %dma_wait3A_133] : memref<320x64xf32, #tpu.memory_space<vmem>> -> memref<80x64xf32, #tpu.memory_space<vmem>>
      %dma_wait3A_135 = tpu.memref_slice %arg8[%add3A_46] : memref<10240xi32, #tpu.memory_space<vmem>> -> memref<80xi32, #tpu.memory_space<vmem>>
      %dma_wait3A_136 = arith.constant 0 : i32
      %dma_wait3A_137 = arith.constant 0 : i32
      %dma_wait3A_138 = tpu.memref_slice %arg5[%dma_wait3A_136, %dma_wait3A_137] : memref<1000000x64xf32, #tpu.memory_space<hbm>> -> memref<1000000x64xf32, #tpu.memory_space<hbm>>
      tpu.wait_indirect_dma semaphore(%arg17 : memref<!tpu.dma_semaphore, #tpu.memory_space<semaphore_mem>>) src(%dma_wait3A_138 : memref<1000000x64xf32, #tpu.memory_space<hbm>>) dst(%dma_wait3A_134 : memref<80x64xf32, #tpu.memory_space<vmem>>)
      %dma_wait3A_139 = tpu.memref_slice %arg9[%mul3A_55] : memref<512xi32, #tpu.memory_space<vmem>> -> memref<16xi32, #tpu.memory_space<vmem>>
      %dma_wait3A_140 = arith.constant 0 : i32
      %dma_wait3A_141 = arith.constant 0 : i32
      %dma_wait3A_142 = tpu.memref_slice %arg5[%dma_wait3A_140, %dma_wait3A_141] : memref<1000000x64xf32, #tpu.memory_space<hbm>> -> memref<1000000x64xf32, #tpu.memory_space<hbm>>
      tpu.wait_indirect_dma semaphore(%arg17 : memref<!tpu.dma_semaphore, #tpu.memory_space<semaphore_mem>>) src(%dma_wait3A_142 : memref<1000000x64xf32, #tpu.memory_space<hbm>>) dst(%arg12 : memref<16x64xf32, #tpu.memory_space<vmem>>)
      %broadcast_in_dim3A = arith.constant 0.000000e+00 : f32
      %broadcast_in_dim3A_143 = vector.broadcast %broadcast_in_dim3A : f32 to vector<16xf32>
      %broadcast_in_dim3A_144 = arith.constant 0.000000e+00 : f32
      %broadcast_in_dim3A_145 = vector.broadcast %broadcast_in_dim3A_144 : f32 to vector<16xf32>
      %scan3A_146 = arith.constant 0 : i32
      %scan3A_147 = arith.constant 16 : i32
      %scan3A_148 = arith.addi %scan3A_146, %scan3A_147 : i32
      %scan3A_149 = arith.constant 1 : i32
      %scan3A_150:2 = scf.for %scan3A_222 = %scan3A_146 to %scan3A_148 step %scan3A_149 iter_args(%scan3A_223 = %broadcast_in_dim3A_143, %scan3A_224 = %broadcast_in_dim3A_145) -> (vector<16xf32>, vector<16xf32>)  : i32 {
        %mul3A_225 = arith.constant 20 : i32
        %mul3A_226 = arith.muli %scan3A_222, %mul3A_225 : i32
        %broadcast_in_dim3A_227 = arith.constant 0.000000e+00 : f32
        %broadcast_in_dim3A_228 = vector.broadcast %broadcast_in_dim3A_227 : f32 to vector<16xf32>
        %broadcast_in_dim3A_229 = arith.constant 0.000000e+00 : f32
        %broadcast_in_dim3A_230 = vector.broadcast %broadcast_in_dim3A_229 : f32 to vector<16xf32>
        %broadcast_in_dim3A_231 = arith.constant 0.000000e+00 : f32
        %broadcast_in_dim3A_232 = vector.broadcast %broadcast_in_dim3A_231 : f32 to vector<16xf32>
        %broadcast_in_dim3A_233 = arith.constant 0.000000e+00 : f32
        %broadcast_in_dim3A_234 = vector.broadcast %broadcast_in_dim3A_233 : f32 to vector<16xf32>
        %add3A_235 = arith.constant 0 : i32
        %add3A_236 = arith.addi %mul3A_226, %add3A_235 : i32
        %get3A = arith.index_cast %add3A_236 : i32 to index
        %get3A_237 = arith.constant 0 : index
        %get3A_238 = tpu.vector_load %arg10[%get3A, %get3A_237] {strides = array<i32>} : memref<320x64xf32, #tpu.memory_space<vmem>>, vector<1x16xf32>,
        %get3A_239 = vector.shape_cast %get3A_238 : vector<1x16xf32> to vector<16xf32>
        %add3A_240 = arith.addf %broadcast_in_dim3A_228, %get3A_239 : vector<16xf32>
        %add3A_241 = arith.constant 0 : i32
        %add3A_242 = arith.addi %mul3A_226, %add3A_241 : i32
        %get3A_243 = arith.index_cast %add3A_242 : i32 to index
        %get3A_244 = arith.constant 16 : index
        %get3A_245 = tpu.vector_load %arg10[%get3A_243, %get3A_244] {strides = array<i32>} : memref<320x64xf32, #tpu.memory_space<vmem>>, vector<1x16xf32>,
        %get3A_246 = vector.shape_cast %get3A_245 : vector<1x16xf32> to vector<16xf32>
        %add3A_247 = arith.addf %broadcast_in_dim3A_230, %get3A_246 : vector<16xf32>
        %add3A_248 = arith.constant 0 : i32
        %add3A_249 = arith.addi %mul3A_226, %add3A_248 : i32
        %get3A_250 = arith.index_cast %add3A_249 : i32 to index
        %get3A_251 = arith.constant 32 : index
        %get3A_252 = tpu.vector_load %arg10[%get3A_250, %get3A_251] {strides = array<i32>} : memref<320x64xf32, #tpu.memory_space<vmem>>, vector<1x16xf32>,
        %get3A_253 = vector.shape_cast %get3A_252 : vector<1x16xf32> to vector<16xf32>
        %add3A_254 = arith.addf %broadcast_in_dim3A_232, %get3A_253 : vector<16xf32>
        %add3A_255 = arith.constant 0 : i32
        %add3A_256 = arith.addi %mul3A_226, %add3A_255 : i32
        %get3A_257 = arith.index_cast %add3A_256 : i32 to index
        %get3A_258 = arith.constant 48 : index
        %get3A_259 = tpu.vector_load %arg10[%get3A_257, %get3A_258] {strides = array<i32>} : memref<320x64xf32, #tpu.memory_space<vmem>>, vector<1x16xf32>,
        %get3A_260 = vector.shape_cast %get3A_259 : vector<1x16xf32> to vector<16xf32>
        %add3A_261 = arith.addf %broadcast_in_dim3A_234, %get3A_260 : vector<16xf32>
        %add3A_262 = arith.constant 1 : i32
        %add3A_263 = arith.addi %mul3A_226, %add3A_262 : i32
        %get3A_264 = arith.index_cast %add3A_263 : i32 to index
        %get3A_265 = arith.constant 0 : index
        %get3A_266 = tpu.vector_load %arg10[%get3A_264, %get3A_265] {strides = array<i32>} : memref<320x64xf32, #tpu.memory_space<vmem>>, vector<1x16xf32>,
        %get3A_267 = vector.shape_cast %get3A_266 : vector<1x16xf32> to vector<16xf32>
        %add3A_268 = arith.addf %add3A_240, %get3A_267 : vector<16xf32>
        %add3A_269 = arith.constant 1 : i32
        %add3A_270 = arith.addi %mul3A_226, %add3A_269 : i32
        %get3A_271 = arith.index_cast %add3A_270 : i32 to index
        %get3A_272 = arith.constant 16 : index
        %get3A_273 = tpu.vector_load %arg10[%get3A_271, %get3A_272] {strides = array<i32>} : memref<320x64xf32, #tpu.memory_space<vmem>>, vector<1x16xf32>,
        %get3A_274 = vector.shape_cast %get3A_273 : vector<1x16xf32> to vector<16xf32>
        %add3A_275 = arith.addf %add3A_247, %get3A_274 : vector<16xf32>
        %add3A_276 = arith.constant 1 : i32
        %add3A_277 = arith.addi %mul3A_226, %add3A_276 : i32
        %get3A_278 = arith.index_cast %add3A_277 : i32 to index
        %get3A_279 = arith.constant 32 : index
        %get3A_280 = tpu.vector_load %arg10[%get3A_278, %get3A_279] {strides = array<i32>} : memref<320x64xf32, #tpu.memory_space<vmem>>, vector<1x16xf32>,
        %get3A_281 = vector.shape_cast %get3A_280 : vector<1x16xf32> to vector<16xf32>
        %add3A_282 = arith.addf %add3A_254, %get3A_281 : vector<16xf32>
        %add3A_283 = arith.constant 1 : i32
        %add3A_284 = arith.addi %mul3A_226, %add3A_283 : i32
        %get3A_285 = arith.index_cast %add3A_284 : i32 to index
        %get3A_286 = arith.constant 48 : index
        %get3A_287 = tpu.vector_load %arg10[%get3A_285, %get3A_286] {strides = array<i32>} : memref<320x64xf32, #tpu.memory_space<vmem>>, vector<1x16xf32>,
        %get3A_288 = vector.shape_cast %get3A_287 : vector<1x16xf32> to vector<16xf32>
        %add3A_289 = arith.addf %add3A_261, %get3A_288 : vector<16xf32>
        %add3A_290 = arith.constant 2 : i32
        %add3A_291 = arith.addi %mul3A_226, %add3A_290 : i32
        %get3A_292 = arith.index_cast %add3A_291 : i32 to index
        %get3A_293 = arith.constant 0 : index
        %get3A_294 = tpu.vector_load %arg10[%get3A_292, %get3A_293] {strides = array<i32>} : memref<320x64xf32, #tpu.memory_space<vmem>>, vector<1x16xf32>,
        %get3A_295 = vector.shape_cast %get3A_294 : vector<1x16xf32> to vector<16xf32>
        %add3A_296 = arith.addf %add3A_268, %get3A_295 : vector<16xf32>
        %add3A_297 = arith.constant 2 : i32
        %add3A_298 = arith.addi %mul3A_226, %add3A_297 : i32
        %get3A_299 = arith.index_cast %add3A_298 : i32 to index
        %get3A_300 = arith.constant 16 : index
        %get3A_301 = tpu.vector_load %arg10[%get3A_299, %get3A_300] {strides = array<i32>} : memref<320x64xf32, #tpu.memory_space<vmem>>, vector<1x16xf32>,
        %get3A_302 = vector.shape_cast %get3A_301 : vector<1x16xf32> to vector<16xf32>
        %add3A_303 = arith.addf %add3A_275, %get3A_302 : vector<16xf32>
        %add3A_304 = arith.constant 2 : i32
        %add3A_305 = arith.addi %mul3A_226, %add3A_304 : i32
        %get3A_306 = arith.index_cast %add3A_305 : i32 to index
        %get3A_307 = arith.constant 32 : index
        %get3A_308 = tpu.vector_load %arg10[%get3A_306, %get3A_307] {strides = array<i32>} : memref<320x64xf32, #tpu.memory_space<vmem>>, vector<1x16xf32>,
        %get3A_309 = vector.shape_cast %get3A_308 : vector<1x16xf32> to vector<16xf32>
        %add3A_310 = arith.addf %add3A_282, %get3A_309 : vector<16xf32>
        %add3A_311 = arith.constant 2 : i32
        %add3A_312 = arith.addi %mul3A_226, %add3A_311 : i32
        %get3A_313 = arith.index_cast %add3A_312 : i32 to index
        %get3A_314 = arith.constant 48 : index
        %get3A_315 = tpu.vector_load %arg10[%get3A_313, %get3A_314] {strides = array<i32>} : memref<320x64xf32, #tpu.memory_space<vmem>>, vector<1x16xf32>,
        %get3A_316 = vector.shape_cast %get3A_315 : vector<1x16xf32> to vector<16xf32>
        %add3A_317 = arith.addf %add3A_289, %get3A_316 : vector<16xf32>
        %add3A_318 = arith.constant 3 : i32
        %add3A_319 = arith.addi %mul3A_226, %add3A_318 : i32
        %get3A_320 = arith.index_cast %add3A_319 : i32 to index
        %get3A_321 = arith.constant 0 : index
        %get3A_322 = tpu.vector_load %arg10[%get3A_320, %get3A_321] {strides = array<i32>} : memref<320x64xf32, #tpu.memory_space<vmem>>, vector<1x16xf32>,
        %get3A_323 = vector.shape_cast %get3A_322 : vector<1x16xf32> to vector<16xf32>
        %add3A_324 = arith.addf %add3A_296, %get3A_323 : vector<16xf32>
        %add3A_325 = arith.constant 3 : i32
        %add3A_326 = arith.addi %mul3A_226, %add3A_325 : i32
        %get3A_327 = arith.index_cast %add3A_326 : i32 to index
        %get3A_328 = arith.constant 16 : index
        %get3A_329 = tpu.vector_load %arg10[%get3A_327, %get3A_328] {strides = array<i32>} : memref<320x64xf32, #tpu.memory_space<vmem>>, vector<1x16xf32>,
        %get3A_330 = vector.shape_cast %get3A_329 : vector<1x16xf32> to vector<16xf32>
        %add3A_331 = arith.addf %add3A_303, %get3A_330 : vector<16xf32>
        %add3A_332 = arith.constant 3 : i32
        %add3A_333 = arith.addi %mul3A_226, %add3A_332 : i32
        %get3A_334 = arith.index_cast %add3A_333 : i32 to index
        %get3A_335 = arith.constant 32 : index
        %get3A_336 = tpu.vector_load %arg10[%get3A_334, %get3A_335] {strides = array<i32>} : memref<320x64xf32, #tpu.memory_space<vmem>>, vector<1x16xf32>,
        %get3A_337 = vector.shape_cast %get3A_336 : vector<1x16xf32> to vector<16xf32>
        %add3A_338 = arith.addf %add3A_310, %get3A_337 : vector<16xf32>
        %add3A_339 = arith.constant 3 : i32
        %add3A_340 = arith.addi %mul3A_226, %add3A_339 : i32
        %get3A_341 = arith.index_cast %add3A_340 : i32 to index
        %get3A_342 = arith.constant 48 : index
        %get3A_343 = tpu.vector_load %arg10[%get3A_341, %get3A_342] {strides = array<i32>} : memref<320x64xf32, #tpu.memory_space<vmem>>, vector<1x16xf32>,
        %get3A_344 = vector.shape_cast %get3A_343 : vector<1x16xf32> to vector<16xf32>
        %add3A_345 = arith.addf %add3A_317, %get3A_344 : vector<16xf32>
        %add3A_346 = arith.constant 4 : i32
        %add3A_347 = arith.addi %mul3A_226, %add3A_346 : i32
        %get3A_348 = arith.index_cast %add3A_347 : i32 to index
        %get3A_349 = arith.constant 0 : index
        %get3A_350 = tpu.vector_load %arg10[%get3A_348, %get3A_349] {strides = array<i32>} : memref<320x64xf32, #tpu.memory_space<vmem>>, vector<1x16xf32>,
        %get3A_351 = vector.shape_cast %get3A_350 : vector<1x16xf32> to vector<16xf32>
        %add3A_352 = arith.addf %add3A_324, %get3A_351 : vector<16xf32>
        %add3A_353 = arith.constant 4 : i32
        %add3A_354 = arith.addi %mul3A_226, %add3A_353 : i32
        %get3A_355 = arith.index_cast %add3A_354 : i32 to index
        %get3A_356 = arith.constant 16 : index
        %get3A_357 = tpu.vector_load %arg10[%get3A_355, %get3A_356] {strides = array<i32>} : memref<320x64xf32, #tpu.memory_space<vmem>>, vector<1x16xf32>,
        %get3A_358 = vector.shape_cast %get3A_357 : vector<1x16xf32> to vector<16xf32>
        %add3A_359 = arith.addf %add3A_331, %get3A_358 : vector<16xf32>
        %add3A_360 = arith.constant 4 : i32
        %add3A_361 = arith.addi %mul3A_226, %add3A_360 : i32
        %get3A_362 = arith.index_cast %add3A_361 : i32 to index
        %get3A_363 = arith.constant 32 : index
        %get3A_364 = tpu.vector_load %arg10[%get3A_362, %get3A_363] {strides = array<i32>} : memref<320x64xf32, #tpu.memory_space<vmem>>, vector<1x16xf32>,
        %get3A_365 = vector.shape_cast %get3A_364 : vector<1x16xf32> to vector<16xf32>
        %add3A_366 = arith.addf %add3A_338, %get3A_365 : vector<16xf32>
        %add3A_367 = arith.constant 4 : i32
        %add3A_368 = arith.addi %mul3A_226, %add3A_367 : i32
        %get3A_369 = arith.index_cast %add3A_368 : i32 to index
        %get3A_370 = arith.constant 48 : index
        %get3A_371 = tpu.vector_load %arg10[%get3A_369, %get3A_370] {strides = array<i32>} : memref<320x64xf32, #tpu.memory_space<vmem>>, vector<1x16xf32>,
        %get3A_372 = vector.shape_cast %get3A_371 : vector<1x16xf32> to vector<16xf32>
        %add3A_373 = arith.addf %add3A_345, %get3A_372 : vector<16xf32>
        %add3A_374 = arith.constant 5 : i32
        %add3A_375 = arith.addi %mul3A_226, %add3A_374 : i32
        %get3A_376 = arith.index_cast %add3A_375 : i32 to index
        %get3A_377 = arith.constant 0 : index
        %get3A_378 = tpu.vector_load %arg10[%get3A_376, %get3A_377] {strides = array<i32>} : memref<320x64xf32, #tpu.memory_space<vmem>>, vector<1x16xf32>,
        %get3A_379 = vector.shape_cast %get3A_378 : vector<1x16xf32> to vector<16xf32>
        %add3A_380 = arith.addf %add3A_352, %get3A_379 : vector<16xf32>
        %add3A_381 = arith.constant 5 : i32
        %add3A_382 = arith.addi %mul3A_226, %add3A_381 : i32
        %get3A_383 = arith.index_cast %add3A_382 : i32 to index
        %get3A_384 = arith.constant 16 : index
        %get3A_385 = tpu.vector_load %arg10[%get3A_383, %get3A_384] {strides = array<i32>} : memref<320x64xf32, #tpu.memory_space<vmem>>, vector<1x16xf32>,
        %get3A_386 = vector.shape_cast %get3A_385 : vector<1x16xf32> to vector<16xf32>
        %add3A_387 = arith.addf %add3A_359, %get3A_386 : vector<16xf32>
        %add3A_388 = arith.constant 5 : i32
        %add3A_389 = arith.addi %mul3A_226, %add3A_388 : i32
        %get3A_390 = arith.index_cast %add3A_389 : i32 to index
        %get3A_391 = arith.constant 32 : index
        %get3A_392 = tpu.vector_load %arg10[%get3A_390, %get3A_391] {strides = array<i32>} : memref<320x64xf32, #tpu.memory_space<vmem>>, vector<1x16xf32>,
        %get3A_393 = vector.shape_cast %get3A_392 : vector<1x16xf32> to vector<16xf32>
        %add3A_394 = arith.addf %add3A_366, %get3A_393 : vector<16xf32>
        %add3A_395 = arith.constant 5 : i32
        %add3A_396 = arith.addi %mul3A_226, %add3A_395 : i32
        %get3A_397 = arith.index_cast %add3A_396 : i32 to index
        %get3A_398 = arith.constant 48 : index
        %get3A_399 = tpu.vector_load %arg10[%get3A_397, %get3A_398] {strides = array<i32>} : memref<320x64xf32, #tpu.memory_space<vmem>>, vector<1x16xf32>,
        %get3A_400 = vector.shape_cast %get3A_399 : vector<1x16xf32> to vector<16xf32>
        %add3A_401 = arith.addf %add3A_373, %get3A_400 : vector<16xf32>
        %add3A_402 = arith.constant 6 : i32
        %add3A_403 = arith.addi %mul3A_226, %add3A_402 : i32
        %get3A_404 = arith.index_cast %add3A_403 : i32 to index
        %get3A_405 = arith.constant 0 : index
        %get3A_406 = tpu.vector_load %arg10[%get3A_404, %get3A_405] {strides = array<i32>} : memref<320x64xf32, #tpu.memory_space<vmem>>, vector<1x16xf32>,
        %get3A_407 = vector.shape_cast %get3A_406 : vector<1x16xf32> to vector<16xf32>
        %add3A_408 = arith.addf %add3A_380, %get3A_407 : vector<16xf32>
        %add3A_409 = arith.constant 6 : i32
        %add3A_410 = arith.addi %mul3A_226, %add3A_409 : i32
        %get3A_411 = arith.index_cast %add3A_410 : i32 to index
        %get3A_412 = arith.constant 16 : index
        %get3A_413 = tpu.vector_load %arg10[%get3A_411, %get3A_412] {strides = array<i32>} : memref<320x64xf32, #tpu.memory_space<vmem>>, vector<1x16xf32>,
        %get3A_414 = vector.shape_cast %get3A_413 : vector<1x16xf32> to vector<16xf32>
        %add3A_415 = arith.addf %add3A_387, %get3A_414 : vector<16xf32>
        %add3A_416 = arith.constant 6 : i32
        %add3A_417 = arith.addi %mul3A_226, %add3A_416 : i32
        %get3A_418 = arith.index_cast %add3A_417 : i32 to index
        %get3A_419 = arith.constant 32 : index
        %get3A_420 = tpu.vector_load %arg10[%get3A_418, %get3A_419] {strides = array<i32>} : memref<320x64xf32, #tpu.memory_space<vmem>>, vector<1x16xf32>,
        %get3A_421 = vector.shape_cast %get3A_420 : vector<1x16xf32> to vector<16xf32>
        %add3A_422 = arith.addf %add3A_394, %get3A_421 : vector<16xf32>
        %add3A_423 = arith.constant 6 : i32
        %add3A_424 = arith.addi %mul3A_226, %add3A_423 : i32
        %get3A_425 = arith.index_cast %add3A_424 : i32 to index
        %get3A_426 = arith.constant 48 : index
        %get3A_427 = tpu.vector_load %arg10[%get3A_425, %get3A_426] {strides = array<i32>} : memref<320x64xf32, #tpu.memory_space<vmem>>, vector<1x16xf32>,
        %get3A_428 = vector.shape_cast %get3A_427 : vector<1x16xf32> to vector<16xf32>
        %add3A_429 = arith.addf %add3A_401, %get3A_428 : vector<16xf32>
        %add3A_430 = arith.constant 7 : i32
        %add3A_431 = arith.addi %mul3A_226, %add3A_430 : i32
        %get3A_432 = arith.index_cast %add3A_431 : i32 to index
        %get3A_433 = arith.constant 0 : index
        %get3A_434 = tpu.vector_load %arg10[%get3A_432, %get3A_433] {strides = array<i32>} : memref<320x64xf32, #tpu.memory_space<vmem>>, vector<1x16xf32>,
        %get3A_435 = vector.shape_cast %get3A_434 : vector<1x16xf32> to vector<16xf32>
        %add3A_436 = arith.addf %add3A_408, %get3A_435 : vector<16xf32>
        %add3A_437 = arith.constant 7 : i32
        %add3A_438 = arith.addi %mul3A_226, %add3A_437 : i32
        %get3A_439 = arith.index_cast %add3A_438 : i32 to index
        %get3A_440 = arith.constant 16 : index
        %get3A_441 = tpu.vector_load %arg10[%get3A_439, %get3A_440] {strides = array<i32>} : memref<320x64xf32, #tpu.memory_space<vmem>>, vector<1x16xf32>,
        %get3A_442 = vector.shape_cast %get3A_441 : vector<1x16xf32> to vector<16xf32>
        %add3A_443 = arith.addf %add3A_415, %get3A_442 : vector<16xf32>
        %add3A_444 = arith.constant 7 : i32
        %add3A_445 = arith.addi %mul3A_226, %add3A_444 : i32
        %get3A_446 = arith.index_cast %add3A_445 : i32 to index
        %get3A_447 = arith.constant 32 : index
        %get3A_448 = tpu.vector_load %arg10[%get3A_446, %get3A_447] {strides = array<i32>} : memref<320x64xf32, #tpu.memory_space<vmem>>, vector<1x16xf32>,
        %get3A_449 = vector.shape_cast %get3A_448 : vector<1x16xf32> to vector<16xf32>
        %add3A_450 = arith.addf %add3A_422, %get3A_449 : vector<16xf32>
        %add3A_451 = arith.constant 7 : i32
        %add3A_452 = arith.addi %mul3A_226, %add3A_451 : i32
        %get3A_453 = arith.index_cast %add3A_452 : i32 to index
        %get3A_454 = arith.constant 48 : index
        %get3A_455 = tpu.vector_load %arg10[%get3A_453, %get3A_454] {strides = array<i32>} : memref<320x64xf32, #tpu.memory_space<vmem>>, vector<1x16xf32>,
        %get3A_456 = vector.shape_cast %get3A_455 : vector<1x16xf32> to vector<16xf32>
        %add3A_457 = arith.addf %add3A_429, %get3A_456 : vector<16xf32>
        %add3A_458 = arith.constant 8 : i32
        %add3A_459 = arith.addi %mul3A_226, %add3A_458 : i32
        %get3A_460 = arith.index_cast %add3A_459 : i32 to index
        %get3A_461 = arith.constant 0 : index
        %get3A_462 = tpu.vector_load %arg10[%get3A_460, %get3A_461] {strides = array<i32>} : memref<320x64xf32, #tpu.memory_space<vmem>>, vector<1x16xf32>,
        %get3A_463 = vector.shape_cast %get3A_462 : vector<1x16xf32> to vector<16xf32>
        %add3A_464 = arith.addf %add3A_436, %get3A_463 : vector<16xf32>
        %add3A_465 = arith.constant 8 : i32
        %add3A_466 = arith.addi %mul3A_226, %add3A_465 : i32
        %get3A_467 = arith.index_cast %add3A_466 : i32 to index
        %get3A_468 = arith.constant 16 : index
        %get3A_469 = tpu.vector_load %arg10[%get3A_467, %get3A_468] {strides = array<i32>} : memref<320x64xf32, #tpu.memory_space<vmem>>, vector<1x16xf32>,
        %get3A_470 = vector.shape_cast %get3A_469 : vector<1x16xf32> to vector<16xf32>
        %add3A_471 = arith.addf %add3A_443, %get3A_470 : vector<16xf32>
        %add3A_472 = arith.constant 8 : i32
        %add3A_473 = arith.addi %mul3A_226, %add3A_472 : i32
        %get3A_474 = arith.index_cast %add3A_473 : i32 to index
        %get3A_475 = arith.constant 32 : index
        %get3A_476 = tpu.vector_load %arg10[%get3A_474, %get3A_475] {strides = array<i32>} : memref<320x64xf32, #tpu.memory_space<vmem>>, vector<1x16xf32>,
        %get3A_477 = vector.shape_cast %get3A_476 : vector<1x16xf32> to vector<16xf32>
        %add3A_478 = arith.addf %add3A_450, %get3A_477 : vector<16xf32>
        %add3A_479 = arith.constant 8 : i32
        %add3A_480 = arith.addi %mul3A_226, %add3A_479 : i32
        %get3A_481 = arith.index_cast %add3A_480 : i32 to index
        %get3A_482 = arith.constant 48 : index
        %get3A_483 = tpu.vector_load %arg10[%get3A_481, %get3A_482] {strides = array<i32>} : memref<320x64xf32, #tpu.memory_space<vmem>>, vector<1x16xf32>,
        %get3A_484 = vector.shape_cast %get3A_483 : vector<1x16xf32> to vector<16xf32>
        %add3A_485 = arith.addf %add3A_457, %get3A_484 : vector<16xf32>
        %add3A_486 = arith.constant 9 : i32
        %add3A_487 = arith.addi %mul3A_226, %add3A_486 : i32
        %get3A_488 = arith.index_cast %add3A_487 : i32 to index
        %get3A_489 = arith.constant 0 : index
        %get3A_490 = tpu.vector_load %arg10[%get3A_488, %get3A_489] {strides = array<i32>} : memref<320x64xf32, #tpu.memory_space<vmem>>, vector<1x16xf32>,
        %get3A_491 = vector.shape_cast %get3A_490 : vector<1x16xf32> to vector<16xf32>
        %add3A_492 = arith.addf %add3A_464, %get3A_491 : vector<16xf32>
        %add3A_493 = arith.constant 9 : i32
        %add3A_494 = arith.addi %mul3A_226, %add3A_493 : i32
        %get3A_495 = arith.index_cast %add3A_494 : i32 to index
        %get3A_496 = arith.constant 16 : index
        %get3A_497 = tpu.vector_load %arg10[%get3A_495, %get3A_496] {strides = array<i32>} : memref<320x64xf32, #tpu.memory_space<vmem>>, vector<1x16xf32>,
        %get3A_498 = vector.shape_cast %get3A_497 : vector<1x16xf32> to vector<16xf32>
        %add3A_499 = arith.addf %add3A_471, %get3A_498 : vector<16xf32>
        %add3A_500 = arith.constant 9 : i32
        %add3A_501 = arith.addi %mul3A_226, %add3A_500 : i32
        %get3A_502 = arith.index_cast %add3A_501 : i32 to index
        %get3A_503 = arith.constant 32 : index
        %get3A_504 = tpu.vector_load %arg10[%get3A_502, %get3A_503] {strides = array<i32>} : memref<320x64xf32, #tpu.memory_space<vmem>>, vector<1x16xf32>,
        %get3A_505 = vector.shape_cast %get3A_504 : vector<1x16xf32> to vector<16xf32>
        %add3A_506 = arith.addf %add3A_478, %get3A_505 : vector<16xf32>
        %add3A_507 = arith.constant 9 : i32
        %add3A_508 = arith.addi %mul3A_226, %add3A_507 : i32
        %get3A_509 = arith.index_cast %add3A_508 : i32 to index
        %get3A_510 = arith.constant 48 : index
        %get3A_511 = tpu.vector_load %arg10[%get3A_509, %get3A_510] {strides = array<i32>} : memref<320x64xf32, #tpu.memory_space<vmem>>, vector<1x16xf32>,
        %get3A_512 = vector.shape_cast %get3A_511 : vector<1x16xf32> to vector<16xf32>
        %add3A_513 = arith.addf %add3A_485, %get3A_512 : vector<16xf32>
        %add3A_514 = arith.constant 10 : i32
        %add3A_515 = arith.addi %mul3A_226, %add3A_514 : i32
        %get3A_516 = arith.index_cast %add3A_515 : i32 to index
        %get3A_517 = arith.constant 0 : index
        %get3A_518 = tpu.vector_load %arg10[%get3A_516, %get3A_517] {strides = array<i32>} : memref<320x64xf32, #tpu.memory_space<vmem>>, vector<1x16xf32>,
        %get3A_519 = vector.shape_cast %get3A_518 : vector<1x16xf32> to vector<16xf32>
        %add3A_520 = arith.addf %add3A_492, %get3A_519 : vector<16xf32>
        %add3A_521 = arith.constant 10 : i32
        %add3A_522 = arith.addi %mul3A_226, %add3A_521 : i32
        %get3A_523 = arith.index_cast %add3A_522 : i32 to index
        %get3A_524 = arith.constant 16 : index
        %get3A_525 = tpu.vector_load %arg10[%get3A_523, %get3A_524] {strides = array<i32>} : memref<320x64xf32, #tpu.memory_space<vmem>>, vector<1x16xf32>,
        %get3A_526 = vector.shape_cast %get3A_525 : vector<1x16xf32> to vector<16xf32>
        %add3A_527 = arith.addf %add3A_499, %get3A_526 : vector<16xf32>
        %add3A_528 = arith.constant 10 : i32
        %add3A_529 = arith.addi %mul3A_226, %add3A_528 : i32
        %get3A_530 = arith.index_cast %add3A_529 : i32 to index
        %get3A_531 = arith.constant 32 : index
        %get3A_532 = tpu.vector_load %arg10[%get3A_530, %get3A_531] {strides = array<i32>} : memref<320x64xf32, #tpu.memory_space<vmem>>, vector<1x16xf32>,
        %get3A_533 = vector.shape_cast %get3A_532 : vector<1x16xf32> to vector<16xf32>
        %add3A_534 = arith.addf %add3A_506, %get3A_533 : vector<16xf32>
        %add3A_535 = arith.constant 10 : i32
        %add3A_536 = arith.addi %mul3A_226, %add3A_535 : i32
        %get3A_537 = arith.index_cast %add3A_536 : i32 to index
        %get3A_538 = arith.constant 48 : index
        %get3A_539 = tpu.vector_load %arg10[%get3A_537, %get3A_538] {strides = array<i32>} : memref<320x64xf32, #tpu.memory_space<vmem>>, vector<1x16xf32>,
        %get3A_540 = vector.shape_cast %get3A_539 : vector<1x16xf32> to vector<16xf32>
        %add3A_541 = arith.addf %add3A_513, %get3A_540 : vector<16xf32>
        %add3A_542 = arith.constant 11 : i32
        %add3A_543 = arith.addi %mul3A_226, %add3A_542 : i32
        %get3A_544 = arith.index_cast %add3A_543 : i32 to index
        %get3A_545 = arith.constant 0 : index
        %get3A_546 = tpu.vector_load %arg10[%get3A_544, %get3A_545] {strides = array<i32>} : memref<320x64xf32, #tpu.memory_space<vmem>>, vector<1x16xf32>,
        %get3A_547 = vector.shape_cast %get3A_546 : vector<1x16xf32> to vector<16xf32>
        %add3A_548 = arith.addf %add3A_520, %get3A_547 : vector<16xf32>
        %add3A_549 = arith.constant 11 : i32
        %add3A_550 = arith.addi %mul3A_226, %add3A_549 : i32
        %get3A_551 = arith.index_cast %add3A_550 : i32 to index
        %get3A_552 = arith.constant 16 : index
        %get3A_553 = tpu.vector_load %arg10[%get3A_551, %get3A_552] {strides = array<i32>} : memref<320x64xf32, #tpu.memory_space<vmem>>, vector<1x16xf32>,
        %get3A_554 = vector.shape_cast %get3A_553 : vector<1x16xf32> to vector<16xf32>
        %add3A_555 = arith.addf %add3A_527, %get3A_554 : vector<16xf32>
        %add3A_556 = arith.constant 11 : i32
        %add3A_557 = arith.addi %mul3A_226, %add3A_556 : i32
        %get3A_558 = arith.index_cast %add3A_557 : i32 to index
        %get3A_559 = arith.constant 32 : index
        %get3A_560 = tpu.vector_load %arg10[%get3A_558, %get3A_559] {strides = array<i32>} : memref<320x64xf32, #tpu.memory_space<vmem>>, vector<1x16xf32>,
        %get3A_561 = vector.shape_cast %get3A_560 : vector<1x16xf32> to vector<16xf32>
        %add3A_562 = arith.addf %add3A_534, %get3A_561 : vector<16xf32>
        %add3A_563 = arith.constant 11 : i32
        %add3A_564 = arith.addi %mul3A_226, %add3A_563 : i32
        %get3A_565 = arith.index_cast %add3A_564 : i32 to index
        %get3A_566 = arith.constant 48 : index
        %get3A_567 = tpu.vector_load %arg10[%get3A_565, %get3A_566] {strides = array<i32>} : memref<320x64xf32, #tpu.memory_space<vmem>>, vector<1x16xf32>,
        %get3A_568 = vector.shape_cast %get3A_567 : vector<1x16xf32> to vector<16xf32>
        %add3A_569 = arith.addf %add3A_541, %get3A_568 : vector<16xf32>
        %add3A_570 = arith.constant 12 : i32
        %add3A_571 = arith.addi %mul3A_226, %add3A_570 : i32
        %get3A_572 = arith.index_cast %add3A_571 : i32 to index
        %get3A_573 = arith.constant 0 : index
        %get3A_574 = tpu.vector_load %arg10[%get3A_572, %get3A_573] {strides = array<i32>} : memref<320x64xf32, #tpu.memory_space<vmem>>, vector<1x16xf32>,
        %get3A_575 = vector.shape_cast %get3A_574 : vector<1x16xf32> to vector<16xf32>
        %add3A_576 = arith.addf %add3A_548, %get3A_575 : vector<16xf32>
        %add3A_577 = arith.constant 12 : i32
        %add3A_578 = arith.addi %mul3A_226, %add3A_577 : i32
        %get3A_579 = arith.index_cast %add3A_578 : i32 to index
        %get3A_580 = arith.constant 16 : index
        %get3A_581 = tpu.vector_load %arg10[%get3A_579, %get3A_580] {strides = array<i32>} : memref<320x64xf32, #tpu.memory_space<vmem>>, vector<1x16xf32>,
        %get3A_582 = vector.shape_cast %get3A_581 : vector<1x16xf32> to vector<16xf32>
        %add3A_583 = arith.addf %add3A_555, %get3A_582 : vector<16xf32>
        %add3A_584 = arith.constant 12 : i32
        %add3A_585 = arith.addi %mul3A_226, %add3A_584 : i32
        %get3A_586 = arith.index_cast %add3A_585 : i32 to index
        %get3A_587 = arith.constant 32 : index
        %get3A_588 = tpu.vector_load %arg10[%get3A_586, %get3A_587] {strides = array<i32>} : memref<320x64xf32, #tpu.memory_space<vmem>>, vector<1x16xf32>,
        %get3A_589 = vector.shape_cast %get3A_588 : vector<1x16xf32> to vector<16xf32>
        %add3A_590 = arith.addf %add3A_562, %get3A_589 : vector<16xf32>
        %add3A_591 = arith.constant 12 : i32
        %add3A_592 = arith.addi %mul3A_226, %add3A_591 : i32
        %get3A_593 = arith.index_cast %add3A_592 : i32 to index
        %get3A_594 = arith.constant 48 : index
        %get3A_595 = tpu.vector_load %arg10[%get3A_593, %get3A_594] {strides = array<i32>} : memref<320x64xf32, #tpu.memory_space<vmem>>, vector<1x16xf32>,
        %get3A_596 = vector.shape_cast %get3A_595 : vector<1x16xf32> to vector<16xf32>
        %add3A_597 = arith.addf %add3A_569, %get3A_596 : vector<16xf32>
        %add3A_598 = arith.constant 13 : i32
        %add3A_599 = arith.addi %mul3A_226, %add3A_598 : i32
        %get3A_600 = arith.index_cast %add3A_599 : i32 to index
        %get3A_601 = arith.constant 0 : index
        %get3A_602 = tpu.vector_load %arg10[%get3A_600, %get3A_601] {strides = array<i32>} : memref<320x64xf32, #tpu.memory_space<vmem>>, vector<1x16xf32>,
        %get3A_603 = vector.shape_cast %get3A_602 : vector<1x16xf32> to vector<16xf32>
        %add3A_604 = arith.addf %add3A_576, %get3A_603 : vector<16xf32>
        %add3A_605 = arith.constant 13 : i32
        %add3A_606 = arith.addi %mul3A_226, %add3A_605 : i32
        %get3A_607 = arith.index_cast %add3A_606 : i32 to index
        %get3A_608 = arith.constant 16 : index
        %get3A_609 = tpu.vector_load %arg10[%get3A_607, %get3A_608] {strides = array<i32>} : memref<320x64xf32, #tpu.memory_space<vmem>>, vector<1x16xf32>,
        %get3A_610 = vector.shape_cast %get3A_609 : vector<1x16xf32> to vector<16xf32>
        %add3A_611 = arith.addf %add3A_583, %get3A_610 : vector<16xf32>
        %add3A_612 = arith.constant 13 : i32
        %add3A_613 = arith.addi %mul3A_226, %add3A_612 : i32
        %get3A_614 = arith.index_cast %add3A_613 : i32 to index
        %get3A_615 = arith.constant 32 : index
        %get3A_616 = tpu.vector_load %arg10[%get3A_614, %get3A_615] {strides = array<i32>} : memref<320x64xf32, #tpu.memory_space<vmem>>, vector<1x16xf32>,
        %get3A_617 = vector.shape_cast %get3A_616 : vector<1x16xf32> to vector<16xf32>
        %add3A_618 = arith.addf %add3A_590, %get3A_617 : vector<16xf32>
        %add3A_619 = arith.constant 13 : i32
        %add3A_620 = arith.addi %mul3A_226, %add3A_619 : i32
        %get3A_621 = arith.index_cast %add3A_620 : i32 to index
        %get3A_622 = arith.constant 48 : index
        %get3A_623 = tpu.vector_load %arg10[%get3A_621, %get3A_622] {strides = array<i32>} : memref<320x64xf32, #tpu.memory_space<vmem>>, vector<1x16xf32>,
        %get3A_624 = vector.shape_cast %get3A_623 : vector<1x16xf32> to vector<16xf32>
        %add3A_625 = arith.addf %add3A_597, %get3A_624 : vector<16xf32>
        %add3A_626 = arith.constant 14 : i32
        %add3A_627 = arith.addi %mul3A_226, %add3A_626 : i32
        %get3A_628 = arith.index_cast %add3A_627 : i32 to index
        %get3A_629 = arith.constant 0 : index
        %get3A_630 = tpu.vector_load %arg10[%get3A_628, %get3A_629] {strides = array<i32>} : memref<320x64xf32, #tpu.memory_space<vmem>>, vector<1x16xf32>,
        %get3A_631 = vector.shape_cast %get3A_630 : vector<1x16xf32> to vector<16xf32>
        %add3A_632 = arith.addf %add3A_604, %get3A_631 : vector<16xf32>
        %add3A_633 = arith.constant 14 : i32
        %add3A_634 = arith.addi %mul3A_226, %add3A_633 : i32
        %get3A_635 = arith.index_cast %add3A_634 : i32 to index
        %get3A_636 = arith.constant 16 : index
        %get3A_637 = tpu.vector_load %arg10[%get3A_635, %get3A_636] {strides = array<i32>} : memref<320x64xf32, #tpu.memory_space<vmem>>, vector<1x16xf32>,
        %get3A_638 = vector.shape_cast %get3A_637 : vector<1x16xf32> to vector<16xf32>
        %add3A_639 = arith.addf %add3A_611, %get3A_638 : vector<16xf32>
        %add3A_640 = arith.constant 14 : i32
        %add3A_641 = arith.addi %mul3A_226, %add3A_640 : i32
        %get3A_642 = arith.index_cast %add3A_641 : i32 to index
        %get3A_643 = arith.constant 32 : index
        %get3A_644 = tpu.vector_load %arg10[%get3A_642, %get3A_643] {strides = array<i32>} : memref<320x64xf32, #tpu.memory_space<vmem>>, vector<1x16xf32>,
        %get3A_645 = vector.shape_cast %get3A_644 : vector<1x16xf32> to vector<16xf32>
        %add3A_646 = arith.addf %add3A_618, %get3A_645 : vector<16xf32>
        %add3A_647 = arith.constant 14 : i32
        %add3A_648 = arith.addi %mul3A_226, %add3A_647 : i32
        %get3A_649 = arith.index_cast %add3A_648 : i32 to index
        %get3A_650 = arith.constant 48 : index
        %get3A_651 = tpu.vector_load %arg10[%get3A_649, %get3A_650] {strides = array<i32>} : memref<320x64xf32, #tpu.memory_space<vmem>>, vector<1x16xf32>,
        %get3A_652 = vector.shape_cast %get3A_651 : vector<1x16xf32> to vector<16xf32>
        %add3A_653 = arith.addf %add3A_625, %get3A_652 : vector<16xf32>
        %add3A_654 = arith.constant 15 : i32
        %add3A_655 = arith.addi %mul3A_226, %add3A_654 : i32
        %get3A_656 = arith.index_cast %add3A_655 : i32 to index
        %get3A_657 = arith.constant 0 : index
        %get3A_658 = tpu.vector_load %arg10[%get3A_656, %get3A_657] {strides = array<i32>} : memref<320x64xf32, #tpu.memory_space<vmem>>, vector<1x16xf32>,
        %get3A_659 = vector.shape_cast %get3A_658 : vector<1x16xf32> to vector<16xf32>
        %add3A_660 = arith.addf %add3A_632, %get3A_659 : vector<16xf32>
        %add3A_661 = arith.constant 15 : i32
        %add3A_662 = arith.addi %mul3A_226, %add3A_661 : i32
        %get3A_663 = arith.index_cast %add3A_662 : i32 to index
        %get3A_664 = arith.constant 16 : index
        %get3A_665 = tpu.vector_load %arg10[%get3A_663, %get3A_664] {strides = array<i32>} : memref<320x64xf32, #tpu.memory_space<vmem>>, vector<1x16xf32>,
        %get3A_666 = vector.shape_cast %get3A_665 : vector<1x16xf32> to vector<16xf32>
        %add3A_667 = arith.addf %add3A_639, %get3A_666 : vector<16xf32>
        %add3A_668 = arith.constant 15 : i32
        %add3A_669 = arith.addi %mul3A_226, %add3A_668 : i32
        %get3A_670 = arith.index_cast %add3A_669 : i32 to index
        %get3A_671 = arith.constant 32 : index
        %get3A_672 = tpu.vector_load %arg10[%get3A_670, %get3A_671] {strides = array<i32>} : memref<320x64xf32, #tpu.memory_space<vmem>>, vector<1x16xf32>,
        %get3A_673 = vector.shape_cast %get3A_672 : vector<1x16xf32> to vector<16xf32>
        %add3A_674 = arith.addf %add3A_646, %get3A_673 : vector<16xf32>
        %add3A_675 = arith.constant 15 : i32
        %add3A_676 = arith.addi %mul3A_226, %add3A_675 : i32
        %get3A_677 = arith.index_cast %add3A_676 : i32 to index
        %get3A_678 = arith.constant 48 : index
        %get3A_679 = tpu.vector_load %arg10[%get3A_677, %get3A_678] {strides = array<i32>} : memref<320x64xf32, #tpu.memory_space<vmem>>, vector<1x16xf32>,
        %get3A_680 = vector.shape_cast %get3A_679 : vector<1x16xf32> to vector<16xf32>
        %add3A_681 = arith.addf %add3A_653, %get3A_680 : vector<16xf32>
        %add3A_682 = arith.constant 16 : i32
        %add3A_683 = arith.addi %mul3A_226, %add3A_682 : i32
        %get3A_684 = arith.index_cast %add3A_683 : i32 to index
        %get3A_685 = arith.constant 0 : index
        %get3A_686 = tpu.vector_load %arg10[%get3A_684, %get3A_685] {strides = array<i32>} : memref<320x64xf32, #tpu.memory_space<vmem>>, vector<1x16xf32>,
        %get3A_687 = vector.shape_cast %get3A_686 : vector<1x16xf32> to vector<16xf32>
        %add3A_688 = arith.addf %add3A_660, %get3A_687 : vector<16xf32>
        %add3A_689 = arith.constant 16 : i32
        %add3A_690 = arith.addi %mul3A_226, %add3A_689 : i32
        %get3A_691 = arith.index_cast %add3A_690 : i32 to index
        %get3A_692 = arith.constant 16 : index
        %get3A_693 = tpu.vector_load %arg10[%get3A_691, %get3A_692] {strides = array<i32>} : memref<320x64xf32, #tpu.memory_space<vmem>>, vector<1x16xf32>,
        %get3A_694 = vector.shape_cast %get3A_693 : vector<1x16xf32> to vector<16xf32>
        %add3A_695 = arith.addf %add3A_667, %get3A_694 : vector<16xf32>
        %add3A_696 = arith.constant 16 : i32
        %add3A_697 = arith.addi %mul3A_226, %add3A_696 : i32
        %get3A_698 = arith.index_cast %add3A_697 : i32 to index
        %get3A_699 = arith.constant 32 : index
        %get3A_700 = tpu.vector_load %arg10[%get3A_698, %get3A_699] {strides = array<i32>} : memref<320x64xf32, #tpu.memory_space<vmem>>, vector<1x16xf32>,
        %get3A_701 = vector.shape_cast %get3A_700 : vector<1x16xf32> to vector<16xf32>
        %add3A_702 = arith.addf %add3A_674, %get3A_701 : vector<16xf32>
        %add3A_703 = arith.constant 16 : i32
        %add3A_704 = arith.addi %mul3A_226, %add3A_703 : i32
        %get3A_705 = arith.index_cast %add3A_704 : i32 to index
        %get3A_706 = arith.constant 48 : index
        %get3A_707 = tpu.vector_load %arg10[%get3A_705, %get3A_706] {strides = array<i32>} : memref<320x64xf32, #tpu.memory_space<vmem>>, vector<1x16xf32>,
        %get3A_708 = vector.shape_cast %get3A_707 : vector<1x16xf32> to vector<16xf32>
        %add3A_709 = arith.addf %add3A_681, %get3A_708 : vector<16xf32>
        %add3A_710 = arith.constant 17 : i32
        %add3A_711 = arith.addi %mul3A_226, %add3A_710 : i32
        %get3A_712 = arith.index_cast %add3A_711 : i32 to index
        %get3A_713 = arith.constant 0 : index
        %get3A_714 = tpu.vector_load %arg10[%get3A_712, %get3A_713] {strides = array<i32>} : memref<320x64xf32, #tpu.memory_space<vmem>>, vector<1x16xf32>,
        %get3A_715 = vector.shape_cast %get3A_714 : vector<1x16xf32> to vector<16xf32>
        %add3A_716 = arith.addf %add3A_688, %get3A_715 : vector<16xf32>
        %add3A_717 = arith.constant 17 : i32
        %add3A_718 = arith.addi %mul3A_226, %add3A_717 : i32
        %get3A_719 = arith.index_cast %add3A_718 : i32 to index
        %get3A_720 = arith.constant 16 : index
        %get3A_721 = tpu.vector_load %arg10[%get3A_719, %get3A_720] {strides = array<i32>} : memref<320x64xf32, #tpu.memory_space<vmem>>, vector<1x16xf32>,
        %get3A_722 = vector.shape_cast %get3A_721 : vector<1x16xf32> to vector<16xf32>
        %add3A_723 = arith.addf %add3A_695, %get3A_722 : vector<16xf32>
        %add3A_724 = arith.constant 17 : i32
        %add3A_725 = arith.addi %mul3A_226, %add3A_724 : i32
        %get3A_726 = arith.index_cast %add3A_725 : i32 to index
        %get3A_727 = arith.constant 32 : index
        %get3A_728 = tpu.vector_load %arg10[%get3A_726, %get3A_727] {strides = array<i32>} : memref<320x64xf32, #tpu.memory_space<vmem>>, vector<1x16xf32>,
        %get3A_729 = vector.shape_cast %get3A_728 : vector<1x16xf32> to vector<16xf32>
        %add3A_730 = arith.addf %add3A_702, %get3A_729 : vector<16xf32>
        %add3A_731 = arith.constant 17 : i32
        %add3A_732 = arith.addi %mul3A_226, %add3A_731 : i32
        %get3A_733 = arith.index_cast %add3A_732 : i32 to index
        %get3A_734 = arith.constant 48 : index
        %get3A_735 = tpu.vector_load %arg10[%get3A_733, %get3A_734] {strides = array<i32>} : memref<320x64xf32, #tpu.memory_space<vmem>>, vector<1x16xf32>,
        %get3A_736 = vector.shape_cast %get3A_735 : vector<1x16xf32> to vector<16xf32>
        %add3A_737 = arith.addf %add3A_709, %get3A_736 : vector<16xf32>
        %add3A_738 = arith.constant 18 : i32
        %add3A_739 = arith.addi %mul3A_226, %add3A_738 : i32
        %get3A_740 = arith.index_cast %add3A_739 : i32 to index
        %get3A_741 = arith.constant 0 : index
        %get3A_742 = tpu.vector_load %arg10[%get3A_740, %get3A_741] {strides = array<i32>} : memref<320x64xf32, #tpu.memory_space<vmem>>, vector<1x16xf32>,
        %get3A_743 = vector.shape_cast %get3A_742 : vector<1x16xf32> to vector<16xf32>
        %add3A_744 = arith.addf %add3A_716, %get3A_743 : vector<16xf32>
        %add3A_745 = arith.constant 18 : i32
        %add3A_746 = arith.addi %mul3A_226, %add3A_745 : i32
        %get3A_747 = arith.index_cast %add3A_746 : i32 to index
        %get3A_748 = arith.constant 16 : index
        %get3A_749 = tpu.vector_load %arg10[%get3A_747, %get3A_748] {strides = array<i32>} : memref<320x64xf32, #tpu.memory_space<vmem>>, vector<1x16xf32>,
        %get3A_750 = vector.shape_cast %get3A_749 : vector<1x16xf32> to vector<16xf32>
        %add3A_751 = arith.addf %add3A_723, %get3A_750 : vector<16xf32>
        %add3A_752 = arith.constant 18 : i32
        %add3A_753 = arith.addi %mul3A_226, %add3A_752 : i32
        %get3A_754 = arith.index_cast %add3A_753 : i32 to index
        %get3A_755 = arith.constant 32 : index
        %get3A_756 = tpu.vector_load %arg10[%get3A_754, %get3A_755] {strides = array<i32>} : memref<320x64xf32, #tpu.memory_space<vmem>>, vector<1x16xf32>,
        %get3A_757 = vector.shape_cast %get3A_756 : vector<1x16xf32> to vector<16xf32>
        %add3A_758 = arith.addf %add3A_730, %get3A_757 : vector<16xf32>
        %add3A_759 = arith.constant 18 : i32
        %add3A_760 = arith.addi %mul3A_226, %add3A_759 : i32
        %get3A_761 = arith.index_cast %add3A_760 : i32 to index
        %get3A_762 = arith.constant 48 : index
        %get3A_763 = tpu.vector_load %arg10[%get3A_761, %get3A_762] {strides = array<i32>} : memref<320x64xf32, #tpu.memory_space<vmem>>, vector<1x16xf32>,
        %get3A_764 = vector.shape_cast %get3A_763 : vector<1x16xf32> to vector<16xf32>
        %add3A_765 = arith.addf %add3A_737, %get3A_764 : vector<16xf32>
        %add3A_766 = arith.constant 19 : i32
        %add3A_767 = arith.addi %mul3A_226, %add3A_766 : i32
        %get3A_768 = arith.index_cast %add3A_767 : i32 to index
        %get3A_769 = arith.constant 0 : index
        %get3A_770 = tpu.vector_load %arg10[%get3A_768, %get3A_769] {strides = array<i32>} : memref<320x64xf32, #tpu.memory_space<vmem>>, vector<1x16xf32>,
        %get3A_771 = vector.shape_cast %get3A_770 : vector<1x16xf32> to vector<16xf32>
        %add3A_772 = arith.addf %add3A_744, %get3A_771 : vector<16xf32>
        %add3A_773 = arith.constant 19 : i32
        %add3A_774 = arith.addi %mul3A_226, %add3A_773 : i32
        %get3A_775 = arith.index_cast %add3A_774 : i32 to index
        %get3A_776 = arith.constant 16 : index
        %get3A_777 = tpu.vector_load %arg10[%get3A_775, %get3A_776] {strides = array<i32>} : memref<320x64xf32, #tpu.memory_space<vmem>>, vector<1x16xf32>,
        %get3A_778 = vector.shape_cast %get3A_777 : vector<1x16xf32> to vector<16xf32>
        %add3A_779 = arith.addf %add3A_751, %get3A_778 : vector<16xf32>
        %add3A_780 = arith.constant 19 : i32
        %add3A_781 = arith.addi %mul3A_226, %add3A_780 : i32
        %get3A_782 = arith.index_cast %add3A_781 : i32 to index
        %get3A_783 = arith.constant 32 : index
        %get3A_784 = tpu.vector_load %arg10[%get3A_782, %get3A_783] {strides = array<i32>} : memref<320x64xf32, #tpu.memory_space<vmem>>, vector<1x16xf32>,
        %get3A_785 = vector.shape_cast %get3A_784 : vector<1x16xf32> to vector<16xf32>
        %add3A_786 = arith.addf %add3A_758, %get3A_785 : vector<16xf32>
        %add3A_787 = arith.constant 19 : i32
        %add3A_788 = arith.addi %mul3A_226, %add3A_787 : i32
        %get3A_789 = arith.index_cast %add3A_788 : i32 to index
        %get3A_790 = arith.constant 48 : index
        %get3A_791 = tpu.vector_load %arg10[%get3A_789, %get3A_790] {strides = array<i32>} : memref<320x64xf32, #tpu.memory_space<vmem>>, vector<1x16xf32>,
        %get3A_792 = vector.shape_cast %get3A_791 : vector<1x16xf32> to vector<16xf32>
        %add3A_793 = arith.addf %add3A_765, %get3A_792 : vector<16xf32>
        %broadcast_in_dim3A_794 = arith.constant 0.000000e+00 : f32
        %broadcast_in_dim3A_795 = vector.broadcast %broadcast_in_dim3A_794 : f32 to vector<16xf32>
        %broadcast_in_dim3A_796 = arith.constant 0.000000e+00 : f32
        %broadcast_in_dim3A_797 = vector.broadcast %broadcast_in_dim3A_796 : f32 to vector<16xf32>
        %mul3A_798 = arith.constant 16 : i32
        %mul3A_799 = arith.muli %add3A_111, %mul3A_798 : i32
        %add3A_800 = arith.addi %mul3A_799, %scan3A_222 : i32
        %get3A_801 = arith.index_cast %add3A_800 : i32 to index
        %get3A_802 = arith.constant 0 : index
        %get3A_803 = tpu.vector_load %arg14[%get3A_801, %get3A_802] {strides = array<i32>} : memref<512x64xf32, #tpu.memory_space<vmem>>, vector<1x16xf32>,
        %get3A_804 = vector.shape_cast %get3A_803 : vector<1x16xf32> to vector<16xf32>
        %get3A_805 = arith.index_cast %scan3A_222 : i32 to index
        %get3A_806 = arith.constant 0 : index
        %get3A_807 = tpu.vector_load %arg12[%get3A_805, %get3A_806] {strides = array<i32>} : memref<16x64xf32, #tpu.memory_space<vmem>>, vector<1x16xf32>,
        %get3A_808 = vector.shape_cast %get3A_807 : vector<1x16xf32> to vector<16xf32>
        %mul3A_809 = arith.mulf %get3A_808, %get3A_804 : vector<16xf32>
        %add3A_810 = arith.addf %broadcast_in_dim3A_795, %mul3A_809 : vector<16xf32>
        %mul3A_811 = arith.mulf %add3A_772, %get3A_804 : vector<16xf32>
        %add3A_812 = arith.addf %broadcast_in_dim3A_797, %mul3A_811 : vector<16xf32>
        %mul3A_813 = arith.constant 16 : i32
        %mul3A_814 = arith.muli %add3A_111, %mul3A_813 : i32
        %add3A_815 = arith.addi %mul3A_814, %scan3A_222 : i32
        %get3A_816 = arith.index_cast %add3A_815 : i32 to index
        %get3A_817 = arith.constant 16 : index
        %get3A_818 = tpu.vector_load %arg14[%get3A_816, %get3A_817] {strides = array<i32>} : memref<512x64xf32, #tpu.memory_space<vmem>>, vector<1x16xf32>,
        %get3A_819 = vector.shape_cast %get3A_818 : vector<1x16xf32> to vector<16xf32>
        %get3A_820 = arith.index_cast %scan3A_222 : i32 to index
        %get3A_821 = arith.constant 16 : index
        %get3A_822 = tpu.vector_load %arg12[%get3A_820, %get3A_821] {strides = array<i32>} : memref<16x64xf32, #tpu.memory_space<vmem>>, vector<1x16xf32>,
        %get3A_823 = vector.shape_cast %get3A_822 : vector<1x16xf32> to vector<16xf32>
        %mul3A_824 = arith.mulf %get3A_823, %get3A_819 : vector<16xf32>
        %add3A_825 = arith.addf %add3A_810, %mul3A_824 : vector<16xf32>
        %mul3A_826 = arith.mulf %add3A_779, %get3A_819 : vector<16xf32>
        %add3A_827 = arith.addf %add3A_812, %mul3A_826 : vector<16xf32>
        %mul3A_828 = arith.constant 16 : i32
        %mul3A_829 = arith.muli %add3A_111, %mul3A_828 : i32
        %add3A_830 = arith.addi %mul3A_829, %scan3A_222 : i32
        %get3A_831 = arith.index_cast %add3A_830 : i32 to index
        %get3A_832 = arith.constant 32 : index
        %get3A_833 = tpu.vector_load %arg14[%get3A_831, %get3A_832] {strides = array<i32>} : memref<512x64xf32, #tpu.memory_space<vmem>>, vector<1x16xf32>,
        %get3A_834 = vector.shape_cast %get3A_833 : vector<1x16xf32> to vector<16xf32>
        %get3A_835 = arith.index_cast %scan3A_222 : i32 to index
        %get3A_836 = arith.constant 32 : index
        %get3A_837 = tpu.vector_load %arg12[%get3A_835, %get3A_836] {strides = array<i32>} : memref<16x64xf32, #tpu.memory_space<vmem>>, vector<1x16xf32>,
        %get3A_838 = vector.shape_cast %get3A_837 : vector<1x16xf32> to vector<16xf32>
        %mul3A_839 = arith.mulf %get3A_838, %get3A_834 : vector<16xf32>
        %add3A_840 = arith.addf %add3A_825, %mul3A_839 : vector<16xf32>
        %mul3A_841 = arith.mulf %add3A_786, %get3A_834 : vector<16xf32>
        %add3A_842 = arith.addf %add3A_827, %mul3A_841 : vector<16xf32>
        %mul3A_843 = arith.constant 16 : i32
        %mul3A_844 = arith.muli %add3A_111, %mul3A_843 : i32
        %add3A_845 = arith.addi %mul3A_844, %scan3A_222 : i32
        %get3A_846 = arith.index_cast %add3A_845 : i32 to index
        %get3A_847 = arith.constant 48 : index
        %get3A_848 = tpu.vector_load %arg14[%get3A_846, %get3A_847] {strides = array<i32>} : memref<512x64xf32, #tpu.memory_space<vmem>>, vector<1x16xf32>,
        %get3A_849 = vector.shape_cast %get3A_848 : vector<1x16xf32> to vector<16xf32>
        %get3A_850 = arith.index_cast %scan3A_222 : i32 to index
        %get3A_851 = arith.constant 48 : index
        %get3A_852 = tpu.vector_load %arg12[%get3A_850, %get3A_851] {strides = array<i32>} : memref<16x64xf32, #tpu.memory_space<vmem>>, vector<1x16xf32>,
        %get3A_853 = vector.shape_cast %get3A_852 : vector<1x16xf32> to vector<16xf32>
        %mul3A_854 = arith.mulf %get3A_853, %get3A_849 : vector<16xf32>
        %add3A_855 = arith.addf %add3A_840, %mul3A_854 : vector<16xf32>
        %mul3A_856 = arith.mulf %add3A_793, %get3A_849 : vector<16xf32>
        %add3A_857 = arith.addf %add3A_842, %mul3A_856 : vector<16xf32>
        %eq3A = vector.broadcast %scan3A_222 : i32 to vector<16xi32>
        %eq3A_858 = arith.cmpi eq, %iota3A, %eq3A : vector<16xi32>
        %add3A_859 = arith.constant 8 : i32
        %add3A_860 = vector.broadcast %add3A_859 : i32 to vector<16xi32>
        %add3A_861 = arith.addi %iota3A, %add3A_860 : vector<16xi32>
        %jit3A = arith.constant 16 : i32
        %eq3A_862 = arith.constant 0 : i32
        %eq3A_863 = arith.cmpi eq, %jit3A, %eq3A_862 : i32
        %jit3A_864 = arith.constant 1 : i32
        %select_n3A = arith.select %eq3A_863, %jit3A_864, %jit3A : i32
        %rem3A = vector.broadcast %select_n3A : i32 to vector<16xi32>
        %rem3A_865 = arith.remsi %add3A_861, %rem3A : vector<16xi32>
        %ne3A = arith.constant 0 : i32
        %ne3A_866 = vector.broadcast %ne3A : i32 to vector<16xi32>
        %ne3A_867 = arith.cmpi ne, %rem3A_865, %ne3A_866 : vector<16xi32>
        %lt3A = arith.constant 0 : i32
        %lt3A_868 = vector.broadcast %lt3A : i32 to vector<16xi32>
        %lt3A_869 = arith.cmpi slt, %rem3A_865, %lt3A_868 : vector<16xi32>
        %lt3A_870 = arith.constant 0 : i32
        %lt3A_871 = arith.cmpi slt, %select_n3A, %lt3A_870 : i32
        %ne3A_872 = vector.broadcast %lt3A_871 : i1 to vector<16xi1>
        %ne3A_873 = vector.broadcast %ne3A_872 : vector<16xi1> to vector<16xi1>
        %ne3A_874 = arith.xori %lt3A_869, %ne3A_873 : vector<16xi1>
        %and3A = arith.andi %ne3A_874, %ne3A_867 : vector<16xi1>
        %add3A_875 = vector.broadcast %select_n3A : i32 to vector<16xi32>
        %add3A_876 = arith.addi %rem3A_865, %add3A_875 : vector<16xi32>
        %select_n3A_877 = arith.select %and3A, %add3A_876, %rem3A_865 : vector<16xi1>, vector<16xi32>
        %lt3A_878 = arith.constant 0 : i32
        %lt3A_879 = vector.broadcast %lt3A_878 : i32 to vector<16xi32>
        %lt3A_880 = arith.cmpi slt, %select_n3A_877, %lt3A_879 : vector<16xi32>
        %add3A_881 = arith.constant 16 : i32
        %add3A_882 = vector.broadcast %add3A_881 : i32 to vector<16xi32>
        %add3A_883 = arith.addi %select_n3A_877, %add3A_882 : vector<16xi32>
        %select_n3A_884 = arith.select %lt3A_880, %add3A_883, %select_n3A_877 : vector<16xi1>, vector<16xi32>
        %broadcast_in_dim3A_885 = vector.shape_cast %select_n3A_884 : vector<16xi32> to vector<16x1xi32>
        %gather3A = vector.shape_cast %broadcast_in_dim3A_885 : vector<16x1xi32> to vector<16xi32>
        %gather3A_886 = tpu.dynamic_gather %add3A_855[%gather3A] in [0] : vector<16xf32>, vector<16xi32> -> vector<16xf32>
        %add3A_887 = arith.addf %add3A_855, %gather3A_886 : vector<16xf32>
        %add3A_888 = arith.constant 4 : i32
        %add3A_889 = vector.broadcast %add3A_888 : i32 to vector<16xi32>
        %add3A_890 = arith.addi %iota3A, %add3A_889 : vector<16xi32>
        %jit3A_891 = arith.constant 16 : i32
        %eq3A_892 = arith.constant 0 : i32
        %eq3A_893 = arith.cmpi eq, %jit3A_891, %eq3A_892 : i32
        %jit3A_894 = arith.constant 1 : i32
        %select_n3A_895 = arith.select %eq3A_893, %jit3A_894, %jit3A_891 : i32
        %rem3A_896 = vector.broadcast %select_n3A_895 : i32 to vector<16xi32>
        %rem3A_897 = arith.remsi %add3A_890, %rem3A_896 : vector<16xi32>
        %ne3A_898 = arith.constant 0 : i32
        %ne3A_899 = vector.broadcast %ne3A_898 : i32 to vector<16xi32>
        %ne3A_900 = arith.cmpi ne, %rem3A_897, %ne3A_899 : vector<16xi32>
        %lt3A_901 = arith.constant 0 : i32
        %lt3A_902 = vector.broadcast %lt3A_901 : i32 to vector<16xi32>
        %lt3A_903 = arith.cmpi slt, %rem3A_897, %lt3A_902 : vector<16xi32>
        %lt3A_904 = arith.constant 0 : i32
        %lt3A_905 = arith.cmpi slt, %select_n3A_895, %lt3A_904 : i32
        %ne3A_906 = vector.broadcast %lt3A_905 : i1 to vector<16xi1>
        %ne3A_907 = vector.broadcast %ne3A_906 : vector<16xi1> to vector<16xi1>
        %ne3A_908 = arith.xori %lt3A_903, %ne3A_907 : vector<16xi1>
        %and3A_909 = arith.andi %ne3A_908, %ne3A_900 : vector<16xi1>
        %add3A_910 = vector.broadcast %select_n3A_895 : i32 to vector<16xi32>
        %add3A_911 = arith.addi %rem3A_897, %add3A_910 : vector<16xi32>
        %select_n3A_912 = arith.select %and3A_909, %add3A_911, %rem3A_897 : vector<16xi1>, vector<16xi32>
        %lt3A_913 = arith.constant 0 : i32
        %lt3A_914 = vector.broadcast %lt3A_913 : i32 to vector<16xi32>
        %lt3A_915 = arith.cmpi slt, %select_n3A_912, %lt3A_914 : vector<16xi32>
        %add3A_916 = arith.constant 16 : i32
        %add3A_917 = vector.broadcast %add3A_916 : i32 to vector<16xi32>
        %add3A_918 = arith.addi %select_n3A_912, %add3A_917 : vector<16xi32>
        %select_n3A_919 = arith.select %lt3A_915, %add3A_918, %select_n3A_912 : vector<16xi1>, vector<16xi32>
        %broadcast_in_dim3A_920 = vector.shape_cast %select_n3A_919 : vector<16xi32> to vector<16x1xi32>
        %gather3A_921 = vector.shape_cast %broadcast_in_dim3A_920 : vector<16x1xi32> to vector<16xi32>
        %gather3A_922 = tpu.dynamic_gather %add3A_887[%gather3A_921] in [0] : vector<16xf32>, vector<16xi32> -> vector<16xf32>
        %add3A_923 = arith.addf %add3A_887, %gather3A_922 : vector<16xf32>
        %add3A_924 = arith.constant 2 : i32
        %add3A_925 = vector.broadcast %add3A_924 : i32 to vector<16xi32>
        %add3A_926 = arith.addi %iota3A, %add3A_925 : vector<16xi32>
        %jit3A_927 = arith.constant 16 : i32
        %eq3A_928 = arith.constant 0 : i32
        %eq3A_929 = arith.cmpi eq, %jit3A_927, %eq3A_928 : i32
        %jit3A_930 = arith.constant 1 : i32
        %select_n3A_931 = arith.select %eq3A_929, %jit3A_930, %jit3A_927 : i32
        %rem3A_932 = vector.broadcast %select_n3A_931 : i32 to vector<16xi32>
        %rem3A_933 = arith.remsi %add3A_926, %rem3A_932 : vector<16xi32>
        %ne3A_934 = arith.constant 0 : i32
        %ne3A_935 = vector.broadcast %ne3A_934 : i32 to vector<16xi32>
        %ne3A_936 = arith.cmpi ne, %rem3A_933, %ne3A_935 : vector<16xi32>
        %lt3A_937 = arith.constant 0 : i32
        %lt3A_938 = vector.broadcast %lt3A_937 : i32 to vector<16xi32>
        %lt3A_939 = arith.cmpi slt, %rem3A_933, %lt3A_938 : vector<16xi32>
        %lt3A_940 = arith.constant 0 : i32
        %lt3A_941 = arith.cmpi slt, %select_n3A_931, %lt3A_940 : i32
        %ne3A_942 = vector.broadcast %lt3A_941 : i1 to vector<16xi1>
        %ne3A_943 = vector.broadcast %ne3A_942 : vector<16xi1> to vector<16xi1>
        %ne3A_944 = arith.xori %lt3A_939, %ne3A_943 : vector<16xi1>
        %and3A_945 = arith.andi %ne3A_944, %ne3A_936 : vector<16xi1>
        %add3A_946 = vector.broadcast %select_n3A_931 : i32 to vector<16xi32>
        %add3A_947 = arith.addi %rem3A_933, %add3A_946 : vector<16xi32>
        %select_n3A_948 = arith.select %and3A_945, %add3A_947, %rem3A_933 : vector<16xi1>, vector<16xi32>
        %lt3A_949 = arith.constant 0 : i32
        %lt3A_950 = vector.broadcast %lt3A_949 : i32 to vector<16xi32>
        %lt3A_951 = arith.cmpi slt, %select_n3A_948, %lt3A_950 : vector<16xi32>
        %add3A_952 = arith.constant 16 : i32
        %add3A_953 = vector.broadcast %add3A_952 : i32 to vector<16xi32>
        %add3A_954 = arith.addi %select_n3A_948, %add3A_953 : vector<16xi32>
        %select_n3A_955 = arith.select %lt3A_951, %add3A_954, %select_n3A_948 : vector<16xi1>, vector<16xi32>
        %broadcast_in_dim3A_956 = vector.shape_cast %select_n3A_955 : vector<16xi32> to vector<16x1xi32>
        %gather3A_957 = vector.shape_cast %broadcast_in_dim3A_956 : vector<16x1xi32> to vector<16xi32>
        %gather3A_958 = tpu.dynamic_gather %add3A_923[%gather3A_957] in [0] : vector<16xf32>, vector<16xi32> -> vector<16xf32>
        %add3A_959 = arith.addf %add3A_923, %gather3A_958 : vector<16xf32>
        %add3A_960 = arith.constant 1 : i32
        %add3A_961 = vector.broadcast %add3A_960 : i32 to vector<16xi32>
        %add3A_962 = arith.addi %iota3A, %add3A_961 : vector<16xi32>
        %jit3A_963 = arith.constant 16 : i32
        %eq3A_964 = arith.constant 0 : i32
        %eq3A_965 = arith.cmpi eq, %jit3A_963, %eq3A_964 : i32
        %jit3A_966 = arith.constant 1 : i32
        %select_n3A_967 = arith.select %eq3A_965, %jit3A_966, %jit3A_963 : i32
        %rem3A_968 = vector.broadcast %select_n3A_967 : i32 to vector<16xi32>
        %rem3A_969 = arith.remsi %add3A_962, %rem3A_968 : vector<16xi32>
        %ne3A_970 = arith.constant 0 : i32
        %ne3A_971 = vector.broadcast %ne3A_970 : i32 to vector<16xi32>
        %ne3A_972 = arith.cmpi ne, %rem3A_969, %ne3A_971 : vector<16xi32>
        %lt3A_973 = arith.constant 0 : i32
        %lt3A_974 = vector.broadcast %lt3A_973 : i32 to vector<16xi32>
        %lt3A_975 = arith.cmpi slt, %rem3A_969, %lt3A_974 : vector<16xi32>
        %lt3A_976 = arith.constant 0 : i32
        %lt3A_977 = arith.cmpi slt, %select_n3A_967, %lt3A_976 : i32
        %ne3A_978 = vector.broadcast %lt3A_977 : i1 to vector<16xi1>
        %ne3A_979 = vector.broadcast %ne3A_978 : vector<16xi1> to vector<16xi1>
        %ne3A_980 = arith.xori %lt3A_975, %ne3A_979 : vector<16xi1>
        %and3A_981 = arith.andi %ne3A_980, %ne3A_972 : vector<16xi1>
        %add3A_982 = vector.broadcast %select_n3A_967 : i32 to vector<16xi32>
        %add3A_983 = arith.addi %rem3A_969, %add3A_982 : vector<16xi32>
        %select_n3A_984 = arith.select %and3A_981, %add3A_983, %rem3A_969 : vector<16xi1>, vector<16xi32>
        %lt3A_985 = arith.constant 0 : i32
        %lt3A_986 = vector.broadcast %lt3A_985 : i32 to vector<16xi32>
        %lt3A_987 = arith.cmpi slt, %select_n3A_984, %lt3A_986 : vector<16xi32>
        %add3A_988 = arith.constant 16 : i32
        %add3A_989 = vector.broadcast %add3A_988 : i32 to vector<16xi32>
        %add3A_990 = arith.addi %select_n3A_984, %add3A_989 : vector<16xi32>
        %select_n3A_991 = arith.select %lt3A_987, %add3A_990, %select_n3A_984 : vector<16xi1>, vector<16xi32>
        %broadcast_in_dim3A_992 = vector.shape_cast %select_n3A_991 : vector<16xi32> to vector<16x1xi32>
        %gather3A_993 = vector.shape_cast %broadcast_in_dim3A_992 : vector<16x1xi32> to vector<16xi32>
        %gather3A_994 = tpu.dynamic_gather %add3A_959[%gather3A_993] in [0] : vector<16xf32>, vector<16xi32> -> vector<16xf32>
        %add3A_995 = arith.addf %add3A_959, %gather3A_994 : vector<16xf32>
        %mul3A_996 = arith.constant 5.000000e-02 : f32
        %mul3A_997 = vector.broadcast %mul3A_996 : f32 to vector<16xf32>
        %mul3A_998 = arith.mulf %add3A_995, %mul3A_997 : vector<16xf32>
        %select_n3A_999 = arith.select %eq3A_858, %mul3A_998, %scan3A_223 : vector<16xi1>, vector<16xf32>
        %add3A_1000 = arith.constant 8 : i32
        %add3A_1001 = vector.broadcast %add3A_1000 : i32 to vector<16xi32>
        %add3A_1002 = arith.addi %iota3A, %add3A_1001 : vector<16xi32>
        %jit3A_1003 = arith.constant 16 : i32
        %eq3A_1004 = arith.constant 0 : i32
        %eq3A_1005 = arith.cmpi eq, %jit3A_1003, %eq3A_1004 : i32
        %jit3A_1006 = arith.constant 1 : i32
        %select_n3A_1007 = arith.select %eq3A_1005, %jit3A_1006, %jit3A_1003 : i32
        %rem3A_1008 = vector.broadcast %select_n3A_1007 : i32 to vector<16xi32>
        %rem3A_1009 = arith.remsi %add3A_1002, %rem3A_1008 : vector<16xi32>
        %ne3A_1010 = arith.constant 0 : i32
        %ne3A_1011 = vector.broadcast %ne3A_1010 : i32 to vector<16xi32>
        %ne3A_1012 = arith.cmpi ne, %rem3A_1009, %ne3A_1011 : vector<16xi32>
        %lt3A_1013 = arith.constant 0 : i32
        %lt3A_1014 = vector.broadcast %lt3A_1013 : i32 to vector<16xi32>
        %lt3A_1015 = arith.cmpi slt, %rem3A_1009, %lt3A_1014 : vector<16xi32>
        %lt3A_1016 = arith.constant 0 : i32
        %lt3A_1017 = arith.cmpi slt, %select_n3A_1007, %lt3A_1016 : i32
        %ne3A_1018 = vector.broadcast %lt3A_1017 : i1 to vector<16xi1>
        %ne3A_1019 = vector.broadcast %ne3A_1018 : vector<16xi1> to vector<16xi1>
        %ne3A_1020 = arith.xori %lt3A_1015, %ne3A_1019 : vector<16xi1>
        %and3A_1021 = arith.andi %ne3A_1020, %ne3A_1012 : vector<16xi1>
        %add3A_1022 = vector.broadcast %select_n3A_1007 : i32 to vector<16xi32>
        %add3A_1023 = arith.addi %rem3A_1009, %add3A_1022 : vector<16xi32>
        %select_n3A_1024 = arith.select %and3A_1021, %add3A_1023, %rem3A_1009 : vector<16xi1>, vector<16xi32>
        %lt3A_1025 = arith.constant 0 : i32
        %lt3A_1026 = vector.broadcast %lt3A_1025 : i32 to vector<16xi32>
        %lt3A_1027 = arith.cmpi slt, %select_n3A_1024, %lt3A_1026 : vector<16xi32>
        %add3A_1028 = arith.constant 16 : i32
        %add3A_1029 = vector.broadcast %add3A_1028 : i32 to vector<16xi32>
        %add3A_1030 = arith.addi %select_n3A_1024, %add3A_1029 : vector<16xi32>
        %select_n3A_1031 = arith.select %lt3A_1027, %add3A_1030, %select_n3A_1024 : vector<16xi1>, vector<16xi32>
        %broadcast_in_dim3A_1032 = vector.shape_cast %select_n3A_1031 : vector<16xi32> to vector<16x1xi32>
        %gather3A_1033 = vector.shape_cast %broadcast_in_dim3A_1032 : vector<16x1xi32> to vector<16xi32>
        %gather3A_1034 = tpu.dynamic_gather %add3A_857[%gather3A_1033] in [0] : vector<16xf32>, vector<16xi32> -> vector<16xf32>
        %add3A_1035 = arith.addf %add3A_857, %gather3A_1034 : vector<16xf32>
        %add3A_1036 = arith.constant 4 : i32
        %add3A_1037 = vector.broadcast %add3A_1036 : i32 to vector<16xi32>
        %add3A_1038 = arith.addi %iota3A, %add3A_1037 : vector<16xi32>
        %jit3A_1039 = arith.constant 16 : i32
        %eq3A_1040 = arith.constant 0 : i32
        %eq3A_1041 = arith.cmpi eq, %jit3A_1039, %eq3A_1040 : i32
        %jit3A_1042 = arith.constant 1 : i32
        %select_n3A_1043 = arith.select %eq3A_1041, %jit3A_1042, %jit3A_1039 : i32
        %rem3A_1044 = vector.broadcast %select_n3A_1043 : i32 to vector<16xi32>
        %rem3A_1045 = arith.remsi %add3A_1038, %rem3A_1044 : vector<16xi32>
        %ne3A_1046 = arith.constant 0 : i32
        %ne3A_1047 = vector.broadcast %ne3A_1046 : i32 to vector<16xi32>
        %ne3A_1048 = arith.cmpi ne, %rem3A_1045, %ne3A_1047 : vector<16xi32>
        %lt3A_1049 = arith.constant 0 : i32
        %lt3A_1050 = vector.broadcast %lt3A_1049 : i32 to vector<16xi32>
        %lt3A_1051 = arith.cmpi slt, %rem3A_1045, %lt3A_1050 : vector<16xi32>
        %lt3A_1052 = arith.constant 0 : i32
        %lt3A_1053 = arith.cmpi slt, %select_n3A_1043, %lt3A_1052 : i32
        %ne3A_1054 = vector.broadcast %lt3A_1053 : i1 to vector<16xi1>
        %ne3A_1055 = vector.broadcast %ne3A_1054 : vector<16xi1> to vector<16xi1>
        %ne3A_1056 = arith.xori %lt3A_1051, %ne3A_1055 : vector<16xi1>
        %and3A_1057 = arith.andi %ne3A_1056, %ne3A_1048 : vector<16xi1>
        %add3A_1058 = vector.broadcast %select_n3A_1043 : i32 to vector<16xi32>
        %add3A_1059 = arith.addi %rem3A_1045, %add3A_1058 : vector<16xi32>
        %select_n3A_1060 = arith.select %and3A_1057, %add3A_1059, %rem3A_1045 : vector<16xi1>, vector<16xi32>
        %lt3A_1061 = arith.constant 0 : i32
        %lt3A_1062 = vector.broadcast %lt3A_1061 : i32 to vector<16xi32>
        %lt3A_1063 = arith.cmpi slt, %select_n3A_1060, %lt3A_1062 : vector<16xi32>
        %add3A_1064 = arith.constant 16 : i32
        %add3A_1065 = vector.broadcast %add3A_1064 : i32 to vector<16xi32>
        %add3A_1066 = arith.addi %select_n3A_1060, %add3A_1065 : vector<16xi32>
        %select_n3A_1067 = arith.select %lt3A_1063, %add3A_1066, %select_n3A_1060 : vector<16xi1>, vector<16xi32>
        %broadcast_in_dim3A_1068 = vector.shape_cast %select_n3A_1067 : vector<16xi32> to vector<16x1xi32>
        %gather3A_1069 = vector.shape_cast %broadcast_in_dim3A_1068 : vector<16x1xi32> to vector<16xi32>
        %gather3A_1070 = tpu.dynamic_gather %add3A_1035[%gather3A_1069] in [0] : vector<16xf32>, vector<16xi32> -> vector<16xf32>
        %add3A_1071 = arith.addf %add3A_1035, %gather3A_1070 : vector<16xf32>
        %add3A_1072 = arith.constant 2 : i32
        %add3A_1073 = vector.broadcast %add3A_1072 : i32 to vector<16xi32>
        %add3A_1074 = arith.addi %iota3A, %add3A_1073 : vector<16xi32>
        %jit3A_1075 = arith.constant 16 : i32
        %eq3A_1076 = arith.constant 0 : i32
        %eq3A_1077 = arith.cmpi eq, %jit3A_1075, %eq3A_1076 : i32
        %jit3A_1078 = arith.constant 1 : i32
        %select_n3A_1079 = arith.select %eq3A_1077, %jit3A_1078, %jit3A_1075 : i32
        %rem3A_1080 = vector.broadcast %select_n3A_1079 : i32 to vector<16xi32>
        %rem3A_1081 = arith.remsi %add3A_1074, %rem3A_1080 : vector<16xi32>
        %ne3A_1082 = arith.constant 0 : i32
        %ne3A_1083 = vector.broadcast %ne3A_1082 : i32 to vector<16xi32>
        %ne3A_1084 = arith.cmpi ne, %rem3A_1081, %ne3A_1083 : vector<16xi32>
        %lt3A_1085 = arith.constant 0 : i32
        %lt3A_1086 = vector.broadcast %lt3A_1085 : i32 to vector<16xi32>
        %lt3A_1087 = arith.cmpi slt, %rem3A_1081, %lt3A_1086 : vector<16xi32>
        %lt3A_1088 = arith.constant 0 : i32
        %lt3A_1089 = arith.cmpi slt, %select_n3A_1079, %lt3A_1088 : i32
        %ne3A_1090 = vector.broadcast %lt3A_1089 : i1 to vector<16xi1>
        %ne3A_1091 = vector.broadcast %ne3A_1090 : vector<16xi1> to vector<16xi1>
        %ne3A_1092 = arith.xori %lt3A_1087, %ne3A_1091 : vector<16xi1>
        %and3A_1093 = arith.andi %ne3A_1092, %ne3A_1084 : vector<16xi1>
        %add3A_1094 = vector.broadcast %select_n3A_1079 : i32 to vector<16xi32>
        %add3A_1095 = arith.addi %rem3A_1081, %add3A_1094 : vector<16xi32>
        %select_n3A_1096 = arith.select %and3A_1093, %add3A_1095, %rem3A_1081 : vector<16xi1>, vector<16xi32>
        %lt3A_1097 = arith.constant 0 : i32
        %lt3A_1098 = vector.broadcast %lt3A_1097 : i32 to vector<16xi32>
        %lt3A_1099 = arith.cmpi slt, %select_n3A_1096, %lt3A_1098 : vector<16xi32>
        %add3A_1100 = arith.constant 16 : i32
        %add3A_1101 = vector.broadcast %add3A_1100 : i32 to vector<16xi32>
        %add3A_1102 = arith.addi %select_n3A_1096, %add3A_1101 : vector<16xi32>
        %select_n3A_1103 = arith.select %lt3A_1099, %add3A_1102, %select_n3A_1096 : vector<16xi1>, vector<16xi32>
        %broadcast_in_dim3A_1104 = vector.shape_cast %select_n3A_1103 : vector<16xi32> to vector<16x1xi32>
        %gather3A_1105 = vector.shape_cast %broadcast_in_dim3A_1104 : vector<16x1xi32> to vector<16xi32>
        %gather3A_1106 = tpu.dynamic_gather %add3A_1071[%gather3A_1105] in [0] : vector<16xf32>, vector<16xi32> -> vector<16xf32>
        %add3A_1107 = arith.addf %add3A_1071, %gather3A_1106 : vector<16xf32>
        %add3A_1108 = arith.constant 1 : i32
        %add3A_1109 = vector.broadcast %add3A_1108 : i32 to vector<16xi32>
        %add3A_1110 = arith.addi %iota3A, %add3A_1109 : vector<16xi32>
        %jit3A_1111 = arith.constant 16 : i32
        %eq3A_1112 = arith.constant 0 : i32
        %eq3A_1113 = arith.cmpi eq, %jit3A_1111, %eq3A_1112 : i32
        %jit3A_1114 = arith.constant 1 : i32
        %select_n3A_1115 = arith.select %eq3A_1113, %jit3A_1114, %jit3A_1111 : i32
        %rem3A_1116 = vector.broadcast %select_n3A_1115 : i32 to vector<16xi32>
        %rem3A_1117 = arith.remsi %add3A_1110, %rem3A_1116 : vector<16xi32>
        %ne3A_1118 = arith.constant 0 : i32
        %ne3A_1119 = vector.broadcast %ne3A_1118 : i32 to vector<16xi32>
        %ne3A_1120 = arith.cmpi ne, %rem3A_1117, %ne3A_1119 : vector<16xi32>
        %lt3A_1121 = arith.constant 0 : i32
        %lt3A_1122 = vector.broadcast %lt3A_1121 : i32 to vector<16xi32>
        %lt3A_1123 = arith.cmpi slt, %rem3A_1117, %lt3A_1122 : vector<16xi32>
        %lt3A_1124 = arith.constant 0 : i32
        %lt3A_1125 = arith.cmpi slt, %select_n3A_1115, %lt3A_1124 : i32
        %ne3A_1126 = vector.broadcast %lt3A_1125 : i1 to vector<16xi1>
        %ne3A_1127 = vector.broadcast %ne3A_1126 : vector<16xi1> to vector<16xi1>
        %ne3A_1128 = arith.xori %lt3A_1123, %ne3A_1127 : vector<16xi1>
        %and3A_1129 = arith.andi %ne3A_1128, %ne3A_1120 : vector<16xi1>
        %add3A_1130 = vector.broadcast %select_n3A_1115 : i32 to vector<16xi32>
        %add3A_1131 = arith.addi %rem3A_1117, %add3A_1130 : vector<16xi32>
        %select_n3A_1132 = arith.select %and3A_1129, %add3A_1131, %rem3A_1117 : vector<16xi1>, vector<16xi32>
        %lt3A_1133 = arith.constant 0 : i32
        %lt3A_1134 = vector.broadcast %lt3A_1133 : i32 to vector<16xi32>
        %lt3A_1135 = arith.cmpi slt, %select_n3A_1132, %lt3A_1134 : vector<16xi32>
        %add3A_1136 = arith.constant 16 : i32
        %add3A_1137 = vector.broadcast %add3A_1136 : i32 to vector<16xi32>
        %add3A_1138 = arith.addi %select_n3A_1132, %add3A_1137 : vector<16xi32>
        %select_n3A_1139 = arith.select %lt3A_1135, %add3A_1138, %select_n3A_1132 : vector<16xi1>, vector<16xi32>
        %broadcast_in_dim3A_1140 = vector.shape_cast %select_n3A_1139 : vector<16xi32> to vector<16x1xi32>
        %gather3A_1141 = vector.shape_cast %broadcast_in_dim3A_1140 : vector<16x1xi32> to vector<16xi32>
        %gather3A_1142 = tpu.dynamic_gather %add3A_1107[%gather3A_1141] in [0] : vector<16xf32>, vector<16xi32> -> vector<16xf32>
        %add3A_1143 = arith.addf %add3A_1107, %gather3A_1142 : vector<16xf32>
        %mul3A_1144 = arith.constant 5.000000e-02 : f32
        %mul3A_1145 = vector.broadcast %mul3A_1144 : f32 to vector<16xf32>
        %mul3A_1146 = arith.mulf %add3A_1143, %mul3A_1145 : vector<16xf32>
        %select_n3A_1147 = arith.select %eq3A_858, %mul3A_1146, %scan3A_224 : vector<16xi1>, vector<16xf32>
        scf.yield %select_n3A_999, %select_n3A_1147 : vector<16xf32>, vector<16xf32>
      }
      %scan3A_151 = arith.constant 16 : i32
      %mul3A_152 = arith.constant 16 : i32
      %mul3A_153 = arith.muli %add3A_111, %mul3A_152 : i32
      %swap3A = arith.index_cast %mul3A_153 : i32 to index
      %swap3A_154 = tpu.vector_load %arg15[%swap3A] {strides = array<i32>} : memref<512xf32, #tpu.memory_space<vmem>>, vector<16xf32>,
      %swap3A_155 = vector.shape_cast %swap3A_154 : vector<16xf32> to vector<16xf32>
      %swap3A_156 = vector.shape_cast %scan3A_150#0 : vector<16xf32> to vector<16xf32>
      tpu.vector_store %arg15[%swap3A], %swap3A_156 {strides = array<i32>} : memref<512xf32, #tpu.memory_space<vmem>>, vector<16xf32>,
      %mul3A_157 = arith.constant 16 : i32
      %mul3A_158 = arith.muli %add3A_111, %mul3A_157 : i32
      %swap3A_159 = arith.index_cast %mul3A_158 : i32 to index
      %swap3A_160 = tpu.vector_load %arg16[%swap3A_159] {strides = array<i32>} : memref<512xf32, #tpu.memory_space<vmem>>, vector<16xf32>,
      %swap3A_161 = vector.shape_cast %swap3A_160 : vector<16xf32> to vector<16xf32>
      %swap3A_162 = vector.shape_cast %scan3A_150#1 : vector<16xf32> to vector<16xf32>
      tpu.vector_store %arg16[%swap3A_159], %swap3A_162 {strides = array<i32>} : memref<512xf32, #tpu.memory_space<vmem>>, vector<16xf32>,
      %mul3A_163 = arith.constant 2 : i32
      %mul3A_164 = arith.muli %mul3A_163, %scan3A_11 : i32
      %add3A_165 = arith.constant 1 : i32
      %add3A_166 = arith.addi %mul3A_164, %add3A_165 : i32
      %dma_wait3A_167 = arith.constant 0 : i32
      %dma_wait3A_168 = arith.constant 0 : i32
      %dma_wait3A_169 = tpu.memref_slice %arg11[%dma_wait3A_167, %dma_wait3A_168] : memref<320x64xf32, #tpu.memory_space<vmem>> -> memref<80x64xf32, #tpu.memory_space<vmem>>
      %dma_wait3A_170 = tpu.memref_slice %arg8[%add3A_67] : memref<10240xi32, #tpu.memory_space<vmem>> -> memref<80xi32, #tpu.memory_space<vmem>>
      %dma_wait3A_171 = arith.constant 0 : i32
      %dma_wait3A_172 = arith.constant 0 : i32
      %dma_wait3A_173 = tpu.memref_slice %arg5[%dma_wait3A_171, %dma_wait3A_172] : memref<1000000x64xf32, #tpu.memory_space<hbm>> -> memref<1000000x64xf32, #tpu.memory_space<hbm>>
      tpu.wait_indirect_dma semaphore(%arg17 : memref<!tpu.dma_semaphore, #tpu.memory_space<semaphore_mem>>) src(%dma_wait3A_173 : memref<1000000x64xf32, #tpu.memory_space<hbm>>) dst(%dma_wait3A_169 : memref<80x64xf32, #tpu.memory_space<vmem>>)
      %dma_wait3A_174 = arith.constant 80 : i32
      %dma_wait3A_175 = arith.constant 0 : i32
      %dma_wait3A_176 = tpu.memref_slice %arg11[%dma_wait3A_174, %dma_wait3A_175] : memref<320x64xf32, #tpu.memory_space<vmem>> -> memref<80x64xf32, #tpu.memory_space<vmem>>
      %dma_wait3A_177 = tpu.memref_slice %arg8[%add3A_76] : memref<10240xi32, #tpu.memory_space<vmem>> -> memref<80xi32, #tpu.memory_space<vmem>>
      %dma_wait3A_178 = arith.constant 0 : i32
      %dma_wait3A_179 = arith.constant 0 : i32
      %dma_wait3A_180 = tpu.memref_slice %arg5[%dma_wait3A_178, %dma_wait3A_179] : memref<1000000x64xf32, #tpu.memory_space<hbm>> -> memref<1000000x64xf32, #tpu.memory_space<hbm>>
      tpu.wait_indirect_dma semaphore(%arg17 : memref<!tpu.dma_semaphore, #tpu.memory_space<semaphore_mem>>) src(%dma_wait3A_180 : memref<1000000x64xf32, #tpu.memory_space<hbm>>) dst(%dma_wait3A_176 : memref<80x64xf32, #tpu.memory_space<vmem>>)
      %dma_wait3A_181 = arith.constant 160 : i32
      %dma_wait3A_182 = arith.constant 0 : i32
      %dma_wait3A_183 = tpu.memref_slice %arg11[%dma_wait3A_181, %dma_wait3A_182] : memref<320x64xf32, #tpu.memory_space<vmem>> -> memref<80x64xf32, #tpu.memory_space<vmem>>
      %dma_wait3A_184 = tpu.memref_slice %arg8[%add3A_85] : memref<10240xi32, #tpu.memory_space<vmem>> -> memref<80xi32, #tpu.memory_space<vmem>>
      %dma_wait3A_185 = arith.constant 0 : i32
      %dma_wait3A_186 = arith.constant 0 : i32
      %dma_wait3A_187 = tpu.memref_slice %arg5[%dma_wait3A_185, %dma_wait3A_186] : memref<1000000x64xf32, #tpu.memory_space<hbm>> -> memref<1000000x64xf32, #tpu.memory_space<hbm>>
      tpu.wait_indirect_dma semaphore(%arg17 : memref<!tpu.dma_semaphore, #tpu.memory_space<semaphore_mem>>) src(%dma_wait3A_187 : memref<1000000x64xf32, #tpu.memory_space<hbm>>) dst(%dma_wait3A_183 : memref<80x64xf32, #tpu.memory_space<vmem>>)
      %dma_wait3A_188 = arith.constant 240 : i32
      %dma_wait3A_189 = arith.constant 0 : i32
      %dma_wait3A_190 = tpu.memref_slice %arg11[%dma_wait3A_188, %dma_wait3A_189] : memref<320x64xf32, #tpu.memory_space<vmem>> -> memref<80x64xf32, #tpu.memory_space<vmem>>
      %dma_wait3A_191 = tpu.memref_slice %arg8[%add3A_94] : memref<10240xi32, #tpu.memory_space<vmem>> -> memref<80xi32, #tpu.memory_space<vmem>>
      %dma_wait3A_192 = arith.constant 0 : i32
      %dma_wait3A_193 = arith.constant 0 : i32
      %dma_wait3A_194 = tpu.memref_slice %arg5[%dma_wait3A_192, %dma_wait3A_193] : memref<1000000x64xf32, #tpu.memory_space<hbm>> -> memref<1000000x64xf32, #tpu.memory_space<hbm>>
      tpu.wait_indirect_dma semaphore(%arg17 : memref<!tpu.dma_semaphore, #tpu.memory_space<semaphore_mem>>) src(%dma_wait3A_194 : memref<1000000x64xf32, #tpu.memory_space<hbm>>) dst(%dma_wait3A_190 : memref<80x64xf32, #tpu.memory_space<vmem>>)
      %dma_wait3A_195 = tpu.memref_slice %arg9[%mul3A_103] : memref<512xi32, #tpu.memory_space<vmem>> -> memref<16xi32, #tpu.memory_space<vmem>>
      %dma_wait3A_196 = arith.constant 0 : i32
      %dma_wait3A_197 = arith.constant 0 : i32
      %dma_wait3A_198 = tpu.memref_slice %arg5[%dma_wait3A_196, %dma_wait3A_197] : memref<1000000x64xf32, #tpu.memory_space<hbm>> -> memref<1000000x64xf32, #tpu.memory_space<hbm>>
      tpu.wait_indirect_dma semaphore(%arg17 : memref<!tpu.dma_semaphore, #tpu.memory_space<semaphore_mem>>) src(%dma_wait3A_198 : memref<1000000x64xf32, #tpu.memory_space<hbm>>) dst(%arg13 : memref<16x64xf32, #tpu.memory_space<vmem>>)
      %broadcast_in_dim3A_199 = arith.constant 0.000000e+00 : f32
      %broadcast_in_dim3A_200 = vector.broadcast %broadcast_in_dim3A_199 : f32 to vector<16xf32>
      %broadcast_in_dim3A_201 = arith.constant 0.000000e+00 : f32
      %broadcast_in_dim3A_202 = vector.broadcast %broadcast_in_dim3A_201 : f32 to vector<16xf32>
      %scan3A_203 = arith.constant 0 : i32
      %scan3A_204 = arith.constant 16 : i32
      %scan3A_205 = arith.addi %scan3A_203, %scan3A_204 : i32
      %scan3A_206 = arith.constant 1 : i32
      %scan3A_207:2 = scf.for %scan3A_222 = %scan3A_203 to %scan3A_205 step %scan3A_206 iter_args(%scan3A_223 = %broadcast_in_dim3A_200, %scan3A_224 = %broadcast_in_dim3A_202) -> (vector<16xf32>, vector<16xf32>)  : i32 {
        %mul3A_225 = arith.constant 20 : i32
        %mul3A_226 = arith.muli %scan3A_222, %mul3A_225 : i32
        %broadcast_in_dim3A_227 = arith.constant 0.000000e+00 : f32
        %broadcast_in_dim3A_228 = vector.broadcast %broadcast_in_dim3A_227 : f32 to vector<16xf32>
        %broadcast_in_dim3A_229 = arith.constant 0.000000e+00 : f32
        %broadcast_in_dim3A_230 = vector.broadcast %broadcast_in_dim3A_229 : f32 to vector<16xf32>
        %broadcast_in_dim3A_231 = arith.constant 0.000000e+00 : f32
        %broadcast_in_dim3A_232 = vector.broadcast %broadcast_in_dim3A_231 : f32 to vector<16xf32>
        %broadcast_in_dim3A_233 = arith.constant 0.000000e+00 : f32
        %broadcast_in_dim3A_234 = vector.broadcast %broadcast_in_dim3A_233 : f32 to vector<16xf32>
        %add3A_235 = arith.constant 0 : i32
        %add3A_236 = arith.addi %mul3A_226, %add3A_235 : i32
        %get3A = arith.index_cast %add3A_236 : i32 to index
        %get3A_237 = arith.constant 0 : index
        %get3A_238 = tpu.vector_load %arg11[%get3A, %get3A_237] {strides = array<i32>} : memref<320x64xf32, #tpu.memory_space<vmem>>, vector<1x16xf32>,
        %get3A_239 = vector.shape_cast %get3A_238 : vector<1x16xf32> to vector<16xf32>
        %add3A_240 = arith.addf %broadcast_in_dim3A_228, %get3A_239 : vector<16xf32>
        %add3A_241 = arith.constant 0 : i32
        %add3A_242 = arith.addi %mul3A_226, %add3A_241 : i32
        %get3A_243 = arith.index_cast %add3A_242 : i32 to index
        %get3A_244 = arith.constant 16 : index
        %get3A_245 = tpu.vector_load %arg11[%get3A_243, %get3A_244] {strides = array<i32>} : memref<320x64xf32, #tpu.memory_space<vmem>>, vector<1x16xf32>,
        %get3A_246 = vector.shape_cast %get3A_245 : vector<1x16xf32> to vector<16xf32>
        %add3A_247 = arith.addf %broadcast_in_dim3A_230, %get3A_246 : vector<16xf32>
        %add3A_248 = arith.constant 0 : i32
        %add3A_249 = arith.addi %mul3A_226, %add3A_248 : i32
        %get3A_250 = arith.index_cast %add3A_249 : i32 to index
        %get3A_251 = arith.constant 32 : index
        %get3A_252 = tpu.vector_load %arg11[%get3A_250, %get3A_251] {strides = array<i32>} : memref<320x64xf32, #tpu.memory_space<vmem>>, vector<1x16xf32>,
        %get3A_253 = vector.shape_cast %get3A_252 : vector<1x16xf32> to vector<16xf32>
        %add3A_254 = arith.addf %broadcast_in_dim3A_232, %get3A_253 : vector<16xf32>
        %add3A_255 = arith.constant 0 : i32
        %add3A_256 = arith.addi %mul3A_226, %add3A_255 : i32
        %get3A_257 = arith.index_cast %add3A_256 : i32 to index
        %get3A_258 = arith.constant 48 : index
        %get3A_259 = tpu.vector_load %arg11[%get3A_257, %get3A_258] {strides = array<i32>} : memref<320x64xf32, #tpu.memory_space<vmem>>, vector<1x16xf32>,
        %get3A_260 = vector.shape_cast %get3A_259 : vector<1x16xf32> to vector<16xf32>
        %add3A_261 = arith.addf %broadcast_in_dim3A_234, %get3A_260 : vector<16xf32>
        %add3A_262 = arith.constant 1 : i32
        %add3A_263 = arith.addi %mul3A_226, %add3A_262 : i32
        %get3A_264 = arith.index_cast %add3A_263 : i32 to index
        %get3A_265 = arith.constant 0 : index
        %get3A_266 = tpu.vector_load %arg11[%get3A_264, %get3A_265] {strides = array<i32>} : memref<320x64xf32, #tpu.memory_space<vmem>>, vector<1x16xf32>,
        %get3A_267 = vector.shape_cast %get3A_266 : vector<1x16xf32> to vector<16xf32>
        %add3A_268 = arith.addf %add3A_240, %get3A_267 : vector<16xf32>
        %add3A_269 = arith.constant 1 : i32
        %add3A_270 = arith.addi %mul3A_226, %add3A_269 : i32
        %get3A_271 = arith.index_cast %add3A_270 : i32 to index
        %get3A_272 = arith.constant 16 : index
        %get3A_273 = tpu.vector_load %arg11[%get3A_271, %get3A_272] {strides = array<i32>} : memref<320x64xf32, #tpu.memory_space<vmem>>, vector<1x16xf32>,
        %get3A_274 = vector.shape_cast %get3A_273 : vector<1x16xf32> to vector<16xf32>
        %add3A_275 = arith.addf %add3A_247, %get3A_274 : vector<16xf32>
        %add3A_276 = arith.constant 1 : i32
        %add3A_277 = arith.addi %mul3A_226, %add3A_276 : i32
        %get3A_278 = arith.index_cast %add3A_277 : i32 to index
        %get3A_279 = arith.constant 32 : index
        %get3A_280 = tpu.vector_load %arg11[%get3A_278, %get3A_279] {strides = array<i32>} : memref<320x64xf32, #tpu.memory_space<vmem>>, vector<1x16xf32>,
        %get3A_281 = vector.shape_cast %get3A_280 : vector<1x16xf32> to vector<16xf32>
        %add3A_282 = arith.addf %add3A_254, %get3A_281 : vector<16xf32>
        %add3A_283 = arith.constant 1 : i32
        %add3A_284 = arith.addi %mul3A_226, %add3A_283 : i32
        %get3A_285 = arith.index_cast %add3A_284 : i32 to index
        %get3A_286 = arith.constant 48 : index
        %get3A_287 = tpu.vector_load %arg11[%get3A_285, %get3A_286] {strides = array<i32>} : memref<320x64xf32, #tpu.memory_space<vmem>>, vector<1x16xf32>,
        %get3A_288 = vector.shape_cast %get3A_287 : vector<1x16xf32> to vector<16xf32>
        %add3A_289 = arith.addf %add3A_261, %get3A_288 : vector<16xf32>
        %add3A_290 = arith.constant 2 : i32
        %add3A_291 = arith.addi %mul3A_226, %add3A_290 : i32
        %get3A_292 = arith.index_cast %add3A_291 : i32 to index
        %get3A_293 = arith.constant 0 : index
        %get3A_294 = tpu.vector_load %arg11[%get3A_292, %get3A_293] {strides = array<i32>} : memref<320x64xf32, #tpu.memory_space<vmem>>, vector<1x16xf32>,
        %get3A_295 = vector.shape_cast %get3A_294 : vector<1x16xf32> to vector<16xf32>
        %add3A_296 = arith.addf %add3A_268, %get3A_295 : vector<16xf32>
        %add3A_297 = arith.constant 2 : i32
        %add3A_298 = arith.addi %mul3A_226, %add3A_297 : i32
        %get3A_299 = arith.index_cast %add3A_298 : i32 to index
        %get3A_300 = arith.constant 16 : index
        %get3A_301 = tpu.vector_load %arg11[%get3A_299, %get3A_300] {strides = array<i32>} : memref<320x64xf32, #tpu.memory_space<vmem>>, vector<1x16xf32>,
        %get3A_302 = vector.shape_cast %get3A_301 : vector<1x16xf32> to vector<16xf32>
        %add3A_303 = arith.addf %add3A_275, %get3A_302 : vector<16xf32>
        %add3A_304 = arith.constant 2 : i32
        %add3A_305 = arith.addi %mul3A_226, %add3A_304 : i32
        %get3A_306 = arith.index_cast %add3A_305 : i32 to index
        %get3A_307 = arith.constant 32 : index
        %get3A_308 = tpu.vector_load %arg11[%get3A_306, %get3A_307] {strides = array<i32>} : memref<320x64xf32, #tpu.memory_space<vmem>>, vector<1x16xf32>,
        %get3A_309 = vector.shape_cast %get3A_308 : vector<1x16xf32> to vector<16xf32>
        %add3A_310 = arith.addf %add3A_282, %get3A_309 : vector<16xf32>
        %add3A_311 = arith.constant 2 : i32
        %add3A_312 = arith.addi %mul3A_226, %add3A_311 : i32
        %get3A_313 = arith.index_cast %add3A_312 : i32 to index
        %get3A_314 = arith.constant 48 : index
        %get3A_315 = tpu.vector_load %arg11[%get3A_313, %get3A_314] {strides = array<i32>} : memref<320x64xf32, #tpu.memory_space<vmem>>, vector<1x16xf32>,
        %get3A_316 = vector.shape_cast %get3A_315 : vector<1x16xf32> to vector<16xf32>
        %add3A_317 = arith.addf %add3A_289, %get3A_316 : vector<16xf32>
        %add3A_318 = arith.constant 3 : i32
        %add3A_319 = arith.addi %mul3A_226, %add3A_318 : i32
        %get3A_320 = arith.index_cast %add3A_319 : i32 to index
        %get3A_321 = arith.constant 0 : index
        %get3A_322 = tpu.vector_load %arg11[%get3A_320, %get3A_321] {strides = array<i32>} : memref<320x64xf32, #tpu.memory_space<vmem>>, vector<1x16xf32>,
        %get3A_323 = vector.shape_cast %get3A_322 : vector<1x16xf32> to vector<16xf32>
        %add3A_324 = arith.addf %add3A_296, %get3A_323 : vector<16xf32>
        %add3A_325 = arith.constant 3 : i32
        %add3A_326 = arith.addi %mul3A_226, %add3A_325 : i32
        %get3A_327 = arith.index_cast %add3A_326 : i32 to index
        %get3A_328 = arith.constant 16 : index
        %get3A_329 = tpu.vector_load %arg11[%get3A_327, %get3A_328] {strides = array<i32>} : memref<320x64xf32, #tpu.memory_space<vmem>>, vector<1x16xf32>,
        %get3A_330 = vector.shape_cast %get3A_329 : vector<1x16xf32> to vector<16xf32>
        %add3A_331 = arith.addf %add3A_303, %get3A_330 : vector<16xf32>
        %add3A_332 = arith.constant 3 : i32
        %add3A_333 = arith.addi %mul3A_226, %add3A_332 : i32
        %get3A_334 = arith.index_cast %add3A_333 : i32 to index
        %get3A_335 = arith.constant 32 : index
        %get3A_336 = tpu.vector_load %arg11[%get3A_334, %get3A_335] {strides = array<i32>} : memref<320x64xf32, #tpu.memory_space<vmem>>, vector<1x16xf32>,
        %get3A_337 = vector.shape_cast %get3A_336 : vector<1x16xf32> to vector<16xf32>
        %add3A_338 = arith.addf %add3A_310, %get3A_337 : vector<16xf32>
        %add3A_339 = arith.constant 3 : i32
        %add3A_340 = arith.addi %mul3A_226, %add3A_339 : i32
        %get3A_341 = arith.index_cast %add3A_340 : i32 to index
        %get3A_342 = arith.constant 48 : index
        %get3A_343 = tpu.vector_load %arg11[%get3A_341, %get3A_342] {strides = array<i32>} : memref<320x64xf32, #tpu.memory_space<vmem>>, vector<1x16xf32>,
        %get3A_344 = vector.shape_cast %get3A_343 : vector<1x16xf32> to vector<16xf32>
        %add3A_345 = arith.addf %add3A_317, %get3A_344 : vector<16xf32>
        %add3A_346 = arith.constant 4 : i32
        %add3A_347 = arith.addi %mul3A_226, %add3A_346 : i32
        %get3A_348 = arith.index_cast %add3A_347 : i32 to index
        %get3A_349 = arith.constant 0 : index
        %get3A_350 = tpu.vector_load %arg11[%get3A_348, %get3A_349] {strides = array<i32>} : memref<320x64xf32, #tpu.memory_space<vmem>>, vector<1x16xf32>,
        %get3A_351 = vector.shape_cast %get3A_350 : vector<1x16xf32> to vector<16xf32>
        %add3A_352 = arith.addf %add3A_324, %get3A_351 : vector<16xf32>
        %add3A_353 = arith.constant 4 : i32
        %add3A_354 = arith.addi %mul3A_226, %add3A_353 : i32
        %get3A_355 = arith.index_cast %add3A_354 : i32 to index
        %get3A_356 = arith.constant 16 : index
        %get3A_357 = tpu.vector_load %arg11[%get3A_355, %get3A_356] {strides = array<i32>} : memref<320x64xf32, #tpu.memory_space<vmem>>, vector<1x16xf32>,
        %get3A_358 = vector.shape_cast %get3A_357 : vector<1x16xf32> to vector<16xf32>
        %add3A_359 = arith.addf %add3A_331, %get3A_358 : vector<16xf32>
        %add3A_360 = arith.constant 4 : i32
        %add3A_361 = arith.addi %mul3A_226, %add3A_360 : i32
        %get3A_362 = arith.index_cast %add3A_361 : i32 to index
        %get3A_363 = arith.constant 32 : index
        %get3A_364 = tpu.vector_load %arg11[%get3A_362, %get3A_363] {strides = array<i32>} : memref<320x64xf32, #tpu.memory_space<vmem>>, vector<1x16xf32>,
        %get3A_365 = vector.shape_cast %get3A_364 : vector<1x16xf32> to vector<16xf32>
        %add3A_366 = arith.addf %add3A_338, %get3A_365 : vector<16xf32>
        %add3A_367 = arith.constant 4 : i32
        %add3A_368 = arith.addi %mul3A_226, %add3A_367 : i32
        %get3A_369 = arith.index_cast %add3A_368 : i32 to index
        %get3A_370 = arith.constant 48 : index
        %get3A_371 = tpu.vector_load %arg11[%get3A_369, %get3A_370] {strides = array<i32>} : memref<320x64xf32, #tpu.memory_space<vmem>>, vector<1x16xf32>,
        %get3A_372 = vector.shape_cast %get3A_371 : vector<1x16xf32> to vector<16xf32>
        %add3A_373 = arith.addf %add3A_345, %get3A_372 : vector<16xf32>
        %add3A_374 = arith.constant 5 : i32
        %add3A_375 = arith.addi %mul3A_226, %add3A_374 : i32
        %get3A_376 = arith.index_cast %add3A_375 : i32 to index
        %get3A_377 = arith.constant 0 : index
        %get3A_378 = tpu.vector_load %arg11[%get3A_376, %get3A_377] {strides = array<i32>} : memref<320x64xf32, #tpu.memory_space<vmem>>, vector<1x16xf32>,
        %get3A_379 = vector.shape_cast %get3A_378 : vector<1x16xf32> to vector<16xf32>
        %add3A_380 = arith.addf %add3A_352, %get3A_379 : vector<16xf32>
        %add3A_381 = arith.constant 5 : i32
        %add3A_382 = arith.addi %mul3A_226, %add3A_381 : i32
        %get3A_383 = arith.index_cast %add3A_382 : i32 to index
        %get3A_384 = arith.constant 16 : index
        %get3A_385 = tpu.vector_load %arg11[%get3A_383, %get3A_384] {strides = array<i32>} : memref<320x64xf32, #tpu.memory_space<vmem>>, vector<1x16xf32>,
        %get3A_386 = vector.shape_cast %get3A_385 : vector<1x16xf32> to vector<16xf32>
        %add3A_387 = arith.addf %add3A_359, %get3A_386 : vector<16xf32>
        %add3A_388 = arith.constant 5 : i32
        %add3A_389 = arith.addi %mul3A_226, %add3A_388 : i32
        %get3A_390 = arith.index_cast %add3A_389 : i32 to index
        %get3A_391 = arith.constant 32 : index
        %get3A_392 = tpu.vector_load %arg11[%get3A_390, %get3A_391] {strides = array<i32>} : memref<320x64xf32, #tpu.memory_space<vmem>>, vector<1x16xf32>,
        %get3A_393 = vector.shape_cast %get3A_392 : vector<1x16xf32> to vector<16xf32>
        %add3A_394 = arith.addf %add3A_366, %get3A_393 : vector<16xf32>
        %add3A_395 = arith.constant 5 : i32
        %add3A_396 = arith.addi %mul3A_226, %add3A_395 : i32
        %get3A_397 = arith.index_cast %add3A_396 : i32 to index
        %get3A_398 = arith.constant 48 : index
        %get3A_399 = tpu.vector_load %arg11[%get3A_397, %get3A_398] {strides = array<i32>} : memref<320x64xf32, #tpu.memory_space<vmem>>, vector<1x16xf32>,
        %get3A_400 = vector.shape_cast %get3A_399 : vector<1x16xf32> to vector<16xf32>
        %add3A_401 = arith.addf %add3A_373, %get3A_400 : vector<16xf32>
        %add3A_402 = arith.constant 6 : i32
        %add3A_403 = arith.addi %mul3A_226, %add3A_402 : i32
        %get3A_404 = arith.index_cast %add3A_403 : i32 to index
        %get3A_405 = arith.constant 0 : index
        %get3A_406 = tpu.vector_load %arg11[%get3A_404, %get3A_405] {strides = array<i32>} : memref<320x64xf32, #tpu.memory_space<vmem>>, vector<1x16xf32>,
        %get3A_407 = vector.shape_cast %get3A_406 : vector<1x16xf32> to vector<16xf32>
        %add3A_408 = arith.addf %add3A_380, %get3A_407 : vector<16xf32>
        %add3A_409 = arith.constant 6 : i32
        %add3A_410 = arith.addi %mul3A_226, %add3A_409 : i32
        %get3A_411 = arith.index_cast %add3A_410 : i32 to index
        %get3A_412 = arith.constant 16 : index
        %get3A_413 = tpu.vector_load %arg11[%get3A_411, %get3A_412] {strides = array<i32>} : memref<320x64xf32, #tpu.memory_space<vmem>>, vector<1x16xf32>,
        %get3A_414 = vector.shape_cast %get3A_413 : vector<1x16xf32> to vector<16xf32>
        %add3A_415 = arith.addf %add3A_387, %get3A_414 : vector<16xf32>
        %add3A_416 = arith.constant 6 : i32
        %add3A_417 = arith.addi %mul3A_226, %add3A_416 : i32
        %get3A_418 = arith.index_cast %add3A_417 : i32 to index
        %get3A_419 = arith.constant 32 : index
        %get3A_420 = tpu.vector_load %arg11[%get3A_418, %get3A_419] {strides = array<i32>} : memref<320x64xf32, #tpu.memory_space<vmem>>, vector<1x16xf32>,
        %get3A_421 = vector.shape_cast %get3A_420 : vector<1x16xf32> to vector<16xf32>
        %add3A_422 = arith.addf %add3A_394, %get3A_421 : vector<16xf32>
        %add3A_423 = arith.constant 6 : i32
        %add3A_424 = arith.addi %mul3A_226, %add3A_423 : i32
        %get3A_425 = arith.index_cast %add3A_424 : i32 to index
        %get3A_426 = arith.constant 48 : index
        %get3A_427 = tpu.vector_load %arg11[%get3A_425, %get3A_426] {strides = array<i32>} : memref<320x64xf32, #tpu.memory_space<vmem>>, vector<1x16xf32>,
        %get3A_428 = vector.shape_cast %get3A_427 : vector<1x16xf32> to vector<16xf32>
        %add3A_429 = arith.addf %add3A_401, %get3A_428 : vector<16xf32>
        %add3A_430 = arith.constant 7 : i32
        %add3A_431 = arith.addi %mul3A_226, %add3A_430 : i32
        %get3A_432 = arith.index_cast %add3A_431 : i32 to index
        %get3A_433 = arith.constant 0 : index
        %get3A_434 = tpu.vector_load %arg11[%get3A_432, %get3A_433] {strides = array<i32>} : memref<320x64xf32, #tpu.memory_space<vmem>>, vector<1x16xf32>,
        %get3A_435 = vector.shape_cast %get3A_434 : vector<1x16xf32> to vector<16xf32>
        %add3A_436 = arith.addf %add3A_408, %get3A_435 : vector<16xf32>
        %add3A_437 = arith.constant 7 : i32
        %add3A_438 = arith.addi %mul3A_226, %add3A_437 : i32
        %get3A_439 = arith.index_cast %add3A_438 : i32 to index
        %get3A_440 = arith.constant 16 : index
        %get3A_441 = tpu.vector_load %arg11[%get3A_439, %get3A_440] {strides = array<i32>} : memref<320x64xf32, #tpu.memory_space<vmem>>, vector<1x16xf32>,
        %get3A_442 = vector.shape_cast %get3A_441 : vector<1x16xf32> to vector<16xf32>
        %add3A_443 = arith.addf %add3A_415, %get3A_442 : vector<16xf32>
        %add3A_444 = arith.constant 7 : i32
        %add3A_445 = arith.addi %mul3A_226, %add3A_444 : i32
        %get3A_446 = arith.index_cast %add3A_445 : i32 to index
        %get3A_447 = arith.constant 32 : index
        %get3A_448 = tpu.vector_load %arg11[%get3A_446, %get3A_447] {strides = array<i32>} : memref<320x64xf32, #tpu.memory_space<vmem>>, vector<1x16xf32>,
        %get3A_449 = vector.shape_cast %get3A_448 : vector<1x16xf32> to vector<16xf32>
        %add3A_450 = arith.addf %add3A_422, %get3A_449 : vector<16xf32>
        %add3A_451 = arith.constant 7 : i32
        %add3A_452 = arith.addi %mul3A_226, %add3A_451 : i32
        %get3A_453 = arith.index_cast %add3A_452 : i32 to index
        %get3A_454 = arith.constant 48 : index
        %get3A_455 = tpu.vector_load %arg11[%get3A_453, %get3A_454] {strides = array<i32>} : memref<320x64xf32, #tpu.memory_space<vmem>>, vector<1x16xf32>,
        %get3A_456 = vector.shape_cast %get3A_455 : vector<1x16xf32> to vector<16xf32>
        %add3A_457 = arith.addf %add3A_429, %get3A_456 : vector<16xf32>
        %add3A_458 = arith.constant 8 : i32
        %add3A_459 = arith.addi %mul3A_226, %add3A_458 : i32
        %get3A_460 = arith.index_cast %add3A_459 : i32 to index
        %get3A_461 = arith.constant 0 : index
        %get3A_462 = tpu.vector_load %arg11[%get3A_460, %get3A_461] {strides = array<i32>} : memref<320x64xf32, #tpu.memory_space<vmem>>, vector<1x16xf32>,
        %get3A_463 = vector.shape_cast %get3A_462 : vector<1x16xf32> to vector<16xf32>
        %add3A_464 = arith.addf %add3A_436, %get3A_463 : vector<16xf32>
        %add3A_465 = arith.constant 8 : i32
        %add3A_466 = arith.addi %mul3A_226, %add3A_465 : i32
        %get3A_467 = arith.index_cast %add3A_466 : i32 to index
        %get3A_468 = arith.constant 16 : index
        %get3A_469 = tpu.vector_load %arg11[%get3A_467, %get3A_468] {strides = array<i32>} : memref<320x64xf32, #tpu.memory_space<vmem>>, vector<1x16xf32>,
        %get3A_470 = vector.shape_cast %get3A_469 : vector<1x16xf32> to vector<16xf32>
        %add3A_471 = arith.addf %add3A_443, %get3A_470 : vector<16xf32>
        %add3A_472 = arith.constant 8 : i32
        %add3A_473 = arith.addi %mul3A_226, %add3A_472 : i32
        %get3A_474 = arith.index_cast %add3A_473 : i32 to index
        %get3A_475 = arith.constant 32 : index
        %get3A_476 = tpu.vector_load %arg11[%get3A_474, %get3A_475] {strides = array<i32>} : memref<320x64xf32, #tpu.memory_space<vmem>>, vector<1x16xf32>,
        %get3A_477 = vector.shape_cast %get3A_476 : vector<1x16xf32> to vector<16xf32>
        %add3A_478 = arith.addf %add3A_450, %get3A_477 : vector<16xf32>
        %add3A_479 = arith.constant 8 : i32
        %add3A_480 = arith.addi %mul3A_226, %add3A_479 : i32
        %get3A_481 = arith.index_cast %add3A_480 : i32 to index
        %get3A_482 = arith.constant 48 : index
        %get3A_483 = tpu.vector_load %arg11[%get3A_481, %get3A_482] {strides = array<i32>} : memref<320x64xf32, #tpu.memory_space<vmem>>, vector<1x16xf32>,
        %get3A_484 = vector.shape_cast %get3A_483 : vector<1x16xf32> to vector<16xf32>
        %add3A_485 = arith.addf %add3A_457, %get3A_484 : vector<16xf32>
        %add3A_486 = arith.constant 9 : i32
        %add3A_487 = arith.addi %mul3A_226, %add3A_486 : i32
        %get3A_488 = arith.index_cast %add3A_487 : i32 to index
        %get3A_489 = arith.constant 0 : index
        %get3A_490 = tpu.vector_load %arg11[%get3A_488, %get3A_489] {strides = array<i32>} : memref<320x64xf32, #tpu.memory_space<vmem>>, vector<1x16xf32>,
        %get3A_491 = vector.shape_cast %get3A_490 : vector<1x16xf32> to vector<16xf32>
        %add3A_492 = arith.addf %add3A_464, %get3A_491 : vector<16xf32>
        %add3A_493 = arith.constant 9 : i32
        %add3A_494 = arith.addi %mul3A_226, %add3A_493 : i32
        %get3A_495 = arith.index_cast %add3A_494 : i32 to index
        %get3A_496 = arith.constant 16 : index
        %get3A_497 = tpu.vector_load %arg11[%get3A_495, %get3A_496] {strides = array<i32>} : memref<320x64xf32, #tpu.memory_space<vmem>>, vector<1x16xf32>,
        %get3A_498 = vector.shape_cast %get3A_497 : vector<1x16xf32> to vector<16xf32>
        %add3A_499 = arith.addf %add3A_471, %get3A_498 : vector<16xf32>
        %add3A_500 = arith.constant 9 : i32
        %add3A_501 = arith.addi %mul3A_226, %add3A_500 : i32
        %get3A_502 = arith.index_cast %add3A_501 : i32 to index
        %get3A_503 = arith.constant 32 : index
        %get3A_504 = tpu.vector_load %arg11[%get3A_502, %get3A_503] {strides = array<i32>} : memref<320x64xf32, #tpu.memory_space<vmem>>, vector<1x16xf32>,
        %get3A_505 = vector.shape_cast %get3A_504 : vector<1x16xf32> to vector<16xf32>
        %add3A_506 = arith.addf %add3A_478, %get3A_505 : vector<16xf32>
        %add3A_507 = arith.constant 9 : i32
        %add3A_508 = arith.addi %mul3A_226, %add3A_507 : i32
        %get3A_509 = arith.index_cast %add3A_508 : i32 to index
        %get3A_510 = arith.constant 48 : index
        %get3A_511 = tpu.vector_load %arg11[%get3A_509, %get3A_510] {strides = array<i32>} : memref<320x64xf32, #tpu.memory_space<vmem>>, vector<1x16xf32>,
        %get3A_512 = vector.shape_cast %get3A_511 : vector<1x16xf32> to vector<16xf32>
        %add3A_513 = arith.addf %add3A_485, %get3A_512 : vector<16xf32>
        %add3A_514 = arith.constant 10 : i32
        %add3A_515 = arith.addi %mul3A_226, %add3A_514 : i32
        %get3A_516 = arith.index_cast %add3A_515 : i32 to index
        %get3A_517 = arith.constant 0 : index
        %get3A_518 = tpu.vector_load %arg11[%get3A_516, %get3A_517] {strides = array<i32>} : memref<320x64xf32, #tpu.memory_space<vmem>>, vector<1x16xf32>,
        %get3A_519 = vector.shape_cast %get3A_518 : vector<1x16xf32> to vector<16xf32>
        %add3A_520 = arith.addf %add3A_492, %get3A_519 : vector<16xf32>
        %add3A_521 = arith.constant 10 : i32
        %add3A_522 = arith.addi %mul3A_226, %add3A_521 : i32
        %get3A_523 = arith.index_cast %add3A_522 : i32 to index
        %get3A_524 = arith.constant 16 : index
        %get3A_525 = tpu.vector_load %arg11[%get3A_523, %get3A_524] {strides = array<i32>} : memref<320x64xf32, #tpu.memory_space<vmem>>, vector<1x16xf32>,
        %get3A_526 = vector.shape_cast %get3A_525 : vector<1x16xf32> to vector<16xf32>
        %add3A_527 = arith.addf %add3A_499, %get3A_526 : vector<16xf32>
        %add3A_528 = arith.constant 10 : i32
        %add3A_529 = arith.addi %mul3A_226, %add3A_528 : i32
        %get3A_530 = arith.index_cast %add3A_529 : i32 to index
        %get3A_531 = arith.constant 32 : index
        %get3A_532 = tpu.vector_load %arg11[%get3A_530, %get3A_531] {strides = array<i32>} : memref<320x64xf32, #tpu.memory_space<vmem>>, vector<1x16xf32>,
        %get3A_533 = vector.shape_cast %get3A_532 : vector<1x16xf32> to vector<16xf32>
        %add3A_534 = arith.addf %add3A_506, %get3A_533 : vector<16xf32>
        %add3A_535 = arith.constant 10 : i32
        %add3A_536 = arith.addi %mul3A_226, %add3A_535 : i32
        %get3A_537 = arith.index_cast %add3A_536 : i32 to index
        %get3A_538 = arith.constant 48 : index
        %get3A_539 = tpu.vector_load %arg11[%get3A_537, %get3A_538] {strides = array<i32>} : memref<320x64xf32, #tpu.memory_space<vmem>>, vector<1x16xf32>,
        %get3A_540 = vector.shape_cast %get3A_539 : vector<1x16xf32> to vector<16xf32>
        %add3A_541 = arith.addf %add3A_513, %get3A_540 : vector<16xf32>
        %add3A_542 = arith.constant 11 : i32
        %add3A_543 = arith.addi %mul3A_226, %add3A_542 : i32
        %get3A_544 = arith.index_cast %add3A_543 : i32 to index
        %get3A_545 = arith.constant 0 : index
        %get3A_546 = tpu.vector_load %arg11[%get3A_544, %get3A_545] {strides = array<i32>} : memref<320x64xf32, #tpu.memory_space<vmem>>, vector<1x16xf32>,
        %get3A_547 = vector.shape_cast %get3A_546 : vector<1x16xf32> to vector<16xf32>
        %add3A_548 = arith.addf %add3A_520, %get3A_547 : vector<16xf32>
        %add3A_549 = arith.constant 11 : i32
        %add3A_550 = arith.addi %mul3A_226, %add3A_549 : i32
        %get3A_551 = arith.index_cast %add3A_550 : i32 to index
        %get3A_552 = arith.constant 16 : index
        %get3A_553 = tpu.vector_load %arg11[%get3A_551, %get3A_552] {strides = array<i32>} : memref<320x64xf32, #tpu.memory_space<vmem>>, vector<1x16xf32>,
        %get3A_554 = vector.shape_cast %get3A_553 : vector<1x16xf32> to vector<16xf32>
        %add3A_555 = arith.addf %add3A_527, %get3A_554 : vector<16xf32>
        %add3A_556 = arith.constant 11 : i32
        %add3A_557 = arith.addi %mul3A_226, %add3A_556 : i32
        %get3A_558 = arith.index_cast %add3A_557 : i32 to index
        %get3A_559 = arith.constant 32 : index
        %get3A_560 = tpu.vector_load %arg11[%get3A_558, %get3A_559] {strides = array<i32>} : memref<320x64xf32, #tpu.memory_space<vmem>>, vector<1x16xf32>,
        %get3A_561 = vector.shape_cast %get3A_560 : vector<1x16xf32> to vector<16xf32>
        %add3A_562 = arith.addf %add3A_534, %get3A_561 : vector<16xf32>
        %add3A_563 = arith.constant 11 : i32
        %add3A_564 = arith.addi %mul3A_226, %add3A_563 : i32
        %get3A_565 = arith.index_cast %add3A_564 : i32 to index
        %get3A_566 = arith.constant 48 : index
        %get3A_567 = tpu.vector_load %arg11[%get3A_565, %get3A_566] {strides = array<i32>} : memref<320x64xf32, #tpu.memory_space<vmem>>, vector<1x16xf32>,
        %get3A_568 = vector.shape_cast %get3A_567 : vector<1x16xf32> to vector<16xf32>
        %add3A_569 = arith.addf %add3A_541, %get3A_568 : vector<16xf32>
        %add3A_570 = arith.constant 12 : i32
        %add3A_571 = arith.addi %mul3A_226, %add3A_570 : i32
        %get3A_572 = arith.index_cast %add3A_571 : i32 to index
        %get3A_573 = arith.constant 0 : index
        %get3A_574 = tpu.vector_load %arg11[%get3A_572, %get3A_573] {strides = array<i32>} : memref<320x64xf32, #tpu.memory_space<vmem>>, vector<1x16xf32>,
        %get3A_575 = vector.shape_cast %get3A_574 : vector<1x16xf32> to vector<16xf32>
        %add3A_576 = arith.addf %add3A_548, %get3A_575 : vector<16xf32>
        %add3A_577 = arith.constant 12 : i32
        %add3A_578 = arith.addi %mul3A_226, %add3A_577 : i32
        %get3A_579 = arith.index_cast %add3A_578 : i32 to index
        %get3A_580 = arith.constant 16 : index
        %get3A_581 = tpu.vector_load %arg11[%get3A_579, %get3A_580] {strides = array<i32>} : memref<320x64xf32, #tpu.memory_space<vmem>>, vector<1x16xf32>,
        %get3A_582 = vector.shape_cast %get3A_581 : vector<1x16xf32> to vector<16xf32>
        %add3A_583 = arith.addf %add3A_555, %get3A_582 : vector<16xf32>
        %add3A_584 = arith.constant 12 : i32
        %add3A_585 = arith.addi %mul3A_226, %add3A_584 : i32
        %get3A_586 = arith.index_cast %add3A_585 : i32 to index
        %get3A_587 = arith.constant 32 : index
        %get3A_588 = tpu.vector_load %arg11[%get3A_586, %get3A_587] {strides = array<i32>} : memref<320x64xf32, #tpu.memory_space<vmem>>, vector<1x16xf32>,
        %get3A_589 = vector.shape_cast %get3A_588 : vector<1x16xf32> to vector<16xf32>
        %add3A_590 = arith.addf %add3A_562, %get3A_589 : vector<16xf32>
        %add3A_591 = arith.constant 12 : i32
        %add3A_592 = arith.addi %mul3A_226, %add3A_591 : i32
        %get3A_593 = arith.index_cast %add3A_592 : i32 to index
        %get3A_594 = arith.constant 48 : index
        %get3A_595 = tpu.vector_load %arg11[%get3A_593, %get3A_594] {strides = array<i32>} : memref<320x64xf32, #tpu.memory_space<vmem>>, vector<1x16xf32>,
        %get3A_596 = vector.shape_cast %get3A_595 : vector<1x16xf32> to vector<16xf32>
        %add3A_597 = arith.addf %add3A_569, %get3A_596 : vector<16xf32>
        %add3A_598 = arith.constant 13 : i32
        %add3A_599 = arith.addi %mul3A_226, %add3A_598 : i32
        %get3A_600 = arith.index_cast %add3A_599 : i32 to index
        %get3A_601 = arith.constant 0 : index
        %get3A_602 = tpu.vector_load %arg11[%get3A_600, %get3A_601] {strides = array<i32>} : memref<320x64xf32, #tpu.memory_space<vmem>>, vector<1x16xf32>,
        %get3A_603 = vector.shape_cast %get3A_602 : vector<1x16xf32> to vector<16xf32>
        %add3A_604 = arith.addf %add3A_576, %get3A_603 : vector<16xf32>
        %add3A_605 = arith.constant 13 : i32
        %add3A_606 = arith.addi %mul3A_226, %add3A_605 : i32
        %get3A_607 = arith.index_cast %add3A_606 : i32 to index
        %get3A_608 = arith.constant 16 : index
        %get3A_609 = tpu.vector_load %arg11[%get3A_607, %get3A_608] {strides = array<i32>} : memref<320x64xf32, #tpu.memory_space<vmem>>, vector<1x16xf32>,
        %get3A_610 = vector.shape_cast %get3A_609 : vector<1x16xf32> to vector<16xf32>
        %add3A_611 = arith.addf %add3A_583, %get3A_610 : vector<16xf32>
        %add3A_612 = arith.constant 13 : i32
        %add3A_613 = arith.addi %mul3A_226, %add3A_612 : i32
        %get3A_614 = arith.index_cast %add3A_613 : i32 to index
        %get3A_615 = arith.constant 32 : index
        %get3A_616 = tpu.vector_load %arg11[%get3A_614, %get3A_615] {strides = array<i32>} : memref<320x64xf32, #tpu.memory_space<vmem>>, vector<1x16xf32>,
        %get3A_617 = vector.shape_cast %get3A_616 : vector<1x16xf32> to vector<16xf32>
        %add3A_618 = arith.addf %add3A_590, %get3A_617 : vector<16xf32>
        %add3A_619 = arith.constant 13 : i32
        %add3A_620 = arith.addi %mul3A_226, %add3A_619 : i32
        %get3A_621 = arith.index_cast %add3A_620 : i32 to index
        %get3A_622 = arith.constant 48 : index
        %get3A_623 = tpu.vector_load %arg11[%get3A_621, %get3A_622] {strides = array<i32>} : memref<320x64xf32, #tpu.memory_space<vmem>>, vector<1x16xf32>,
        %get3A_624 = vector.shape_cast %get3A_623 : vector<1x16xf32> to vector<16xf32>
        %add3A_625 = arith.addf %add3A_597, %get3A_624 : vector<16xf32>
        %add3A_626 = arith.constant 14 : i32
        %add3A_627 = arith.addi %mul3A_226, %add3A_626 : i32
        %get3A_628 = arith.index_cast %add3A_627 : i32 to index
        %get3A_629 = arith.constant 0 : index
        %get3A_630 = tpu.vector_load %arg11[%get3A_628, %get3A_629] {strides = array<i32>} : memref<320x64xf32, #tpu.memory_space<vmem>>, vector<1x16xf32>,
        %get3A_631 = vector.shape_cast %get3A_630 : vector<1x16xf32> to vector<16xf32>
        %add3A_632 = arith.addf %add3A_604, %get3A_631 : vector<16xf32>
        %add3A_633 = arith.constant 14 : i32
        %add3A_634 = arith.addi %mul3A_226, %add3A_633 : i32
        %get3A_635 = arith.index_cast %add3A_634 : i32 to index
        %get3A_636 = arith.constant 16 : index
        %get3A_637 = tpu.vector_load %arg11[%get3A_635, %get3A_636] {strides = array<i32>} : memref<320x64xf32, #tpu.memory_space<vmem>>, vector<1x16xf32>,
        %get3A_638 = vector.shape_cast %get3A_637 : vector<1x16xf32> to vector<16xf32>
        %add3A_639 = arith.addf %add3A_611, %get3A_638 : vector<16xf32>
        %add3A_640 = arith.constant 14 : i32
        %add3A_641 = arith.addi %mul3A_226, %add3A_640 : i32
        %get3A_642 = arith.index_cast %add3A_641 : i32 to index
        %get3A_643 = arith.constant 32 : index
        %get3A_644 = tpu.vector_load %arg11[%get3A_642, %get3A_643] {strides = array<i32>} : memref<320x64xf32, #tpu.memory_space<vmem>>, vector<1x16xf32>,
        %get3A_645 = vector.shape_cast %get3A_644 : vector<1x16xf32> to vector<16xf32>
        %add3A_646 = arith.addf %add3A_618, %get3A_645 : vector<16xf32>
        %add3A_647 = arith.constant 14 : i32
        %add3A_648 = arith.addi %mul3A_226, %add3A_647 : i32
        %get3A_649 = arith.index_cast %add3A_648 : i32 to index
        %get3A_650 = arith.constant 48 : index
        %get3A_651 = tpu.vector_load %arg11[%get3A_649, %get3A_650] {strides = array<i32>} : memref<320x64xf32, #tpu.memory_space<vmem>>, vector<1x16xf32>,
        %get3A_652 = vector.shape_cast %get3A_651 : vector<1x16xf32> to vector<16xf32>
        %add3A_653 = arith.addf %add3A_625, %get3A_652 : vector<16xf32>
        %add3A_654 = arith.constant 15 : i32
        %add3A_655 = arith.addi %mul3A_226, %add3A_654 : i32
        %get3A_656 = arith.index_cast %add3A_655 : i32 to index
        %get3A_657 = arith.constant 0 : index
        %get3A_658 = tpu.vector_load %arg11[%get3A_656, %get3A_657] {strides = array<i32>} : memref<320x64xf32, #tpu.memory_space<vmem>>, vector<1x16xf32>,
        %get3A_659 = vector.shape_cast %get3A_658 : vector<1x16xf32> to vector<16xf32>
        %add3A_660 = arith.addf %add3A_632, %get3A_659 : vector<16xf32>
        %add3A_661 = arith.constant 15 : i32
        %add3A_662 = arith.addi %mul3A_226, %add3A_661 : i32
        %get3A_663 = arith.index_cast %add3A_662 : i32 to index
        %get3A_664 = arith.constant 16 : index
        %get3A_665 = tpu.vector_load %arg11[%get3A_663, %get3A_664] {strides = array<i32>} : memref<320x64xf32, #tpu.memory_space<vmem>>, vector<1x16xf32>,
        %get3A_666 = vector.shape_cast %get3A_665 : vector<1x16xf32> to vector<16xf32>
        %add3A_667 = arith.addf %add3A_639, %get3A_666 : vector<16xf32>
        %add3A_668 = arith.constant 15 : i32
        %add3A_669 = arith.addi %mul3A_226, %add3A_668 : i32
        %get3A_670 = arith.index_cast %add3A_669 : i32 to index
        %get3A_671 = arith.constant 32 : index
        %get3A_672 = tpu.vector_load %arg11[%get3A_670, %get3A_671] {strides = array<i32>} : memref<320x64xf32, #tpu.memory_space<vmem>>, vector<1x16xf32>,
        %get3A_673 = vector.shape_cast %get3A_672 : vector<1x16xf32> to vector<16xf32>
        %add3A_674 = arith.addf %add3A_646, %get3A_673 : vector<16xf32>
        %add3A_675 = arith.constant 15 : i32
        %add3A_676 = arith.addi %mul3A_226, %add3A_675 : i32
        %get3A_677 = arith.index_cast %add3A_676 : i32 to index
        %get3A_678 = arith.constant 48 : index
        %get3A_679 = tpu.vector_load %arg11[%get3A_677, %get3A_678] {strides = array<i32>} : memref<320x64xf32, #tpu.memory_space<vmem>>, vector<1x16xf32>,
        %get3A_680 = vector.shape_cast %get3A_679 : vector<1x16xf32> to vector<16xf32>
        %add3A_681 = arith.addf %add3A_653, %get3A_680 : vector<16xf32>
        %add3A_682 = arith.constant 16 : i32
        %add3A_683 = arith.addi %mul3A_226, %add3A_682 : i32
        %get3A_684 = arith.index_cast %add3A_683 : i32 to index
        %get3A_685 = arith.constant 0 : index
        %get3A_686 = tpu.vector_load %arg11[%get3A_684, %get3A_685] {strides = array<i32>} : memref<320x64xf32, #tpu.memory_space<vmem>>, vector<1x16xf32>,
        %get3A_687 = vector.shape_cast %get3A_686 : vector<1x16xf32> to vector<16xf32>
        %add3A_688 = arith.addf %add3A_660, %get3A_687 : vector<16xf32>
        %add3A_689 = arith.constant 16 : i32
        %add3A_690 = arith.addi %mul3A_226, %add3A_689 : i32
        %get3A_691 = arith.index_cast %add3A_690 : i32 to index
        %get3A_692 = arith.constant 16 : index
        %get3A_693 = tpu.vector_load %arg11[%get3A_691, %get3A_692] {strides = array<i32>} : memref<320x64xf32, #tpu.memory_space<vmem>>, vector<1x16xf32>,
        %get3A_694 = vector.shape_cast %get3A_693 : vector<1x16xf32> to vector<16xf32>
        %add3A_695 = arith.addf %add3A_667, %get3A_694 : vector<16xf32>
        %add3A_696 = arith.constant 16 : i32
        %add3A_697 = arith.addi %mul3A_226, %add3A_696 : i32
        %get3A_698 = arith.index_cast %add3A_697 : i32 to index
        %get3A_699 = arith.constant 32 : index
        %get3A_700 = tpu.vector_load %arg11[%get3A_698, %get3A_699] {strides = array<i32>} : memref<320x64xf32, #tpu.memory_space<vmem>>, vector<1x16xf32>,
        %get3A_701 = vector.shape_cast %get3A_700 : vector<1x16xf32> to vector<16xf32>
        %add3A_702 = arith.addf %add3A_674, %get3A_701 : vector<16xf32>
        %add3A_703 = arith.constant 16 : i32
        %add3A_704 = arith.addi %mul3A_226, %add3A_703 : i32
        %get3A_705 = arith.index_cast %add3A_704 : i32 to index
        %get3A_706 = arith.constant 48 : index
        %get3A_707 = tpu.vector_load %arg11[%get3A_705, %get3A_706] {strides = array<i32>} : memref<320x64xf32, #tpu.memory_space<vmem>>, vector<1x16xf32>,
        %get3A_708 = vector.shape_cast %get3A_707 : vector<1x16xf32> to vector<16xf32>
        %add3A_709 = arith.addf %add3A_681, %get3A_708 : vector<16xf32>
        %add3A_710 = arith.constant 17 : i32
        %add3A_711 = arith.addi %mul3A_226, %add3A_710 : i32
        %get3A_712 = arith.index_cast %add3A_711 : i32 to index
        %get3A_713 = arith.constant 0 : index
        %get3A_714 = tpu.vector_load %arg11[%get3A_712, %get3A_713] {strides = array<i32>} : memref<320x64xf32, #tpu.memory_space<vmem>>, vector<1x16xf32>,
        %get3A_715 = vector.shape_cast %get3A_714 : vector<1x16xf32> to vector<16xf32>
        %add3A_716 = arith.addf %add3A_688, %get3A_715 : vector<16xf32>
        %add3A_717 = arith.constant 17 : i32
        %add3A_718 = arith.addi %mul3A_226, %add3A_717 : i32
        %get3A_719 = arith.index_cast %add3A_718 : i32 to index
        %get3A_720 = arith.constant 16 : index
        %get3A_721 = tpu.vector_load %arg11[%get3A_719, %get3A_720] {strides = array<i32>} : memref<320x64xf32, #tpu.memory_space<vmem>>, vector<1x16xf32>,
        %get3A_722 = vector.shape_cast %get3A_721 : vector<1x16xf32> to vector<16xf32>
        %add3A_723 = arith.addf %add3A_695, %get3A_722 : vector<16xf32>
        %add3A_724 = arith.constant 17 : i32
        %add3A_725 = arith.addi %mul3A_226, %add3A_724 : i32
        %get3A_726 = arith.index_cast %add3A_725 : i32 to index
        %get3A_727 = arith.constant 32 : index
        %get3A_728 = tpu.vector_load %arg11[%get3A_726, %get3A_727] {strides = array<i32>} : memref<320x64xf32, #tpu.memory_space<vmem>>, vector<1x16xf32>,
        %get3A_729 = vector.shape_cast %get3A_728 : vector<1x16xf32> to vector<16xf32>
        %add3A_730 = arith.addf %add3A_702, %get3A_729 : vector<16xf32>
        %add3A_731 = arith.constant 17 : i32
        %add3A_732 = arith.addi %mul3A_226, %add3A_731 : i32
        %get3A_733 = arith.index_cast %add3A_732 : i32 to index
        %get3A_734 = arith.constant 48 : index
        %get3A_735 = tpu.vector_load %arg11[%get3A_733, %get3A_734] {strides = array<i32>} : memref<320x64xf32, #tpu.memory_space<vmem>>, vector<1x16xf32>,
        %get3A_736 = vector.shape_cast %get3A_735 : vector<1x16xf32> to vector<16xf32>
        %add3A_737 = arith.addf %add3A_709, %get3A_736 : vector<16xf32>
        %add3A_738 = arith.constant 18 : i32
        %add3A_739 = arith.addi %mul3A_226, %add3A_738 : i32
        %get3A_740 = arith.index_cast %add3A_739 : i32 to index
        %get3A_741 = arith.constant 0 : index
        %get3A_742 = tpu.vector_load %arg11[%get3A_740, %get3A_741] {strides = array<i32>} : memref<320x64xf32, #tpu.memory_space<vmem>>, vector<1x16xf32>,
        %get3A_743 = vector.shape_cast %get3A_742 : vector<1x16xf32> to vector<16xf32>
        %add3A_744 = arith.addf %add3A_716, %get3A_743 : vector<16xf32>
        %add3A_745 = arith.constant 18 : i32
        %add3A_746 = arith.addi %mul3A_226, %add3A_745 : i32
        %get3A_747 = arith.index_cast %add3A_746 : i32 to index
        %get3A_748 = arith.constant 16 : index
        %get3A_749 = tpu.vector_load %arg11[%get3A_747, %get3A_748] {strides = array<i32>} : memref<320x64xf32, #tpu.memory_space<vmem>>, vector<1x16xf32>,
        %get3A_750 = vector.shape_cast %get3A_749 : vector<1x16xf32> to vector<16xf32>
        %add3A_751 = arith.addf %add3A_723, %get3A_750 : vector<16xf32>
        %add3A_752 = arith.constant 18 : i32
        %add3A_753 = arith.addi %mul3A_226, %add3A_752 : i32
        %get3A_754 = arith.index_cast %add3A_753 : i32 to index
        %get3A_755 = arith.constant 32 : index
        %get3A_756 = tpu.vector_load %arg11[%get3A_754, %get3A_755] {strides = array<i32>} : memref<320x64xf32, #tpu.memory_space<vmem>>, vector<1x16xf32>,
        %get3A_757 = vector.shape_cast %get3A_756 : vector<1x16xf32> to vector<16xf32>
        %add3A_758 = arith.addf %add3A_730, %get3A_757 : vector<16xf32>
        %add3A_759 = arith.constant 18 : i32
        %add3A_760 = arith.addi %mul3A_226, %add3A_759 : i32
        %get3A_761 = arith.index_cast %add3A_760 : i32 to index
        %get3A_762 = arith.constant 48 : index
        %get3A_763 = tpu.vector_load %arg11[%get3A_761, %get3A_762] {strides = array<i32>} : memref<320x64xf32, #tpu.memory_space<vmem>>, vector<1x16xf32>,
        %get3A_764 = vector.shape_cast %get3A_763 : vector<1x16xf32> to vector<16xf32>
        %add3A_765 = arith.addf %add3A_737, %get3A_764 : vector<16xf32>
        %add3A_766 = arith.constant 19 : i32
        %add3A_767 = arith.addi %mul3A_226, %add3A_766 : i32
        %get3A_768 = arith.index_cast %add3A_767 : i32 to index
        %get3A_769 = arith.constant 0 : index
        %get3A_770 = tpu.vector_load %arg11[%get3A_768, %get3A_769] {strides = array<i32>} : memref<320x64xf32, #tpu.memory_space<vmem>>, vector<1x16xf32>,
        %get3A_771 = vector.shape_cast %get3A_770 : vector<1x16xf32> to vector<16xf32>
        %add3A_772 = arith.addf %add3A_744, %get3A_771 : vector<16xf32>
        %add3A_773 = arith.constant 19 : i32
        %add3A_774 = arith.addi %mul3A_226, %add3A_773 : i32
        %get3A_775 = arith.index_cast %add3A_774 : i32 to index
        %get3A_776 = arith.constant 16 : index
        %get3A_777 = tpu.vector_load %arg11[%get3A_775, %get3A_776] {strides = array<i32>} : memref<320x64xf32, #tpu.memory_space<vmem>>, vector<1x16xf32>,
        %get3A_778 = vector.shape_cast %get3A_777 : vector<1x16xf32> to vector<16xf32>
        %add3A_779 = arith.addf %add3A_751, %get3A_778 : vector<16xf32>
        %add3A_780 = arith.constant 19 : i32
        %add3A_781 = arith.addi %mul3A_226, %add3A_780 : i32
        %get3A_782 = arith.index_cast %add3A_781 : i32 to index
        %get3A_783 = arith.constant 32 : index
        %get3A_784 = tpu.vector_load %arg11[%get3A_782, %get3A_783] {strides = array<i32>} : memref<320x64xf32, #tpu.memory_space<vmem>>, vector<1x16xf32>,
        %get3A_785 = vector.shape_cast %get3A_784 : vector<1x16xf32> to vector<16xf32>
        %add3A_786 = arith.addf %add3A_758, %get3A_785 : vector<16xf32>
        %add3A_787 = arith.constant 19 : i32
        %add3A_788 = arith.addi %mul3A_226, %add3A_787 : i32
        %get3A_789 = arith.index_cast %add3A_788 : i32 to index
        %get3A_790 = arith.constant 48 : index
        %get3A_791 = tpu.vector_load %arg11[%get3A_789, %get3A_790] {strides = array<i32>} : memref<320x64xf32, #tpu.memory_space<vmem>>, vector<1x16xf32>,
        %get3A_792 = vector.shape_cast %get3A_791 : vector<1x16xf32> to vector<16xf32>
        %add3A_793 = arith.addf %add3A_765, %get3A_792 : vector<16xf32>
        %broadcast_in_dim3A_794 = arith.constant 0.000000e+00 : f32
        %broadcast_in_dim3A_795 = vector.broadcast %broadcast_in_dim3A_794 : f32 to vector<16xf32>
        %broadcast_in_dim3A_796 = arith.constant 0.000000e+00 : f32
        %broadcast_in_dim3A_797 = vector.broadcast %broadcast_in_dim3A_796 : f32 to vector<16xf32>
        %mul3A_798 = arith.constant 16 : i32
        %mul3A_799 = arith.muli %add3A_166, %mul3A_798 : i32
        %add3A_800 = arith.addi %mul3A_799, %scan3A_222 : i32
        %get3A_801 = arith.index_cast %add3A_800 : i32 to index
        %get3A_802 = arith.constant 0 : index
        %get3A_803 = tpu.vector_load %arg14[%get3A_801, %get3A_802] {strides = array<i32>} : memref<512x64xf32, #tpu.memory_space<vmem>>, vector<1x16xf32>,
        %get3A_804 = vector.shape_cast %get3A_803 : vector<1x16xf32> to vector<16xf32>
        %get3A_805 = arith.index_cast %scan3A_222 : i32 to index
        %get3A_806 = arith.constant 0 : index
        %get3A_807 = tpu.vector_load %arg13[%get3A_805, %get3A_806] {strides = array<i32>} : memref<16x64xf32, #tpu.memory_space<vmem>>, vector<1x16xf32>,
        %get3A_808 = vector.shape_cast %get3A_807 : vector<1x16xf32> to vector<16xf32>
        %mul3A_809 = arith.mulf %get3A_808, %get3A_804 : vector<16xf32>
        %add3A_810 = arith.addf %broadcast_in_dim3A_795, %mul3A_809 : vector<16xf32>
        %mul3A_811 = arith.mulf %add3A_772, %get3A_804 : vector<16xf32>
        %add3A_812 = arith.addf %broadcast_in_dim3A_797, %mul3A_811 : vector<16xf32>
        %mul3A_813 = arith.constant 16 : i32
        %mul3A_814 = arith.muli %add3A_166, %mul3A_813 : i32
        %add3A_815 = arith.addi %mul3A_814, %scan3A_222 : i32
        %get3A_816 = arith.index_cast %add3A_815 : i32 to index
        %get3A_817 = arith.constant 16 : index
        %get3A_818 = tpu.vector_load %arg14[%get3A_816, %get3A_817] {strides = array<i32>} : memref<512x64xf32, #tpu.memory_space<vmem>>, vector<1x16xf32>,
        %get3A_819 = vector.shape_cast %get3A_818 : vector<1x16xf32> to vector<16xf32>
        %get3A_820 = arith.index_cast %scan3A_222 : i32 to index
        %get3A_821 = arith.constant 16 : index
        %get3A_822 = tpu.vector_load %arg13[%get3A_820, %get3A_821] {strides = array<i32>} : memref<16x64xf32, #tpu.memory_space<vmem>>, vector<1x16xf32>,
        %get3A_823 = vector.shape_cast %get3A_822 : vector<1x16xf32> to vector<16xf32>
        %mul3A_824 = arith.mulf %get3A_823, %get3A_819 : vector<16xf32>
        %add3A_825 = arith.addf %add3A_810, %mul3A_824 : vector<16xf32>
        %mul3A_826 = arith.mulf %add3A_779, %get3A_819 : vector<16xf32>
        %add3A_827 = arith.addf %add3A_812, %mul3A_826 : vector<16xf32>
        %mul3A_828 = arith.constant 16 : i32
        %mul3A_829 = arith.muli %add3A_166, %mul3A_828 : i32
        %add3A_830 = arith.addi %mul3A_829, %scan3A_222 : i32
        %get3A_831 = arith.index_cast %add3A_830 : i32 to index
        %get3A_832 = arith.constant 32 : index
        %get3A_833 = tpu.vector_load %arg14[%get3A_831, %get3A_832] {strides = array<i32>} : memref<512x64xf32, #tpu.memory_space<vmem>>, vector<1x16xf32>,
        %get3A_834 = vector.shape_cast %get3A_833 : vector<1x16xf32> to vector<16xf32>
        %get3A_835 = arith.index_cast %scan3A_222 : i32 to index
        %get3A_836 = arith.constant 32 : index
        %get3A_837 = tpu.vector_load %arg13[%get3A_835, %get3A_836] {strides = array<i32>} : memref<16x64xf32, #tpu.memory_space<vmem>>, vector<1x16xf32>,
        %get3A_838 = vector.shape_cast %get3A_837 : vector<1x16xf32> to vector<16xf32>
        %mul3A_839 = arith.mulf %get3A_838, %get3A_834 : vector<16xf32>
        %add3A_840 = arith.addf %add3A_825, %mul3A_839 : vector<16xf32>
        %mul3A_841 = arith.mulf %add3A_786, %get3A_834 : vector<16xf32>
        %add3A_842 = arith.addf %add3A_827, %mul3A_841 : vector<16xf32>
        %mul3A_843 = arith.constant 16 : i32
        %mul3A_844 = arith.muli %add3A_166, %mul3A_843 : i32
        %add3A_845 = arith.addi %mul3A_844, %scan3A_222 : i32
        %get3A_846 = arith.index_cast %add3A_845 : i32 to index
        %get3A_847 = arith.constant 48 : index
        %get3A_848 = tpu.vector_load %arg14[%get3A_846, %get3A_847] {strides = array<i32>} : memref<512x64xf32, #tpu.memory_space<vmem>>, vector<1x16xf32>,
        %get3A_849 = vector.shape_cast %get3A_848 : vector<1x16xf32> to vector<16xf32>
        %get3A_850 = arith.index_cast %scan3A_222 : i32 to index
        %get3A_851 = arith.constant 48 : index
        %get3A_852 = tpu.vector_load %arg13[%get3A_850, %get3A_851] {strides = array<i32>} : memref<16x64xf32, #tpu.memory_space<vmem>>, vector<1x16xf32>,
        %get3A_853 = vector.shape_cast %get3A_852 : vector<1x16xf32> to vector<16xf32>
        %mul3A_854 = arith.mulf %get3A_853, %get3A_849 : vector<16xf32>
        %add3A_855 = arith.addf %add3A_840, %mul3A_854 : vector<16xf32>
        %mul3A_856 = arith.mulf %add3A_793, %get3A_849 : vector<16xf32>
        %add3A_857 = arith.addf %add3A_842, %mul3A_856 : vector<16xf32>
        %eq3A = vector.broadcast %scan3A_222 : i32 to vector<16xi32>
        %eq3A_858 = arith.cmpi eq, %iota3A, %eq3A : vector<16xi32>
        %add3A_859 = arith.constant 8 : i32
        %add3A_860 = vector.broadcast %add3A_859 : i32 to vector<16xi32>
        %add3A_861 = arith.addi %iota3A, %add3A_860 : vector<16xi32>
        %jit3A = arith.constant 16 : i32
        %eq3A_862 = arith.constant 0 : i32
        %eq3A_863 = arith.cmpi eq, %jit3A, %eq3A_862 : i32
        %jit3A_864 = arith.constant 1 : i32
        %select_n3A = arith.select %eq3A_863, %jit3A_864, %jit3A : i32
        %rem3A = vector.broadcast %select_n3A : i32 to vector<16xi32>
        %rem3A_865 = arith.remsi %add3A_861, %rem3A : vector<16xi32>
        %ne3A = arith.constant 0 : i32
        %ne3A_866 = vector.broadcast %ne3A : i32 to vector<16xi32>
        %ne3A_867 = arith.cmpi ne, %rem3A_865, %ne3A_866 : vector<16xi32>
        %lt3A = arith.constant 0 : i32
        %lt3A_868 = vector.broadcast %lt3A : i32 to vector<16xi32>
        %lt3A_869 = arith.cmpi slt, %rem3A_865, %lt3A_868 : vector<16xi32>
        %lt3A_870 = arith.constant 0 : i32
        %lt3A_871 = arith.cmpi slt, %select_n3A, %lt3A_870 : i32
        %ne3A_872 = vector.broadcast %lt3A_871 : i1 to vector<16xi1>
        %ne3A_873 = vector.broadcast %ne3A_872 : vector<16xi1> to vector<16xi1>
        %ne3A_874 = arith.xori %lt3A_869, %ne3A_873 : vector<16xi1>
        %and3A = arith.andi %ne3A_874, %ne3A_867 : vector<16xi1>
        %add3A_875 = vector.broadcast %select_n3A : i32 to vector<16xi32>
        %add3A_876 = arith.addi %rem3A_865, %add3A_875 : vector<16xi32>
        %select_n3A_877 = arith.select %and3A, %add3A_876, %rem3A_865 : vector<16xi1>, vector<16xi32>
        %lt3A_878 = arith.constant 0 : i32
        %lt3A_879 = vector.broadcast %lt3A_878 : i32 to vector<16xi32>
        %lt3A_880 = arith.cmpi slt, %select_n3A_877, %lt3A_879 : vector<16xi32>
        %add3A_881 = arith.constant 16 : i32
        %add3A_882 = vector.broadcast %add3A_881 : i32 to vector<16xi32>
        %add3A_883 = arith.addi %select_n3A_877, %add3A_882 : vector<16xi32>
        %select_n3A_884 = arith.select %lt3A_880, %add3A_883, %select_n3A_877 : vector<16xi1>, vector<16xi32>
        %broadcast_in_dim3A_885 = vector.shape_cast %select_n3A_884 : vector<16xi32> to vector<16x1xi32>
        %gather3A = vector.shape_cast %broadcast_in_dim3A_885 : vector<16x1xi32> to vector<16xi32>
        %gather3A_886 = tpu.dynamic_gather %add3A_855[%gather3A] in [0] : vector<16xf32>, vector<16xi32> -> vector<16xf32>
        %add3A_887 = arith.addf %add3A_855, %gather3A_886 : vector<16xf32>
        %add3A_888 = arith.constant 4 : i32
        %add3A_889 = vector.broadcast %add3A_888 : i32 to vector<16xi32>
        %add3A_890 = arith.addi %iota3A, %add3A_889 : vector<16xi32>
        %jit3A_891 = arith.constant 16 : i32
        %eq3A_892 = arith.constant 0 : i32
        %eq3A_893 = arith.cmpi eq, %jit3A_891, %eq3A_892 : i32
        %jit3A_894 = arith.constant 1 : i32
        %select_n3A_895 = arith.select %eq3A_893, %jit3A_894, %jit3A_891 : i32
        %rem3A_896 = vector.broadcast %select_n3A_895 : i32 to vector<16xi32>
        %rem3A_897 = arith.remsi %add3A_890, %rem3A_896 : vector<16xi32>
        %ne3A_898 = arith.constant 0 : i32
        %ne3A_899 = vector.broadcast %ne3A_898 : i32 to vector<16xi32>
        %ne3A_900 = arith.cmpi ne, %rem3A_897, %ne3A_899 : vector<16xi32>
        %lt3A_901 = arith.constant 0 : i32
        %lt3A_902 = vector.broadcast %lt3A_901 : i32 to vector<16xi32>
        %lt3A_903 = arith.cmpi slt, %rem3A_897, %lt3A_902 : vector<16xi32>
        %lt3A_904 = arith.constant 0 : i32
        %lt3A_905 = arith.cmpi slt, %select_n3A_895, %lt3A_904 : i32
        %ne3A_906 = vector.broadcast %lt3A_905 : i1 to vector<16xi1>
        %ne3A_907 = vector.broadcast %ne3A_906 : vector<16xi1> to vector<16xi1>
        %ne3A_908 = arith.xori %lt3A_903, %ne3A_907 : vector<16xi1>
        %and3A_909 = arith.andi %ne3A_908, %ne3A_900 : vector<16xi1>
        %add3A_910 = vector.broadcast %select_n3A_895 : i32 to vector<16xi32>
        %add3A_911 = arith.addi %rem3A_897, %add3A_910 : vector<16xi32>
        %select_n3A_912 = arith.select %and3A_909, %add3A_911, %rem3A_897 : vector<16xi1>, vector<16xi32>
        %lt3A_913 = arith.constant 0 : i32
        %lt3A_914 = vector.broadcast %lt3A_913 : i32 to vector<16xi32>
        %lt3A_915 = arith.cmpi slt, %select_n3A_912, %lt3A_914 : vector<16xi32>
        %add3A_916 = arith.constant 16 : i32
        %add3A_917 = vector.broadcast %add3A_916 : i32 to vector<16xi32>
        %add3A_918 = arith.addi %select_n3A_912, %add3A_917 : vector<16xi32>
        %select_n3A_919 = arith.select %lt3A_915, %add3A_918, %select_n3A_912 : vector<16xi1>, vector<16xi32>
        %broadcast_in_dim3A_920 = vector.shape_cast %select_n3A_919 : vector<16xi32> to vector<16x1xi32>
        %gather3A_921 = vector.shape_cast %broadcast_in_dim3A_920 : vector<16x1xi32> to vector<16xi32>
        %gather3A_922 = tpu.dynamic_gather %add3A_887[%gather3A_921] in [0] : vector<16xf32>, vector<16xi32> -> vector<16xf32>
        %add3A_923 = arith.addf %add3A_887, %gather3A_922 : vector<16xf32>
        %add3A_924 = arith.constant 2 : i32
        %add3A_925 = vector.broadcast %add3A_924 : i32 to vector<16xi32>
        %add3A_926 = arith.addi %iota3A, %add3A_925 : vector<16xi32>
        %jit3A_927 = arith.constant 16 : i32
        %eq3A_928 = arith.constant 0 : i32
        %eq3A_929 = arith.cmpi eq, %jit3A_927, %eq3A_928 : i32
        %jit3A_930 = arith.constant 1 : i32
        %select_n3A_931 = arith.select %eq3A_929, %jit3A_930, %jit3A_927 : i32
        %rem3A_932 = vector.broadcast %select_n3A_931 : i32 to vector<16xi32>
        %rem3A_933 = arith.remsi %add3A_926, %rem3A_932 : vector<16xi32>
        %ne3A_934 = arith.constant 0 : i32
        %ne3A_935 = vector.broadcast %ne3A_934 : i32 to vector<16xi32>
        %ne3A_936 = arith.cmpi ne, %rem3A_933, %ne3A_935 : vector<16xi32>
        %lt3A_937 = arith.constant 0 : i32
        %lt3A_938 = vector.broadcast %lt3A_937 : i32 to vector<16xi32>
        %lt3A_939 = arith.cmpi slt, %rem3A_933, %lt3A_938 : vector<16xi32>
        %lt3A_940 = arith.constant 0 : i32
        %lt3A_941 = arith.cmpi slt, %select_n3A_931, %lt3A_940 : i32
        %ne3A_942 = vector.broadcast %lt3A_941 : i1 to vector<16xi1>
        %ne3A_943 = vector.broadcast %ne3A_942 : vector<16xi1> to vector<16xi1>
        %ne3A_944 = arith.xori %lt3A_939, %ne3A_943 : vector<16xi1>
        %and3A_945 = arith.andi %ne3A_944, %ne3A_936 : vector<16xi1>
        %add3A_946 = vector.broadcast %select_n3A_931 : i32 to vector<16xi32>
        %add3A_947 = arith.addi %rem3A_933, %add3A_946 : vector<16xi32>
        %select_n3A_948 = arith.select %and3A_945, %add3A_947, %rem3A_933 : vector<16xi1>, vector<16xi32>
        %lt3A_949 = arith.constant 0 : i32
        %lt3A_950 = vector.broadcast %lt3A_949 : i32 to vector<16xi32>
        %lt3A_951 = arith.cmpi slt, %select_n3A_948, %lt3A_950 : vector<16xi32>
        %add3A_952 = arith.constant 16 : i32
        %add3A_953 = vector.broadcast %add3A_952 : i32 to vector<16xi32>
        %add3A_954 = arith.addi %select_n3A_948, %add3A_953 : vector<16xi32>
        %select_n3A_955 = arith.select %lt3A_951, %add3A_954, %select_n3A_948 : vector<16xi1>, vector<16xi32>
        %broadcast_in_dim3A_956 = vector.shape_cast %select_n3A_955 : vector<16xi32> to vector<16x1xi32>
        %gather3A_957 = vector.shape_cast %broadcast_in_dim3A_956 : vector<16x1xi32> to vector<16xi32>
        %gather3A_958 = tpu.dynamic_gather %add3A_923[%gather3A_957] in [0] : vector<16xf32>, vector<16xi32> -> vector<16xf32>
        %add3A_959 = arith.addf %add3A_923, %gather3A_958 : vector<16xf32>
        %add3A_960 = arith.constant 1 : i32
        %add3A_961 = vector.broadcast %add3A_960 : i32 to vector<16xi32>
        %add3A_962 = arith.addi %iota3A, %add3A_961 : vector<16xi32>
        %jit3A_963 = arith.constant 16 : i32
        %eq3A_964 = arith.constant 0 : i32
        %eq3A_965 = arith.cmpi eq, %jit3A_963, %eq3A_964 : i32
        %jit3A_966 = arith.constant 1 : i32
        %select_n3A_967 = arith.select %eq3A_965, %jit3A_966, %jit3A_963 : i32
        %rem3A_968 = vector.broadcast %select_n3A_967 : i32 to vector<16xi32>
        %rem3A_969 = arith.remsi %add3A_962, %rem3A_968 : vector<16xi32>
        %ne3A_970 = arith.constant 0 : i32
        %ne3A_971 = vector.broadcast %ne3A_970 : i32 to vector<16xi32>
        %ne3A_972 = arith.cmpi ne, %rem3A_969, %ne3A_971 : vector<16xi32>
        %lt3A_973 = arith.constant 0 : i32
        %lt3A_974 = vector.broadcast %lt3A_973 : i32 to vector<16xi32>
        %lt3A_975 = arith.cmpi slt, %rem3A_969, %lt3A_974 : vector<16xi32>
        %lt3A_976 = arith.constant 0 : i32
        %lt3A_977 = arith.cmpi slt, %select_n3A_967, %lt3A_976 : i32
        %ne3A_978 = vector.broadcast %lt3A_977 : i1 to vector<16xi1>
        %ne3A_979 = vector.broadcast %ne3A_978 : vector<16xi1> to vector<16xi1>
        %ne3A_980 = arith.xori %lt3A_975, %ne3A_979 : vector<16xi1>
        %and3A_981 = arith.andi %ne3A_980, %ne3A_972 : vector<16xi1>
        %add3A_982 = vector.broadcast %select_n3A_967 : i32 to vector<16xi32>
        %add3A_983 = arith.addi %rem3A_969, %add3A_982 : vector<16xi32>
        %select_n3A_984 = arith.select %and3A_981, %add3A_983, %rem3A_969 : vector<16xi1>, vector<16xi32>
        %lt3A_985 = arith.constant 0 : i32
        %lt3A_986 = vector.broadcast %lt3A_985 : i32 to vector<16xi32>
        %lt3A_987 = arith.cmpi slt, %select_n3A_984, %lt3A_986 : vector<16xi32>
        %add3A_988 = arith.constant 16 : i32
        %add3A_989 = vector.broadcast %add3A_988 : i32 to vector<16xi32>
        %add3A_990 = arith.addi %select_n3A_984, %add3A_989 : vector<16xi32>
        %select_n3A_991 = arith.select %lt3A_987, %add3A_990, %select_n3A_984 : vector<16xi1>, vector<16xi32>
        %broadcast_in_dim3A_992 = vector.shape_cast %select_n3A_991 : vector<16xi32> to vector<16x1xi32>
        %gather3A_993 = vector.shape_cast %broadcast_in_dim3A_992 : vector<16x1xi32> to vector<16xi32>
        %gather3A_994 = tpu.dynamic_gather %add3A_959[%gather3A_993] in [0] : vector<16xf32>, vector<16xi32> -> vector<16xf32>
        %add3A_995 = arith.addf %add3A_959, %gather3A_994 : vector<16xf32>
        %mul3A_996 = arith.constant 5.000000e-02 : f32
        %mul3A_997 = vector.broadcast %mul3A_996 : f32 to vector<16xf32>
        %mul3A_998 = arith.mulf %add3A_995, %mul3A_997 : vector<16xf32>
        %select_n3A_999 = arith.select %eq3A_858, %mul3A_998, %scan3A_223 : vector<16xi1>, vector<16xf32>
        %add3A_1000 = arith.constant 8 : i32
        %add3A_1001 = vector.broadcast %add3A_1000 : i32 to vector<16xi32>
        %add3A_1002 = arith.addi %iota3A, %add3A_1001 : vector<16xi32>
        %jit3A_1003 = arith.constant 16 : i32
        %eq3A_1004 = arith.constant 0 : i32
        %eq3A_1005 = arith.cmpi eq, %jit3A_1003, %eq3A_1004 : i32
        %jit3A_1006 = arith.constant 1 : i32
        %select_n3A_1007 = arith.select %eq3A_1005, %jit3A_1006, %jit3A_1003 : i32
        %rem3A_1008 = vector.broadcast %select_n3A_1007 : i32 to vector<16xi32>
        %rem3A_1009 = arith.remsi %add3A_1002, %rem3A_1008 : vector<16xi32>
        %ne3A_1010 = arith.constant 0 : i32
        %ne3A_1011 = vector.broadcast %ne3A_1010 : i32 to vector<16xi32>
        %ne3A_1012 = arith.cmpi ne, %rem3A_1009, %ne3A_1011 : vector<16xi32>
        %lt3A_1013 = arith.constant 0 : i32
        %lt3A_1014 = vector.broadcast %lt3A_1013 : i32 to vector<16xi32>
        %lt3A_1015 = arith.cmpi slt, %rem3A_1009, %lt3A_1014 : vector<16xi32>
        %lt3A_1016 = arith.constant 0 : i32
        %lt3A_1017 = arith.cmpi slt, %select_n3A_1007, %lt3A_1016 : i32
        %ne3A_1018 = vector.broadcast %lt3A_1017 : i1 to vector<16xi1>
        %ne3A_1019 = vector.broadcast %ne3A_1018 : vector<16xi1> to vector<16xi1>
        %ne3A_1020 = arith.xori %lt3A_1015, %ne3A_1019 : vector<16xi1>
        %and3A_1021 = arith.andi %ne3A_1020, %ne3A_1012 : vector<16xi1>
        %add3A_1022 = vector.broadcast %select_n3A_1007 : i32 to vector<16xi32>
        %add3A_1023 = arith.addi %rem3A_1009, %add3A_1022 : vector<16xi32>
        %select_n3A_1024 = arith.select %and3A_1021, %add3A_1023, %rem3A_1009 : vector<16xi1>, vector<16xi32>
        %lt3A_1025 = arith.constant 0 : i32
        %lt3A_1026 = vector.broadcast %lt3A_1025 : i32 to vector<16xi32>
        %lt3A_1027 = arith.cmpi slt, %select_n3A_1024, %lt3A_1026 : vector<16xi32>
        %add3A_1028 = arith.constant 16 : i32
        %add3A_1029 = vector.broadcast %add3A_1028 : i32 to vector<16xi32>
        %add3A_1030 = arith.addi %select_n3A_1024, %add3A_1029 : vector<16xi32>
        %select_n3A_1031 = arith.select %lt3A_1027, %add3A_1030, %select_n3A_1024 : vector<16xi1>, vector<16xi32>
        %broadcast_in_dim3A_1032 = vector.shape_cast %select_n3A_1031 : vector<16xi32> to vector<16x1xi32>
        %gather3A_1033 = vector.shape_cast %broadcast_in_dim3A_1032 : vector<16x1xi32> to vector<16xi32>
        %gather3A_1034 = tpu.dynamic_gather %add3A_857[%gather3A_1033] in [0] : vector<16xf32>, vector<16xi32> -> vector<16xf32>
        %add3A_1035 = arith.addf %add3A_857, %gather3A_1034 : vector<16xf32>
        %add3A_1036 = arith.constant 4 : i32
        %add3A_1037 = vector.broadcast %add3A_1036 : i32 to vector<16xi32>
        %add3A_1038 = arith.addi %iota3A, %add3A_1037 : vector<16xi32>
        %jit3A_1039 = arith.constant 16 : i32
        %eq3A_1040 = arith.constant 0 : i32
        %eq3A_1041 = arith.cmpi eq, %jit3A_1039, %eq3A_1040 : i32
        %jit3A_1042 = arith.constant 1 : i32
        %select_n3A_1043 = arith.select %eq3A_1041, %jit3A_1042, %jit3A_1039 : i32
        %rem3A_1044 = vector.broadcast %select_n3A_1043 : i32 to vector<16xi32>
        %rem3A_1045 = arith.remsi %add3A_1038, %rem3A_1044 : vector<16xi32>
        %ne3A_1046 = arith.constant 0 : i32
        %ne3A_1047 = vector.broadcast %ne3A_1046 : i32 to vector<16xi32>
        %ne3A_1048 = arith.cmpi ne, %rem3A_1045, %ne3A_1047 : vector<16xi32>
        %lt3A_1049 = arith.constant 0 : i32
        %lt3A_1050 = vector.broadcast %lt3A_1049 : i32 to vector<16xi32>
        %lt3A_1051 = arith.cmpi slt, %rem3A_1045, %lt3A_1050 : vector<16xi32>
        %lt3A_1052 = arith.constant 0 : i32
        %lt3A_1053 = arith.cmpi slt, %select_n3A_1043, %lt3A_1052 : i32
        %ne3A_1054 = vector.broadcast %lt3A_1053 : i1 to vector<16xi1>
        %ne3A_1055 = vector.broadcast %ne3A_1054 : vector<16xi1> to vector<16xi1>
        %ne3A_1056 = arith.xori %lt3A_1051, %ne3A_1055 : vector<16xi1>
        %and3A_1057 = arith.andi %ne3A_1056, %ne3A_1048 : vector<16xi1>
        %add3A_1058 = vector.broadcast %select_n3A_1043 : i32 to vector<16xi32>
        %add3A_1059 = arith.addi %rem3A_1045, %add3A_1058 : vector<16xi32>
        %select_n3A_1060 = arith.select %and3A_1057, %add3A_1059, %rem3A_1045 : vector<16xi1>, vector<16xi32>
        %lt3A_1061 = arith.constant 0 : i32
        %lt3A_1062 = vector.broadcast %lt3A_1061 : i32 to vector<16xi32>
        %lt3A_1063 = arith.cmpi slt, %select_n3A_1060, %lt3A_1062 : vector<16xi32>
        %add3A_1064 = arith.constant 16 : i32
        %add3A_1065 = vector.broadcast %add3A_1064 : i32 to vector<16xi32>
        %add3A_1066 = arith.addi %select_n3A_1060, %add3A_1065 : vector<16xi32>
        %select_n3A_1067 = arith.select %lt3A_1063, %add3A_1066, %select_n3A_1060 : vector<16xi1>, vector<16xi32>
        %broadcast_in_dim3A_1068 = vector.shape_cast %select_n3A_1067 : vector<16xi32> to vector<16x1xi32>
        %gather3A_1069 = vector.shape_cast %broadcast_in_dim3A_1068 : vector<16x1xi32> to vector<16xi32>
        %gather3A_1070 = tpu.dynamic_gather %add3A_1035[%gather3A_1069] in [0] : vector<16xf32>, vector<16xi32> -> vector<16xf32>
        %add3A_1071 = arith.addf %add3A_1035, %gather3A_1070 : vector<16xf32>
        %add3A_1072 = arith.constant 2 : i32
        %add3A_1073 = vector.broadcast %add3A_1072 : i32 to vector<16xi32>
        %add3A_1074 = arith.addi %iota3A, %add3A_1073 : vector<16xi32>
        %jit3A_1075 = arith.constant 16 : i32
        %eq3A_1076 = arith.constant 0 : i32
        %eq3A_1077 = arith.cmpi eq, %jit3A_1075, %eq3A_1076 : i32
        %jit3A_1078 = arith.constant 1 : i32
        %select_n3A_1079 = arith.select %eq3A_1077, %jit3A_1078, %jit3A_1075 : i32
        %rem3A_1080 = vector.broadcast %select_n3A_1079 : i32 to vector<16xi32>
        %rem3A_1081 = arith.remsi %add3A_1074, %rem3A_1080 : vector<16xi32>
        %ne3A_1082 = arith.constant 0 : i32
        %ne3A_1083 = vector.broadcast %ne3A_1082 : i32 to vector<16xi32>
        %ne3A_1084 = arith.cmpi ne, %rem3A_1081, %ne3A_1083 : vector<16xi32>
        %lt3A_1085 = arith.constant 0 : i32
        %lt3A_1086 = vector.broadcast %lt3A_1085 : i32 to vector<16xi32>
        %lt3A_1087 = arith.cmpi slt, %rem3A_1081, %lt3A_1086 : vector<16xi32>
        %lt3A_1088 = arith.constant 0 : i32
        %lt3A_1089 = arith.cmpi slt, %select_n3A_1079, %lt3A_1088 : i32
        %ne3A_1090 = vector.broadcast %lt3A_1089 : i1 to vector<16xi1>
        %ne3A_1091 = vector.broadcast %ne3A_1090 : vector<16xi1> to vector<16xi1>
        %ne3A_1092 = arith.xori %lt3A_1087, %ne3A_1091 : vector<16xi1>
        %and3A_1093 = arith.andi %ne3A_1092, %ne3A_1084 : vector<16xi1>
        %add3A_1094 = vector.broadcast %select_n3A_1079 : i32 to vector<16xi32>
        %add3A_1095 = arith.addi %rem3A_1081, %add3A_1094 : vector<16xi32>
        %select_n3A_1096 = arith.select %and3A_1093, %add3A_1095, %rem3A_1081 : vector<16xi1>, vector<16xi32>
        %lt3A_1097 = arith.constant 0 : i32
        %lt3A_1098 = vector.broadcast %lt3A_1097 : i32 to vector<16xi32>
        %lt3A_1099 = arith.cmpi slt, %select_n3A_1096, %lt3A_1098 : vector<16xi32>
        %add3A_1100 = arith.constant 16 : i32
        %add3A_1101 = vector.broadcast %add3A_1100 : i32 to vector<16xi32>
        %add3A_1102 = arith.addi %select_n3A_1096, %add3A_1101 : vector<16xi32>
        %select_n3A_1103 = arith.select %lt3A_1099, %add3A_1102, %select_n3A_1096 : vector<16xi1>, vector<16xi32>
        %broadcast_in_dim3A_1104 = vector.shape_cast %select_n3A_1103 : vector<16xi32> to vector<16x1xi32>
        %gather3A_1105 = vector.shape_cast %broadcast_in_dim3A_1104 : vector<16x1xi32> to vector<16xi32>
        %gather3A_1106 = tpu.dynamic_gather %add3A_1071[%gather3A_1105] in [0] : vector<16xf32>, vector<16xi32> -> vector<16xf32>
        %add3A_1107 = arith.addf %add3A_1071, %gather3A_1106 : vector<16xf32>
        %add3A_1108 = arith.constant 1 : i32
        %add3A_1109 = vector.broadcast %add3A_1108 : i32 to vector<16xi32>
        %add3A_1110 = arith.addi %iota3A, %add3A_1109 : vector<16xi32>
        %jit3A_1111 = arith.constant 16 : i32
        %eq3A_1112 = arith.constant 0 : i32
        %eq3A_1113 = arith.cmpi eq, %jit3A_1111, %eq3A_1112 : i32
        %jit3A_1114 = arith.constant 1 : i32
        %select_n3A_1115 = arith.select %eq3A_1113, %jit3A_1114, %jit3A_1111 : i32
        %rem3A_1116 = vector.broadcast %select_n3A_1115 : i32 to vector<16xi32>
        %rem3A_1117 = arith.remsi %add3A_1110, %rem3A_1116 : vector<16xi32>
        %ne3A_1118 = arith.constant 0 : i32
        %ne3A_1119 = vector.broadcast %ne3A_1118 : i32 to vector<16xi32>
        %ne3A_1120 = arith.cmpi ne, %rem3A_1117, %ne3A_1119 : vector<16xi32>
        %lt3A_1121 = arith.constant 0 : i32
        %lt3A_1122 = vector.broadcast %lt3A_1121 : i32 to vector<16xi32>
        %lt3A_1123 = arith.cmpi slt, %rem3A_1117, %lt3A_1122 : vector<16xi32>
        %lt3A_1124 = arith.constant 0 : i32
        %lt3A_1125 = arith.cmpi slt, %select_n3A_1115, %lt3A_1124 : i32
        %ne3A_1126 = vector.broadcast %lt3A_1125 : i1 to vector<16xi1>
        %ne3A_1127 = vector.broadcast %ne3A_1126 : vector<16xi1> to vector<16xi1>
        %ne3A_1128 = arith.xori %lt3A_1123, %ne3A_1127 : vector<16xi1>
        %and3A_1129 = arith.andi %ne3A_1128, %ne3A_1120 : vector<16xi1>
        %add3A_1130 = vector.broadcast %select_n3A_1115 : i32 to vector<16xi32>
        %add3A_1131 = arith.addi %rem3A_1117, %add3A_1130 : vector<16xi32>
        %select_n3A_1132 = arith.select %and3A_1129, %add3A_1131, %rem3A_1117 : vector<16xi1>, vector<16xi32>
        %lt3A_1133 = arith.constant 0 : i32
        %lt3A_1134 = vector.broadcast %lt3A_1133 : i32 to vector<16xi32>
        %lt3A_1135 = arith.cmpi slt, %select_n3A_1132, %lt3A_1134 : vector<16xi32>
        %add3A_1136 = arith.constant 16 : i32
        %add3A_1137 = vector.broadcast %add3A_1136 : i32 to vector<16xi32>
        %add3A_1138 = arith.addi %select_n3A_1132, %add3A_1137 : vector<16xi32>
        %select_n3A_1139 = arith.select %lt3A_1135, %add3A_1138, %select_n3A_1132 : vector<16xi1>, vector<16xi32>
        %broadcast_in_dim3A_1140 = vector.shape_cast %select_n3A_1139 : vector<16xi32> to vector<16x1xi32>
        %gather3A_1141 = vector.shape_cast %broadcast_in_dim3A_1140 : vector<16x1xi32> to vector<16xi32>
        %gather3A_1142 = tpu.dynamic_gather %add3A_1107[%gather3A_1141] in [0] : vector<16xf32>, vector<16xi32> -> vector<16xf32>
        %add3A_1143 = arith.addf %add3A_1107, %gather3A_1142 : vector<16xf32>
        %mul3A_1144 = arith.constant 5.000000e-02 : f32
        %mul3A_1145 = vector.broadcast %mul3A_1144 : f32 to vector<16xf32>
        %mul3A_1146 = arith.mulf %add3A_1143, %mul3A_1145 : vector<16xf32>
        %select_n3A_1147 = arith.select %eq3A_858, %mul3A_1146, %scan3A_224 : vector<16xi1>, vector<16xf32>
        scf.yield %select_n3A_999, %select_n3A_1147 : vector<16xf32>, vector<16xf32>
      }
      %scan3A_208 = arith.constant 16 : i32
      %mul3A_209 = arith.constant 16 : i32
      %mul3A_210 = arith.muli %add3A_166, %mul3A_209 : i32
      %swap3A_211 = arith.index_cast %mul3A_210 : i32 to index
      %swap3A_212 = tpu.vector_load %arg15[%swap3A_211] {strides = array<i32>} : memref<512xf32, #tpu.memory_space<vmem>>, vector<16xf32>,
      %swap3A_213 = vector.shape_cast %swap3A_212 : vector<16xf32> to vector<16xf32>
      %swap3A_214 = vector.shape_cast %scan3A_207#0 : vector<16xf32> to vector<16xf32>
      tpu.vector_store %arg15[%swap3A_211], %swap3A_214 {strides = array<i32>} : memref<512xf32, #tpu.memory_space<vmem>>, vector<16xf32>,
      %mul3A_215 = arith.constant 16 : i32
      %mul3A_216 = arith.muli %add3A_166, %mul3A_215 : i32
      %swap3A_217 = arith.index_cast %mul3A_216 : i32 to index
      %swap3A_218 = tpu.vector_load %arg16[%swap3A_217] {strides = array<i32>} : memref<512xf32, #tpu.memory_space<vmem>>, vector<16xf32>,
      %swap3A_219 = vector.shape_cast %swap3A_218 : vector<16xf32> to vector<16xf32>
      %swap3A_220 = vector.shape_cast %scan3A_207#1 : vector<16xf32> to vector<16xf32>
      tpu.vector_store %arg16[%swap3A_217], %swap3A_220 {strides = array<i32>} : memref<512xf32, #tpu.memory_space<vmem>>, vector<16xf32>,
      %scan3A_221 = arith.constant 0 : i32
      scf.yield %scan3A_221 : i32
    }
    %scan3A_10 = arith.constant 16 : i32
    "tpu.region"() ({
      %run_scoped3A = tpu.sem_alloc : memref<!tpu.dma_semaphore, #tpu.memory_space<semaphore_mem>>
      %dma_start3A = tpu.memref_slice %arg6[%mul3A_2] : memref<16384xf32, #tpu.memory_space<hbm>> -> memref<512xf32, #tpu.memory_space<hbm>>
      %dma_start3A_11 = tpu.memref_slice %arg6[%mul3A_2] : memref<16384xf32, #tpu.memory_space<hbm>> -> memref<512xf32, #tpu.memory_space<hbm>>
      tpu.enqueue_dma source(%arg15 : memref<512xf32, #tpu.memory_space<vmem>>) target(%dma_start3A_11 : memref<512xf32, #tpu.memory_space<hbm>>) target_semaphore(%run_scoped3A : memref<!tpu.dma_semaphore, #tpu.memory_space<semaphore_mem>>)
      %dma_wait3A = tpu.memref_slice %arg6[%mul3A_2] : memref<16384xf32, #tpu.memory_space<hbm>> -> memref<512xf32, #tpu.memory_space<hbm>>
      %dma_wait3A_12 = tpu.memref_slice %arg6[%mul3A_2] : memref<16384xf32, #tpu.memory_space<hbm>> -> memref<512xf32, #tpu.memory_space<hbm>>
      tpu.wait_dma2 semaphore(%run_scoped3A : memref<!tpu.dma_semaphore, #tpu.memory_space<semaphore_mem>>) src(%arg15 : memref<512xf32, #tpu.memory_space<vmem>>) dst(%dma_wait3A_12 : memref<512xf32, #tpu.memory_space<hbm>>)
      tpu.yield
    }) : () -> ()
    "tpu.region"() ({
      %run_scoped3A = tpu.sem_alloc : memref<!tpu.dma_semaphore, #tpu.memory_space<semaphore_mem>>
      %dma_start3A = tpu.memref_slice %arg7[%mul3A_2] : memref<16384xf32, #tpu.memory_space<hbm>> -> memref<512xf32, #tpu.memory_space<hbm>>
      %dma_start3A_11 = tpu.memref_slice %arg7[%mul3A_2] : memref<16384xf32, #tpu.memory_space<hbm>> -> memref<512xf32, #tpu.memory_space<hbm>>
      tpu.enqueue_dma source(%arg16 : memref<512xf32, #tpu.memory_space<vmem>>) target(%dma_start3A_11 : memref<512xf32, #tpu.memory_space<hbm>>) target_semaphore(%run_scoped3A : memref<!tpu.dma_semaphore, #tpu.memory_space<semaphore_mem>>)
      %dma_wait3A = tpu.memref_slice %arg7[%mul3A_2] : memref<16384xf32, #tpu.memory_space<hbm>> -> memref<512xf32, #tpu.memory_space<hbm>>
      %dma_wait3A_12 = tpu.memref_slice %arg7[%mul3A_2] : memref<16384xf32, #tpu.memory_space<hbm>> -> memref<512xf32, #tpu.memory_space<hbm>>
      tpu.wait_dma2 semaphore(%run_scoped3A : memref<!tpu.dma_semaphore, #tpu.memory_space<semaphore_mem>>) src(%arg16 : memref<512xf32, #tpu.memory_space<vmem>>) dst(%dma_wait3A_12 : memref<512xf32, #tpu.memory_space<hbm>>)
      tpu.yield
    }) : () -> ()
    return
  }
}

#map = affine_map<(d0, d1) -> (0)>
#map1 = affine_map<(d0, d1) -> (0, 0)>
module attributes {stable_mosaic.version = 14 : i64} {
  func.func @_phase_a_body(%arg0: i32, %arg1: i32, %arg2: memref<327680xi32, #tpu.memory_space<hbm>>, %arg3: memref<1000000x64xf32, #tpu.memory_space<hbm>>, %arg4: memref<16384x64xf32, #tpu.memory_space<hbm>>, %arg5: memref<10240xi32, #tpu.memory_space<vmem>>, %arg6: memref<320x64xf32, #tpu.memory_space<vmem>>, %arg7: memref<320x64xf32, #tpu.memory_space<vmem>>, %arg8: memref<512x64xf32, #tpu.memory_space<vmem>>, %arg9: memref<!tpu.dma_semaphore, #tpu.memory_space<semaphore_mem>>) attributes {dimension_semantics = [#tpu.dimension_semantics<core_parallel>, #tpu.dimension_semantics<subcore_parallel>], iteration_bounds = array<i64: 2, 16>, scalar_prefetch = 0 : i64, scratch_operands = 5 : i64, tpu.core_type = #tpu.core_type<sc_vector_subcore>, window_params = [{transform_indices = #map}, {transform_indices = #map1}, {transform_indices = #map1}]} {
    %mul3A = arith.constant 2 : i32
    %mul3A_0 = arith.muli %arg1, %mul3A : i32
    %add3A = arith.addi %mul3A_0, %arg0 : i32
    %mul3A_1 = arith.constant 512 : i32
    %mul3A_2 = arith.muli %add3A, %mul3A_1 : i32
    %mul3A_3 = arith.constant 20 : i32
    %mul3A_4 = arith.muli %mul3A_2, %mul3A_3 : i32
    "tpu.region"() ({
      %run_scoped3A = tpu.sem_alloc : memref<!tpu.dma_semaphore, #tpu.memory_space<semaphore_mem>>
      %dma_start3A = tpu.memref_slice %arg2[%mul3A_4] : memref<327680xi32, #tpu.memory_space<hbm>> -> memref<10240xi32, #tpu.memory_space<hbm>>
      %dma_start3A_11 = tpu.memref_slice %arg2[%mul3A_4] : memref<327680xi32, #tpu.memory_space<hbm>> -> memref<10240xi32, #tpu.memory_space<hbm>>
      tpu.enqueue_dma source(%dma_start3A_11 : memref<10240xi32, #tpu.memory_space<hbm>>) target(%arg5 : memref<10240xi32, #tpu.memory_space<vmem>>) target_semaphore(%run_scoped3A : memref<!tpu.dma_semaphore, #tpu.memory_space<semaphore_mem>>)
      %dma_wait3A = tpu.memref_slice %arg2[%mul3A_4] : memref<327680xi32, #tpu.memory_space<hbm>> -> memref<10240xi32, #tpu.memory_space<hbm>>
      %dma_wait3A_12 = tpu.memref_slice %arg2[%mul3A_4] : memref<327680xi32, #tpu.memory_space<hbm>> -> memref<10240xi32, #tpu.memory_space<hbm>>
      tpu.wait_dma2 semaphore(%run_scoped3A : memref<!tpu.dma_semaphore, #tpu.memory_space<semaphore_mem>>) src(%dma_wait3A_12 : memref<10240xi32, #tpu.memory_space<hbm>>) dst(%arg5 : memref<10240xi32, #tpu.memory_space<vmem>>)
      tpu.yield
    }) : () -> ()
    %scan3A = arith.constant 0 : i32
    %scan3A_5 = arith.constant 0 : i32
    %scan3A_6 = arith.constant 16 : i32
    %scan3A_7 = arith.addi %scan3A_5, %scan3A_6 : i32
    %scan3A_8 = arith.constant 1 : i32
    %scan3A_9 = scf.for %scan3A_11 = %scan3A_5 to %scan3A_7 step %scan3A_8 iter_args(%scan3A_12 = %scan3A) -> (i32)  : i32 {
      %mul3A_13 = arith.constant 2 : i32
      %mul3A_14 = arith.muli %mul3A_13, %scan3A_11 : i32
      %add3A_15 = arith.constant 0 : i32
      %add3A_16 = arith.addi %mul3A_14, %add3A_15 : i32
      %mul3A_17 = arith.constant 320 : i32
      %mul3A_18 = arith.muli %add3A_16, %mul3A_17 : i32
      %add3A_19 = arith.constant 0 : i32
      %add3A_20 = arith.addi %mul3A_18, %add3A_19 : i32
      %dma_start3A = arith.constant 0 : i32
      %dma_start3A_21 = arith.constant 0 : i32
      %dma_start3A_22 = tpu.memref_slice %arg6[%dma_start3A, %dma_start3A_21] : memref<320x64xf32, #tpu.memory_space<vmem>> -> memref<80x64xf32, #tpu.memory_space<vmem>>
      %dma_start3A_23 = tpu.memref_slice %arg5[%add3A_20] : memref<10240xi32, #tpu.memory_space<vmem>> -> memref<80xi32, #tpu.memory_space<vmem>>
      %dma_start3A_24 = arith.constant 0 : i32
      %dma_start3A_25 = arith.constant 0 : i32
      %dma_start3A_26 = tpu.memref_slice %arg3[%dma_start3A_24, %dma_start3A_25] : memref<1000000x64xf32, #tpu.memory_space<hbm>> -> memref<1000000x64xf32, #tpu.memory_space<hbm>>
      tpu.enqueue_indirect_dma source(%dma_start3A_26 : memref<1000000x64xf32, #tpu.memory_space<hbm>>) target(%dma_start3A_22 : memref<80x64xf32, #tpu.memory_space<vmem>>) offsets(%dma_start3A_23 : memref<80xi32, #tpu.memory_space<vmem>>) semaphore(%arg9 : memref<!tpu.dma_semaphore, #tpu.memory_space<semaphore_mem>>)
      %add3A_27 = arith.constant 80 : i32
      %add3A_28 = arith.addi %mul3A_18, %add3A_27 : i32
      %dma_start3A_29 = arith.constant 80 : i32
      %dma_start3A_30 = arith.constant 0 : i32
      %dma_start3A_31 = tpu.memref_slice %arg6[%dma_start3A_29, %dma_start3A_30] : memref<320x64xf32, #tpu.memory_space<vmem>> -> memref<80x64xf32, #tpu.memory_space<vmem>>
      %dma_start3A_32 = tpu.memref_slice %arg5[%add3A_28] : memref<10240xi32, #tpu.memory_space<vmem>> -> memref<80xi32, #tpu.memory_space<vmem>>
      %dma_start3A_33 = arith.constant 0 : i32
      %dma_start3A_34 = arith.constant 0 : i32
      %dma_start3A_35 = tpu.memref_slice %arg3[%dma_start3A_33, %dma_start3A_34] : memref<1000000x64xf32, #tpu.memory_space<hbm>> -> memref<1000000x64xf32, #tpu.memory_space<hbm>>
      tpu.enqueue_indirect_dma source(%dma_start3A_35 : memref<1000000x64xf32, #tpu.memory_space<hbm>>) target(%dma_start3A_31 : memref<80x64xf32, #tpu.memory_space<vmem>>) offsets(%dma_start3A_32 : memref<80xi32, #tpu.memory_space<vmem>>) semaphore(%arg9 : memref<!tpu.dma_semaphore, #tpu.memory_space<semaphore_mem>>)
      %add3A_36 = arith.constant 160 : i32
      %add3A_37 = arith.addi %mul3A_18, %add3A_36 : i32
      %dma_start3A_38 = arith.constant 160 : i32
      %dma_start3A_39 = arith.constant 0 : i32
      %dma_start3A_40 = tpu.memref_slice %arg6[%dma_start3A_38, %dma_start3A_39] : memref<320x64xf32, #tpu.memory_space<vmem>> -> memref<80x64xf32, #tpu.memory_space<vmem>>
      %dma_start3A_41 = tpu.memref_slice %arg5[%add3A_37] : memref<10240xi32, #tpu.memory_space<vmem>> -> memref<80xi32, #tpu.memory_space<vmem>>
      %dma_start3A_42 = arith.constant 0 : i32
      %dma_start3A_43 = arith.constant 0 : i32
      %dma_start3A_44 = tpu.memref_slice %arg3[%dma_start3A_42, %dma_start3A_43] : memref<1000000x64xf32, #tpu.memory_space<hbm>> -> memref<1000000x64xf32, #tpu.memory_space<hbm>>
      tpu.enqueue_indirect_dma source(%dma_start3A_44 : memref<1000000x64xf32, #tpu.memory_space<hbm>>) target(%dma_start3A_40 : memref<80x64xf32, #tpu.memory_space<vmem>>) offsets(%dma_start3A_41 : memref<80xi32, #tpu.memory_space<vmem>>) semaphore(%arg9 : memref<!tpu.dma_semaphore, #tpu.memory_space<semaphore_mem>>)
      %add3A_45 = arith.constant 240 : i32
      %add3A_46 = arith.addi %mul3A_18, %add3A_45 : i32
      %dma_start3A_47 = arith.constant 240 : i32
      %dma_start3A_48 = arith.constant 0 : i32
      %dma_start3A_49 = tpu.memref_slice %arg6[%dma_start3A_47, %dma_start3A_48] : memref<320x64xf32, #tpu.memory_space<vmem>> -> memref<80x64xf32, #tpu.memory_space<vmem>>
      %dma_start3A_50 = tpu.memref_slice %arg5[%add3A_46] : memref<10240xi32, #tpu.memory_space<vmem>> -> memref<80xi32, #tpu.memory_space<vmem>>
      %dma_start3A_51 = arith.constant 0 : i32
      %dma_start3A_52 = arith.constant 0 : i32
      %dma_start3A_53 = tpu.memref_slice %arg3[%dma_start3A_51, %dma_start3A_52] : memref<1000000x64xf32, #tpu.memory_space<hbm>> -> memref<1000000x64xf32, #tpu.memory_space<hbm>>
      tpu.enqueue_indirect_dma source(%dma_start3A_53 : memref<1000000x64xf32, #tpu.memory_space<hbm>>) target(%dma_start3A_49 : memref<80x64xf32, #tpu.memory_space<vmem>>) offsets(%dma_start3A_50 : memref<80xi32, #tpu.memory_space<vmem>>) semaphore(%arg9 : memref<!tpu.dma_semaphore, #tpu.memory_space<semaphore_mem>>)
      %mul3A_54 = arith.constant 2 : i32
      %mul3A_55 = arith.muli %mul3A_54, %scan3A_11 : i32
      %add3A_56 = arith.constant 1 : i32
      %add3A_57 = arith.addi %mul3A_55, %add3A_56 : i32
      %mul3A_58 = arith.constant 320 : i32
      %mul3A_59 = arith.muli %add3A_57, %mul3A_58 : i32
      %add3A_60 = arith.constant 0 : i32
      %add3A_61 = arith.addi %mul3A_59, %add3A_60 : i32
      %dma_start3A_62 = arith.constant 0 : i32
      %dma_start3A_63 = arith.constant 0 : i32
      %dma_start3A_64 = tpu.memref_slice %arg7[%dma_start3A_62, %dma_start3A_63] : memref<320x64xf32, #tpu.memory_space<vmem>> -> memref<80x64xf32, #tpu.memory_space<vmem>>
      %dma_start3A_65 = tpu.memref_slice %arg5[%add3A_61] : memref<10240xi32, #tpu.memory_space<vmem>> -> memref<80xi32, #tpu.memory_space<vmem>>
      %dma_start3A_66 = arith.constant 0 : i32
      %dma_start3A_67 = arith.constant 0 : i32
      %dma_start3A_68 = tpu.memref_slice %arg3[%dma_start3A_66, %dma_start3A_67] : memref<1000000x64xf32, #tpu.memory_space<hbm>> -> memref<1000000x64xf32, #tpu.memory_space<hbm>>
      tpu.enqueue_indirect_dma source(%dma_start3A_68 : memref<1000000x64xf32, #tpu.memory_space<hbm>>) target(%dma_start3A_64 : memref<80x64xf32, #tpu.memory_space<vmem>>) offsets(%dma_start3A_65 : memref<80xi32, #tpu.memory_space<vmem>>) semaphore(%arg9 : memref<!tpu.dma_semaphore, #tpu.memory_space<semaphore_mem>>)
      %add3A_69 = arith.constant 80 : i32
      %add3A_70 = arith.addi %mul3A_59, %add3A_69 : i32
      %dma_start3A_71 = arith.constant 80 : i32
      %dma_start3A_72 = arith.constant 0 : i32
      %dma_start3A_73 = tpu.memref_slice %arg7[%dma_start3A_71, %dma_start3A_72] : memref<320x64xf32, #tpu.memory_space<vmem>> -> memref<80x64xf32, #tpu.memory_space<vmem>>
      %dma_start3A_74 = tpu.memref_slice %arg5[%add3A_70] : memref<10240xi32, #tpu.memory_space<vmem>> -> memref<80xi32, #tpu.memory_space<vmem>>
      %dma_start3A_75 = arith.constant 0 : i32
      %dma_start3A_76 = arith.constant 0 : i32
      %dma_start3A_77 = tpu.memref_slice %arg3[%dma_start3A_75, %dma_start3A_76] : memref<1000000x64xf32, #tpu.memory_space<hbm>> -> memref<1000000x64xf32, #tpu.memory_space<hbm>>
      tpu.enqueue_indirect_dma source(%dma_start3A_77 : memref<1000000x64xf32, #tpu.memory_space<hbm>>) target(%dma_start3A_73 : memref<80x64xf32, #tpu.memory_space<vmem>>) offsets(%dma_start3A_74 : memref<80xi32, #tpu.memory_space<vmem>>) semaphore(%arg9 : memref<!tpu.dma_semaphore, #tpu.memory_space<semaphore_mem>>)
      %add3A_78 = arith.constant 160 : i32
      %add3A_79 = arith.addi %mul3A_59, %add3A_78 : i32
      %dma_start3A_80 = arith.constant 160 : i32
      %dma_start3A_81 = arith.constant 0 : i32
      %dma_start3A_82 = tpu.memref_slice %arg7[%dma_start3A_80, %dma_start3A_81] : memref<320x64xf32, #tpu.memory_space<vmem>> -> memref<80x64xf32, #tpu.memory_space<vmem>>
      %dma_start3A_83 = tpu.memref_slice %arg5[%add3A_79] : memref<10240xi32, #tpu.memory_space<vmem>> -> memref<80xi32, #tpu.memory_space<vmem>>
      %dma_start3A_84 = arith.constant 0 : i32
      %dma_start3A_85 = arith.constant 0 : i32
      %dma_start3A_86 = tpu.memref_slice %arg3[%dma_start3A_84, %dma_start3A_85] : memref<1000000x64xf32, #tpu.memory_space<hbm>> -> memref<1000000x64xf32, #tpu.memory_space<hbm>>
      tpu.enqueue_indirect_dma source(%dma_start3A_86 : memref<1000000x64xf32, #tpu.memory_space<hbm>>) target(%dma_start3A_82 : memref<80x64xf32, #tpu.memory_space<vmem>>) offsets(%dma_start3A_83 : memref<80xi32, #tpu.memory_space<vmem>>) semaphore(%arg9 : memref<!tpu.dma_semaphore, #tpu.memory_space<semaphore_mem>>)
      %add3A_87 = arith.constant 240 : i32
      %add3A_88 = arith.addi %mul3A_59, %add3A_87 : i32
      %dma_start3A_89 = arith.constant 240 : i32
      %dma_start3A_90 = arith.constant 0 : i32
      %dma_start3A_91 = tpu.memref_slice %arg7[%dma_start3A_89, %dma_start3A_90] : memref<320x64xf32, #tpu.memory_space<vmem>> -> memref<80x64xf32, #tpu.memory_space<vmem>>
      %dma_start3A_92 = tpu.memref_slice %arg5[%add3A_88] : memref<10240xi32, #tpu.memory_space<vmem>> -> memref<80xi32, #tpu.memory_space<vmem>>
      %dma_start3A_93 = arith.constant 0 : i32
      %dma_start3A_94 = arith.constant 0 : i32
      %dma_start3A_95 = tpu.memref_slice %arg3[%dma_start3A_93, %dma_start3A_94] : memref<1000000x64xf32, #tpu.memory_space<hbm>> -> memref<1000000x64xf32, #tpu.memory_space<hbm>>
      tpu.enqueue_indirect_dma source(%dma_start3A_95 : memref<1000000x64xf32, #tpu.memory_space<hbm>>) target(%dma_start3A_91 : memref<80x64xf32, #tpu.memory_space<vmem>>) offsets(%dma_start3A_92 : memref<80xi32, #tpu.memory_space<vmem>>) semaphore(%arg9 : memref<!tpu.dma_semaphore, #tpu.memory_space<semaphore_mem>>)
      %mul3A_96 = arith.constant 2 : i32
      %mul3A_97 = arith.muli %mul3A_96, %scan3A_11 : i32
      %add3A_98 = arith.constant 0 : i32
      %add3A_99 = arith.addi %mul3A_97, %add3A_98 : i32
      %dma_wait3A = arith.constant 0 : i32
      %dma_wait3A_100 = arith.constant 0 : i32
      %dma_wait3A_101 = tpu.memref_slice %arg6[%dma_wait3A, %dma_wait3A_100] : memref<320x64xf32, #tpu.memory_space<vmem>> -> memref<80x64xf32, #tpu.memory_space<vmem>>
      %dma_wait3A_102 = tpu.memref_slice %arg5[%add3A_20] : memref<10240xi32, #tpu.memory_space<vmem>> -> memref<80xi32, #tpu.memory_space<vmem>>
      %dma_wait3A_103 = arith.constant 0 : i32
      %dma_wait3A_104 = arith.constant 0 : i32
      %dma_wait3A_105 = tpu.memref_slice %arg3[%dma_wait3A_103, %dma_wait3A_104] : memref<1000000x64xf32, #tpu.memory_space<hbm>> -> memref<1000000x64xf32, #tpu.memory_space<hbm>>
      tpu.wait_indirect_dma semaphore(%arg9 : memref<!tpu.dma_semaphore, #tpu.memory_space<semaphore_mem>>) src(%dma_wait3A_105 : memref<1000000x64xf32, #tpu.memory_space<hbm>>) dst(%dma_wait3A_101 : memref<80x64xf32, #tpu.memory_space<vmem>>)
      %dma_wait3A_106 = arith.constant 80 : i32
      %dma_wait3A_107 = arith.constant 0 : i32
      %dma_wait3A_108 = tpu.memref_slice %arg6[%dma_wait3A_106, %dma_wait3A_107] : memref<320x64xf32, #tpu.memory_space<vmem>> -> memref<80x64xf32, #tpu.memory_space<vmem>>
      %dma_wait3A_109 = tpu.memref_slice %arg5[%add3A_28] : memref<10240xi32, #tpu.memory_space<vmem>> -> memref<80xi32, #tpu.memory_space<vmem>>
      %dma_wait3A_110 = arith.constant 0 : i32
      %dma_wait3A_111 = arith.constant 0 : i32
      %dma_wait3A_112 = tpu.memref_slice %arg3[%dma_wait3A_110, %dma_wait3A_111] : memref<1000000x64xf32, #tpu.memory_space<hbm>> -> memref<1000000x64xf32, #tpu.memory_space<hbm>>
      tpu.wait_indirect_dma semaphore(%arg9 : memref<!tpu.dma_semaphore, #tpu.memory_space<semaphore_mem>>) src(%dma_wait3A_112 : memref<1000000x64xf32, #tpu.memory_space<hbm>>) dst(%dma_wait3A_108 : memref<80x64xf32, #tpu.memory_space<vmem>>)
      %dma_wait3A_113 = arith.constant 160 : i32
      %dma_wait3A_114 = arith.constant 0 : i32
      %dma_wait3A_115 = tpu.memref_slice %arg6[%dma_wait3A_113, %dma_wait3A_114] : memref<320x64xf32, #tpu.memory_space<vmem>> -> memref<80x64xf32, #tpu.memory_space<vmem>>
      %dma_wait3A_116 = tpu.memref_slice %arg5[%add3A_37] : memref<10240xi32, #tpu.memory_space<vmem>> -> memref<80xi32, #tpu.memory_space<vmem>>
      %dma_wait3A_117 = arith.constant 0 : i32
      %dma_wait3A_118 = arith.constant 0 : i32
      %dma_wait3A_119 = tpu.memref_slice %arg3[%dma_wait3A_117, %dma_wait3A_118] : memref<1000000x64xf32, #tpu.memory_space<hbm>> -> memref<1000000x64xf32, #tpu.memory_space<hbm>>
      tpu.wait_indirect_dma semaphore(%arg9 : memref<!tpu.dma_semaphore, #tpu.memory_space<semaphore_mem>>) src(%dma_wait3A_119 : memref<1000000x64xf32, #tpu.memory_space<hbm>>) dst(%dma_wait3A_115 : memref<80x64xf32, #tpu.memory_space<vmem>>)
      %dma_wait3A_120 = arith.constant 240 : i32
      %dma_wait3A_121 = arith.constant 0 : i32
      %dma_wait3A_122 = tpu.memref_slice %arg6[%dma_wait3A_120, %dma_wait3A_121] : memref<320x64xf32, #tpu.memory_space<vmem>> -> memref<80x64xf32, #tpu.memory_space<vmem>>
      %dma_wait3A_123 = tpu.memref_slice %arg5[%add3A_46] : memref<10240xi32, #tpu.memory_space<vmem>> -> memref<80xi32, #tpu.memory_space<vmem>>
      %dma_wait3A_124 = arith.constant 0 : i32
      %dma_wait3A_125 = arith.constant 0 : i32
      %dma_wait3A_126 = tpu.memref_slice %arg3[%dma_wait3A_124, %dma_wait3A_125] : memref<1000000x64xf32, #tpu.memory_space<hbm>> -> memref<1000000x64xf32, #tpu.memory_space<hbm>>
      tpu.wait_indirect_dma semaphore(%arg9 : memref<!tpu.dma_semaphore, #tpu.memory_space<semaphore_mem>>) src(%dma_wait3A_126 : memref<1000000x64xf32, #tpu.memory_space<hbm>>) dst(%dma_wait3A_122 : memref<80x64xf32, #tpu.memory_space<vmem>>)
      %scan3A_127 = arith.constant 0 : i32
      %scan3A_128 = arith.constant 0 : i32
      %scan3A_129 = arith.constant 16 : i32
      %scan3A_130 = arith.addi %scan3A_128, %scan3A_129 : i32
      %scan3A_131 = arith.constant 1 : i32
      %scan3A_132 = scf.for %scan3A_174 = %scan3A_128 to %scan3A_130 step %scan3A_131 iter_args(%scan3A_175 = %scan3A_127) -> (i32)  : i32 {
        %mul3A_176 = arith.constant 20 : i32
        %mul3A_177 = arith.muli %scan3A_174, %mul3A_176 : i32
        %broadcast_in_dim3A = arith.constant 0.000000e+00 : f32
        %broadcast_in_dim3A_178 = vector.broadcast %broadcast_in_dim3A : f32 to vector<16xf32>
        %broadcast_in_dim3A_179 = arith.constant 0.000000e+00 : f32
        %broadcast_in_dim3A_180 = vector.broadcast %broadcast_in_dim3A_179 : f32 to vector<16xf32>
        %broadcast_in_dim3A_181 = arith.constant 0.000000e+00 : f32
        %broadcast_in_dim3A_182 = vector.broadcast %broadcast_in_dim3A_181 : f32 to vector<16xf32>
        %broadcast_in_dim3A_183 = arith.constant 0.000000e+00 : f32
        %broadcast_in_dim3A_184 = vector.broadcast %broadcast_in_dim3A_183 : f32 to vector<16xf32>
        %add3A_185 = arith.constant 0 : i32
        %add3A_186 = arith.addi %mul3A_177, %add3A_185 : i32
        %get3A = arith.index_cast %add3A_186 : i32 to index
        %get3A_187 = arith.constant 0 : index
        %get3A_188 = tpu.vector_load %arg6[%get3A, %get3A_187] {strides = array<i32>} : memref<320x64xf32, #tpu.memory_space<vmem>>, vector<1x16xf32>,
        %get3A_189 = vector.shape_cast %get3A_188 : vector<1x16xf32> to vector<16xf32>
        %add3A_190 = arith.addf %broadcast_in_dim3A_178, %get3A_189 : vector<16xf32>
        %add3A_191 = arith.constant 0 : i32
        %add3A_192 = arith.addi %mul3A_177, %add3A_191 : i32
        %get3A_193 = arith.index_cast %add3A_192 : i32 to index
        %get3A_194 = arith.constant 16 : index
        %get3A_195 = tpu.vector_load %arg6[%get3A_193, %get3A_194] {strides = array<i32>} : memref<320x64xf32, #tpu.memory_space<vmem>>, vector<1x16xf32>,
        %get3A_196 = vector.shape_cast %get3A_195 : vector<1x16xf32> to vector<16xf32>
        %add3A_197 = arith.addf %broadcast_in_dim3A_180, %get3A_196 : vector<16xf32>
        %add3A_198 = arith.constant 0 : i32
        %add3A_199 = arith.addi %mul3A_177, %add3A_198 : i32
        %get3A_200 = arith.index_cast %add3A_199 : i32 to index
        %get3A_201 = arith.constant 32 : index
        %get3A_202 = tpu.vector_load %arg6[%get3A_200, %get3A_201] {strides = array<i32>} : memref<320x64xf32, #tpu.memory_space<vmem>>, vector<1x16xf32>,
        %get3A_203 = vector.shape_cast %get3A_202 : vector<1x16xf32> to vector<16xf32>
        %add3A_204 = arith.addf %broadcast_in_dim3A_182, %get3A_203 : vector<16xf32>
        %add3A_205 = arith.constant 0 : i32
        %add3A_206 = arith.addi %mul3A_177, %add3A_205 : i32
        %get3A_207 = arith.index_cast %add3A_206 : i32 to index
        %get3A_208 = arith.constant 48 : index
        %get3A_209 = tpu.vector_load %arg6[%get3A_207, %get3A_208] {strides = array<i32>} : memref<320x64xf32, #tpu.memory_space<vmem>>, vector<1x16xf32>,
        %get3A_210 = vector.shape_cast %get3A_209 : vector<1x16xf32> to vector<16xf32>
        %add3A_211 = arith.addf %broadcast_in_dim3A_184, %get3A_210 : vector<16xf32>
        %add3A_212 = arith.constant 1 : i32
        %add3A_213 = arith.addi %mul3A_177, %add3A_212 : i32
        %get3A_214 = arith.index_cast %add3A_213 : i32 to index
        %get3A_215 = arith.constant 0 : index
        %get3A_216 = tpu.vector_load %arg6[%get3A_214, %get3A_215] {strides = array<i32>} : memref<320x64xf32, #tpu.memory_space<vmem>>, vector<1x16xf32>,
        %get3A_217 = vector.shape_cast %get3A_216 : vector<1x16xf32> to vector<16xf32>
        %add3A_218 = arith.addf %add3A_190, %get3A_217 : vector<16xf32>
        %add3A_219 = arith.constant 1 : i32
        %add3A_220 = arith.addi %mul3A_177, %add3A_219 : i32
        %get3A_221 = arith.index_cast %add3A_220 : i32 to index
        %get3A_222 = arith.constant 16 : index
        %get3A_223 = tpu.vector_load %arg6[%get3A_221, %get3A_222] {strides = array<i32>} : memref<320x64xf32, #tpu.memory_space<vmem>>, vector<1x16xf32>,
        %get3A_224 = vector.shape_cast %get3A_223 : vector<1x16xf32> to vector<16xf32>
        %add3A_225 = arith.addf %add3A_197, %get3A_224 : vector<16xf32>
        %add3A_226 = arith.constant 1 : i32
        %add3A_227 = arith.addi %mul3A_177, %add3A_226 : i32
        %get3A_228 = arith.index_cast %add3A_227 : i32 to index
        %get3A_229 = arith.constant 32 : index
        %get3A_230 = tpu.vector_load %arg6[%get3A_228, %get3A_229] {strides = array<i32>} : memref<320x64xf32, #tpu.memory_space<vmem>>, vector<1x16xf32>,
        %get3A_231 = vector.shape_cast %get3A_230 : vector<1x16xf32> to vector<16xf32>
        %add3A_232 = arith.addf %add3A_204, %get3A_231 : vector<16xf32>
        %add3A_233 = arith.constant 1 : i32
        %add3A_234 = arith.addi %mul3A_177, %add3A_233 : i32
        %get3A_235 = arith.index_cast %add3A_234 : i32 to index
        %get3A_236 = arith.constant 48 : index
        %get3A_237 = tpu.vector_load %arg6[%get3A_235, %get3A_236] {strides = array<i32>} : memref<320x64xf32, #tpu.memory_space<vmem>>, vector<1x16xf32>,
        %get3A_238 = vector.shape_cast %get3A_237 : vector<1x16xf32> to vector<16xf32>
        %add3A_239 = arith.addf %add3A_211, %get3A_238 : vector<16xf32>
        %add3A_240 = arith.constant 2 : i32
        %add3A_241 = arith.addi %mul3A_177, %add3A_240 : i32
        %get3A_242 = arith.index_cast %add3A_241 : i32 to index
        %get3A_243 = arith.constant 0 : index
        %get3A_244 = tpu.vector_load %arg6[%get3A_242, %get3A_243] {strides = array<i32>} : memref<320x64xf32, #tpu.memory_space<vmem>>, vector<1x16xf32>,
        %get3A_245 = vector.shape_cast %get3A_244 : vector<1x16xf32> to vector<16xf32>
        %add3A_246 = arith.addf %add3A_218, %get3A_245 : vector<16xf32>
        %add3A_247 = arith.constant 2 : i32
        %add3A_248 = arith.addi %mul3A_177, %add3A_247 : i32
        %get3A_249 = arith.index_cast %add3A_248 : i32 to index
        %get3A_250 = arith.constant 16 : index
        %get3A_251 = tpu.vector_load %arg6[%get3A_249, %get3A_250] {strides = array<i32>} : memref<320x64xf32, #tpu.memory_space<vmem>>, vector<1x16xf32>,
        %get3A_252 = vector.shape_cast %get3A_251 : vector<1x16xf32> to vector<16xf32>
        %add3A_253 = arith.addf %add3A_225, %get3A_252 : vector<16xf32>
        %add3A_254 = arith.constant 2 : i32
        %add3A_255 = arith.addi %mul3A_177, %add3A_254 : i32
        %get3A_256 = arith.index_cast %add3A_255 : i32 to index
        %get3A_257 = arith.constant 32 : index
        %get3A_258 = tpu.vector_load %arg6[%get3A_256, %get3A_257] {strides = array<i32>} : memref<320x64xf32, #tpu.memory_space<vmem>>, vector<1x16xf32>,
        %get3A_259 = vector.shape_cast %get3A_258 : vector<1x16xf32> to vector<16xf32>
        %add3A_260 = arith.addf %add3A_232, %get3A_259 : vector<16xf32>
        %add3A_261 = arith.constant 2 : i32
        %add3A_262 = arith.addi %mul3A_177, %add3A_261 : i32
        %get3A_263 = arith.index_cast %add3A_262 : i32 to index
        %get3A_264 = arith.constant 48 : index
        %get3A_265 = tpu.vector_load %arg6[%get3A_263, %get3A_264] {strides = array<i32>} : memref<320x64xf32, #tpu.memory_space<vmem>>, vector<1x16xf32>,
        %get3A_266 = vector.shape_cast %get3A_265 : vector<1x16xf32> to vector<16xf32>
        %add3A_267 = arith.addf %add3A_239, %get3A_266 : vector<16xf32>
        %add3A_268 = arith.constant 3 : i32
        %add3A_269 = arith.addi %mul3A_177, %add3A_268 : i32
        %get3A_270 = arith.index_cast %add3A_269 : i32 to index
        %get3A_271 = arith.constant 0 : index
        %get3A_272 = tpu.vector_load %arg6[%get3A_270, %get3A_271] {strides = array<i32>} : memref<320x64xf32, #tpu.memory_space<vmem>>, vector<1x16xf32>,
        %get3A_273 = vector.shape_cast %get3A_272 : vector<1x16xf32> to vector<16xf32>
        %add3A_274 = arith.addf %add3A_246, %get3A_273 : vector<16xf32>
        %add3A_275 = arith.constant 3 : i32
        %add3A_276 = arith.addi %mul3A_177, %add3A_275 : i32
        %get3A_277 = arith.index_cast %add3A_276 : i32 to index
        %get3A_278 = arith.constant 16 : index
        %get3A_279 = tpu.vector_load %arg6[%get3A_277, %get3A_278] {strides = array<i32>} : memref<320x64xf32, #tpu.memory_space<vmem>>, vector<1x16xf32>,
        %get3A_280 = vector.shape_cast %get3A_279 : vector<1x16xf32> to vector<16xf32>
        %add3A_281 = arith.addf %add3A_253, %get3A_280 : vector<16xf32>
        %add3A_282 = arith.constant 3 : i32
        %add3A_283 = arith.addi %mul3A_177, %add3A_282 : i32
        %get3A_284 = arith.index_cast %add3A_283 : i32 to index
        %get3A_285 = arith.constant 32 : index
        %get3A_286 = tpu.vector_load %arg6[%get3A_284, %get3A_285] {strides = array<i32>} : memref<320x64xf32, #tpu.memory_space<vmem>>, vector<1x16xf32>,
        %get3A_287 = vector.shape_cast %get3A_286 : vector<1x16xf32> to vector<16xf32>
        %add3A_288 = arith.addf %add3A_260, %get3A_287 : vector<16xf32>
        %add3A_289 = arith.constant 3 : i32
        %add3A_290 = arith.addi %mul3A_177, %add3A_289 : i32
        %get3A_291 = arith.index_cast %add3A_290 : i32 to index
        %get3A_292 = arith.constant 48 : index
        %get3A_293 = tpu.vector_load %arg6[%get3A_291, %get3A_292] {strides = array<i32>} : memref<320x64xf32, #tpu.memory_space<vmem>>, vector<1x16xf32>,
        %get3A_294 = vector.shape_cast %get3A_293 : vector<1x16xf32> to vector<16xf32>
        %add3A_295 = arith.addf %add3A_267, %get3A_294 : vector<16xf32>
        %add3A_296 = arith.constant 4 : i32
        %add3A_297 = arith.addi %mul3A_177, %add3A_296 : i32
        %get3A_298 = arith.index_cast %add3A_297 : i32 to index
        %get3A_299 = arith.constant 0 : index
        %get3A_300 = tpu.vector_load %arg6[%get3A_298, %get3A_299] {strides = array<i32>} : memref<320x64xf32, #tpu.memory_space<vmem>>, vector<1x16xf32>,
        %get3A_301 = vector.shape_cast %get3A_300 : vector<1x16xf32> to vector<16xf32>
        %add3A_302 = arith.addf %add3A_274, %get3A_301 : vector<16xf32>
        %add3A_303 = arith.constant 4 : i32
        %add3A_304 = arith.addi %mul3A_177, %add3A_303 : i32
        %get3A_305 = arith.index_cast %add3A_304 : i32 to index
        %get3A_306 = arith.constant 16 : index
        %get3A_307 = tpu.vector_load %arg6[%get3A_305, %get3A_306] {strides = array<i32>} : memref<320x64xf32, #tpu.memory_space<vmem>>, vector<1x16xf32>,
        %get3A_308 = vector.shape_cast %get3A_307 : vector<1x16xf32> to vector<16xf32>
        %add3A_309 = arith.addf %add3A_281, %get3A_308 : vector<16xf32>
        %add3A_310 = arith.constant 4 : i32
        %add3A_311 = arith.addi %mul3A_177, %add3A_310 : i32
        %get3A_312 = arith.index_cast %add3A_311 : i32 to index
        %get3A_313 = arith.constant 32 : index
        %get3A_314 = tpu.vector_load %arg6[%get3A_312, %get3A_313] {strides = array<i32>} : memref<320x64xf32, #tpu.memory_space<vmem>>, vector<1x16xf32>,
        %get3A_315 = vector.shape_cast %get3A_314 : vector<1x16xf32> to vector<16xf32>
        %add3A_316 = arith.addf %add3A_288, %get3A_315 : vector<16xf32>
        %add3A_317 = arith.constant 4 : i32
        %add3A_318 = arith.addi %mul3A_177, %add3A_317 : i32
        %get3A_319 = arith.index_cast %add3A_318 : i32 to index
        %get3A_320 = arith.constant 48 : index
        %get3A_321 = tpu.vector_load %arg6[%get3A_319, %get3A_320] {strides = array<i32>} : memref<320x64xf32, #tpu.memory_space<vmem>>, vector<1x16xf32>,
        %get3A_322 = vector.shape_cast %get3A_321 : vector<1x16xf32> to vector<16xf32>
        %add3A_323 = arith.addf %add3A_295, %get3A_322 : vector<16xf32>
        %add3A_324 = arith.constant 5 : i32
        %add3A_325 = arith.addi %mul3A_177, %add3A_324 : i32
        %get3A_326 = arith.index_cast %add3A_325 : i32 to index
        %get3A_327 = arith.constant 0 : index
        %get3A_328 = tpu.vector_load %arg6[%get3A_326, %get3A_327] {strides = array<i32>} : memref<320x64xf32, #tpu.memory_space<vmem>>, vector<1x16xf32>,
        %get3A_329 = vector.shape_cast %get3A_328 : vector<1x16xf32> to vector<16xf32>
        %add3A_330 = arith.addf %add3A_302, %get3A_329 : vector<16xf32>
        %add3A_331 = arith.constant 5 : i32
        %add3A_332 = arith.addi %mul3A_177, %add3A_331 : i32
        %get3A_333 = arith.index_cast %add3A_332 : i32 to index
        %get3A_334 = arith.constant 16 : index
        %get3A_335 = tpu.vector_load %arg6[%get3A_333, %get3A_334] {strides = array<i32>} : memref<320x64xf32, #tpu.memory_space<vmem>>, vector<1x16xf32>,
        %get3A_336 = vector.shape_cast %get3A_335 : vector<1x16xf32> to vector<16xf32>
        %add3A_337 = arith.addf %add3A_309, %get3A_336 : vector<16xf32>
        %add3A_338 = arith.constant 5 : i32
        %add3A_339 = arith.addi %mul3A_177, %add3A_338 : i32
        %get3A_340 = arith.index_cast %add3A_339 : i32 to index
        %get3A_341 = arith.constant 32 : index
        %get3A_342 = tpu.vector_load %arg6[%get3A_340, %get3A_341] {strides = array<i32>} : memref<320x64xf32, #tpu.memory_space<vmem>>, vector<1x16xf32>,
        %get3A_343 = vector.shape_cast %get3A_342 : vector<1x16xf32> to vector<16xf32>
        %add3A_344 = arith.addf %add3A_316, %get3A_343 : vector<16xf32>
        %add3A_345 = arith.constant 5 : i32
        %add3A_346 = arith.addi %mul3A_177, %add3A_345 : i32
        %get3A_347 = arith.index_cast %add3A_346 : i32 to index
        %get3A_348 = arith.constant 48 : index
        %get3A_349 = tpu.vector_load %arg6[%get3A_347, %get3A_348] {strides = array<i32>} : memref<320x64xf32, #tpu.memory_space<vmem>>, vector<1x16xf32>,
        %get3A_350 = vector.shape_cast %get3A_349 : vector<1x16xf32> to vector<16xf32>
        %add3A_351 = arith.addf %add3A_323, %get3A_350 : vector<16xf32>
        %add3A_352 = arith.constant 6 : i32
        %add3A_353 = arith.addi %mul3A_177, %add3A_352 : i32
        %get3A_354 = arith.index_cast %add3A_353 : i32 to index
        %get3A_355 = arith.constant 0 : index
        %get3A_356 = tpu.vector_load %arg6[%get3A_354, %get3A_355] {strides = array<i32>} : memref<320x64xf32, #tpu.memory_space<vmem>>, vector<1x16xf32>,
        %get3A_357 = vector.shape_cast %get3A_356 : vector<1x16xf32> to vector<16xf32>
        %add3A_358 = arith.addf %add3A_330, %get3A_357 : vector<16xf32>
        %add3A_359 = arith.constant 6 : i32
        %add3A_360 = arith.addi %mul3A_177, %add3A_359 : i32
        %get3A_361 = arith.index_cast %add3A_360 : i32 to index
        %get3A_362 = arith.constant 16 : index
        %get3A_363 = tpu.vector_load %arg6[%get3A_361, %get3A_362] {strides = array<i32>} : memref<320x64xf32, #tpu.memory_space<vmem>>, vector<1x16xf32>,
        %get3A_364 = vector.shape_cast %get3A_363 : vector<1x16xf32> to vector<16xf32>
        %add3A_365 = arith.addf %add3A_337, %get3A_364 : vector<16xf32>
        %add3A_366 = arith.constant 6 : i32
        %add3A_367 = arith.addi %mul3A_177, %add3A_366 : i32
        %get3A_368 = arith.index_cast %add3A_367 : i32 to index
        %get3A_369 = arith.constant 32 : index
        %get3A_370 = tpu.vector_load %arg6[%get3A_368, %get3A_369] {strides = array<i32>} : memref<320x64xf32, #tpu.memory_space<vmem>>, vector<1x16xf32>,
        %get3A_371 = vector.shape_cast %get3A_370 : vector<1x16xf32> to vector<16xf32>
        %add3A_372 = arith.addf %add3A_344, %get3A_371 : vector<16xf32>
        %add3A_373 = arith.constant 6 : i32
        %add3A_374 = arith.addi %mul3A_177, %add3A_373 : i32
        %get3A_375 = arith.index_cast %add3A_374 : i32 to index
        %get3A_376 = arith.constant 48 : index
        %get3A_377 = tpu.vector_load %arg6[%get3A_375, %get3A_376] {strides = array<i32>} : memref<320x64xf32, #tpu.memory_space<vmem>>, vector<1x16xf32>,
        %get3A_378 = vector.shape_cast %get3A_377 : vector<1x16xf32> to vector<16xf32>
        %add3A_379 = arith.addf %add3A_351, %get3A_378 : vector<16xf32>
        %add3A_380 = arith.constant 7 : i32
        %add3A_381 = arith.addi %mul3A_177, %add3A_380 : i32
        %get3A_382 = arith.index_cast %add3A_381 : i32 to index
        %get3A_383 = arith.constant 0 : index
        %get3A_384 = tpu.vector_load %arg6[%get3A_382, %get3A_383] {strides = array<i32>} : memref<320x64xf32, #tpu.memory_space<vmem>>, vector<1x16xf32>,
        %get3A_385 = vector.shape_cast %get3A_384 : vector<1x16xf32> to vector<16xf32>
        %add3A_386 = arith.addf %add3A_358, %get3A_385 : vector<16xf32>
        %add3A_387 = arith.constant 7 : i32
        %add3A_388 = arith.addi %mul3A_177, %add3A_387 : i32
        %get3A_389 = arith.index_cast %add3A_388 : i32 to index
        %get3A_390 = arith.constant 16 : index
        %get3A_391 = tpu.vector_load %arg6[%get3A_389, %get3A_390] {strides = array<i32>} : memref<320x64xf32, #tpu.memory_space<vmem>>, vector<1x16xf32>,
        %get3A_392 = vector.shape_cast %get3A_391 : vector<1x16xf32> to vector<16xf32>
        %add3A_393 = arith.addf %add3A_365, %get3A_392 : vector<16xf32>
        %add3A_394 = arith.constant 7 : i32
        %add3A_395 = arith.addi %mul3A_177, %add3A_394 : i32
        %get3A_396 = arith.index_cast %add3A_395 : i32 to index
        %get3A_397 = arith.constant 32 : index
        %get3A_398 = tpu.vector_load %arg6[%get3A_396, %get3A_397] {strides = array<i32>} : memref<320x64xf32, #tpu.memory_space<vmem>>, vector<1x16xf32>,
        %get3A_399 = vector.shape_cast %get3A_398 : vector<1x16xf32> to vector<16xf32>
        %add3A_400 = arith.addf %add3A_372, %get3A_399 : vector<16xf32>
        %add3A_401 = arith.constant 7 : i32
        %add3A_402 = arith.addi %mul3A_177, %add3A_401 : i32
        %get3A_403 = arith.index_cast %add3A_402 : i32 to index
        %get3A_404 = arith.constant 48 : index
        %get3A_405 = tpu.vector_load %arg6[%get3A_403, %get3A_404] {strides = array<i32>} : memref<320x64xf32, #tpu.memory_space<vmem>>, vector<1x16xf32>,
        %get3A_406 = vector.shape_cast %get3A_405 : vector<1x16xf32> to vector<16xf32>
        %add3A_407 = arith.addf %add3A_379, %get3A_406 : vector<16xf32>
        %add3A_408 = arith.constant 8 : i32
        %add3A_409 = arith.addi %mul3A_177, %add3A_408 : i32
        %get3A_410 = arith.index_cast %add3A_409 : i32 to index
        %get3A_411 = arith.constant 0 : index
        %get3A_412 = tpu.vector_load %arg6[%get3A_410, %get3A_411] {strides = array<i32>} : memref<320x64xf32, #tpu.memory_space<vmem>>, vector<1x16xf32>,
        %get3A_413 = vector.shape_cast %get3A_412 : vector<1x16xf32> to vector<16xf32>
        %add3A_414 = arith.addf %add3A_386, %get3A_413 : vector<16xf32>
        %add3A_415 = arith.constant 8 : i32
        %add3A_416 = arith.addi %mul3A_177, %add3A_415 : i32
        %get3A_417 = arith.index_cast %add3A_416 : i32 to index
        %get3A_418 = arith.constant 16 : index
        %get3A_419 = tpu.vector_load %arg6[%get3A_417, %get3A_418] {strides = array<i32>} : memref<320x64xf32, #tpu.memory_space<vmem>>, vector<1x16xf32>,
        %get3A_420 = vector.shape_cast %get3A_419 : vector<1x16xf32> to vector<16xf32>
        %add3A_421 = arith.addf %add3A_393, %get3A_420 : vector<16xf32>
        %add3A_422 = arith.constant 8 : i32
        %add3A_423 = arith.addi %mul3A_177, %add3A_422 : i32
        %get3A_424 = arith.index_cast %add3A_423 : i32 to index
        %get3A_425 = arith.constant 32 : index
        %get3A_426 = tpu.vector_load %arg6[%get3A_424, %get3A_425] {strides = array<i32>} : memref<320x64xf32, #tpu.memory_space<vmem>>, vector<1x16xf32>,
        %get3A_427 = vector.shape_cast %get3A_426 : vector<1x16xf32> to vector<16xf32>
        %add3A_428 = arith.addf %add3A_400, %get3A_427 : vector<16xf32>
        %add3A_429 = arith.constant 8 : i32
        %add3A_430 = arith.addi %mul3A_177, %add3A_429 : i32
        %get3A_431 = arith.index_cast %add3A_430 : i32 to index
        %get3A_432 = arith.constant 48 : index
        %get3A_433 = tpu.vector_load %arg6[%get3A_431, %get3A_432] {strides = array<i32>} : memref<320x64xf32, #tpu.memory_space<vmem>>, vector<1x16xf32>,
        %get3A_434 = vector.shape_cast %get3A_433 : vector<1x16xf32> to vector<16xf32>
        %add3A_435 = arith.addf %add3A_407, %get3A_434 : vector<16xf32>
        %add3A_436 = arith.constant 9 : i32
        %add3A_437 = arith.addi %mul3A_177, %add3A_436 : i32
        %get3A_438 = arith.index_cast %add3A_437 : i32 to index
        %get3A_439 = arith.constant 0 : index
        %get3A_440 = tpu.vector_load %arg6[%get3A_438, %get3A_439] {strides = array<i32>} : memref<320x64xf32, #tpu.memory_space<vmem>>, vector<1x16xf32>,
        %get3A_441 = vector.shape_cast %get3A_440 : vector<1x16xf32> to vector<16xf32>
        %add3A_442 = arith.addf %add3A_414, %get3A_441 : vector<16xf32>
        %add3A_443 = arith.constant 9 : i32
        %add3A_444 = arith.addi %mul3A_177, %add3A_443 : i32
        %get3A_445 = arith.index_cast %add3A_444 : i32 to index
        %get3A_446 = arith.constant 16 : index
        %get3A_447 = tpu.vector_load %arg6[%get3A_445, %get3A_446] {strides = array<i32>} : memref<320x64xf32, #tpu.memory_space<vmem>>, vector<1x16xf32>,
        %get3A_448 = vector.shape_cast %get3A_447 : vector<1x16xf32> to vector<16xf32>
        %add3A_449 = arith.addf %add3A_421, %get3A_448 : vector<16xf32>
        %add3A_450 = arith.constant 9 : i32
        %add3A_451 = arith.addi %mul3A_177, %add3A_450 : i32
        %get3A_452 = arith.index_cast %add3A_451 : i32 to index
        %get3A_453 = arith.constant 32 : index
        %get3A_454 = tpu.vector_load %arg6[%get3A_452, %get3A_453] {strides = array<i32>} : memref<320x64xf32, #tpu.memory_space<vmem>>, vector<1x16xf32>,
        %get3A_455 = vector.shape_cast %get3A_454 : vector<1x16xf32> to vector<16xf32>
        %add3A_456 = arith.addf %add3A_428, %get3A_455 : vector<16xf32>
        %add3A_457 = arith.constant 9 : i32
        %add3A_458 = arith.addi %mul3A_177, %add3A_457 : i32
        %get3A_459 = arith.index_cast %add3A_458 : i32 to index
        %get3A_460 = arith.constant 48 : index
        %get3A_461 = tpu.vector_load %arg6[%get3A_459, %get3A_460] {strides = array<i32>} : memref<320x64xf32, #tpu.memory_space<vmem>>, vector<1x16xf32>,
        %get3A_462 = vector.shape_cast %get3A_461 : vector<1x16xf32> to vector<16xf32>
        %add3A_463 = arith.addf %add3A_435, %get3A_462 : vector<16xf32>
        %add3A_464 = arith.constant 10 : i32
        %add3A_465 = arith.addi %mul3A_177, %add3A_464 : i32
        %get3A_466 = arith.index_cast %add3A_465 : i32 to index
        %get3A_467 = arith.constant 0 : index
        %get3A_468 = tpu.vector_load %arg6[%get3A_466, %get3A_467] {strides = array<i32>} : memref<320x64xf32, #tpu.memory_space<vmem>>, vector<1x16xf32>,
        %get3A_469 = vector.shape_cast %get3A_468 : vector<1x16xf32> to vector<16xf32>
        %add3A_470 = arith.addf %add3A_442, %get3A_469 : vector<16xf32>
        %add3A_471 = arith.constant 10 : i32
        %add3A_472 = arith.addi %mul3A_177, %add3A_471 : i32
        %get3A_473 = arith.index_cast %add3A_472 : i32 to index
        %get3A_474 = arith.constant 16 : index
        %get3A_475 = tpu.vector_load %arg6[%get3A_473, %get3A_474] {strides = array<i32>} : memref<320x64xf32, #tpu.memory_space<vmem>>, vector<1x16xf32>,
        %get3A_476 = vector.shape_cast %get3A_475 : vector<1x16xf32> to vector<16xf32>
        %add3A_477 = arith.addf %add3A_449, %get3A_476 : vector<16xf32>
        %add3A_478 = arith.constant 10 : i32
        %add3A_479 = arith.addi %mul3A_177, %add3A_478 : i32
        %get3A_480 = arith.index_cast %add3A_479 : i32 to index
        %get3A_481 = arith.constant 32 : index
        %get3A_482 = tpu.vector_load %arg6[%get3A_480, %get3A_481] {strides = array<i32>} : memref<320x64xf32, #tpu.memory_space<vmem>>, vector<1x16xf32>,
        %get3A_483 = vector.shape_cast %get3A_482 : vector<1x16xf32> to vector<16xf32>
        %add3A_484 = arith.addf %add3A_456, %get3A_483 : vector<16xf32>
        %add3A_485 = arith.constant 10 : i32
        %add3A_486 = arith.addi %mul3A_177, %add3A_485 : i32
        %get3A_487 = arith.index_cast %add3A_486 : i32 to index
        %get3A_488 = arith.constant 48 : index
        %get3A_489 = tpu.vector_load %arg6[%get3A_487, %get3A_488] {strides = array<i32>} : memref<320x64xf32, #tpu.memory_space<vmem>>, vector<1x16xf32>,
        %get3A_490 = vector.shape_cast %get3A_489 : vector<1x16xf32> to vector<16xf32>
        %add3A_491 = arith.addf %add3A_463, %get3A_490 : vector<16xf32>
        %add3A_492 = arith.constant 11 : i32
        %add3A_493 = arith.addi %mul3A_177, %add3A_492 : i32
        %get3A_494 = arith.index_cast %add3A_493 : i32 to index
        %get3A_495 = arith.constant 0 : index
        %get3A_496 = tpu.vector_load %arg6[%get3A_494, %get3A_495] {strides = array<i32>} : memref<320x64xf32, #tpu.memory_space<vmem>>, vector<1x16xf32>,
        %get3A_497 = vector.shape_cast %get3A_496 : vector<1x16xf32> to vector<16xf32>
        %add3A_498 = arith.addf %add3A_470, %get3A_497 : vector<16xf32>
        %add3A_499 = arith.constant 11 : i32
        %add3A_500 = arith.addi %mul3A_177, %add3A_499 : i32
        %get3A_501 = arith.index_cast %add3A_500 : i32 to index
        %get3A_502 = arith.constant 16 : index
        %get3A_503 = tpu.vector_load %arg6[%get3A_501, %get3A_502] {strides = array<i32>} : memref<320x64xf32, #tpu.memory_space<vmem>>, vector<1x16xf32>,
        %get3A_504 = vector.shape_cast %get3A_503 : vector<1x16xf32> to vector<16xf32>
        %add3A_505 = arith.addf %add3A_477, %get3A_504 : vector<16xf32>
        %add3A_506 = arith.constant 11 : i32
        %add3A_507 = arith.addi %mul3A_177, %add3A_506 : i32
        %get3A_508 = arith.index_cast %add3A_507 : i32 to index
        %get3A_509 = arith.constant 32 : index
        %get3A_510 = tpu.vector_load %arg6[%get3A_508, %get3A_509] {strides = array<i32>} : memref<320x64xf32, #tpu.memory_space<vmem>>, vector<1x16xf32>,
        %get3A_511 = vector.shape_cast %get3A_510 : vector<1x16xf32> to vector<16xf32>
        %add3A_512 = arith.addf %add3A_484, %get3A_511 : vector<16xf32>
        %add3A_513 = arith.constant 11 : i32
        %add3A_514 = arith.addi %mul3A_177, %add3A_513 : i32
        %get3A_515 = arith.index_cast %add3A_514 : i32 to index
        %get3A_516 = arith.constant 48 : index
        %get3A_517 = tpu.vector_load %arg6[%get3A_515, %get3A_516] {strides = array<i32>} : memref<320x64xf32, #tpu.memory_space<vmem>>, vector<1x16xf32>,
        %get3A_518 = vector.shape_cast %get3A_517 : vector<1x16xf32> to vector<16xf32>
        %add3A_519 = arith.addf %add3A_491, %get3A_518 : vector<16xf32>
        %add3A_520 = arith.constant 12 : i32
        %add3A_521 = arith.addi %mul3A_177, %add3A_520 : i32
        %get3A_522 = arith.index_cast %add3A_521 : i32 to index
        %get3A_523 = arith.constant 0 : index
        %get3A_524 = tpu.vector_load %arg6[%get3A_522, %get3A_523] {strides = array<i32>} : memref<320x64xf32, #tpu.memory_space<vmem>>, vector<1x16xf32>,
        %get3A_525 = vector.shape_cast %get3A_524 : vector<1x16xf32> to vector<16xf32>
        %add3A_526 = arith.addf %add3A_498, %get3A_525 : vector<16xf32>
        %add3A_527 = arith.constant 12 : i32
        %add3A_528 = arith.addi %mul3A_177, %add3A_527 : i32
        %get3A_529 = arith.index_cast %add3A_528 : i32 to index
        %get3A_530 = arith.constant 16 : index
        %get3A_531 = tpu.vector_load %arg6[%get3A_529, %get3A_530] {strides = array<i32>} : memref<320x64xf32, #tpu.memory_space<vmem>>, vector<1x16xf32>,
        %get3A_532 = vector.shape_cast %get3A_531 : vector<1x16xf32> to vector<16xf32>
        %add3A_533 = arith.addf %add3A_505, %get3A_532 : vector<16xf32>
        %add3A_534 = arith.constant 12 : i32
        %add3A_535 = arith.addi %mul3A_177, %add3A_534 : i32
        %get3A_536 = arith.index_cast %add3A_535 : i32 to index
        %get3A_537 = arith.constant 32 : index
        %get3A_538 = tpu.vector_load %arg6[%get3A_536, %get3A_537] {strides = array<i32>} : memref<320x64xf32, #tpu.memory_space<vmem>>, vector<1x16xf32>,
        %get3A_539 = vector.shape_cast %get3A_538 : vector<1x16xf32> to vector<16xf32>
        %add3A_540 = arith.addf %add3A_512, %get3A_539 : vector<16xf32>
        %add3A_541 = arith.constant 12 : i32
        %add3A_542 = arith.addi %mul3A_177, %add3A_541 : i32
        %get3A_543 = arith.index_cast %add3A_542 : i32 to index
        %get3A_544 = arith.constant 48 : index
        %get3A_545 = tpu.vector_load %arg6[%get3A_543, %get3A_544] {strides = array<i32>} : memref<320x64xf32, #tpu.memory_space<vmem>>, vector<1x16xf32>,
        %get3A_546 = vector.shape_cast %get3A_545 : vector<1x16xf32> to vector<16xf32>
        %add3A_547 = arith.addf %add3A_519, %get3A_546 : vector<16xf32>
        %add3A_548 = arith.constant 13 : i32
        %add3A_549 = arith.addi %mul3A_177, %add3A_548 : i32
        %get3A_550 = arith.index_cast %add3A_549 : i32 to index
        %get3A_551 = arith.constant 0 : index
        %get3A_552 = tpu.vector_load %arg6[%get3A_550, %get3A_551] {strides = array<i32>} : memref<320x64xf32, #tpu.memory_space<vmem>>, vector<1x16xf32>,
        %get3A_553 = vector.shape_cast %get3A_552 : vector<1x16xf32> to vector<16xf32>
        %add3A_554 = arith.addf %add3A_526, %get3A_553 : vector<16xf32>
        %add3A_555 = arith.constant 13 : i32
        %add3A_556 = arith.addi %mul3A_177, %add3A_555 : i32
        %get3A_557 = arith.index_cast %add3A_556 : i32 to index
        %get3A_558 = arith.constant 16 : index
        %get3A_559 = tpu.vector_load %arg6[%get3A_557, %get3A_558] {strides = array<i32>} : memref<320x64xf32, #tpu.memory_space<vmem>>, vector<1x16xf32>,
        %get3A_560 = vector.shape_cast %get3A_559 : vector<1x16xf32> to vector<16xf32>
        %add3A_561 = arith.addf %add3A_533, %get3A_560 : vector<16xf32>
        %add3A_562 = arith.constant 13 : i32
        %add3A_563 = arith.addi %mul3A_177, %add3A_562 : i32
        %get3A_564 = arith.index_cast %add3A_563 : i32 to index
        %get3A_565 = arith.constant 32 : index
        %get3A_566 = tpu.vector_load %arg6[%get3A_564, %get3A_565] {strides = array<i32>} : memref<320x64xf32, #tpu.memory_space<vmem>>, vector<1x16xf32>,
        %get3A_567 = vector.shape_cast %get3A_566 : vector<1x16xf32> to vector<16xf32>
        %add3A_568 = arith.addf %add3A_540, %get3A_567 : vector<16xf32>
        %add3A_569 = arith.constant 13 : i32
        %add3A_570 = arith.addi %mul3A_177, %add3A_569 : i32
        %get3A_571 = arith.index_cast %add3A_570 : i32 to index
        %get3A_572 = arith.constant 48 : index
        %get3A_573 = tpu.vector_load %arg6[%get3A_571, %get3A_572] {strides = array<i32>} : memref<320x64xf32, #tpu.memory_space<vmem>>, vector<1x16xf32>,
        %get3A_574 = vector.shape_cast %get3A_573 : vector<1x16xf32> to vector<16xf32>
        %add3A_575 = arith.addf %add3A_547, %get3A_574 : vector<16xf32>
        %add3A_576 = arith.constant 14 : i32
        %add3A_577 = arith.addi %mul3A_177, %add3A_576 : i32
        %get3A_578 = arith.index_cast %add3A_577 : i32 to index
        %get3A_579 = arith.constant 0 : index
        %get3A_580 = tpu.vector_load %arg6[%get3A_578, %get3A_579] {strides = array<i32>} : memref<320x64xf32, #tpu.memory_space<vmem>>, vector<1x16xf32>,
        %get3A_581 = vector.shape_cast %get3A_580 : vector<1x16xf32> to vector<16xf32>
        %add3A_582 = arith.addf %add3A_554, %get3A_581 : vector<16xf32>
        %add3A_583 = arith.constant 14 : i32
        %add3A_584 = arith.addi %mul3A_177, %add3A_583 : i32
        %get3A_585 = arith.index_cast %add3A_584 : i32 to index
        %get3A_586 = arith.constant 16 : index
        %get3A_587 = tpu.vector_load %arg6[%get3A_585, %get3A_586] {strides = array<i32>} : memref<320x64xf32, #tpu.memory_space<vmem>>, vector<1x16xf32>,
        %get3A_588 = vector.shape_cast %get3A_587 : vector<1x16xf32> to vector<16xf32>
        %add3A_589 = arith.addf %add3A_561, %get3A_588 : vector<16xf32>
        %add3A_590 = arith.constant 14 : i32
        %add3A_591 = arith.addi %mul3A_177, %add3A_590 : i32
        %get3A_592 = arith.index_cast %add3A_591 : i32 to index
        %get3A_593 = arith.constant 32 : index
        %get3A_594 = tpu.vector_load %arg6[%get3A_592, %get3A_593] {strides = array<i32>} : memref<320x64xf32, #tpu.memory_space<vmem>>, vector<1x16xf32>,
        %get3A_595 = vector.shape_cast %get3A_594 : vector<1x16xf32> to vector<16xf32>
        %add3A_596 = arith.addf %add3A_568, %get3A_595 : vector<16xf32>
        %add3A_597 = arith.constant 14 : i32
        %add3A_598 = arith.addi %mul3A_177, %add3A_597 : i32
        %get3A_599 = arith.index_cast %add3A_598 : i32 to index
        %get3A_600 = arith.constant 48 : index
        %get3A_601 = tpu.vector_load %arg6[%get3A_599, %get3A_600] {strides = array<i32>} : memref<320x64xf32, #tpu.memory_space<vmem>>, vector<1x16xf32>,
        %get3A_602 = vector.shape_cast %get3A_601 : vector<1x16xf32> to vector<16xf32>
        %add3A_603 = arith.addf %add3A_575, %get3A_602 : vector<16xf32>
        %add3A_604 = arith.constant 15 : i32
        %add3A_605 = arith.addi %mul3A_177, %add3A_604 : i32
        %get3A_606 = arith.index_cast %add3A_605 : i32 to index
        %get3A_607 = arith.constant 0 : index
        %get3A_608 = tpu.vector_load %arg6[%get3A_606, %get3A_607] {strides = array<i32>} : memref<320x64xf32, #tpu.memory_space<vmem>>, vector<1x16xf32>,
        %get3A_609 = vector.shape_cast %get3A_608 : vector<1x16xf32> to vector<16xf32>
        %add3A_610 = arith.addf %add3A_582, %get3A_609 : vector<16xf32>
        %add3A_611 = arith.constant 15 : i32
        %add3A_612 = arith.addi %mul3A_177, %add3A_611 : i32
        %get3A_613 = arith.index_cast %add3A_612 : i32 to index
        %get3A_614 = arith.constant 16 : index
        %get3A_615 = tpu.vector_load %arg6[%get3A_613, %get3A_614] {strides = array<i32>} : memref<320x64xf32, #tpu.memory_space<vmem>>, vector<1x16xf32>,
        %get3A_616 = vector.shape_cast %get3A_615 : vector<1x16xf32> to vector<16xf32>
        %add3A_617 = arith.addf %add3A_589, %get3A_616 : vector<16xf32>
        %add3A_618 = arith.constant 15 : i32
        %add3A_619 = arith.addi %mul3A_177, %add3A_618 : i32
        %get3A_620 = arith.index_cast %add3A_619 : i32 to index
        %get3A_621 = arith.constant 32 : index
        %get3A_622 = tpu.vector_load %arg6[%get3A_620, %get3A_621] {strides = array<i32>} : memref<320x64xf32, #tpu.memory_space<vmem>>, vector<1x16xf32>,
        %get3A_623 = vector.shape_cast %get3A_622 : vector<1x16xf32> to vector<16xf32>
        %add3A_624 = arith.addf %add3A_596, %get3A_623 : vector<16xf32>
        %add3A_625 = arith.constant 15 : i32
        %add3A_626 = arith.addi %mul3A_177, %add3A_625 : i32
        %get3A_627 = arith.index_cast %add3A_626 : i32 to index
        %get3A_628 = arith.constant 48 : index
        %get3A_629 = tpu.vector_load %arg6[%get3A_627, %get3A_628] {strides = array<i32>} : memref<320x64xf32, #tpu.memory_space<vmem>>, vector<1x16xf32>,
        %get3A_630 = vector.shape_cast %get3A_629 : vector<1x16xf32> to vector<16xf32>
        %add3A_631 = arith.addf %add3A_603, %get3A_630 : vector<16xf32>
        %add3A_632 = arith.constant 16 : i32
        %add3A_633 = arith.addi %mul3A_177, %add3A_632 : i32
        %get3A_634 = arith.index_cast %add3A_633 : i32 to index
        %get3A_635 = arith.constant 0 : index
        %get3A_636 = tpu.vector_load %arg6[%get3A_634, %get3A_635] {strides = array<i32>} : memref<320x64xf32, #tpu.memory_space<vmem>>, vector<1x16xf32>,
        %get3A_637 = vector.shape_cast %get3A_636 : vector<1x16xf32> to vector<16xf32>
        %add3A_638 = arith.addf %add3A_610, %get3A_637 : vector<16xf32>
        %add3A_639 = arith.constant 16 : i32
        %add3A_640 = arith.addi %mul3A_177, %add3A_639 : i32
        %get3A_641 = arith.index_cast %add3A_640 : i32 to index
        %get3A_642 = arith.constant 16 : index
        %get3A_643 = tpu.vector_load %arg6[%get3A_641, %get3A_642] {strides = array<i32>} : memref<320x64xf32, #tpu.memory_space<vmem>>, vector<1x16xf32>,
        %get3A_644 = vector.shape_cast %get3A_643 : vector<1x16xf32> to vector<16xf32>
        %add3A_645 = arith.addf %add3A_617, %get3A_644 : vector<16xf32>
        %add3A_646 = arith.constant 16 : i32
        %add3A_647 = arith.addi %mul3A_177, %add3A_646 : i32
        %get3A_648 = arith.index_cast %add3A_647 : i32 to index
        %get3A_649 = arith.constant 32 : index
        %get3A_650 = tpu.vector_load %arg6[%get3A_648, %get3A_649] {strides = array<i32>} : memref<320x64xf32, #tpu.memory_space<vmem>>, vector<1x16xf32>,
        %get3A_651 = vector.shape_cast %get3A_650 : vector<1x16xf32> to vector<16xf32>
        %add3A_652 = arith.addf %add3A_624, %get3A_651 : vector<16xf32>
        %add3A_653 = arith.constant 16 : i32
        %add3A_654 = arith.addi %mul3A_177, %add3A_653 : i32
        %get3A_655 = arith.index_cast %add3A_654 : i32 to index
        %get3A_656 = arith.constant 48 : index
        %get3A_657 = tpu.vector_load %arg6[%get3A_655, %get3A_656] {strides = array<i32>} : memref<320x64xf32, #tpu.memory_space<vmem>>, vector<1x16xf32>,
        %get3A_658 = vector.shape_cast %get3A_657 : vector<1x16xf32> to vector<16xf32>
        %add3A_659 = arith.addf %add3A_631, %get3A_658 : vector<16xf32>
        %add3A_660 = arith.constant 17 : i32
        %add3A_661 = arith.addi %mul3A_177, %add3A_660 : i32
        %get3A_662 = arith.index_cast %add3A_661 : i32 to index
        %get3A_663 = arith.constant 0 : index
        %get3A_664 = tpu.vector_load %arg6[%get3A_662, %get3A_663] {strides = array<i32>} : memref<320x64xf32, #tpu.memory_space<vmem>>, vector<1x16xf32>,
        %get3A_665 = vector.shape_cast %get3A_664 : vector<1x16xf32> to vector<16xf32>
        %add3A_666 = arith.addf %add3A_638, %get3A_665 : vector<16xf32>
        %add3A_667 = arith.constant 17 : i32
        %add3A_668 = arith.addi %mul3A_177, %add3A_667 : i32
        %get3A_669 = arith.index_cast %add3A_668 : i32 to index
        %get3A_670 = arith.constant 16 : index
        %get3A_671 = tpu.vector_load %arg6[%get3A_669, %get3A_670] {strides = array<i32>} : memref<320x64xf32, #tpu.memory_space<vmem>>, vector<1x16xf32>,
        %get3A_672 = vector.shape_cast %get3A_671 : vector<1x16xf32> to vector<16xf32>
        %add3A_673 = arith.addf %add3A_645, %get3A_672 : vector<16xf32>
        %add3A_674 = arith.constant 17 : i32
        %add3A_675 = arith.addi %mul3A_177, %add3A_674 : i32
        %get3A_676 = arith.index_cast %add3A_675 : i32 to index
        %get3A_677 = arith.constant 32 : index
        %get3A_678 = tpu.vector_load %arg6[%get3A_676, %get3A_677] {strides = array<i32>} : memref<320x64xf32, #tpu.memory_space<vmem>>, vector<1x16xf32>,
        %get3A_679 = vector.shape_cast %get3A_678 : vector<1x16xf32> to vector<16xf32>
        %add3A_680 = arith.addf %add3A_652, %get3A_679 : vector<16xf32>
        %add3A_681 = arith.constant 17 : i32
        %add3A_682 = arith.addi %mul3A_177, %add3A_681 : i32
        %get3A_683 = arith.index_cast %add3A_682 : i32 to index
        %get3A_684 = arith.constant 48 : index
        %get3A_685 = tpu.vector_load %arg6[%get3A_683, %get3A_684] {strides = array<i32>} : memref<320x64xf32, #tpu.memory_space<vmem>>, vector<1x16xf32>,
        %get3A_686 = vector.shape_cast %get3A_685 : vector<1x16xf32> to vector<16xf32>
        %add3A_687 = arith.addf %add3A_659, %get3A_686 : vector<16xf32>
        %add3A_688 = arith.constant 18 : i32
        %add3A_689 = arith.addi %mul3A_177, %add3A_688 : i32
        %get3A_690 = arith.index_cast %add3A_689 : i32 to index
        %get3A_691 = arith.constant 0 : index
        %get3A_692 = tpu.vector_load %arg6[%get3A_690, %get3A_691] {strides = array<i32>} : memref<320x64xf32, #tpu.memory_space<vmem>>, vector<1x16xf32>,
        %get3A_693 = vector.shape_cast %get3A_692 : vector<1x16xf32> to vector<16xf32>
        %add3A_694 = arith.addf %add3A_666, %get3A_693 : vector<16xf32>
        %add3A_695 = arith.constant 18 : i32
        %add3A_696 = arith.addi %mul3A_177, %add3A_695 : i32
        %get3A_697 = arith.index_cast %add3A_696 : i32 to index
        %get3A_698 = arith.constant 16 : index
        %get3A_699 = tpu.vector_load %arg6[%get3A_697, %get3A_698] {strides = array<i32>} : memref<320x64xf32, #tpu.memory_space<vmem>>, vector<1x16xf32>,
        %get3A_700 = vector.shape_cast %get3A_699 : vector<1x16xf32> to vector<16xf32>
        %add3A_701 = arith.addf %add3A_673, %get3A_700 : vector<16xf32>
        %add3A_702 = arith.constant 18 : i32
        %add3A_703 = arith.addi %mul3A_177, %add3A_702 : i32
        %get3A_704 = arith.index_cast %add3A_703 : i32 to index
        %get3A_705 = arith.constant 32 : index
        %get3A_706 = tpu.vector_load %arg6[%get3A_704, %get3A_705] {strides = array<i32>} : memref<320x64xf32, #tpu.memory_space<vmem>>, vector<1x16xf32>,
        %get3A_707 = vector.shape_cast %get3A_706 : vector<1x16xf32> to vector<16xf32>
        %add3A_708 = arith.addf %add3A_680, %get3A_707 : vector<16xf32>
        %add3A_709 = arith.constant 18 : i32
        %add3A_710 = arith.addi %mul3A_177, %add3A_709 : i32
        %get3A_711 = arith.index_cast %add3A_710 : i32 to index
        %get3A_712 = arith.constant 48 : index
        %get3A_713 = tpu.vector_load %arg6[%get3A_711, %get3A_712] {strides = array<i32>} : memref<320x64xf32, #tpu.memory_space<vmem>>, vector<1x16xf32>,
        %get3A_714 = vector.shape_cast %get3A_713 : vector<1x16xf32> to vector<16xf32>
        %add3A_715 = arith.addf %add3A_687, %get3A_714 : vector<16xf32>
        %add3A_716 = arith.constant 19 : i32
        %add3A_717 = arith.addi %mul3A_177, %add3A_716 : i32
        %get3A_718 = arith.index_cast %add3A_717 : i32 to index
        %get3A_719 = arith.constant 0 : index
        %get3A_720 = tpu.vector_load %arg6[%get3A_718, %get3A_719] {strides = array<i32>} : memref<320x64xf32, #tpu.memory_space<vmem>>, vector<1x16xf32>,
        %get3A_721 = vector.shape_cast %get3A_720 : vector<1x16xf32> to vector<16xf32>
        %add3A_722 = arith.addf %add3A_694, %get3A_721 : vector<16xf32>
        %add3A_723 = arith.constant 19 : i32
        %add3A_724 = arith.addi %mul3A_177, %add3A_723 : i32
        %get3A_725 = arith.index_cast %add3A_724 : i32 to index
        %get3A_726 = arith.constant 16 : index
        %get3A_727 = tpu.vector_load %arg6[%get3A_725, %get3A_726] {strides = array<i32>} : memref<320x64xf32, #tpu.memory_space<vmem>>, vector<1x16xf32>,
        %get3A_728 = vector.shape_cast %get3A_727 : vector<1x16xf32> to vector<16xf32>
        %add3A_729 = arith.addf %add3A_701, %get3A_728 : vector<16xf32>
        %add3A_730 = arith.constant 19 : i32
        %add3A_731 = arith.addi %mul3A_177, %add3A_730 : i32
        %get3A_732 = arith.index_cast %add3A_731 : i32 to index
        %get3A_733 = arith.constant 32 : index
        %get3A_734 = tpu.vector_load %arg6[%get3A_732, %get3A_733] {strides = array<i32>} : memref<320x64xf32, #tpu.memory_space<vmem>>, vector<1x16xf32>,
        %get3A_735 = vector.shape_cast %get3A_734 : vector<1x16xf32> to vector<16xf32>
        %add3A_736 = arith.addf %add3A_708, %get3A_735 : vector<16xf32>
        %add3A_737 = arith.constant 19 : i32
        %add3A_738 = arith.addi %mul3A_177, %add3A_737 : i32
        %get3A_739 = arith.index_cast %add3A_738 : i32 to index
        %get3A_740 = arith.constant 48 : index
        %get3A_741 = tpu.vector_load %arg6[%get3A_739, %get3A_740] {strides = array<i32>} : memref<320x64xf32, #tpu.memory_space<vmem>>, vector<1x16xf32>,
        %get3A_742 = vector.shape_cast %get3A_741 : vector<1x16xf32> to vector<16xf32>
        %add3A_743 = arith.addf %add3A_715, %get3A_742 : vector<16xf32>
        %mul3A_744 = arith.constant 16 : i32
        %mul3A_745 = arith.muli %add3A_99, %mul3A_744 : i32
        %add3A_746 = arith.addi %mul3A_745, %scan3A_174 : i32
        %swap3A = arith.index_cast %add3A_746 : i32 to index
        %swap3A_747 = arith.constant 0 : index
        %swap3A_748 = tpu.vector_load %arg8[%swap3A, %swap3A_747] {strides = array<i32>} : memref<512x64xf32, #tpu.memory_space<vmem>>, vector<1x16xf32>,
        %swap3A_749 = vector.shape_cast %swap3A_748 : vector<1x16xf32> to vector<16xf32>
        %swap3A_750 = vector.shape_cast %add3A_722 : vector<16xf32> to vector<1x16xf32>
        tpu.vector_store %arg8[%swap3A, %swap3A_747], %swap3A_750 {strides = array<i32>} : memref<512x64xf32, #tpu.memory_space<vmem>>, vector<1x16xf32>,
        %mul3A_751 = arith.constant 16 : i32
        %mul3A_752 = arith.muli %add3A_99, %mul3A_751 : i32
        %add3A_753 = arith.addi %mul3A_752, %scan3A_174 : i32
        %swap3A_754 = arith.index_cast %add3A_753 : i32 to index
        %swap3A_755 = arith.constant 16 : index
        %swap3A_756 = tpu.vector_load %arg8[%swap3A_754, %swap3A_755] {strides = array<i32>} : memref<512x64xf32, #tpu.memory_space<vmem>>, vector<1x16xf32>,
        %swap3A_757 = vector.shape_cast %swap3A_756 : vector<1x16xf32> to vector<16xf32>
        %swap3A_758 = vector.shape_cast %add3A_729 : vector<16xf32> to vector<1x16xf32>
        tpu.vector_store %arg8[%swap3A_754, %swap3A_755], %swap3A_758 {strides = array<i32>} : memref<512x64xf32, #tpu.memory_space<vmem>>, vector<1x16xf32>,
        %mul3A_759 = arith.constant 16 : i32
        %mul3A_760 = arith.muli %add3A_99, %mul3A_759 : i32
        %add3A_761 = arith.addi %mul3A_760, %scan3A_174 : i32
        %swap3A_762 = arith.index_cast %add3A_761 : i32 to index
        %swap3A_763 = arith.constant 32 : index
        %swap3A_764 = tpu.vector_load %arg8[%swap3A_762, %swap3A_763] {strides = array<i32>} : memref<512x64xf32, #tpu.memory_space<vmem>>, vector<1x16xf32>,
        %swap3A_765 = vector.shape_cast %swap3A_764 : vector<1x16xf32> to vector<16xf32>
        %swap3A_766 = vector.shape_cast %add3A_736 : vector<16xf32> to vector<1x16xf32>
        tpu.vector_store %arg8[%swap3A_762, %swap3A_763], %swap3A_766 {strides = array<i32>} : memref<512x64xf32, #tpu.memory_space<vmem>>, vector<1x16xf32>,
        %mul3A_767 = arith.constant 16 : i32
        %mul3A_768 = arith.muli %add3A_99, %mul3A_767 : i32
        %add3A_769 = arith.addi %mul3A_768, %scan3A_174 : i32
        %swap3A_770 = arith.index_cast %add3A_769 : i32 to index
        %swap3A_771 = arith.constant 48 : index
        %swap3A_772 = tpu.vector_load %arg8[%swap3A_770, %swap3A_771] {strides = array<i32>} : memref<512x64xf32, #tpu.memory_space<vmem>>, vector<1x16xf32>,
        %swap3A_773 = vector.shape_cast %swap3A_772 : vector<1x16xf32> to vector<16xf32>
        %swap3A_774 = vector.shape_cast %add3A_743 : vector<16xf32> to vector<1x16xf32>
        tpu.vector_store %arg8[%swap3A_770, %swap3A_771], %swap3A_774 {strides = array<i32>} : memref<512x64xf32, #tpu.memory_space<vmem>>, vector<1x16xf32>,
        %scan3A_775 = arith.constant 0 : i32
        scf.yield %scan3A_775 : i32
      }
      %scan3A_133 = arith.constant 16 : i32
      %mul3A_134 = arith.constant 2 : i32
      %mul3A_135 = arith.muli %mul3A_134, %scan3A_11 : i32
      %add3A_136 = arith.constant 1 : i32
      %add3A_137 = arith.addi %mul3A_135, %add3A_136 : i32
      %dma_wait3A_138 = arith.constant 0 : i32
      %dma_wait3A_139 = arith.constant 0 : i32
      %dma_wait3A_140 = tpu.memref_slice %arg7[%dma_wait3A_138, %dma_wait3A_139] : memref<320x64xf32, #tpu.memory_space<vmem>> -> memref<80x64xf32, #tpu.memory_space<vmem>>
      %dma_wait3A_141 = tpu.memref_slice %arg5[%add3A_61] : memref<10240xi32, #tpu.memory_space<vmem>> -> memref<80xi32, #tpu.memory_space<vmem>>
      %dma_wait3A_142 = arith.constant 0 : i32
      %dma_wait3A_143 = arith.constant 0 : i32
      %dma_wait3A_144 = tpu.memref_slice %arg3[%dma_wait3A_142, %dma_wait3A_143] : memref<1000000x64xf32, #tpu.memory_space<hbm>> -> memref<1000000x64xf32, #tpu.memory_space<hbm>>
      tpu.wait_indirect_dma semaphore(%arg9 : memref<!tpu.dma_semaphore, #tpu.memory_space<semaphore_mem>>) src(%dma_wait3A_144 : memref<1000000x64xf32, #tpu.memory_space<hbm>>) dst(%dma_wait3A_140 : memref<80x64xf32, #tpu.memory_space<vmem>>)
      %dma_wait3A_145 = arith.constant 80 : i32
      %dma_wait3A_146 = arith.constant 0 : i32
      %dma_wait3A_147 = tpu.memref_slice %arg7[%dma_wait3A_145, %dma_wait3A_146] : memref<320x64xf32, #tpu.memory_space<vmem>> -> memref<80x64xf32, #tpu.memory_space<vmem>>
      %dma_wait3A_148 = tpu.memref_slice %arg5[%add3A_70] : memref<10240xi32, #tpu.memory_space<vmem>> -> memref<80xi32, #tpu.memory_space<vmem>>
      %dma_wait3A_149 = arith.constant 0 : i32
      %dma_wait3A_150 = arith.constant 0 : i32
      %dma_wait3A_151 = tpu.memref_slice %arg3[%dma_wait3A_149, %dma_wait3A_150] : memref<1000000x64xf32, #tpu.memory_space<hbm>> -> memref<1000000x64xf32, #tpu.memory_space<hbm>>
      tpu.wait_indirect_dma semaphore(%arg9 : memref<!tpu.dma_semaphore, #tpu.memory_space<semaphore_mem>>) src(%dma_wait3A_151 : memref<1000000x64xf32, #tpu.memory_space<hbm>>) dst(%dma_wait3A_147 : memref<80x64xf32, #tpu.memory_space<vmem>>)
      %dma_wait3A_152 = arith.constant 160 : i32
      %dma_wait3A_153 = arith.constant 0 : i32
      %dma_wait3A_154 = tpu.memref_slice %arg7[%dma_wait3A_152, %dma_wait3A_153] : memref<320x64xf32, #tpu.memory_space<vmem>> -> memref<80x64xf32, #tpu.memory_space<vmem>>
      %dma_wait3A_155 = tpu.memref_slice %arg5[%add3A_79] : memref<10240xi32, #tpu.memory_space<vmem>> -> memref<80xi32, #tpu.memory_space<vmem>>
      %dma_wait3A_156 = arith.constant 0 : i32
      %dma_wait3A_157 = arith.constant 0 : i32
      %dma_wait3A_158 = tpu.memref_slice %arg3[%dma_wait3A_156, %dma_wait3A_157] : memref<1000000x64xf32, #tpu.memory_space<hbm>> -> memref<1000000x64xf32, #tpu.memory_space<hbm>>
      tpu.wait_indirect_dma semaphore(%arg9 : memref<!tpu.dma_semaphore, #tpu.memory_space<semaphore_mem>>) src(%dma_wait3A_158 : memref<1000000x64xf32, #tpu.memory_space<hbm>>) dst(%dma_wait3A_154 : memref<80x64xf32, #tpu.memory_space<vmem>>)
      %dma_wait3A_159 = arith.constant 240 : i32
      %dma_wait3A_160 = arith.constant 0 : i32
      %dma_wait3A_161 = tpu.memref_slice %arg7[%dma_wait3A_159, %dma_wait3A_160] : memref<320x64xf32, #tpu.memory_space<vmem>> -> memref<80x64xf32, #tpu.memory_space<vmem>>
      %dma_wait3A_162 = tpu.memref_slice %arg5[%add3A_88] : memref<10240xi32, #tpu.memory_space<vmem>> -> memref<80xi32, #tpu.memory_space<vmem>>
      %dma_wait3A_163 = arith.constant 0 : i32
      %dma_wait3A_164 = arith.constant 0 : i32
      %dma_wait3A_165 = tpu.memref_slice %arg3[%dma_wait3A_163, %dma_wait3A_164] : memref<1000000x64xf32, #tpu.memory_space<hbm>> -> memref<1000000x64xf32, #tpu.memory_space<hbm>>
      tpu.wait_indirect_dma semaphore(%arg9 : memref<!tpu.dma_semaphore, #tpu.memory_space<semaphore_mem>>) src(%dma_wait3A_165 : memref<1000000x64xf32, #tpu.memory_space<hbm>>) dst(%dma_wait3A_161 : memref<80x64xf32, #tpu.memory_space<vmem>>)
      %scan3A_166 = arith.constant 0 : i32
      %scan3A_167 = arith.constant 0 : i32
      %scan3A_168 = arith.constant 16 : i32
      %scan3A_169 = arith.addi %scan3A_167, %scan3A_168 : i32
      %scan3A_170 = arith.constant 1 : i32
      %scan3A_171 = scf.for %scan3A_174 = %scan3A_167 to %scan3A_169 step %scan3A_170 iter_args(%scan3A_175 = %scan3A_166) -> (i32)  : i32 {
        %mul3A_176 = arith.constant 20 : i32
        %mul3A_177 = arith.muli %scan3A_174, %mul3A_176 : i32
        %broadcast_in_dim3A = arith.constant 0.000000e+00 : f32
        %broadcast_in_dim3A_178 = vector.broadcast %broadcast_in_dim3A : f32 to vector<16xf32>
        %broadcast_in_dim3A_179 = arith.constant 0.000000e+00 : f32
        %broadcast_in_dim3A_180 = vector.broadcast %broadcast_in_dim3A_179 : f32 to vector<16xf32>
        %broadcast_in_dim3A_181 = arith.constant 0.000000e+00 : f32
        %broadcast_in_dim3A_182 = vector.broadcast %broadcast_in_dim3A_181 : f32 to vector<16xf32>
        %broadcast_in_dim3A_183 = arith.constant 0.000000e+00 : f32
        %broadcast_in_dim3A_184 = vector.broadcast %broadcast_in_dim3A_183 : f32 to vector<16xf32>
        %add3A_185 = arith.constant 0 : i32
        %add3A_186 = arith.addi %mul3A_177, %add3A_185 : i32
        %get3A = arith.index_cast %add3A_186 : i32 to index
        %get3A_187 = arith.constant 0 : index
        %get3A_188 = tpu.vector_load %arg7[%get3A, %get3A_187] {strides = array<i32>} : memref<320x64xf32, #tpu.memory_space<vmem>>, vector<1x16xf32>,
        %get3A_189 = vector.shape_cast %get3A_188 : vector<1x16xf32> to vector<16xf32>
        %add3A_190 = arith.addf %broadcast_in_dim3A_178, %get3A_189 : vector<16xf32>
        %add3A_191 = arith.constant 0 : i32
        %add3A_192 = arith.addi %mul3A_177, %add3A_191 : i32
        %get3A_193 = arith.index_cast %add3A_192 : i32 to index
        %get3A_194 = arith.constant 16 : index
        %get3A_195 = tpu.vector_load %arg7[%get3A_193, %get3A_194] {strides = array<i32>} : memref<320x64xf32, #tpu.memory_space<vmem>>, vector<1x16xf32>,
        %get3A_196 = vector.shape_cast %get3A_195 : vector<1x16xf32> to vector<16xf32>
        %add3A_197 = arith.addf %broadcast_in_dim3A_180, %get3A_196 : vector<16xf32>
        %add3A_198 = arith.constant 0 : i32
        %add3A_199 = arith.addi %mul3A_177, %add3A_198 : i32
        %get3A_200 = arith.index_cast %add3A_199 : i32 to index
        %get3A_201 = arith.constant 32 : index
        %get3A_202 = tpu.vector_load %arg7[%get3A_200, %get3A_201] {strides = array<i32>} : memref<320x64xf32, #tpu.memory_space<vmem>>, vector<1x16xf32>,
        %get3A_203 = vector.shape_cast %get3A_202 : vector<1x16xf32> to vector<16xf32>
        %add3A_204 = arith.addf %broadcast_in_dim3A_182, %get3A_203 : vector<16xf32>
        %add3A_205 = arith.constant 0 : i32
        %add3A_206 = arith.addi %mul3A_177, %add3A_205 : i32
        %get3A_207 = arith.index_cast %add3A_206 : i32 to index
        %get3A_208 = arith.constant 48 : index
        %get3A_209 = tpu.vector_load %arg7[%get3A_207, %get3A_208] {strides = array<i32>} : memref<320x64xf32, #tpu.memory_space<vmem>>, vector<1x16xf32>,
        %get3A_210 = vector.shape_cast %get3A_209 : vector<1x16xf32> to vector<16xf32>
        %add3A_211 = arith.addf %broadcast_in_dim3A_184, %get3A_210 : vector<16xf32>
        %add3A_212 = arith.constant 1 : i32
        %add3A_213 = arith.addi %mul3A_177, %add3A_212 : i32
        %get3A_214 = arith.index_cast %add3A_213 : i32 to index
        %get3A_215 = arith.constant 0 : index
        %get3A_216 = tpu.vector_load %arg7[%get3A_214, %get3A_215] {strides = array<i32>} : memref<320x64xf32, #tpu.memory_space<vmem>>, vector<1x16xf32>,
        %get3A_217 = vector.shape_cast %get3A_216 : vector<1x16xf32> to vector<16xf32>
        %add3A_218 = arith.addf %add3A_190, %get3A_217 : vector<16xf32>
        %add3A_219 = arith.constant 1 : i32
        %add3A_220 = arith.addi %mul3A_177, %add3A_219 : i32
        %get3A_221 = arith.index_cast %add3A_220 : i32 to index
        %get3A_222 = arith.constant 16 : index
        %get3A_223 = tpu.vector_load %arg7[%get3A_221, %get3A_222] {strides = array<i32>} : memref<320x64xf32, #tpu.memory_space<vmem>>, vector<1x16xf32>,
        %get3A_224 = vector.shape_cast %get3A_223 : vector<1x16xf32> to vector<16xf32>
        %add3A_225 = arith.addf %add3A_197, %get3A_224 : vector<16xf32>
        %add3A_226 = arith.constant 1 : i32
        %add3A_227 = arith.addi %mul3A_177, %add3A_226 : i32
        %get3A_228 = arith.index_cast %add3A_227 : i32 to index
        %get3A_229 = arith.constant 32 : index
        %get3A_230 = tpu.vector_load %arg7[%get3A_228, %get3A_229] {strides = array<i32>} : memref<320x64xf32, #tpu.memory_space<vmem>>, vector<1x16xf32>,
        %get3A_231 = vector.shape_cast %get3A_230 : vector<1x16xf32> to vector<16xf32>
        %add3A_232 = arith.addf %add3A_204, %get3A_231 : vector<16xf32>
        %add3A_233 = arith.constant 1 : i32
        %add3A_234 = arith.addi %mul3A_177, %add3A_233 : i32
        %get3A_235 = arith.index_cast %add3A_234 : i32 to index
        %get3A_236 = arith.constant 48 : index
        %get3A_237 = tpu.vector_load %arg7[%get3A_235, %get3A_236] {strides = array<i32>} : memref<320x64xf32, #tpu.memory_space<vmem>>, vector<1x16xf32>,
        %get3A_238 = vector.shape_cast %get3A_237 : vector<1x16xf32> to vector<16xf32>
        %add3A_239 = arith.addf %add3A_211, %get3A_238 : vector<16xf32>
        %add3A_240 = arith.constant 2 : i32
        %add3A_241 = arith.addi %mul3A_177, %add3A_240 : i32
        %get3A_242 = arith.index_cast %add3A_241 : i32 to index
        %get3A_243 = arith.constant 0 : index
        %get3A_244 = tpu.vector_load %arg7[%get3A_242, %get3A_243] {strides = array<i32>} : memref<320x64xf32, #tpu.memory_space<vmem>>, vector<1x16xf32>,
        %get3A_245 = vector.shape_cast %get3A_244 : vector<1x16xf32> to vector<16xf32>
        %add3A_246 = arith.addf %add3A_218, %get3A_245 : vector<16xf32>
        %add3A_247 = arith.constant 2 : i32
        %add3A_248 = arith.addi %mul3A_177, %add3A_247 : i32
        %get3A_249 = arith.index_cast %add3A_248 : i32 to index
        %get3A_250 = arith.constant 16 : index
        %get3A_251 = tpu.vector_load %arg7[%get3A_249, %get3A_250] {strides = array<i32>} : memref<320x64xf32, #tpu.memory_space<vmem>>, vector<1x16xf32>,
        %get3A_252 = vector.shape_cast %get3A_251 : vector<1x16xf32> to vector<16xf32>
        %add3A_253 = arith.addf %add3A_225, %get3A_252 : vector<16xf32>
        %add3A_254 = arith.constant 2 : i32
        %add3A_255 = arith.addi %mul3A_177, %add3A_254 : i32
        %get3A_256 = arith.index_cast %add3A_255 : i32 to index
        %get3A_257 = arith.constant 32 : index
        %get3A_258 = tpu.vector_load %arg7[%get3A_256, %get3A_257] {strides = array<i32>} : memref<320x64xf32, #tpu.memory_space<vmem>>, vector<1x16xf32>,
        %get3A_259 = vector.shape_cast %get3A_258 : vector<1x16xf32> to vector<16xf32>
        %add3A_260 = arith.addf %add3A_232, %get3A_259 : vector<16xf32>
        %add3A_261 = arith.constant 2 : i32
        %add3A_262 = arith.addi %mul3A_177, %add3A_261 : i32
        %get3A_263 = arith.index_cast %add3A_262 : i32 to index
        %get3A_264 = arith.constant 48 : index
        %get3A_265 = tpu.vector_load %arg7[%get3A_263, %get3A_264] {strides = array<i32>} : memref<320x64xf32, #tpu.memory_space<vmem>>, vector<1x16xf32>,
        %get3A_266 = vector.shape_cast %get3A_265 : vector<1x16xf32> to vector<16xf32>
        %add3A_267 = arith.addf %add3A_239, %get3A_266 : vector<16xf32>
        %add3A_268 = arith.constant 3 : i32
        %add3A_269 = arith.addi %mul3A_177, %add3A_268 : i32
        %get3A_270 = arith.index_cast %add3A_269 : i32 to index
        %get3A_271 = arith.constant 0 : index
        %get3A_272 = tpu.vector_load %arg7[%get3A_270, %get3A_271] {strides = array<i32>} : memref<320x64xf32, #tpu.memory_space<vmem>>, vector<1x16xf32>,
        %get3A_273 = vector.shape_cast %get3A_272 : vector<1x16xf32> to vector<16xf32>
        %add3A_274 = arith.addf %add3A_246, %get3A_273 : vector<16xf32>
        %add3A_275 = arith.constant 3 : i32
        %add3A_276 = arith.addi %mul3A_177, %add3A_275 : i32
        %get3A_277 = arith.index_cast %add3A_276 : i32 to index
        %get3A_278 = arith.constant 16 : index
        %get3A_279 = tpu.vector_load %arg7[%get3A_277, %get3A_278] {strides = array<i32>} : memref<320x64xf32, #tpu.memory_space<vmem>>, vector<1x16xf32>,
        %get3A_280 = vector.shape_cast %get3A_279 : vector<1x16xf32> to vector<16xf32>
        %add3A_281 = arith.addf %add3A_253, %get3A_280 : vector<16xf32>
        %add3A_282 = arith.constant 3 : i32
        %add3A_283 = arith.addi %mul3A_177, %add3A_282 : i32
        %get3A_284 = arith.index_cast %add3A_283 : i32 to index
        %get3A_285 = arith.constant 32 : index
        %get3A_286 = tpu.vector_load %arg7[%get3A_284, %get3A_285] {strides = array<i32>} : memref<320x64xf32, #tpu.memory_space<vmem>>, vector<1x16xf32>,
        %get3A_287 = vector.shape_cast %get3A_286 : vector<1x16xf32> to vector<16xf32>
        %add3A_288 = arith.addf %add3A_260, %get3A_287 : vector<16xf32>
        %add3A_289 = arith.constant 3 : i32
        %add3A_290 = arith.addi %mul3A_177, %add3A_289 : i32
        %get3A_291 = arith.index_cast %add3A_290 : i32 to index
        %get3A_292 = arith.constant 48 : index
        %get3A_293 = tpu.vector_load %arg7[%get3A_291, %get3A_292] {strides = array<i32>} : memref<320x64xf32, #tpu.memory_space<vmem>>, vector<1x16xf32>,
        %get3A_294 = vector.shape_cast %get3A_293 : vector<1x16xf32> to vector<16xf32>
        %add3A_295 = arith.addf %add3A_267, %get3A_294 : vector<16xf32>
        %add3A_296 = arith.constant 4 : i32
        %add3A_297 = arith.addi %mul3A_177, %add3A_296 : i32
        %get3A_298 = arith.index_cast %add3A_297 : i32 to index
        %get3A_299 = arith.constant 0 : index
        %get3A_300 = tpu.vector_load %arg7[%get3A_298, %get3A_299] {strides = array<i32>} : memref<320x64xf32, #tpu.memory_space<vmem>>, vector<1x16xf32>,
        %get3A_301 = vector.shape_cast %get3A_300 : vector<1x16xf32> to vector<16xf32>
        %add3A_302 = arith.addf %add3A_274, %get3A_301 : vector<16xf32>
        %add3A_303 = arith.constant 4 : i32
        %add3A_304 = arith.addi %mul3A_177, %add3A_303 : i32
        %get3A_305 = arith.index_cast %add3A_304 : i32 to index
        %get3A_306 = arith.constant 16 : index
        %get3A_307 = tpu.vector_load %arg7[%get3A_305, %get3A_306] {strides = array<i32>} : memref<320x64xf32, #tpu.memory_space<vmem>>, vector<1x16xf32>,
        %get3A_308 = vector.shape_cast %get3A_307 : vector<1x16xf32> to vector<16xf32>
        %add3A_309 = arith.addf %add3A_281, %get3A_308 : vector<16xf32>
        %add3A_310 = arith.constant 4 : i32
        %add3A_311 = arith.addi %mul3A_177, %add3A_310 : i32
        %get3A_312 = arith.index_cast %add3A_311 : i32 to index
        %get3A_313 = arith.constant 32 : index
        %get3A_314 = tpu.vector_load %arg7[%get3A_312, %get3A_313] {strides = array<i32>} : memref<320x64xf32, #tpu.memory_space<vmem>>, vector<1x16xf32>,
        %get3A_315 = vector.shape_cast %get3A_314 : vector<1x16xf32> to vector<16xf32>
        %add3A_316 = arith.addf %add3A_288, %get3A_315 : vector<16xf32>
        %add3A_317 = arith.constant 4 : i32
        %add3A_318 = arith.addi %mul3A_177, %add3A_317 : i32
        %get3A_319 = arith.index_cast %add3A_318 : i32 to index
        %get3A_320 = arith.constant 48 : index
        %get3A_321 = tpu.vector_load %arg7[%get3A_319, %get3A_320] {strides = array<i32>} : memref<320x64xf32, #tpu.memory_space<vmem>>, vector<1x16xf32>,
        %get3A_322 = vector.shape_cast %get3A_321 : vector<1x16xf32> to vector<16xf32>
        %add3A_323 = arith.addf %add3A_295, %get3A_322 : vector<16xf32>
        %add3A_324 = arith.constant 5 : i32
        %add3A_325 = arith.addi %mul3A_177, %add3A_324 : i32
        %get3A_326 = arith.index_cast %add3A_325 : i32 to index
        %get3A_327 = arith.constant 0 : index
        %get3A_328 = tpu.vector_load %arg7[%get3A_326, %get3A_327] {strides = array<i32>} : memref<320x64xf32, #tpu.memory_space<vmem>>, vector<1x16xf32>,
        %get3A_329 = vector.shape_cast %get3A_328 : vector<1x16xf32> to vector<16xf32>
        %add3A_330 = arith.addf %add3A_302, %get3A_329 : vector<16xf32>
        %add3A_331 = arith.constant 5 : i32
        %add3A_332 = arith.addi %mul3A_177, %add3A_331 : i32
        %get3A_333 = arith.index_cast %add3A_332 : i32 to index
        %get3A_334 = arith.constant 16 : index
        %get3A_335 = tpu.vector_load %arg7[%get3A_333, %get3A_334] {strides = array<i32>} : memref<320x64xf32, #tpu.memory_space<vmem>>, vector<1x16xf32>,
        %get3A_336 = vector.shape_cast %get3A_335 : vector<1x16xf32> to vector<16xf32>
        %add3A_337 = arith.addf %add3A_309, %get3A_336 : vector<16xf32>
        %add3A_338 = arith.constant 5 : i32
        %add3A_339 = arith.addi %mul3A_177, %add3A_338 : i32
        %get3A_340 = arith.index_cast %add3A_339 : i32 to index
        %get3A_341 = arith.constant 32 : index
        %get3A_342 = tpu.vector_load %arg7[%get3A_340, %get3A_341] {strides = array<i32>} : memref<320x64xf32, #tpu.memory_space<vmem>>, vector<1x16xf32>,
        %get3A_343 = vector.shape_cast %get3A_342 : vector<1x16xf32> to vector<16xf32>
        %add3A_344 = arith.addf %add3A_316, %get3A_343 : vector<16xf32>
        %add3A_345 = arith.constant 5 : i32
        %add3A_346 = arith.addi %mul3A_177, %add3A_345 : i32
        %get3A_347 = arith.index_cast %add3A_346 : i32 to index
        %get3A_348 = arith.constant 48 : index
        %get3A_349 = tpu.vector_load %arg7[%get3A_347, %get3A_348] {strides = array<i32>} : memref<320x64xf32, #tpu.memory_space<vmem>>, vector<1x16xf32>,
        %get3A_350 = vector.shape_cast %get3A_349 : vector<1x16xf32> to vector<16xf32>
        %add3A_351 = arith.addf %add3A_323, %get3A_350 : vector<16xf32>
        %add3A_352 = arith.constant 6 : i32
        %add3A_353 = arith.addi %mul3A_177, %add3A_352 : i32
        %get3A_354 = arith.index_cast %add3A_353 : i32 to index
        %get3A_355 = arith.constant 0 : index
        %get3A_356 = tpu.vector_load %arg7[%get3A_354, %get3A_355] {strides = array<i32>} : memref<320x64xf32, #tpu.memory_space<vmem>>, vector<1x16xf32>,
        %get3A_357 = vector.shape_cast %get3A_356 : vector<1x16xf32> to vector<16xf32>
        %add3A_358 = arith.addf %add3A_330, %get3A_357 : vector<16xf32>
        %add3A_359 = arith.constant 6 : i32
        %add3A_360 = arith.addi %mul3A_177, %add3A_359 : i32
        %get3A_361 = arith.index_cast %add3A_360 : i32 to index
        %get3A_362 = arith.constant 16 : index
        %get3A_363 = tpu.vector_load %arg7[%get3A_361, %get3A_362] {strides = array<i32>} : memref<320x64xf32, #tpu.memory_space<vmem>>, vector<1x16xf32>,
        %get3A_364 = vector.shape_cast %get3A_363 : vector<1x16xf32> to vector<16xf32>
        %add3A_365 = arith.addf %add3A_337, %get3A_364 : vector<16xf32>
        %add3A_366 = arith.constant 6 : i32
        %add3A_367 = arith.addi %mul3A_177, %add3A_366 : i32
        %get3A_368 = arith.index_cast %add3A_367 : i32 to index
        %get3A_369 = arith.constant 32 : index
        %get3A_370 = tpu.vector_load %arg7[%get3A_368, %get3A_369] {strides = array<i32>} : memref<320x64xf32, #tpu.memory_space<vmem>>, vector<1x16xf32>,
        %get3A_371 = vector.shape_cast %get3A_370 : vector<1x16xf32> to vector<16xf32>
        %add3A_372 = arith.addf %add3A_344, %get3A_371 : vector<16xf32>
        %add3A_373 = arith.constant 6 : i32
        %add3A_374 = arith.addi %mul3A_177, %add3A_373 : i32
        %get3A_375 = arith.index_cast %add3A_374 : i32 to index
        %get3A_376 = arith.constant 48 : index
        %get3A_377 = tpu.vector_load %arg7[%get3A_375, %get3A_376] {strides = array<i32>} : memref<320x64xf32, #tpu.memory_space<vmem>>, vector<1x16xf32>,
        %get3A_378 = vector.shape_cast %get3A_377 : vector<1x16xf32> to vector<16xf32>
        %add3A_379 = arith.addf %add3A_351, %get3A_378 : vector<16xf32>
        %add3A_380 = arith.constant 7 : i32
        %add3A_381 = arith.addi %mul3A_177, %add3A_380 : i32
        %get3A_382 = arith.index_cast %add3A_381 : i32 to index
        %get3A_383 = arith.constant 0 : index
        %get3A_384 = tpu.vector_load %arg7[%get3A_382, %get3A_383] {strides = array<i32>} : memref<320x64xf32, #tpu.memory_space<vmem>>, vector<1x16xf32>,
        %get3A_385 = vector.shape_cast %get3A_384 : vector<1x16xf32> to vector<16xf32>
        %add3A_386 = arith.addf %add3A_358, %get3A_385 : vector<16xf32>
        %add3A_387 = arith.constant 7 : i32
        %add3A_388 = arith.addi %mul3A_177, %add3A_387 : i32
        %get3A_389 = arith.index_cast %add3A_388 : i32 to index
        %get3A_390 = arith.constant 16 : index
        %get3A_391 = tpu.vector_load %arg7[%get3A_389, %get3A_390] {strides = array<i32>} : memref<320x64xf32, #tpu.memory_space<vmem>>, vector<1x16xf32>,
        %get3A_392 = vector.shape_cast %get3A_391 : vector<1x16xf32> to vector<16xf32>
        %add3A_393 = arith.addf %add3A_365, %get3A_392 : vector<16xf32>
        %add3A_394 = arith.constant 7 : i32
        %add3A_395 = arith.addi %mul3A_177, %add3A_394 : i32
        %get3A_396 = arith.index_cast %add3A_395 : i32 to index
        %get3A_397 = arith.constant 32 : index
        %get3A_398 = tpu.vector_load %arg7[%get3A_396, %get3A_397] {strides = array<i32>} : memref<320x64xf32, #tpu.memory_space<vmem>>, vector<1x16xf32>,
        %get3A_399 = vector.shape_cast %get3A_398 : vector<1x16xf32> to vector<16xf32>
        %add3A_400 = arith.addf %add3A_372, %get3A_399 : vector<16xf32>
        %add3A_401 = arith.constant 7 : i32
        %add3A_402 = arith.addi %mul3A_177, %add3A_401 : i32
        %get3A_403 = arith.index_cast %add3A_402 : i32 to index
        %get3A_404 = arith.constant 48 : index
        %get3A_405 = tpu.vector_load %arg7[%get3A_403, %get3A_404] {strides = array<i32>} : memref<320x64xf32, #tpu.memory_space<vmem>>, vector<1x16xf32>,
        %get3A_406 = vector.shape_cast %get3A_405 : vector<1x16xf32> to vector<16xf32>
        %add3A_407 = arith.addf %add3A_379, %get3A_406 : vector<16xf32>
        %add3A_408 = arith.constant 8 : i32
        %add3A_409 = arith.addi %mul3A_177, %add3A_408 : i32
        %get3A_410 = arith.index_cast %add3A_409 : i32 to index
        %get3A_411 = arith.constant 0 : index
        %get3A_412 = tpu.vector_load %arg7[%get3A_410, %get3A_411] {strides = array<i32>} : memref<320x64xf32, #tpu.memory_space<vmem>>, vector<1x16xf32>,
        %get3A_413 = vector.shape_cast %get3A_412 : vector<1x16xf32> to vector<16xf32>
        %add3A_414 = arith.addf %add3A_386, %get3A_413 : vector<16xf32>
        %add3A_415 = arith.constant 8 : i32
        %add3A_416 = arith.addi %mul3A_177, %add3A_415 : i32
        %get3A_417 = arith.index_cast %add3A_416 : i32 to index
        %get3A_418 = arith.constant 16 : index
        %get3A_419 = tpu.vector_load %arg7[%get3A_417, %get3A_418] {strides = array<i32>} : memref<320x64xf32, #tpu.memory_space<vmem>>, vector<1x16xf32>,
        %get3A_420 = vector.shape_cast %get3A_419 : vector<1x16xf32> to vector<16xf32>
        %add3A_421 = arith.addf %add3A_393, %get3A_420 : vector<16xf32>
        %add3A_422 = arith.constant 8 : i32
        %add3A_423 = arith.addi %mul3A_177, %add3A_422 : i32
        %get3A_424 = arith.index_cast %add3A_423 : i32 to index
        %get3A_425 = arith.constant 32 : index
        %get3A_426 = tpu.vector_load %arg7[%get3A_424, %get3A_425] {strides = array<i32>} : memref<320x64xf32, #tpu.memory_space<vmem>>, vector<1x16xf32>,
        %get3A_427 = vector.shape_cast %get3A_426 : vector<1x16xf32> to vector<16xf32>
        %add3A_428 = arith.addf %add3A_400, %get3A_427 : vector<16xf32>
        %add3A_429 = arith.constant 8 : i32
        %add3A_430 = arith.addi %mul3A_177, %add3A_429 : i32
        %get3A_431 = arith.index_cast %add3A_430 : i32 to index
        %get3A_432 = arith.constant 48 : index
        %get3A_433 = tpu.vector_load %arg7[%get3A_431, %get3A_432] {strides = array<i32>} : memref<320x64xf32, #tpu.memory_space<vmem>>, vector<1x16xf32>,
        %get3A_434 = vector.shape_cast %get3A_433 : vector<1x16xf32> to vector<16xf32>
        %add3A_435 = arith.addf %add3A_407, %get3A_434 : vector<16xf32>
        %add3A_436 = arith.constant 9 : i32
        %add3A_437 = arith.addi %mul3A_177, %add3A_436 : i32
        %get3A_438 = arith.index_cast %add3A_437 : i32 to index
        %get3A_439 = arith.constant 0 : index
        %get3A_440 = tpu.vector_load %arg7[%get3A_438, %get3A_439] {strides = array<i32>} : memref<320x64xf32, #tpu.memory_space<vmem>>, vector<1x16xf32>,
        %get3A_441 = vector.shape_cast %get3A_440 : vector<1x16xf32> to vector<16xf32>
        %add3A_442 = arith.addf %add3A_414, %get3A_441 : vector<16xf32>
        %add3A_443 = arith.constant 9 : i32
        %add3A_444 = arith.addi %mul3A_177, %add3A_443 : i32
        %get3A_445 = arith.index_cast %add3A_444 : i32 to index
        %get3A_446 = arith.constant 16 : index
        %get3A_447 = tpu.vector_load %arg7[%get3A_445, %get3A_446] {strides = array<i32>} : memref<320x64xf32, #tpu.memory_space<vmem>>, vector<1x16xf32>,
        %get3A_448 = vector.shape_cast %get3A_447 : vector<1x16xf32> to vector<16xf32>
        %add3A_449 = arith.addf %add3A_421, %get3A_448 : vector<16xf32>
        %add3A_450 = arith.constant 9 : i32
        %add3A_451 = arith.addi %mul3A_177, %add3A_450 : i32
        %get3A_452 = arith.index_cast %add3A_451 : i32 to index
        %get3A_453 = arith.constant 32 : index
        %get3A_454 = tpu.vector_load %arg7[%get3A_452, %get3A_453] {strides = array<i32>} : memref<320x64xf32, #tpu.memory_space<vmem>>, vector<1x16xf32>,
        %get3A_455 = vector.shape_cast %get3A_454 : vector<1x16xf32> to vector<16xf32>
        %add3A_456 = arith.addf %add3A_428, %get3A_455 : vector<16xf32>
        %add3A_457 = arith.constant 9 : i32
        %add3A_458 = arith.addi %mul3A_177, %add3A_457 : i32
        %get3A_459 = arith.index_cast %add3A_458 : i32 to index
        %get3A_460 = arith.constant 48 : index
        %get3A_461 = tpu.vector_load %arg7[%get3A_459, %get3A_460] {strides = array<i32>} : memref<320x64xf32, #tpu.memory_space<vmem>>, vector<1x16xf32>,
        %get3A_462 = vector.shape_cast %get3A_461 : vector<1x16xf32> to vector<16xf32>
        %add3A_463 = arith.addf %add3A_435, %get3A_462 : vector<16xf32>
        %add3A_464 = arith.constant 10 : i32
        %add3A_465 = arith.addi %mul3A_177, %add3A_464 : i32
        %get3A_466 = arith.index_cast %add3A_465 : i32 to index
        %get3A_467 = arith.constant 0 : index
        %get3A_468 = tpu.vector_load %arg7[%get3A_466, %get3A_467] {strides = array<i32>} : memref<320x64xf32, #tpu.memory_space<vmem>>, vector<1x16xf32>,
        %get3A_469 = vector.shape_cast %get3A_468 : vector<1x16xf32> to vector<16xf32>
        %add3A_470 = arith.addf %add3A_442, %get3A_469 : vector<16xf32>
        %add3A_471 = arith.constant 10 : i32
        %add3A_472 = arith.addi %mul3A_177, %add3A_471 : i32
        %get3A_473 = arith.index_cast %add3A_472 : i32 to index
        %get3A_474 = arith.constant 16 : index
        %get3A_475 = tpu.vector_load %arg7[%get3A_473, %get3A_474] {strides = array<i32>} : memref<320x64xf32, #tpu.memory_space<vmem>>, vector<1x16xf32>,
        %get3A_476 = vector.shape_cast %get3A_475 : vector<1x16xf32> to vector<16xf32>
        %add3A_477 = arith.addf %add3A_449, %get3A_476 : vector<16xf32>
        %add3A_478 = arith.constant 10 : i32
        %add3A_479 = arith.addi %mul3A_177, %add3A_478 : i32
        %get3A_480 = arith.index_cast %add3A_479 : i32 to index
        %get3A_481 = arith.constant 32 : index
        %get3A_482 = tpu.vector_load %arg7[%get3A_480, %get3A_481] {strides = array<i32>} : memref<320x64xf32, #tpu.memory_space<vmem>>, vector<1x16xf32>,
        %get3A_483 = vector.shape_cast %get3A_482 : vector<1x16xf32> to vector<16xf32>
        %add3A_484 = arith.addf %add3A_456, %get3A_483 : vector<16xf32>
        %add3A_485 = arith.constant 10 : i32
        %add3A_486 = arith.addi %mul3A_177, %add3A_485 : i32
        %get3A_487 = arith.index_cast %add3A_486 : i32 to index
        %get3A_488 = arith.constant 48 : index
        %get3A_489 = tpu.vector_load %arg7[%get3A_487, %get3A_488] {strides = array<i32>} : memref<320x64xf32, #tpu.memory_space<vmem>>, vector<1x16xf32>,
        %get3A_490 = vector.shape_cast %get3A_489 : vector<1x16xf32> to vector<16xf32>
        %add3A_491 = arith.addf %add3A_463, %get3A_490 : vector<16xf32>
        %add3A_492 = arith.constant 11 : i32
        %add3A_493 = arith.addi %mul3A_177, %add3A_492 : i32
        %get3A_494 = arith.index_cast %add3A_493 : i32 to index
        %get3A_495 = arith.constant 0 : index
        %get3A_496 = tpu.vector_load %arg7[%get3A_494, %get3A_495] {strides = array<i32>} : memref<320x64xf32, #tpu.memory_space<vmem>>, vector<1x16xf32>,
        %get3A_497 = vector.shape_cast %get3A_496 : vector<1x16xf32> to vector<16xf32>
        %add3A_498 = arith.addf %add3A_470, %get3A_497 : vector<16xf32>
        %add3A_499 = arith.constant 11 : i32
        %add3A_500 = arith.addi %mul3A_177, %add3A_499 : i32
        %get3A_501 = arith.index_cast %add3A_500 : i32 to index
        %get3A_502 = arith.constant 16 : index
        %get3A_503 = tpu.vector_load %arg7[%get3A_501, %get3A_502] {strides = array<i32>} : memref<320x64xf32, #tpu.memory_space<vmem>>, vector<1x16xf32>,
        %get3A_504 = vector.shape_cast %get3A_503 : vector<1x16xf32> to vector<16xf32>
        %add3A_505 = arith.addf %add3A_477, %get3A_504 : vector<16xf32>
        %add3A_506 = arith.constant 11 : i32
        %add3A_507 = arith.addi %mul3A_177, %add3A_506 : i32
        %get3A_508 = arith.index_cast %add3A_507 : i32 to index
        %get3A_509 = arith.constant 32 : index
        %get3A_510 = tpu.vector_load %arg7[%get3A_508, %get3A_509] {strides = array<i32>} : memref<320x64xf32, #tpu.memory_space<vmem>>, vector<1x16xf32>,
        %get3A_511 = vector.shape_cast %get3A_510 : vector<1x16xf32> to vector<16xf32>
        %add3A_512 = arith.addf %add3A_484, %get3A_511 : vector<16xf32>
        %add3A_513 = arith.constant 11 : i32
        %add3A_514 = arith.addi %mul3A_177, %add3A_513 : i32
        %get3A_515 = arith.index_cast %add3A_514 : i32 to index
        %get3A_516 = arith.constant 48 : index
        %get3A_517 = tpu.vector_load %arg7[%get3A_515, %get3A_516] {strides = array<i32>} : memref<320x64xf32, #tpu.memory_space<vmem>>, vector<1x16xf32>,
        %get3A_518 = vector.shape_cast %get3A_517 : vector<1x16xf32> to vector<16xf32>
        %add3A_519 = arith.addf %add3A_491, %get3A_518 : vector<16xf32>
        %add3A_520 = arith.constant 12 : i32
        %add3A_521 = arith.addi %mul3A_177, %add3A_520 : i32
        %get3A_522 = arith.index_cast %add3A_521 : i32 to index
        %get3A_523 = arith.constant 0 : index
        %get3A_524 = tpu.vector_load %arg7[%get3A_522, %get3A_523] {strides = array<i32>} : memref<320x64xf32, #tpu.memory_space<vmem>>, vector<1x16xf32>,
        %get3A_525 = vector.shape_cast %get3A_524 : vector<1x16xf32> to vector<16xf32>
        %add3A_526 = arith.addf %add3A_498, %get3A_525 : vector<16xf32>
        %add3A_527 = arith.constant 12 : i32
        %add3A_528 = arith.addi %mul3A_177, %add3A_527 : i32
        %get3A_529 = arith.index_cast %add3A_528 : i32 to index
        %get3A_530 = arith.constant 16 : index
        %get3A_531 = tpu.vector_load %arg7[%get3A_529, %get3A_530] {strides = array<i32>} : memref<320x64xf32, #tpu.memory_space<vmem>>, vector<1x16xf32>,
        %get3A_532 = vector.shape_cast %get3A_531 : vector<1x16xf32> to vector<16xf32>
        %add3A_533 = arith.addf %add3A_505, %get3A_532 : vector<16xf32>
        %add3A_534 = arith.constant 12 : i32
        %add3A_535 = arith.addi %mul3A_177, %add3A_534 : i32
        %get3A_536 = arith.index_cast %add3A_535 : i32 to index
        %get3A_537 = arith.constant 32 : index
        %get3A_538 = tpu.vector_load %arg7[%get3A_536, %get3A_537] {strides = array<i32>} : memref<320x64xf32, #tpu.memory_space<vmem>>, vector<1x16xf32>,
        %get3A_539 = vector.shape_cast %get3A_538 : vector<1x16xf32> to vector<16xf32>
        %add3A_540 = arith.addf %add3A_512, %get3A_539 : vector<16xf32>
        %add3A_541 = arith.constant 12 : i32
        %add3A_542 = arith.addi %mul3A_177, %add3A_541 : i32
        %get3A_543 = arith.index_cast %add3A_542 : i32 to index
        %get3A_544 = arith.constant 48 : index
        %get3A_545 = tpu.vector_load %arg7[%get3A_543, %get3A_544] {strides = array<i32>} : memref<320x64xf32, #tpu.memory_space<vmem>>, vector<1x16xf32>,
        %get3A_546 = vector.shape_cast %get3A_545 : vector<1x16xf32> to vector<16xf32>
        %add3A_547 = arith.addf %add3A_519, %get3A_546 : vector<16xf32>
        %add3A_548 = arith.constant 13 : i32
        %add3A_549 = arith.addi %mul3A_177, %add3A_548 : i32
        %get3A_550 = arith.index_cast %add3A_549 : i32 to index
        %get3A_551 = arith.constant 0 : index
        %get3A_552 = tpu.vector_load %arg7[%get3A_550, %get3A_551] {strides = array<i32>} : memref<320x64xf32, #tpu.memory_space<vmem>>, vector<1x16xf32>,
        %get3A_553 = vector.shape_cast %get3A_552 : vector<1x16xf32> to vector<16xf32>
        %add3A_554 = arith.addf %add3A_526, %get3A_553 : vector<16xf32>
        %add3A_555 = arith.constant 13 : i32
        %add3A_556 = arith.addi %mul3A_177, %add3A_555 : i32
        %get3A_557 = arith.index_cast %add3A_556 : i32 to index
        %get3A_558 = arith.constant 16 : index
        %get3A_559 = tpu.vector_load %arg7[%get3A_557, %get3A_558] {strides = array<i32>} : memref<320x64xf32, #tpu.memory_space<vmem>>, vector<1x16xf32>,
        %get3A_560 = vector.shape_cast %get3A_559 : vector<1x16xf32> to vector<16xf32>
        %add3A_561 = arith.addf %add3A_533, %get3A_560 : vector<16xf32>
        %add3A_562 = arith.constant 13 : i32
        %add3A_563 = arith.addi %mul3A_177, %add3A_562 : i32
        %get3A_564 = arith.index_cast %add3A_563 : i32 to index
        %get3A_565 = arith.constant 32 : index
        %get3A_566 = tpu.vector_load %arg7[%get3A_564, %get3A_565] {strides = array<i32>} : memref<320x64xf32, #tpu.memory_space<vmem>>, vector<1x16xf32>,
        %get3A_567 = vector.shape_cast %get3A_566 : vector<1x16xf32> to vector<16xf32>
        %add3A_568 = arith.addf %add3A_540, %get3A_567 : vector<16xf32>
        %add3A_569 = arith.constant 13 : i32
        %add3A_570 = arith.addi %mul3A_177, %add3A_569 : i32
        %get3A_571 = arith.index_cast %add3A_570 : i32 to index
        %get3A_572 = arith.constant 48 : index
        %get3A_573 = tpu.vector_load %arg7[%get3A_571, %get3A_572] {strides = array<i32>} : memref<320x64xf32, #tpu.memory_space<vmem>>, vector<1x16xf32>,
        %get3A_574 = vector.shape_cast %get3A_573 : vector<1x16xf32> to vector<16xf32>
        %add3A_575 = arith.addf %add3A_547, %get3A_574 : vector<16xf32>
        %add3A_576 = arith.constant 14 : i32
        %add3A_577 = arith.addi %mul3A_177, %add3A_576 : i32
        %get3A_578 = arith.index_cast %add3A_577 : i32 to index
        %get3A_579 = arith.constant 0 : index
        %get3A_580 = tpu.vector_load %arg7[%get3A_578, %get3A_579] {strides = array<i32>} : memref<320x64xf32, #tpu.memory_space<vmem>>, vector<1x16xf32>,
        %get3A_581 = vector.shape_cast %get3A_580 : vector<1x16xf32> to vector<16xf32>
        %add3A_582 = arith.addf %add3A_554, %get3A_581 : vector<16xf32>
        %add3A_583 = arith.constant 14 : i32
        %add3A_584 = arith.addi %mul3A_177, %add3A_583 : i32
        %get3A_585 = arith.index_cast %add3A_584 : i32 to index
        %get3A_586 = arith.constant 16 : index
        %get3A_587 = tpu.vector_load %arg7[%get3A_585, %get3A_586] {strides = array<i32>} : memref<320x64xf32, #tpu.memory_space<vmem>>, vector<1x16xf32>,
        %get3A_588 = vector.shape_cast %get3A_587 : vector<1x16xf32> to vector<16xf32>
        %add3A_589 = arith.addf %add3A_561, %get3A_588 : vector<16xf32>
        %add3A_590 = arith.constant 14 : i32
        %add3A_591 = arith.addi %mul3A_177, %add3A_590 : i32
        %get3A_592 = arith.index_cast %add3A_591 : i32 to index
        %get3A_593 = arith.constant 32 : index
        %get3A_594 = tpu.vector_load %arg7[%get3A_592, %get3A_593] {strides = array<i32>} : memref<320x64xf32, #tpu.memory_space<vmem>>, vector<1x16xf32>,
        %get3A_595 = vector.shape_cast %get3A_594 : vector<1x16xf32> to vector<16xf32>
        %add3A_596 = arith.addf %add3A_568, %get3A_595 : vector<16xf32>
        %add3A_597 = arith.constant 14 : i32
        %add3A_598 = arith.addi %mul3A_177, %add3A_597 : i32
        %get3A_599 = arith.index_cast %add3A_598 : i32 to index
        %get3A_600 = arith.constant 48 : index
        %get3A_601 = tpu.vector_load %arg7[%get3A_599, %get3A_600] {strides = array<i32>} : memref<320x64xf32, #tpu.memory_space<vmem>>, vector<1x16xf32>,
        %get3A_602 = vector.shape_cast %get3A_601 : vector<1x16xf32> to vector<16xf32>
        %add3A_603 = arith.addf %add3A_575, %get3A_602 : vector<16xf32>
        %add3A_604 = arith.constant 15 : i32
        %add3A_605 = arith.addi %mul3A_177, %add3A_604 : i32
        %get3A_606 = arith.index_cast %add3A_605 : i32 to index
        %get3A_607 = arith.constant 0 : index
        %get3A_608 = tpu.vector_load %arg7[%get3A_606, %get3A_607] {strides = array<i32>} : memref<320x64xf32, #tpu.memory_space<vmem>>, vector<1x16xf32>,
        %get3A_609 = vector.shape_cast %get3A_608 : vector<1x16xf32> to vector<16xf32>
        %add3A_610 = arith.addf %add3A_582, %get3A_609 : vector<16xf32>
        %add3A_611 = arith.constant 15 : i32
        %add3A_612 = arith.addi %mul3A_177, %add3A_611 : i32
        %get3A_613 = arith.index_cast %add3A_612 : i32 to index
        %get3A_614 = arith.constant 16 : index
        %get3A_615 = tpu.vector_load %arg7[%get3A_613, %get3A_614] {strides = array<i32>} : memref<320x64xf32, #tpu.memory_space<vmem>>, vector<1x16xf32>,
        %get3A_616 = vector.shape_cast %get3A_615 : vector<1x16xf32> to vector<16xf32>
        %add3A_617 = arith.addf %add3A_589, %get3A_616 : vector<16xf32>
        %add3A_618 = arith.constant 15 : i32
        %add3A_619 = arith.addi %mul3A_177, %add3A_618 : i32
        %get3A_620 = arith.index_cast %add3A_619 : i32 to index
        %get3A_621 = arith.constant 32 : index
        %get3A_622 = tpu.vector_load %arg7[%get3A_620, %get3A_621] {strides = array<i32>} : memref<320x64xf32, #tpu.memory_space<vmem>>, vector<1x16xf32>,
        %get3A_623 = vector.shape_cast %get3A_622 : vector<1x16xf32> to vector<16xf32>
        %add3A_624 = arith.addf %add3A_596, %get3A_623 : vector<16xf32>
        %add3A_625 = arith.constant 15 : i32
        %add3A_626 = arith.addi %mul3A_177, %add3A_625 : i32
        %get3A_627 = arith.index_cast %add3A_626 : i32 to index
        %get3A_628 = arith.constant 48 : index
        %get3A_629 = tpu.vector_load %arg7[%get3A_627, %get3A_628] {strides = array<i32>} : memref<320x64xf32, #tpu.memory_space<vmem>>, vector<1x16xf32>,
        %get3A_630 = vector.shape_cast %get3A_629 : vector<1x16xf32> to vector<16xf32>
        %add3A_631 = arith.addf %add3A_603, %get3A_630 : vector<16xf32>
        %add3A_632 = arith.constant 16 : i32
        %add3A_633 = arith.addi %mul3A_177, %add3A_632 : i32
        %get3A_634 = arith.index_cast %add3A_633 : i32 to index
        %get3A_635 = arith.constant 0 : index
        %get3A_636 = tpu.vector_load %arg7[%get3A_634, %get3A_635] {strides = array<i32>} : memref<320x64xf32, #tpu.memory_space<vmem>>, vector<1x16xf32>,
        %get3A_637 = vector.shape_cast %get3A_636 : vector<1x16xf32> to vector<16xf32>
        %add3A_638 = arith.addf %add3A_610, %get3A_637 : vector<16xf32>
        %add3A_639 = arith.constant 16 : i32
        %add3A_640 = arith.addi %mul3A_177, %add3A_639 : i32
        %get3A_641 = arith.index_cast %add3A_640 : i32 to index
        %get3A_642 = arith.constant 16 : index
        %get3A_643 = tpu.vector_load %arg7[%get3A_641, %get3A_642] {strides = array<i32>} : memref<320x64xf32, #tpu.memory_space<vmem>>, vector<1x16xf32>,
        %get3A_644 = vector.shape_cast %get3A_643 : vector<1x16xf32> to vector<16xf32>
        %add3A_645 = arith.addf %add3A_617, %get3A_644 : vector<16xf32>
        %add3A_646 = arith.constant 16 : i32
        %add3A_647 = arith.addi %mul3A_177, %add3A_646 : i32
        %get3A_648 = arith.index_cast %add3A_647 : i32 to index
        %get3A_649 = arith.constant 32 : index
        %get3A_650 = tpu.vector_load %arg7[%get3A_648, %get3A_649] {strides = array<i32>} : memref<320x64xf32, #tpu.memory_space<vmem>>, vector<1x16xf32>,
        %get3A_651 = vector.shape_cast %get3A_650 : vector<1x16xf32> to vector<16xf32>
        %add3A_652 = arith.addf %add3A_624, %get3A_651 : vector<16xf32>
        %add3A_653 = arith.constant 16 : i32
        %add3A_654 = arith.addi %mul3A_177, %add3A_653 : i32
        %get3A_655 = arith.index_cast %add3A_654 : i32 to index
        %get3A_656 = arith.constant 48 : index
        %get3A_657 = tpu.vector_load %arg7[%get3A_655, %get3A_656] {strides = array<i32>} : memref<320x64xf32, #tpu.memory_space<vmem>>, vector<1x16xf32>,
        %get3A_658 = vector.shape_cast %get3A_657 : vector<1x16xf32> to vector<16xf32>
        %add3A_659 = arith.addf %add3A_631, %get3A_658 : vector<16xf32>
        %add3A_660 = arith.constant 17 : i32
        %add3A_661 = arith.addi %mul3A_177, %add3A_660 : i32
        %get3A_662 = arith.index_cast %add3A_661 : i32 to index
        %get3A_663 = arith.constant 0 : index
        %get3A_664 = tpu.vector_load %arg7[%get3A_662, %get3A_663] {strides = array<i32>} : memref<320x64xf32, #tpu.memory_space<vmem>>, vector<1x16xf32>,
        %get3A_665 = vector.shape_cast %get3A_664 : vector<1x16xf32> to vector<16xf32>
        %add3A_666 = arith.addf %add3A_638, %get3A_665 : vector<16xf32>
        %add3A_667 = arith.constant 17 : i32
        %add3A_668 = arith.addi %mul3A_177, %add3A_667 : i32
        %get3A_669 = arith.index_cast %add3A_668 : i32 to index
        %get3A_670 = arith.constant 16 : index
        %get3A_671 = tpu.vector_load %arg7[%get3A_669, %get3A_670] {strides = array<i32>} : memref<320x64xf32, #tpu.memory_space<vmem>>, vector<1x16xf32>,
        %get3A_672 = vector.shape_cast %get3A_671 : vector<1x16xf32> to vector<16xf32>
        %add3A_673 = arith.addf %add3A_645, %get3A_672 : vector<16xf32>
        %add3A_674 = arith.constant 17 : i32
        %add3A_675 = arith.addi %mul3A_177, %add3A_674 : i32
        %get3A_676 = arith.index_cast %add3A_675 : i32 to index
        %get3A_677 = arith.constant 32 : index
        %get3A_678 = tpu.vector_load %arg7[%get3A_676, %get3A_677] {strides = array<i32>} : memref<320x64xf32, #tpu.memory_space<vmem>>, vector<1x16xf32>,
        %get3A_679 = vector.shape_cast %get3A_678 : vector<1x16xf32> to vector<16xf32>
        %add3A_680 = arith.addf %add3A_652, %get3A_679 : vector<16xf32>
        %add3A_681 = arith.constant 17 : i32
        %add3A_682 = arith.addi %mul3A_177, %add3A_681 : i32
        %get3A_683 = arith.index_cast %add3A_682 : i32 to index
        %get3A_684 = arith.constant 48 : index
        %get3A_685 = tpu.vector_load %arg7[%get3A_683, %get3A_684] {strides = array<i32>} : memref<320x64xf32, #tpu.memory_space<vmem>>, vector<1x16xf32>,
        %get3A_686 = vector.shape_cast %get3A_685 : vector<1x16xf32> to vector<16xf32>
        %add3A_687 = arith.addf %add3A_659, %get3A_686 : vector<16xf32>
        %add3A_688 = arith.constant 18 : i32
        %add3A_689 = arith.addi %mul3A_177, %add3A_688 : i32
        %get3A_690 = arith.index_cast %add3A_689 : i32 to index
        %get3A_691 = arith.constant 0 : index
        %get3A_692 = tpu.vector_load %arg7[%get3A_690, %get3A_691] {strides = array<i32>} : memref<320x64xf32, #tpu.memory_space<vmem>>, vector<1x16xf32>,
        %get3A_693 = vector.shape_cast %get3A_692 : vector<1x16xf32> to vector<16xf32>
        %add3A_694 = arith.addf %add3A_666, %get3A_693 : vector<16xf32>
        %add3A_695 = arith.constant 18 : i32
        %add3A_696 = arith.addi %mul3A_177, %add3A_695 : i32
        %get3A_697 = arith.index_cast %add3A_696 : i32 to index
        %get3A_698 = arith.constant 16 : index
        %get3A_699 = tpu.vector_load %arg7[%get3A_697, %get3A_698] {strides = array<i32>} : memref<320x64xf32, #tpu.memory_space<vmem>>, vector<1x16xf32>,
        %get3A_700 = vector.shape_cast %get3A_699 : vector<1x16xf32> to vector<16xf32>
        %add3A_701 = arith.addf %add3A_673, %get3A_700 : vector<16xf32>
        %add3A_702 = arith.constant 18 : i32
        %add3A_703 = arith.addi %mul3A_177, %add3A_702 : i32
        %get3A_704 = arith.index_cast %add3A_703 : i32 to index
        %get3A_705 = arith.constant 32 : index
        %get3A_706 = tpu.vector_load %arg7[%get3A_704, %get3A_705] {strides = array<i32>} : memref<320x64xf32, #tpu.memory_space<vmem>>, vector<1x16xf32>,
        %get3A_707 = vector.shape_cast %get3A_706 : vector<1x16xf32> to vector<16xf32>
        %add3A_708 = arith.addf %add3A_680, %get3A_707 : vector<16xf32>
        %add3A_709 = arith.constant 18 : i32
        %add3A_710 = arith.addi %mul3A_177, %add3A_709 : i32
        %get3A_711 = arith.index_cast %add3A_710 : i32 to index
        %get3A_712 = arith.constant 48 : index
        %get3A_713 = tpu.vector_load %arg7[%get3A_711, %get3A_712] {strides = array<i32>} : memref<320x64xf32, #tpu.memory_space<vmem>>, vector<1x16xf32>,
        %get3A_714 = vector.shape_cast %get3A_713 : vector<1x16xf32> to vector<16xf32>
        %add3A_715 = arith.addf %add3A_687, %get3A_714 : vector<16xf32>
        %add3A_716 = arith.constant 19 : i32
        %add3A_717 = arith.addi %mul3A_177, %add3A_716 : i32
        %get3A_718 = arith.index_cast %add3A_717 : i32 to index
        %get3A_719 = arith.constant 0 : index
        %get3A_720 = tpu.vector_load %arg7[%get3A_718, %get3A_719] {strides = array<i32>} : memref<320x64xf32, #tpu.memory_space<vmem>>, vector<1x16xf32>,
        %get3A_721 = vector.shape_cast %get3A_720 : vector<1x16xf32> to vector<16xf32>
        %add3A_722 = arith.addf %add3A_694, %get3A_721 : vector<16xf32>
        %add3A_723 = arith.constant 19 : i32
        %add3A_724 = arith.addi %mul3A_177, %add3A_723 : i32
        %get3A_725 = arith.index_cast %add3A_724 : i32 to index
        %get3A_726 = arith.constant 16 : index
        %get3A_727 = tpu.vector_load %arg7[%get3A_725, %get3A_726] {strides = array<i32>} : memref<320x64xf32, #tpu.memory_space<vmem>>, vector<1x16xf32>,
        %get3A_728 = vector.shape_cast %get3A_727 : vector<1x16xf32> to vector<16xf32>
        %add3A_729 = arith.addf %add3A_701, %get3A_728 : vector<16xf32>
        %add3A_730 = arith.constant 19 : i32
        %add3A_731 = arith.addi %mul3A_177, %add3A_730 : i32
        %get3A_732 = arith.index_cast %add3A_731 : i32 to index
        %get3A_733 = arith.constant 32 : index
        %get3A_734 = tpu.vector_load %arg7[%get3A_732, %get3A_733] {strides = array<i32>} : memref<320x64xf32, #tpu.memory_space<vmem>>, vector<1x16xf32>,
        %get3A_735 = vector.shape_cast %get3A_734 : vector<1x16xf32> to vector<16xf32>
        %add3A_736 = arith.addf %add3A_708, %get3A_735 : vector<16xf32>
        %add3A_737 = arith.constant 19 : i32
        %add3A_738 = arith.addi %mul3A_177, %add3A_737 : i32
        %get3A_739 = arith.index_cast %add3A_738 : i32 to index
        %get3A_740 = arith.constant 48 : index
        %get3A_741 = tpu.vector_load %arg7[%get3A_739, %get3A_740] {strides = array<i32>} : memref<320x64xf32, #tpu.memory_space<vmem>>, vector<1x16xf32>,
        %get3A_742 = vector.shape_cast %get3A_741 : vector<1x16xf32> to vector<16xf32>
        %add3A_743 = arith.addf %add3A_715, %get3A_742 : vector<16xf32>
        %mul3A_744 = arith.constant 16 : i32
        %mul3A_745 = arith.muli %add3A_137, %mul3A_744 : i32
        %add3A_746 = arith.addi %mul3A_745, %scan3A_174 : i32
        %swap3A = arith.index_cast %add3A_746 : i32 to index
        %swap3A_747 = arith.constant 0 : index
        %swap3A_748 = tpu.vector_load %arg8[%swap3A, %swap3A_747] {strides = array<i32>} : memref<512x64xf32, #tpu.memory_space<vmem>>, vector<1x16xf32>,
        %swap3A_749 = vector.shape_cast %swap3A_748 : vector<1x16xf32> to vector<16xf32>
        %swap3A_750 = vector.shape_cast %add3A_722 : vector<16xf32> to vector<1x16xf32>
        tpu.vector_store %arg8[%swap3A, %swap3A_747], %swap3A_750 {strides = array<i32>} : memref<512x64xf32, #tpu.memory_space<vmem>>, vector<1x16xf32>,
        %mul3A_751 = arith.constant 16 : i32
        %mul3A_752 = arith.muli %add3A_137, %mul3A_751 : i32
        %add3A_753 = arith.addi %mul3A_752, %scan3A_174 : i32
        %swap3A_754 = arith.index_cast %add3A_753 : i32 to index
        %swap3A_755 = arith.constant 16 : index
        %swap3A_756 = tpu.vector_load %arg8[%swap3A_754, %swap3A_755] {strides = array<i32>} : memref<512x64xf32, #tpu.memory_space<vmem>>, vector<1x16xf32>,
        %swap3A_757 = vector.shape_cast %swap3A_756 : vector<1x16xf32> to vector<16xf32>
        %swap3A_758 = vector.shape_cast %add3A_729 : vector<16xf32> to vector<1x16xf32>
        tpu.vector_store %arg8[%swap3A_754, %swap3A_755], %swap3A_758 {strides = array<i32>} : memref<512x64xf32, #tpu.memory_space<vmem>>, vector<1x16xf32>,
        %mul3A_759 = arith.constant 16 : i32
        %mul3A_760 = arith.muli %add3A_137, %mul3A_759 : i32
        %add3A_761 = arith.addi %mul3A_760, %scan3A_174 : i32
        %swap3A_762 = arith.index_cast %add3A_761 : i32 to index
        %swap3A_763 = arith.constant 32 : index
        %swap3A_764 = tpu.vector_load %arg8[%swap3A_762, %swap3A_763] {strides = array<i32>} : memref<512x64xf32, #tpu.memory_space<vmem>>, vector<1x16xf32>,
        %swap3A_765 = vector.shape_cast %swap3A_764 : vector<1x16xf32> to vector<16xf32>
        %swap3A_766 = vector.shape_cast %add3A_736 : vector<16xf32> to vector<1x16xf32>
        tpu.vector_store %arg8[%swap3A_762, %swap3A_763], %swap3A_766 {strides = array<i32>} : memref<512x64xf32, #tpu.memory_space<vmem>>, vector<1x16xf32>,
        %mul3A_767 = arith.constant 16 : i32
        %mul3A_768 = arith.muli %add3A_137, %mul3A_767 : i32
        %add3A_769 = arith.addi %mul3A_768, %scan3A_174 : i32
        %swap3A_770 = arith.index_cast %add3A_769 : i32 to index
        %swap3A_771 = arith.constant 48 : index
        %swap3A_772 = tpu.vector_load %arg8[%swap3A_770, %swap3A_771] {strides = array<i32>} : memref<512x64xf32, #tpu.memory_space<vmem>>, vector<1x16xf32>,
        %swap3A_773 = vector.shape_cast %swap3A_772 : vector<1x16xf32> to vector<16xf32>
        %swap3A_774 = vector.shape_cast %add3A_743 : vector<16xf32> to vector<1x16xf32>
        tpu.vector_store %arg8[%swap3A_770, %swap3A_771], %swap3A_774 {strides = array<i32>} : memref<512x64xf32, #tpu.memory_space<vmem>>, vector<1x16xf32>,
        %scan3A_775 = arith.constant 0 : i32
        scf.yield %scan3A_775 : i32
      }
      %scan3A_172 = arith.constant 16 : i32
      %scan3A_173 = arith.constant 0 : i32
      scf.yield %scan3A_173 : i32
    }
    %scan3A_10 = arith.constant 16 : i32
    "tpu.region"() ({
      %run_scoped3A = tpu.sem_alloc : memref<!tpu.dma_semaphore, #tpu.memory_space<semaphore_mem>>
      %dma_start3A = arith.constant 0 : i32
      %dma_start3A_11 = tpu.memref_slice %arg4[%mul3A_2, %dma_start3A] : memref<16384x64xf32, #tpu.memory_space<hbm>> -> memref<512x64xf32, #tpu.memory_space<hbm>>
      %dma_start3A_12 = arith.constant 0 : i32
      %dma_start3A_13 = tpu.memref_slice %arg4[%mul3A_2, %dma_start3A_12] : memref<16384x64xf32, #tpu.memory_space<hbm>> -> memref<512x64xf32, #tpu.memory_space<hbm>>
      tpu.enqueue_dma source(%arg8 : memref<512x64xf32, #tpu.memory_space<vmem>>) target(%dma_start3A_13 : memref<512x64xf32, #tpu.memory_space<hbm>>) target_semaphore(%run_scoped3A : memref<!tpu.dma_semaphore, #tpu.memory_space<semaphore_mem>>)
      %dma_wait3A = arith.constant 0 : i32
      %dma_wait3A_14 = tpu.memref_slice %arg4[%mul3A_2, %dma_wait3A] : memref<16384x64xf32, #tpu.memory_space<hbm>> -> memref<512x64xf32, #tpu.memory_space<hbm>>
      %dma_wait3A_15 = arith.constant 0 : i32
      %dma_wait3A_16 = tpu.memref_slice %arg4[%mul3A_2, %dma_wait3A_15] : memref<16384x64xf32, #tpu.memory_space<hbm>> -> memref<512x64xf32, #tpu.memory_space<hbm>>
      tpu.wait_dma2 semaphore(%run_scoped3A : memref<!tpu.dma_semaphore, #tpu.memory_space<semaphore_mem>>) src(%arg8 : memref<512x64xf32, #tpu.memory_space<vmem>>) dst(%dma_wait3A_16 : memref<512x64xf32, #tpu.memory_space<hbm>>)
      tpu.yield
    }) : () -> ()
    return
  }
}

module attributes {stable_mosaic.version = 14 : i64} {
  func.func @_finish_body(%arg0: memref<128x128xf32, #tpu.memory_space<vmem>>, %arg1: memref<128x128xf32, #tpu.memory_space<vmem>>, %arg2: memref<1x1xf32, #tpu.memory_space<smem>>) attributes {dimension_semantics = [], scalar_prefetch = 0 : i64, scratch_operands = 0 : i64, tpu.core_type = #tpu.core_type<tc>} {
    %get3A = arith.constant 0 : index
    %get3A_0 = arith.constant 0 : index
    %get3A_1 = vector.load %arg0[%get3A, %get3A_0] : memref<128x128xf32, #tpu.memory_space<vmem>>, vector<128x128xf32>
    %get3A_2 = arith.constant 0 : index
    %get3A_3 = arith.constant 0 : index
    %get3A_4 = vector.load %arg1[%get3A_2, %get3A_3] : memref<128x128xf32, #tpu.memory_space<vmem>>, vector<128x128xf32>
    %min3A = arith.constant 0.000000e+00 : f32
    %min3A_5 = vector.broadcast %min3A : f32 to vector<128x128xf32>
    %min3A_6 = arith.minimumf %get3A_1, %min3A_5 : vector<128x128xf32>
    %abs3A = math.absf %get3A_1 : vector<128x128xf32>
    %neg3A = arith.constant 0.000000e+00 : f32
    %neg3A_7 = vector.broadcast %neg3A : f32 to vector<128x128xf32>
    %neg3A_8 = arith.subf %neg3A_7, %abs3A : vector<128x128xf32>
    %exp3A = math.exp %neg3A_8 : vector<128x128xf32>
    %log1p3A = math.log1p %exp3A : vector<128x128xf32>
    %sub3A = arith.subf %min3A_6, %log1p3A : vector<128x128xf32>
    %neg3A_9 = arith.constant 0.000000e+00 : f32
    %neg3A_10 = vector.broadcast %neg3A_9 : f32 to vector<128x128xf32>
    %neg3A_11 = arith.subf %neg3A_10, %get3A_4 : vector<128x128xf32>
    %min3A_12 = arith.constant 0.000000e+00 : f32
    %min3A_13 = vector.broadcast %min3A_12 : f32 to vector<128x128xf32>
    %min3A_14 = arith.minimumf %neg3A_11, %min3A_13 : vector<128x128xf32>
    %abs3A_15 = math.absf %get3A_4 : vector<128x128xf32>
    %neg3A_16 = arith.constant 0.000000e+00 : f32
    %neg3A_17 = vector.broadcast %neg3A_16 : f32 to vector<128x128xf32>
    %neg3A_18 = arith.subf %neg3A_17, %abs3A_15 : vector<128x128xf32>
    %exp3A_19 = math.exp %neg3A_18 : vector<128x128xf32>
    %log1p3A_20 = math.log1p %exp3A_19 : vector<128x128xf32>
    %sub3A_21 = arith.subf %min3A_14, %log1p3A_20 : vector<128x128xf32>
    %reduce_sum3A = vector.shape_cast %sub3A : vector<128x128xf32> to vector<1x128x128xf32>
    %reduce_sum3A_22 = arith.constant dense<0.000000e+00> : vector<1xf32>
    %reduce_sum3A_23 = vector.multi_reduction <add>, %reduce_sum3A, %reduce_sum3A_22 [1, 2] : vector<1x128x128xf32> to vector<1xf32>
    %reduce_sum3A_24 = vector.shape_cast %reduce_sum3A_23 : vector<1xf32> to vector<1x1x1xf32>
    %reduce_sum3A_25 = vector.extract %reduce_sum3A_24[0, 0, 0] : f32 from vector<1x1x1xf32>
    %reduce_sum3A_26 = vector.shape_cast %sub3A_21 : vector<128x128xf32> to vector<1x128x128xf32>
    %reduce_sum3A_27 = arith.constant dense<0.000000e+00> : vector<1xf32>
    %reduce_sum3A_28 = vector.multi_reduction <add>, %reduce_sum3A_26, %reduce_sum3A_27 [1, 2] : vector<1x128x128xf32> to vector<1xf32>
    %reduce_sum3A_29 = vector.shape_cast %reduce_sum3A_28 : vector<1xf32> to vector<1x1x1xf32>
    %reduce_sum3A_30 = vector.extract %reduce_sum3A_29[0, 0, 0] : f32 from vector<1x1x1xf32>
    %add3A = arith.addf %reduce_sum3A_25, %reduce_sum3A_30 : f32
    %neg3A_31 = arith.constant 0.000000e+00 : f32
    %neg3A_32 = arith.subf %neg3A_31, %add3A : f32
    %div3A = arith.constant 1.638400e+04 : f32
    %div3A_33 = arith.divf %neg3A_32, %div3A : f32
    %swap3A = arith.constant 0 : index
    %swap3A_34 = arith.constant 0 : index
    %swap3A_35 = memref.load %arg2[%swap3A, %swap3A_34] : memref<1x1xf32, #tpu.memory_space<smem>>
    memref.store %div3A_33, %arg2[%swap3A, %swap3A_34] : memref<1x1xf32, #tpu.memory_space<smem>>
    return
  }
}

</mosaic_0001>

<sc_bundles>
// kernel: kernel.5.cloned.1.call-start
scs
__scs_entry_jumppad:
0x0: {  	(pc) =	sbr.rel $0x88, $3  }
0x1: {  	(tag) =	ssettag $0x0;
	lr =	simm.s32 $0x1  }
0x2: {  	[smem:$0x3F9C] =	sst lr;
	_ =	strace $0xD0000000  }
0x3: {  	_ = 	snop  }
0x4: {  	_ = 	snop  }
0x5: {  	_ = 	snop  }
0x6: {  	_ = 	snop  }
0x7: {  	_ = 	snop  }
__scs_overlays_trampoline_lowered:
0x8: {  	[smem:$0x3FAB] =	sst s0  }
0x9: {  	[smem:$0x3FAC] =	sst s1  }
0xa: {  	[smem:$0x3FAD] =	sst s2  }
0xb: {  	[smem:$0x3FAE] =	sst s3  }
0xc: {  	[smem:$0x3FAF] =	sst s4  }
0xd: {  	[smem:$0x3FB0] =	sst s5  }
0xe: {  	[smem:$0x3FB1] =	sst s6  }
0xf: {  	[smem:$0x3FB2] =	sst s7  }
0x10: {  	[smem:$0x3FB3] =	sst s8  }
0x11: {  	[smem:$0x3FB4] =	sst s9;
	s0 =	simm.s32 @!p0 $0x0  }
0x12: {  	s1 =	sld [smem:$0x3F9A];
	s0 =	simm.s32 @p0 $0x1  }
0x13: {  	[smem:$0x3FB5] =	sst s0;
	s0 =	simm.s32 @!p1 $0x0  }
0x14: {  	s2 =	sld [smem:$0x3F99];
	s0 =	simm.s32 @p1 $0x1  }
0x15: {  	[smem:$0x3FB6] =	sst s0;
	s0 =	simm.s32 @!p2 $0x0  }
0x16: {  	s3 =	sld [smem:$0x3FDB];
	s0 =	simm.s32 @p2 $0x1  }
0x17: {  	s4 =	simm.s32 $0x1BF5;
	[smem:$0x3FB8] =	sst s0  }
0x18: {  	s0 =	sld [smem:$0x3F9B];
	_ =	swait.ge [sflag:s4], $0x0  }
0x19: {  	s7 =	sld [smem:$0x3F9C]  }
0x1a: {  	s8 =	sadd.s32 $0xFFFFE003, lr  }
0x1b: {  	s9 =	sadd.s32 $0xFFFFFEF7, lr;
	s5 =	simm.s32 $0xFFFFFFFF;
	p2 =	slt.u32 s8, $0xFFFFF086  }
0x1c: {  	p1 =	slt.u32 s9, $0xF7A;
	s5 =	simm.s32 @!p2 $0x0  }
0x1d: {  	s5 =	simm.s32 @p1 $0x1;
	p0 =	seq.s32 s7, s2  }
0x1e: {  	s7 =	smul.u32 @!p0 $0xF7A, s2;
	p2 =	seq.s32 @!p0 s5, $0x0  }
0x1f: {  	s9 =	smul.u32 $0xF7A, s1;
	s8 =	simm.s32 @!p0 $0x1BF5;
	p2 =	por !p2, p0  }
0x20: {  	[sflag:s8] =	ssyncset.s32 @!p0 $0xFFFFF086;
	s6 =	sadd.s32 @!p0 s3, s7;
	s7 =	simm.s32 @!p0 $0x108  }
0x21: {  	s3 =	sadd.s32 s3, s9;
	s6 =	sadd.s32 @!p0 $0x88, s6;
	s7 =	simm.s32 @p2 $0x1082  }
0x22: {  	[simem:s7], [sflag:s8] =	dma.local @!p0 [hbm:s6], $0xF7A  }
0x23: {  	s9 =	sor.u32 $0xD0000000, s2;
	s6 =	simm.s32 $0x108;
	_ =	swait.ge @!p0 [sflag:s8], $0x0  }
0x24: {  	s3 =	sadd.s32 $0x88, s3;
	s6 =	simm.s32 @!p1 $0x1082;
	[sflag:s4] =	ssyncset.s32 $0xFFFFF086  }
0x25: {  	[simem:s6], [sflag:s4] =	dma.local [hbm:s3], $0xF7A  }
0x26: {  	[smem:$0x3F9C] =	sst s1;
	(tag) =	ssettag s2;
	_ =	strace s9  }
0x27: {  	s1 =	sld [smem:$0x3FAC]  }
0x28: {  	s2 =	sld [smem:$0x3FAD]  }
0x29: {  	s4 =	sld [smem:$0x3FAF]  }
0x2a: {  	p0 =	seq.s32 s5, $0x0;
	s5 =	sld [smem:$0x3FB0]  }
0x2b: {  	s6 =	sld [smem:$0x3FB1]  }
0x2c: {  	s7 =	sld [smem:$0x3FB2]  }
0x2d: {  	s3 =	simm.s32 $0x108;
	s8 =	sld [smem:$0x3FB3]  }
0x2e: {  	s3 =	simm.s32 @!p0 $0x1082;
	s9 =	sld [smem:$0x3FB4]  }
0x2f: {  	lr =	sadd.s32 s0, s3;
	s0 =	sld [smem:$0x3FAB]  }
0x30: {  	s3 =	sld [smem:$0x3FAE]  }
0x31: {  	[smem:$0x3FB7] =	sst s10  }
0x32: {  	s10 =	sld [smem:$0x3FB5];
	_ =	sdelay $0x3  }
0x33: {  	p0 =	seq.s32 s10, $0x1;
	s10 =	sld [smem:$0x3FB7];
	_ =	sdelay $0x3  }
0x34: {  	[smem:$0x3FB7] =	sst s10  }
0x35: {  	s10 =	sld [smem:$0x3FB6];
	_ =	sdelay $0x3  }
0x36: {  	p1 =	seq.s32 s10, $0x1;
	s10 =	sld [smem:$0x3FB7];
	_ =	sdelay $0x3  }
0x37: {  	[smem:$0x3FB7] =	sst s10  }
0x38: {  	s10 =	sld [smem:$0x3FB8]  }
0x39: {  	_ = 	snop;
	(pc) =	sbr.ind lr, $3  }
0x3a: {  	_ = 	snop  }
0x3b: {  	_ = 	snop  }
0x3c: {  	p2 =	seq.s32 s10, $0x1;
	s10 =	sld [smem:$0x3FB7]  }
0x3d: {  	_ =	shalt  }
0x3e: {  	_ =	shalt  }
0x3f: {  	_ =	shalt  }
0x40: {  	_ =	shalt  }
0x41: {  	_ =	shalt  }
0x42: {  	_ =	shalt  }
0x43: {  	_ =	shalt  }
0x44: {  	_ =	shalt  }
0x45: {  	_ =	shalt  }
0x46: {  	_ =	shalt  }
0x47: {  	_ =	shalt  }
0x48: {  	_ =	shalt  }
0x49: {  	_ =	shalt  }
0x4a: {  	_ =	shalt  }
0x4b: {  	_ =	shalt  }
0x4c: {  	_ =	shalt  }
0x4d: {  	_ =	shalt  }
0x4e: {  	_ =	shalt  }
0x4f: {  	_ =	shalt  }
0x50: {  	_ =	shalt  }
0x51: {  	_ =	shalt  }
0x52: {  	_ =	shalt  }
0x53: {  	_ =	shalt  }
0x54: {  	_ =	shalt  }
0x55: {  	_ =	shalt  }
0x56: {  	_ =	shalt  }
0x57: {  	_ =	shalt  }
0x58: {  	_ =	shalt  }
0x59: {  	_ =	shalt  }
0x5a: {  	_ =	shalt  }
0x5b: {  	_ =	shalt  }
0x5c: {  	_ =	shalt  }
0x5d: {  	_ =	shalt  }
0x5e: {  	_ =	shalt  }
0x5f: {  	_ =	shalt  }
0x60: {  	_ =	shalt  }
0x61: {  	_ =	shalt  }
0x62: {  	_ =	shalt  }
0x63: {  	_ =	shalt  }
0x64: {  	_ =	shalt  }
0x65: {  	_ =	shalt  }
0x66: {  	_ =	shalt  }
0x67: {  	_ =	shalt  }
0x68: {  	_ =	shalt  }
0x69: {  	_ =	shalt  }
0x6a: {  	_ =	shalt  }
0x6b: {  	_ =	shalt  }
0x6c: {  	_ =	shalt  }
0x6d: {  	_ =	shalt  }
0x6e: {  	_ =	shalt  }
0x6f: {  	_ =	shalt  }
0x70: {  	_ =	shalt  }
0x71: {  	_ =	shalt  }
0x72: {  	_ =	shalt  }
0x73: {  	_ =	shalt  }
0x74: {  	_ =	shalt  }
0x75: {  	_ =	shalt  }
0x76: {  	_ =	shalt  }
0x77: {  	_ =	shalt  }
0x78: {  	_ =	shalt  }
0x79: {  	_ =	shalt  }
0x7a: {  	_ =	shalt  }
0x7b: {  	_ =	shalt  }
0x7c: {  	_ =	shalt  }
0x7d: {  	_ =	shalt  }
0x7e: {  	_ =	shalt  }
0x7f: {  	_ =	shalt  }
0x80: {  	_ =	shalt  }
0x81: {  	_ =	shalt  }
0x82: {  	_ =	shalt  }
0x83: {  	_ =	shalt  }
0x84: {  	_ =	shalt  }
0x85: {  	_ =	shalt  }
0x86: {  	_ =	shalt  }
0x87: {  	_ =	shalt  }
.Lfunc_end0:
.L_simem_size_0:
called_computation_lowered:
.L_overlay_start_0:
0x88: {  	s2 =	sld [smem:$0x3FD9]  }
0x89: {  	s3 =	sld [smem:$0x3FFE];
	_ =	sdelay $0x1  }
0x8a: {  	s1 =	srdreg.scid  }
0x8b: {  	s0 =	sand.u32 $0x1, s1  }
0x8c: {  	s16 =	sshll.u32 s0, $0xA;
	s2 =	sadd.s32 s3, s2  }
0x8d: {  	s2 =	sadd.s32 s2, s16  }
0x8e: {  	[smem:$0x3FC3] =	sst s2  }
0x8f: {  	_ = 	snop  }
0x90: {  	(tm) =	ssettm $0x1  }
0x91: {  	s17 =	sld [smem:$0x3FFB];
	_ =	sdelay $0x3  }
0x92: {  	_ =	strace s17  }
0x93: {  	s2 =	sld [smem:$0x3FFC];
	_ =	sdelay $0x3  }
0x94: {  	_ =	strace s2  }
0x95: {  	s2 =	sld [smem:$0x3FFD];
	_ =	sdelay $0x3  }
0x96: {  	_ =	strace s2  }
0x97: {  	_ =	strace $0x8FFFFFFF  }
0x98: {  	s18 =	sld [smem:$0x3FDB];
	_ =	sdelay $0x1  }
0x99: {  	s19 =	simm.s32 $_scs_section_size  }
0x9a: {  	s4 =	simm.s32 $_size__tile_overlayer_lowered;
	s5 =	simm.s32 $_tile_overlayer_lowered  }
0x9b: {  	s22 =	simm.s32 $0x1BFF;
	s21 =	sshll.u32 s5, $0x1;
	s2 =	sadd.s32 s19, s18  }
0x9c: {  	s6 =	simm.s32 $0x0;
	s20 =	sshll.u32 s4, $0x1;
	s4 =	sadd.s32 s21, s2  }
0x9d: {  	[timem:s6], [sflag:s22] =	dma.local [hbm:s4], s20  }
0x9e: {  	_ =	swait.ge [sflag:s22], s20  }
0x9f: {  	s3 =	ssub.s32 $0x0, s20;
	[sflag:s22] =	ssyncset.done $0x0  }
0xa0: {  	[sflag:s22] =	ssyncadd.s32 s3;
	_ =	sdelay $0x1  }
0xa1: {  	s23 =	simm.s32 $0x1B8B  }
0xa2: {  	_ =	swait.ge [sflag:s23], $0x1  }
0xa3: {  	[sflag:s23] =	ssyncset.done $0x0  }
0xa4: {  	s25 =	simm.s32 $0x1B8E;
	s24 =	sld [smem:$0x3FFE];
	[sflag:s23] =	ssyncadd.s32 $0xFFFFFFFF  }
0xa5: {  	s26 =	simm.s32 $execute0_lowered;
	[smem:$0x3FD2] =	sst s25  }
0xa6: {  	s4 =	sshll.u32 s26, $0x1;
	_ =	strace $0x80000046;
	[dreg:$0x1] =	wrdreg $0xFFFFFFFF  }
0xa7: {  	s28 =	simm.s32 $_size_execute0_lowered;
	s2 =	sadd.s32 s2, s4;
	[dreg:$0x0] =	wrdreg $0x0  }
0xa8: {  	s4 =	sshll.u32 s28, $0x1;
	[dreg:$0x2] =	wrdreg s2  }
0xa9: {  	[dreg:$0x3] =	wrdreg s4  }
0xaa: {  	[dreg:$0x4] =	wrdreg $0xC0  }
0xab: {  	_ =	task [dreg:s6], $0x5FFFF  }
0xac: {  	[dreg:$0x1] =	wrdreg $0xFFFFFFFF  }
0xad: {  	[dreg:$0x0] =	wrdreg $0x60  }
0xae: {  	[dreg:$0x2] =	wrdreg s24  }
0xaf: {  	[dreg:$0x3] =	wrdreg $0x9  }
0xb0: {  	_ =	task.clear_ibuf [dreg:s6], $0x4FFFF;
	_ =	strace $0x90000046  }
0xb1: {  	s29 =	simm.s32 $0x9;
	_ =	strace $0x80000048  }
0xb2: {  	_ =	swait.ge [sflag:s29], $0x1  }
0xb3: {  	[sflag:s29] =	ssyncadd.s32 $0xFFFFFFFF  }
0xb4: {  	_ =	strace $0x90000048  }
0xb5: {  	_ =	sfence  }
0xb6: {  	s30 =	sld [smem:$0x0];
	_ =	sdelay $0x2  }
0xb7: {  	s31 =	sshll.u32 s1, $0xD;
	s1 =	sshrl.u32 s1, $0x2  }
0xb8: {  	s3 =	sand.u32 $0x4000, s31;
	s1 =	sadd.s32 s1, s30  }
0xb9: {  	s0 =	sor.u32 s3, s0;
	s1 =	sshll.u32 s1, $0x11  }
0xba: {  	s0 =	sor.u32 s1, s0  }
0xbb: {  	s0 =	sadd.s32 $0x8F2B, s0  }
0xbc: {  	[sflag:s0] =	ssyncadd.remote.s32 $0x1  }
0xbd: {  	_ =	sfence.sel $0xFFFF  }
0xbe: {  	[dreg:$0x0] =	wrdreg $0xFFFFFFFF;
	(pc) =	sbr.abs _section_cstart, $3  }
0xbf: {  	[dreg:$0x1] =	wrdreg $0xFFFFFFFF  }
0xc0: {  	_ =	task.clear_ibuf [dreg:s6], $0x2FFFF;
	_ =	strace $0x9FFFFFFF  }
0xc1: {  	(tm) =	ssettm $0x7FFFFFFF  }
tec
execute0_lowered:
.L_overlay_start_1:
0x0: {  	(tag) =	ssettag $0x1  }
0x1: {  	s1 =	srdreg.scid  }
0x2: {  	s0 =	stileid.u32;
	s4 =	rddreg [dreg:$0x0];
	s2 =	simm.s32 $0x0  }
0x3: {  	s9 =	simm.s32 $0x2800;
	s10 =	simm.s32 $0x3C00;
	s11 =	simm.s32 $0x5000  }
0x4: {  	s12 =	simm.s32 $0x6400;
	s13 =	simm.s32 $0x7800;
	s14 =	simm.s32 $0x8C00  }
0x5: {  	s15 =	simm.s32 $0xA000;
	s16 =	simm.s32 $0xB400;
	s17 =	simm.s32 $0x1  }
0x6: {  	s18 =	simm.s32 $0xC800;
	s3 =	sand.u32 $0x1, s1;
	s1 =	rddreg [dreg:$0x1]  }
0x7: {  	s19 =	simm.s32 $0x0;
	s31 =	sshll.u32 s0, $0x1;
	[smem:$0x7FF] =	sst s2  }
0x8: {  	s5 =	sor.u32 s3, s31;
	_ =	strace $0x80000047;
	s7 =	ssub.s32 $0x2, s3  }
0x9: {  	s6 =	smul.u32 $0x500, s5;
	s5 =	sshll.u32 s5, $0xC;
	s8 =	sshrl.u32 s7, $0x1  }
0xa: {  	s3 =	sadd.s32 $0xF43800, s4;
	s5 =	sadd.s32 s5, s4;
	s7 =	ssub.s32 s7, s8  }
0xb: {  	s8 =	simm.s32 $0x50;
	s6 =	sadd.s32 s6, s4;
	s5 =	sadd.s32 $0xB400, s5  }
0xc: {  	s4 =	sadd.s32 $0x1400, s6;
	s6 =	smax.u32 s7, $0x1;
	s7 =	simm.s32 $0x2  }
.LBB2_1:
0xd: {  	[tilespmem:s2], [sflag:$0x2] =	stream.linear.gather [hbm4b:s4+s2], $0x2800, $0x38;
	[tilespmem:$0x14800] =	vst v63  }
0xe: {  	_ =	swait.ge [sflag:s7], $0x2800  }
0xf: {  	s20 =	simm.s32 $0xC830;
	[sflag:s7] =	ssyncset.done $0x0  }
0x10: {  	s21 =	simm.s32 $0xCC30;
	s22 =	simm.s32 $0x0;
	[sflag:s7] =	ssyncadd.s32 $0xFFFFD800  }
.LBB2_2:
0x11: {  	s23 =	smul.u32 $0xA00, s22;
	_ =	sdelay $0x1  }
0x12: {  	s23 =	sshra.s32 s23, $0x2  }
0x13: {  	[tilespmem:s9], [sflag:$0x1] =	stream.indirect.gather [hbm4b:s3+s8], $0x40, s23, s8, $0xb8;
	[tilespmem:$0x14800] =	vst v63  }
0x14: {  	s24 =	sor.u32 $0x50, s23  }
0x15: {  	[tilespmem:s10], [sflag:$0x1] =	stream.indirect.gather [hbm4b:s3+s8], $0x40, s24, s8, $0xb8;
	[tilespmem:$0x14800] =	vst v63  }
0x16: {  	s29 =	sshllo.u32 s22, $0x1;
	s28 =	sadd.s32 $0xA0, s23  }
0x17: {  	[tilespmem:s11], [sflag:$0x1] =	stream.indirect.gather [hbm4b:s3+s8], $0x40, s28, s8, $0xb8;
	[tilespmem:$0x14800] =	vst v63  }
0x18: {  	s23 =	sadd.s32 $0xF0, s23;
	s24 =	smul.u32 $0x500, s29  }
0x19: {  	[tilespmem:s12], [sflag:$0x1] =	stream.indirect.gather [hbm4b:s3+s8], $0x40, s23, s8, $0xb8;
	[tilespmem:$0x14800] =	vst v63  }
0x1a: {  	s30 =	sshra.s32 s24, $0x2  }
0x1b: {  	[tilespmem:s13], [sflag:$0x1] =	stream.indirect.gather [hbm4b:s3+s8], $0x40, s30, s8, $0xb8;
	[tilespmem:$0x14800] =	vst v63  }
0x1c: {  	s24 =	sadd.s32 $0x50, s30  }
0x1d: {  	[tilespmem:s14], [sflag:$0x1] =	stream.indirect.gather [hbm4b:s3+s8], $0x40, s24, s8, $0xb8;
	[tilespmem:$0x14800] =	vst v63  }
0x1e: {  	s31 =	sadd.s32 $0xA0, s30  }
0x1f: {  	[tilespmem:s15], [sflag:$0x1] =	stream.indirect.gather [hbm4b:s3+s8], $0x40, s31, s8, $0xb8;
	[tilespmem:$0x14800] =	vst v63  }
0x20: {  	s23 =	sadd.s32 $0xF0, s30  }
0x21: {  	[tilespmem:s16], [sflag:$0x1] =	stream.indirect.gather [hbm4b:s3+s8], $0x40, s23, s8, $0xb8;
	[tilespmem:$0x14800] =	vst v63  }
0x22: {  	_ =	swait.ge [sflag:s17], $0x1400  }
0x23: {  	[sflag:s17] =	ssyncset.done $0x0  }
0x24: {  	[sflag:s17] =	ssyncadd.s32 $0xFFFFEC00  }
0x25: {  	_ =	swait.ge [sflag:s17], $0x1400  }
0x26: {  	[sflag:s17] =	ssyncset.done $0x0  }
0x27: {  	[sflag:s17] =	ssyncadd.s32 $0xFFFFEC00  }
0x28: {  	_ =	swait.ge [sflag:s17], $0x1400  }
0x29: {  	[sflag:s17] =	ssyncset.done $0x0  }
0x2a: {  	[sflag:s17] =	ssyncadd.s32 $0xFFFFEC00  }
0x2b: {  	_ =	swait.ge [sflag:s17], $0x1400  }
0x2c: {  	[sflag:s17] =	ssyncset.done $0x0  }
0x2d: {  	s23 =	simm.s32 $0x2A80;
	[sflag:s17] =	ssyncadd.s32 $0xFFFFEC00  }
0x2e: {  	v7 =	vld [tilespmem:s23+$0xFFFFFD90]  }
0x2f: {  	v8 =	vld [tilespmem:s23+$0xFFFFFDA0]  }
0x30: {  	v9 =	vld [tilespmem:s23+$0xFFFFFDC0]  }
0x31: {  	v1 =	vld [tilespmem:s23+$0x250]  }
0x32: {  	v2 =	vld [tilespmem:s23+$0x240]  }
0x33: {  	v3 =	vld [tilespmem:s23+$0x210]  }
0x34: {  	v4 =	vld [tilespmem:s23+$0x200]  }
0x35: {  	v5 =	vld [tilespmem:s23+$0x1D0]  }
0x36: {  	v0 =	vld [tilespmem:s23+$0x1C0]  }
0x37: {  	v6 =	vld [tilespmem:s23+$0x190]  }
0x38: {  	v10 =	vld [tilespmem:s23+$0x180]  }
0x39: {  	v11 =	vld [tilespmem:s23+$0x150]  }
0x3a: {  	v12 =	vld [tilespmem:s23+$0x140]  }
0x3b: {  	v13 =	vld [tilespmem:s23+$0x110]  }
0x3c: {  	v14 =	vld [tilespmem:s23+$0x100]  }
0x3d: {  	v15 =	vld [tilespmem:s23+$0xD0]  }
0x3e: {  	v16 =	vld [tilespmem:s23+$0xC0]  }
0x3f: {  	v17 =	vld [tilespmem:s23+$0x90]  }
0x40: {  	v18 =	vld [tilespmem:s23+$0x80]  }
0x41: {  	v19 =	vld [tilespmem:s23+$0x50]  }
0x42: {  	v20 =	vld [tilespmem:s23+$0x40]  }
0x43: {  	v21 =	vld [tilespmem:s23+$0x10]  }
0x44: {  	v22 =	vld [tilespmem:s23+$0x0]  }
0x45: {  	v23 =	vld [tilespmem:s23+$0xFFFFFFD0]  }
0x46: {  	v24 =	vld [tilespmem:s23+$0xFFFFFFC0]  }
0x47: {  	v25 =	vld [tilespmem:s23+$0xFFFFFF90]  }
0x48: {  	v26 =	vld [tilespmem:s23+$0xFFFFFF80]  }
0x49: {  	v27 =	vld [tilespmem:s23+$0xFFFFFF50]  }
0x4a: {  	v28 =	vld [tilespmem:s23+$0xFFFFFF40]  }
0x4b: {  	v29 =	vld [tilespmem:s23+$0xFFFFFF10]  }
0x4c: {  	v30 =	vld [tilespmem:s23+$0xFFFFFF00]  }
0x4d: {  	v31 =	vld [tilespmem:s23+$0xFFFFFED0]  }
0x4e: {  	v32 =	vld [tilespmem:s23+$0xFFFFFEC0]  }
0x4f: {  	v33 =	vld [tilespmem:s23+$0xFFFFFE90]  }
0x50: {  	v34 =	vld [tilespmem:s23+$0xFFFFFE80]  }
0x51: {  	v35 =	vld [tilespmem:s23+$0xFFFFFE50]  }
0x52: {  	v36 =	vld [tilespmem:s23+$0xFFFFFE40]  }
0x53: {  	v37 =	vld [tilespmem:s23+$0xFFFFFE10]  }
0x54: {  	v38 =	vld [tilespmem:s23+$0xFFFFFD80]  }
0x55: {  	v39 =	vld [tilespmem:s23+$0xFFFFFE00]  }
0x56: {  	v40 =	vld [tilespmem:s23+$0xFFFFFDD0]  }
0x57: {  	v41 =	vld [tilespmem:s23+$0xFFFFFDB0]  }
0x58: {  	v42 =	vld [tilespmem:s23+$0xFFFFFDE0]  }
0x59: {  	v43 =	vld [tilespmem:s23+$0xFFFFFDF0];
	v38 =	vadd.f32 $0.0e+00, v38  }
0x5a: {  	v44 =	vld [tilespmem:s23+$0xFFFFFE20];
	v7 =	vadd.f32 $0.0e+00, v7  }
0x5b: {  	v53 =	vld [tilespmem:s23+$0xFFFFFE30];
	v8 =	vadd.f32 $0.0e+00, v8;
	v9 =	vadd.f32 v9, v38  }
0x5c: {  	v55 =	vld [tilespmem:s23+$0xFFFFFE60];
	v54 =	vadd.f32 $0.0e+00, v41;
	v7 =	vadd.f32 v40, v7  }
0x5d: {  	v56 =	vld [tilespmem:s23+$0xFFFFFE70];
	v8 =	vadd.f32 v42, v8;
	v9 =	vadd.f32 v39, v9  }
0x5e: {  	v57 =	vld [tilespmem:s23+$0xFFFFFEA0];
	v40 =	vadd.f32 v43, v54;
	v7 =	vadd.f32 v37, v7  }
0x5f: {  	v58 =	vld [tilespmem:s23+$0xFFFFFEB0];
	v8 =	vadd.f32 v44, v8;
	v9 =	vadd.f32 v36, v9  }
0x60: {  	v59 =	vld [tilespmem:s23+$0xFFFFFEE0];
	v38 =	vadd.f32 v53, v40;
	v7 =	vadd.f32 v35, v7  }
0x61: {  	v60 =	vld [tilespmem:s23+$0xFFFFFEF0];
	v8 =	vadd.f32 v55, v8;
	v9 =	vadd.f32 v34, v9  }
0x62: {  	v61 =	vld [tilespmem:s23+$0xFFFFFF20];
	v38 =	vadd.f32 v56, v38;
	v7 =	vadd.f32 v33, v7  }
0x63: {  	v62 =	vld [tilespmem:s23+$0xFFFFFF30];
	v8 =	vadd.f32 v57, v8;
	v9 =	vadd.f32 v32, v9  }
0x64: {  	v63 =	vld [tilespmem:s23+$0xFFFFFF60];
	v36 =	vadd.f32 v58, v38;
	v7 =	vadd.f32 v31, v7  }
0x65: {  	v37 =	vld [tilespmem:s23+$0xFFFFFF70];
	v8 =	vadd.f32 v59, v8;
	v9 =	vadd.f32 v30, v9  }
0x66: {  	v38 =	vld [tilespmem:s23+$0xFFFFFFA0];
	v34 =	vadd.f32 v60, v36;
	v7 =	vadd.f32 v29, v7  }
0x67: {  	v39 =	vld [tilespmem:s23+$0xFFFFFFB0];
	v8 =	vadd.f32 v61, v8;
	v9 =	vadd.f32 v28, v9  }
0x68: {  	v40 =	vld [tilespmem:s23+$0xFFFFFFE0];
	v32 =	vadd.f32 v62, v34;
	v7 =	vadd.f32 v27, v7  }
0x69: {  	v41 =	vld [tilespmem:s23+$0xFFFFFFF0];
	v8 =	vadd.f32 v63, v8;
	v9 =	vadd.f32 v26, v9  }
0x6a: {  	v42 =	vld [tilespmem:s23+$0x20];
	v30 =	vadd.f32 v37, v32;
	v7 =	vadd.f32 v25, v7  }
0x6b: {  	v43 =	vld [tilespmem:s23+$0x30];
	v8 =	vadd.f32 v38, v8;
	v9 =	vadd.f32 v24, v9  }
0x6c: {  	v44 =	vld [tilespmem:s23+$0x60];
	v28 =	vadd.f32 v39, v30;
	v7 =	vadd.f32 v23, v7  }
0x6d: {  	v45 =	vld [tilespmem:s23+$0x70];
	v8 =	vadd.f32 v40, v8;
	v9 =	vadd.f32 v22, v9  }
0x6e: {  	v46 =	vld [tilespmem:s23+$0xA0];
	v26 =	vadd.f32 v41, v28;
	v7 =	vadd.f32 v21, v7  }
0x6f: {  	v47 =	vld [tilespmem:s23+$0xB0];
	v8 =	vadd.f32 v42, v8;
	v9 =	vadd.f32 v20, v9  }
0x70: {  	v48 =	vld [tilespmem:s23+$0xE0];
	v24 =	vadd.f32 v43, v26;
	v7 =	vadd.f32 v19, v7  }
0x71: {  	v49 =	vld [tilespmem:s23+$0xF0];
	v8 =	vadd.f32 v44, v8;
	v9 =	vadd.f32 v18, v9  }
0x72: {  	v50 =	vld [tilespmem:s23+$0x120];
	v22 =	vadd.f32 v45, v24;
	v7 =	vadd.f32 v17, v7  }
0x73: {  	v51 =	vld [tilespmem:s23+$0x130];
	v8 =	vadd.f32 v46, v8;
	v9 =	vadd.f32 v16, v9  }
0x74: {  	v52 =	vld [tilespmem:s23+$0x160];
	v20 =	vadd.f32 v47, v22;
	v7 =	vadd.f32 v15, v7  }
0x75: {  	v53 =	vld [tilespmem:s23+$0x170];
	v8 =	vadd.f32 v48, v8;
	v9 =	vadd.f32 v14, v9  }
0x76: {  	v54 =	vld [tilespmem:s23+$0x1A0];
	v18 =	vadd.f32 v49, v20;
	v7 =	vadd.f32 v13, v7  }
0x77: {  	v55 =	vld [tilespmem:s23+$0x1B0];
	v8 =	vadd.f32 v50, v8;
	v9 =	vadd.f32 v12, v9  }
0x78: {  	v56 =	vld [tilespmem:s23+$0x1E0];
	v16 =	vadd.f32 v51, v18;
	v7 =	vadd.f32 v11, v7  }
0x79: {  	v57 =	vld [tilespmem:s23+$0x1F0];
	v8 =	vadd.f32 v52, v8;
	v9 =	vadd.f32 v10, v9  }
0x7a: {  	v58 =	vld [tilespmem:s23+$0x220];
	v14 =	vadd.f32 v53, v16;
	v6 =	vadd.f32 v6, v7  }
0x7b: {  	v59 =	vld [tilespmem:s23+$0x230];
	v8 =	vadd.f32 v54, v8;
	v9 =	vadd.f32 v0, v9  }
0x7c: {  	v60 =	vld [tilespmem:s23+$0x260];
	v12 =	vadd.f32 v55, v14;
	v0 =	vmov s20;
	v5 =	vadd.f32 v5, v6  }
0x7d: {  	v8 =	vadd.f32 v56, v8;
	v4 =	vadd.f32 v4, v9  }
0x7e: {  	v61 =	vld [tilespmem:s23+$0x270];
	v10 =	vadd.f32 v57, v12;
	v3 =	vadd.f32 v3, v5  }
0x7f: {  	v62 =	vadd.f32 v58, v8;
	v2 =	vadd.f32 v2, v4  }
0x80: {  	s25 =	simm.s32 $0x0;
	v1 =	vadd.f32 v1, v3  }
0x81: {  	v3 =	vadd.f32 v59, v10;
	v63 =	vadd.f32 v60, v62;
	[tilespmem:v0+s25+$0xFFFFFFD0 ss:$0x1] =	vst.idx.msk $0xffff, v2  }
0x82: {  	[tilespmem:v0+s25+$0xFFFFFFE0 ss:$0x1] =	vst.idx.msk $0xffff, v1  }
0x83: {  	s24 =	simm.s32 $0x100;
	v1 =	vadd.f32 v61, v3;
	[tilespmem:v0+s25+$0xFFFFFFF0 ss:$0x1] =	vst.idx.msk $0xffff, v63  }
.LBB2_3:
0x84: {  	p0 =	sne.s32 s24, $0xF00  }
0x85: {  	[tilespmem:v0+s25+$0x0 ss:$0x1] =	vst.idx.msk $0xffff, v1;
	s23 =	sadd.s32 $0x500, s23;
	s25 =	smov.u32 s24;
	s24 =	sadd.s32 $0x100, s24  }
0x86: {  	v19 =	vld [tilespmem:s23+$0xFFFFFD90]  }
0x87: {  	v20 =	vld [tilespmem:s23+$0xFFFFFDA0]  }
0x88: {  	v21 =	vld [tilespmem:s23+$0xFFFFFDC0]  }
0x89: {  	v1 =	vld [tilespmem:s23+$0x250]  }
0x8a: {  	v2 =	vld [tilespmem:s23+$0x240]  }
0x8b: {  	v3 =	vld [tilespmem:s23+$0x210]  }
0x8c: {  	v4 =	vld [tilespmem:s23+$0x200]  }
0x8d: {  	v5 =	vld [tilespmem:s23+$0x1D0]  }
0x8e: {  	v6 =	vld [tilespmem:s23+$0x1C0]  }
0x8f: {  	v7 =	vld [tilespmem:s23+$0x190]  }
0x90: {  	v8 =	vld [tilespmem:s23+$0x180]  }
0x91: {  	v9 =	vld [tilespmem:s23+$0x150]  }
0x92: {  	v10 =	vld [tilespmem:s23+$0x140]  }
0x93: {  	v11 =	vld [tilespmem:s23+$0x110]  }
0x94: {  	v12 =	vld [tilespmem:s23+$0x100]  }
0x95: {  	v13 =	vld [tilespmem:s23+$0xD0]  }
0x96: {  	v14 =	vld [tilespmem:s23+$0xC0]  }
0x97: {  	v15 =	vld [tilespmem:s23+$0x90]  }
0x98: {  	v16 =	vld [tilespmem:s23+$0x80]  }
0x99: {  	v17 =	vld [tilespmem:s23+$0x50]  }
0x9a: {  	v18 =	vld [tilespmem:s23+$0x40]  }
0x9b: {  	v22 =	vld [tilespmem:s23+$0x10]  }
0x9c: {  	v23 =	vld [tilespmem:s23+$0x0]  }
0x9d: {  	v24 =	vld [tilespmem:s23+$0xFFFFFFD0]  }
0x9e: {  	v25 =	vld [tilespmem:s23+$0xFFFFFFC0]  }
0x9f: {  	v26 =	vld [tilespmem:s23+$0xFFFFFF90]  }
0xa0: {  	v27 =	vld [tilespmem:s23+$0xFFFFFF80]  }
0xa1: {  	v28 =	vld [tilespmem:s23+$0xFFFFFF50]  }
0xa2: {  	v29 =	vld [tilespmem:s23+$0xFFFFFF40]  }
0xa3: {  	v30 =	vld [tilespmem:s23+$0xFFFFFF10]  }
0xa4: {  	v31 =	vld [tilespmem:s23+$0xFFFFFF00]  }
0xa5: {  	v32 =	vld [tilespmem:s23+$0xFFFFFED0]  }
0xa6: {  	v33 =	vld [tilespmem:s23+$0xFFFFFEC0]  }
0xa7: {  	v34 =	vld [tilespmem:s23+$0xFFFFFE90]  }
0xa8: {  	v35 =	vld [tilespmem:s23+$0xFFFFFE80]  }
0xa9: {  	v36 =	vld [tilespmem:s23+$0xFFFFFE50]  }
0xaa: {  	v37 =	vld [tilespmem:s23+$0xFFFFFE40]  }
0xab: {  	v38 =	vld [tilespmem:s23+$0xFFFFFE10]  }
0xac: {  	v39 =	vld [tilespmem:s23+$0xFFFFFD80]  }
0xad: {  	v40 =	vld [tilespmem:s23+$0xFFFFFE00]  }
0xae: {  	v41 =	vld [tilespmem:s23+$0xFFFFFDD0]  }
0xaf: {  	v42 =	vld [tilespmem:s23+$0xFFFFFDB0]  }
0xb0: {  	v43 =	vld [tilespmem:s23+$0xFFFFFDE0]  }
0xb1: {  	v19 =	vadd.f32 $0.0e+00, v19;
	v39 =	vadd.f32 $0.0e+00, v39;
	v44 =	vld [tilespmem:s23+$0xFFFFFDF0]  }
0xb2: {  	v20 =	vadd.f32 $0.0e+00, v20;
	v45 =	vld [tilespmem:s23+$0xFFFFFE20]  }
0xb3: {  	v21 =	vadd.f32 v21, v39;
	v19 =	vadd.f32 v41, v19;
	v39 =	vld [tilespmem:s23+$0xFFFFFE30]  }
0xb4: {  	v41 =	vadd.f32 $0.0e+00, v42;
	v42 =	vld [tilespmem:s23+$0xFFFFFE60]  }
0xb5: {  	v20 =	vadd.f32 v43, v20;
	v21 =	vadd.f32 v40, v21;
	v40 =	vld [tilespmem:s23+$0xFFFFFE70]  }
0xb6: {  	v19 =	vadd.f32 v38, v19;
	v41 =	vadd.f32 v44, v41;
	v38 =	vld [tilespmem:s23+$0xFFFFFEA0]  }
0xb7: {  	v20 =	vadd.f32 v45, v20;
	v21 =	vadd.f32 v37, v21;
	v37 =	vld [tilespmem:s23+$0xFFFFFEB0]  }
0xb8: {  	v19 =	vadd.f32 v36, v19;
	v39 =	vadd.f32 v39, v41;
	v36 =	vld [tilespmem:s23+$0xFFFFFEE0]  }
0xb9: {  	v20 =	vadd.f32 v42, v20;
	v21 =	vadd.f32 v35, v21;
	v35 =	vld [tilespmem:s23+$0xFFFFFEF0]  }
0xba: {  	v19 =	vadd.f32 v34, v19;
	v39 =	vadd.f32 v40, v39;
	v34 =	vld [tilespmem:s23+$0xFFFFFF20]  }
0xbb: {  	v20 =	vadd.f32 v38, v20;
	v21 =	vadd.f32 v33, v21;
	v33 =	vld [tilespmem:s23+$0xFFFFFF30]  }
0xbc: {  	v19 =	vadd.f32 v32, v19;
	v37 =	vadd.f32 v37, v39;
	v32 =	vld [tilespmem:s23+$0xFFFFFF60]  }
0xbd: {  	v20 =	vadd.f32 v36, v20;
	v21 =	vadd.f32 v31, v21;
	v31 =	vld [tilespmem:s23+$0xFFFFFF70]  }
0xbe: {  	v19 =	vadd.f32 v30, v19;
	v35 =	vadd.f32 v35, v37;
	v30 =	vld [tilespmem:s23+$0xFFFFFFA0]  }
0xbf: {  	v20 =	vadd.f32 v34, v20;
	v21 =	vadd.f32 v29, v21;
	v29 =	vld [tilespmem:s23+$0xFFFFFFB0]  }
0xc0: {  	v19 =	vadd.f32 v28, v19;
	v33 =	vadd.f32 v33, v35;
	v28 =	vld [tilespmem:s23+$0xFFFFFFE0]  }
0xc1: {  	v20 =	vadd.f32 v32, v20;
	v21 =	vadd.f32 v27, v21;
	v27 =	vld [tilespmem:s23+$0xFFFFFFF0]  }
0xc2: {  	v19 =	vadd.f32 v26, v19;
	v31 =	vadd.f32 v31, v33;
	v26 =	vld [tilespmem:s23+$0x20]  }
0xc3: {  	v20 =	vadd.f32 v30, v20;
	v21 =	vadd.f32 v25, v21;
	v25 =	vld [tilespmem:s23+$0x30]  }
0xc4: {  	v19 =	vadd.f32 v24, v19;
	v29 =	vadd.f32 v29, v31;
	v24 =	vld [tilespmem:s23+$0x60]  }
0xc5: {  	v20 =	vadd.f32 v28, v20;
	v21 =	vadd.f32 v23, v21;
	v23 =	vld [tilespmem:s23+$0x70]  }
0xc6: {  	v19 =	vadd.f32 v22, v19;
	v27 =	vadd.f32 v27, v29;
	v22 =	vld [tilespmem:s23+$0xA0]  }
0xc7: {  	v20 =	vadd.f32 v26, v20;
	v18 =	vadd.f32 v18, v21;
	v21 =	vld [tilespmem:s23+$0xB0]  }
0xc8: {  	v17 =	vadd.f32 v17, v19;
	v25 =	vadd.f32 v25, v27;
	v19 =	vld [tilespmem:s23+$0xE0]  }
0xc9: {  	v20 =	vadd.f32 v24, v20;
	v16 =	vadd.f32 v16, v18;
	v18 =	vld [tilespmem:s23+$0xF0]  }
0xca: {  	v15 =	vadd.f32 v15, v17;
	v23 =	vadd.f32 v23, v25;
	v17 =	vld [tilespmem:s23+$0x120]  }
0xcb: {  	v20 =	vadd.f32 v22, v20;
	v14 =	vadd.f32 v14, v16;
	v16 =	vld [tilespmem:s23+$0x130]  }
0xcc: {  	v13 =	vadd.f32 v13, v15;
	v21 =	vadd.f32 v21, v23;
	v15 =	vld [tilespmem:s23+$0x160]  }
0xcd: {  	v19 =	vadd.f32 v19, v20;
	v12 =	vadd.f32 v12, v14;
	v14 =	vld [tilespmem:s23+$0x170]  }
0xce: {  	v11 =	vadd.f32 v11, v13;
	v18 =	vadd.f32 v18, v21;
	v13 =	vld [tilespmem:s23+$0x1A0]  }
0xcf: {  	v17 =	vadd.f32 v17, v19;
	v10 =	vadd.f32 v10, v12;
	v12 =	vld [tilespmem:s23+$0x1B0]  }
0xd0: {  	v9 =	vadd.f32 v9, v11;
	v16 =	vadd.f32 v16, v18;
	v11 =	vld [tilespmem:s23+$0x1E0]  }
0xd1: {  	v15 =	vadd.f32 v15, v17;
	v8 =	vadd.f32 v8, v10;
	v10 =	vld [tilespmem:s23+$0x1F0]  }
0xd2: {  	v7 =	vadd.f32 v7, v9;
	v14 =	vadd.f32 v14, v16;
	v9 =	vld [tilespmem:s23+$0x220]  }
0xd3: {  	v13 =	vadd.f32 v13, v15;
	v6 =	vadd.f32 v6, v8;
	v8 =	vld [tilespmem:s23+$0x230]  }
0xd4: {  	v5 =	vadd.f32 v5, v7;
	v12 =	vadd.f32 v12, v14;
	v7 =	vld [tilespmem:s23+$0x260]  }
0xd5: {  	v11 =	vadd.f32 v11, v13;
	v4 =	vadd.f32 v4, v6;
	v6 =	vld [tilespmem:s23+$0x270]  }
0xd6: {  	v3 =	vadd.f32 v3, v5;
	v10 =	vadd.f32 v10, v12  }
.Ltmp0:
0xd7: {  	v5 =	vadd.f32 v9, v11;
	v2 =	vadd.f32 v2, v4;
	(pc) =	sbr.rel @p0 .LBB2_3-.Ltmp0, $4  }
0xd8: {  	s25 =	sshra.s32 s25, $0x2;
	v3 =	vadd.f32 v1, v3;
	v4 =	vadd.f32 v8, v10  }
0xd9: {  	v5 =	vadd.f32 v7, v5;
	[tilespmem:v0+s25+$0xFFFFFFD0 ss:$0x1] =	vst.idx.msk $0xffff, v2  }
0xda: {  	v1 =	vadd.f32 v6, v4;
	[tilespmem:v0+s25+$0xFFFFFFE0 ss:$0x1] =	vst.idx.msk $0xffff, v3  }
0xdb: {  	[tilespmem:v0+s25+$0xFFFFFFF0 ss:$0x1] =	vst.idx.msk $0xffff, v5  }
0xdc: {  	_ =	sdelay $0x3  }
0xdd: {  	[tilespmem:v0+s25+$0x0 ss:$0x1] =	vst.idx.msk $0xffff, v1  }
0xde: {  	_ =	swait.ge [sflag:s17], $0x1400  }
0xdf: {  	[sflag:s17] =	ssyncset.done $0x0  }
0xe0: {  	[sflag:s17] =	ssyncadd.s32 $0xFFFFEC00  }
0xe1: {  	_ =	swait.ge [sflag:s17], $0x1400  }
0xe2: {  	[sflag:s17] =	ssyncset.done $0x0  }
0xe3: {  	[sflag:s17] =	ssyncadd.s32 $0xFFFFEC00  }
0xe4: {  	_ =	swait.ge [sflag:s17], $0x1400  }
0xe5: {  	[sflag:s17] =	ssyncset.done $0x0  }
0xe6: {  	[sflag:s17] =	ssyncadd.s32 $0xFFFFEC00  }
0xe7: {  	_ =	swait.ge [sflag:s17], $0x1400  }
0xe8: {  	[sflag:s17] =	ssyncset.done $0x0  }
0xe9: {  	s23 =	simm.s32 $0x7A80;
	[sflag:s17] =	ssyncadd.s32 $0xFFFFEC00  }
0xea: {  	v7 =	vld [tilespmem:s23+$0xFFFFFD90]  }
0xeb: {  	v8 =	vld [tilespmem:s23+$0xFFFFFDA0]  }
0xec: {  	v9 =	vld [tilespmem:s23+$0xFFFFFDC0]  }
0xed: {  	v1 =	vld [tilespmem:s23+$0x250]  }
0xee: {  	v2 =	vld [tilespmem:s23+$0x240]  }
0xef: {  	v3 =	vld [tilespmem:s23+$0x210]  }
0xf0: {  	v4 =	vld [tilespmem:s23+$0x200]  }
0xf1: {  	v5 =	vld [tilespmem:s23+$0x1D0]  }
0xf2: {  	v0 =	vld [tilespmem:s23+$0x1C0]  }
0xf3: {  	v6 =	vld [tilespmem:s23+$0x190]  }
0xf4: {  	v10 =	vld [tilespmem:s23+$0x180]  }
0xf5: {  	v11 =	vld [tilespmem:s23+$0x150]  }
0xf6: {  	v12 =	vld [tilespmem:s23+$0x140]  }
0xf7: {  	v13 =	vld [tilespmem:s23+$0x110]  }
0xf8: {  	v14 =	vld [tilespmem:s23+$0x100]  }
0xf9: {  	v15 =	vld [tilespmem:s23+$0xD0]  }
0xfa: {  	v16 =	vld [tilespmem:s23+$0xC0]  }
0xfb: {  	v17 =	vld [tilespmem:s23+$0x90]  }
0xfc: {  	v18 =	vld [tilespmem:s23+$0x80]  }
0xfd: {  	v19 =	vld [tilespmem:s23+$0x50]  }
0xfe: {  	v20 =	vld [tilespmem:s23+$0x40]  }
0xff: {  	v21 =	vld [tilespmem:s23+$0x10]  }
0x100: {  	v22 =	vld [tilespmem:s23+$0x0]  }
0x101: {  	v23 =	vld [tilespmem:s23+$0xFFFFFFD0]  }
0x102: {  	v24 =	vld [tilespmem:s23+$0xFFFFFFC0]  }
0x103: {  	v25 =	vld [tilespmem:s23+$0xFFFFFF90]  }
0x104: {  	v26 =	vld [tilespmem:s23+$0xFFFFFF80]  }
0x105: {  	v27 =	vld [tilespmem:s23+$0xFFFFFF50]  }
0x106: {  	v28 =	vld [tilespmem:s23+$0xFFFFFF40]  }
0x107: {  	v29 =	vld [tilespmem:s23+$0xFFFFFF10]  }
0x108: {  	v30 =	vld [tilespmem:s23+$0xFFFFFF00]  }
0x109: {  	v31 =	vld [tilespmem:s23+$0xFFFFFED0]  }
0x10a: {  	v32 =	vld [tilespmem:s23+$0xFFFFFEC0]  }
0x10b: {  	v33 =	vld [tilespmem:s23+$0xFFFFFE90]  }
0x10c: {  	v34 =	vld [tilespmem:s23+$0xFFFFFE80]  }
0x10d: {  	v35 =	vld [tilespmem:s23+$0xFFFFFE50]  }
0x10e: {  	v36 =	vld [tilespmem:s23+$0xFFFFFE40]  }
0x10f: {  	v37 =	vld [tilespmem:s23+$0xFFFFFE10]  }
0x110: {  	v38 =	vld [tilespmem:s23+$0xFFFFFD80]  }
0x111: {  	v39 =	vld [tilespmem:s23+$0xFFFFFE00]  }
0x112: {  	v40 =	vld [tilespmem:s23+$0xFFFFFDD0]  }
0x113: {  	v41 =	vld [tilespmem:s23+$0xFFFFFDB0]  }
0x114: {  	v42 =	vld [tilespmem:s23+$0xFFFFFDE0]  }
0x115: {  	v43 =	vld [tilespmem:s23+$0xFFFFFDF0];
	v38 =	vadd.f32 $0.0e+00, v38  }
0x116: {  	v44 =	vld [tilespmem:s23+$0xFFFFFE20];
	v7 =	vadd.f32 $0.0e+00, v7  }
0x117: {  	v53 =	vld [tilespmem:s23+$0xFFFFFE30];
	v8 =	vadd.f32 $0.0e+00, v8;
	v9 =	vadd.f32 v9, v38  }
0x118: {  	v55 =	vld [tilespmem:s23+$0xFFFFFE60];
	v54 =	vadd.f32 $0.0e+00, v41;
	v7 =	vadd.f32 v40, v7  }
0x119: {  	v56 =	vld [tilespmem:s23+$0xFFFFFE70];
	v8 =	vadd.f32 v42, v8;
	v9 =	vadd.f32 v39, v9  }
0x11a: {  	v57 =	vld [tilespmem:s23+$0xFFFFFEA0];
	v40 =	vadd.f32 v43, v54;
	v7 =	vadd.f32 v37, v7  }
0x11b: {  	v58 =	vld [tilespmem:s23+$0xFFFFFEB0];
	v8 =	vadd.f32 v44, v8;
	v9 =	vadd.f32 v36, v9  }
0x11c: {  	v59 =	vld [tilespmem:s23+$0xFFFFFEE0];
	v38 =	vadd.f32 v53, v40;
	v7 =	vadd.f32 v35, v7  }
0x11d: {  	v60 =	vld [tilespmem:s23+$0xFFFFFEF0];
	v8 =	vadd.f32 v55, v8;
	v9 =	vadd.f32 v34, v9  }
0x11e: {  	v61 =	vld [tilespmem:s23+$0xFFFFFF20];
	v38 =	vadd.f32 v56, v38;
	v7 =	vadd.f32 v33, v7  }
0x11f: {  	v62 =	vld [tilespmem:s23+$0xFFFFFF30];
	v8 =	vadd.f32 v57, v8;
	v9 =	vadd.f32 v32, v9  }
0x120: {  	v63 =	vld [tilespmem:s23+$0xFFFFFF60];
	v36 =	vadd.f32 v58, v38;
	v7 =	vadd.f32 v31, v7  }
0x121: {  	v37 =	vld [tilespmem:s23+$0xFFFFFF70];
	v8 =	vadd.f32 v59, v8;
	v9 =	vadd.f32 v30, v9  }
0x122: {  	v38 =	vld [tilespmem:s23+$0xFFFFFFA0];
	v34 =	vadd.f32 v60, v36;
	v7 =	vadd.f32 v29, v7  }
0x123: {  	v39 =	vld [tilespmem:s23+$0xFFFFFFB0];
	v8 =	vadd.f32 v61, v8;
	v9 =	vadd.f32 v28, v9  }
0x124: {  	v40 =	vld [tilespmem:s23+$0xFFFFFFE0];
	v32 =	vadd.f32 v62, v34;
	v7 =	vadd.f32 v27, v7  }
0x125: {  	v41 =	vld [tilespmem:s23+$0xFFFFFFF0];
	v8 =	vadd.f32 v63, v8;
	v9 =	vadd.f32 v26, v9  }
0x126: {  	v42 =	vld [tilespmem:s23+$0x20];
	v30 =	vadd.f32 v37, v32;
	v7 =	vadd.f32 v25, v7  }
0x127: {  	v43 =	vld [tilespmem:s23+$0x30];
	v8 =	vadd.f32 v38, v8;
	v9 =	vadd.f32 v24, v9  }
0x128: {  	v44 =	vld [tilespmem:s23+$0x60];
	v28 =	vadd.f32 v39, v30;
	v7 =	vadd.f32 v23, v7  }
0x129: {  	v45 =	vld [tilespmem:s23+$0x70];
	v8 =	vadd.f32 v40, v8;
	v9 =	vadd.f32 v22, v9  }
0x12a: {  	v46 =	vld [tilespmem:s23+$0xA0];
	v26 =	vadd.f32 v41, v28;
	v7 =	vadd.f32 v21, v7  }
0x12b: {  	v47 =	vld [tilespmem:s23+$0xB0];
	v8 =	vadd.f32 v42, v8;
	v9 =	vadd.f32 v20, v9  }
0x12c: {  	v48 =	vld [tilespmem:s23+$0xE0];
	v24 =	vadd.f32 v43, v26;
	v7 =	vadd.f32 v19, v7  }
0x12d: {  	v49 =	vld [tilespmem:s23+$0xF0];
	v8 =	vadd.f32 v44, v8;
	v9 =	vadd.f32 v18, v9  }
0x12e: {  	v50 =	vld [tilespmem:s23+$0x120];
	v22 =	vadd.f32 v45, v24;
	v7 =	vadd.f32 v17, v7  }
0x12f: {  	v51 =	vld [tilespmem:s23+$0x130];
	v8 =	vadd.f32 v46, v8;
	v9 =	vadd.f32 v16, v9  }
0x130: {  	v52 =	vld [tilespmem:s23+$0x160];
	v20 =	vadd.f32 v47, v22;
	v7 =	vadd.f32 v15, v7  }
0x131: {  	v53 =	vld [tilespmem:s23+$0x170];
	v8 =	vadd.f32 v48, v8;
	v9 =	vadd.f32 v14, v9  }
0x132: {  	v54 =	vld [tilespmem:s23+$0x1A0];
	v18 =	vadd.f32 v49, v20;
	v7 =	vadd.f32 v13, v7  }
0x133: {  	v55 =	vld [tilespmem:s23+$0x1B0];
	v8 =	vadd.f32 v50, v8;
	v9 =	vadd.f32 v12, v9  }
0x134: {  	v56 =	vld [tilespmem:s23+$0x1E0];
	v16 =	vadd.f32 v51, v18;
	v7 =	vadd.f32 v11, v7  }
0x135: {  	v57 =	vld [tilespmem:s23+$0x1F0];
	v8 =	vadd.f32 v52, v8;
	v9 =	vadd.f32 v10, v9  }
0x136: {  	v58 =	vld [tilespmem:s23+$0x220];
	v14 =	vadd.f32 v53, v16;
	v6 =	vadd.f32 v6, v7  }
0x137: {  	v59 =	vld [tilespmem:s23+$0x230];
	v8 =	vadd.f32 v54, v8;
	v9 =	vadd.f32 v0, v9  }
0x138: {  	v60 =	vld [tilespmem:s23+$0x260];
	v12 =	vadd.f32 v55, v14;
	v0 =	vmov s21;
	v5 =	vadd.f32 v5, v6  }
0x139: {  	v8 =	vadd.f32 v56, v8;
	v4 =	vadd.f32 v4, v9  }
0x13a: {  	v61 =	vld [tilespmem:s23+$0x270];
	v10 =	vadd.f32 v57, v12;
	v3 =	vadd.f32 v3, v5  }
0x13b: {  	v62 =	vadd.f32 v58, v8;
	v2 =	vadd.f32 v2, v4  }
0x13c: {  	s25 =	simm.s32 $0x0;
	v1 =	vadd.f32 v1, v3  }
0x13d: {  	v3 =	vadd.f32 v59, v10;
	v63 =	vadd.f32 v60, v62;
	[tilespmem:v0+s25+$0xFFFFFFD0 ss:$0x1] =	vst.idx.msk $0xffff, v2  }
0x13e: {  	[tilespmem:v0+s25+$0xFFFFFFE0 ss:$0x1] =	vst.idx.msk $0xffff, v1  }
0x13f: {  	s24 =	simm.s32 $0x100;
	v1 =	vadd.f32 v61, v3;
	[tilespmem:v0+s25+$0xFFFFFFF0 ss:$0x1] =	vst.idx.msk $0xffff, v63  }
.LBB2_5:
0x140: {  	p0 =	sne.s32 s24, $0xF00  }
0x141: {  	[tilespmem:v0+s25+$0x0 ss:$0x1] =	vst.idx.msk $0xffff, v1;
	s23 =	sadd.s32 $0x500, s23;
	s25 =	smov.u32 s24;
	s24 =	sadd.s32 $0x100, s24  }
0x142: {  	v19 =	vld [tilespmem:s23+$0xFFFFFD90]  }
0x143: {  	v20 =	vld [tilespmem:s23+$0xFFFFFDA0]  }
0x144: {  	v21 =	vld [tilespmem:s23+$0xFFFFFDC0]  }
0x145: {  	v1 =	vld [tilespmem:s23+$0x250]  }
0x146: {  	v2 =	vld [tilespmem:s23+$0x240]  }
0x147: {  	v3 =	vld [tilespmem:s23+$0x210]  }
0x148: {  	v4 =	vld [tilespmem:s23+$0x200]  }
0x149: {  	v5 =	vld [tilespmem:s23+$0x1D0]  }
0x14a: {  	v6 =	vld [tilespmem:s23+$0x1C0]  }
0x14b: {  	v7 =	vld [tilespmem:s23+$0x190]  }
0x14c: {  	v8 =	vld [tilespmem:s23+$0x180]  }
0x14d: {  	v9 =	vld [tilespmem:s23+$0x150]  }
0x14e: {  	v10 =	vld [tilespmem:s23+$0x140]  }
0x14f: {  	v11 =	vld [tilespmem:s23+$0x110]  }
0x150: {  	v12 =	vld [tilespmem:s23+$0x100]  }
0x151: {  	v13 =	vld [tilespmem:s23+$0xD0]  }
0x152: {  	v14 =	vld [tilespmem:s23+$0xC0]  }
0x153: {  	v15 =	vld [tilespmem:s23+$0x90]  }
0x154: {  	v16 =	vld [tilespmem:s23+$0x80]  }
0x155: {  	v17 =	vld [tilespmem:s23+$0x50]  }
0x156: {  	v18 =	vld [tilespmem:s23+$0x40]  }
0x157: {  	v22 =	vld [tilespmem:s23+$0x10]  }
0x158: {  	v23 =	vld [tilespmem:s23+$0x0]  }
0x159: {  	v24 =	vld [tilespmem:s23+$0xFFFFFFD0]  }
0x15a: {  	v25 =	vld [tilespmem:s23+$0xFFFFFFC0]  }
0x15b: {  	v26 =	vld [tilespmem:s23+$0xFFFFFF90]  }
0x15c: {  	v27 =	vld [tilespmem:s23+$0xFFFFFF80]  }
0x15d: {  	v28 =	vld [tilespmem:s23+$0xFFFFFF50]  }
0x15e: {  	v29 =	vld [tilespmem:s23+$0xFFFFFF40]  }
0x15f: {  	v30 =	vld [tilespmem:s23+$0xFFFFFF10]  }
0x160: {  	v31 =	vld [tilespmem:s23+$0xFFFFFF00]  }
0x161: {  	v32 =	vld [tilespmem:s23+$0xFFFFFED0]  }
0x162: {  	v33 =	vld [tilespmem:s23+$0xFFFFFEC0]  }
0x163: {  	v34 =	vld [tilespmem:s23+$0xFFFFFE90]  }
0x164: {  	v35 =	vld [tilespmem:s23+$0xFFFFFE80]  }
0x165: {  	v36 =	vld [tilespmem:s23+$0xFFFFFE50]  }
0x166: {  	v37 =	vld [tilespmem:s23+$0xFFFFFE40]  }
0x167: {  	v38 =	vld [tilespmem:s23+$0xFFFFFE10]  }
0x168: {  	v39 =	vld [tilespmem:s23+$0xFFFFFD80]  }
0x169: {  	v40 =	vld [tilespmem:s23+$0xFFFFFE00]  }
0x16a: {  	v41 =	vld [tilespmem:s23+$0xFFFFFDD0]  }
0x16b: {  	v42 =	vld [tilespmem:s23+$0xFFFFFDB0]  }
0x16c: {  	v43 =	vld [tilespmem:s23+$0xFFFFFDE0]  }
0x16d: {  	v19 =	vadd.f32 $0.0e+00, v19;
	v39 =	vadd.f32 $0.0e+00, v39;
	v44 =	vld [tilespmem:s23+$0xFFFFFDF0]  }
0x16e: {  	v20 =	vadd.f32 $0.0e+00, v20;
	v45 =	vld [tilespmem:s23+$0xFFFFFE20]  }
0x16f: {  	v21 =	vadd.f32 v21, v39;
	v19 =	vadd.f32 v41, v19;
	v39 =	vld [tilespmem:s23+$0xFFFFFE30]  }
0x170: {  	v41 =	vadd.f32 $0.0e+00, v42;
	v42 =	vld [tilespmem:s23+$0xFFFFFE60]  }
0x171: {  	v20 =	vadd.f32 v43, v20;
	v21 =	vadd.f32 v40, v21;
	v40 =	vld [tilespmem:s23+$0xFFFFFE70]  }
0x172: {  	v19 =	vadd.f32 v38, v19;
	v41 =	vadd.f32 v44, v41;
	v38 =	vld [tilespmem:s23+$0xFFFFFEA0]  }
0x173: {  	v20 =	vadd.f32 v45, v20;
	v21 =	vadd.f32 v37, v21;
	v37 =	vld [tilespmem:s23+$0xFFFFFEB0]  }
0x174: {  	v19 =	vadd.f32 v36, v19;
	v39 =	vadd.f32 v39, v41;
	v36 =	vld [tilespmem:s23+$0xFFFFFEE0]  }
0x175: {  	v20 =	vadd.f32 v42, v20;
	v21 =	vadd.f32 v35, v21;
	v35 =	vld [tilespmem:s23+$0xFFFFFEF0]  }
0x176: {  	v19 =	vadd.f32 v34, v19;
	v39 =	vadd.f32 v40, v39;
	v34 =	vld [tilespmem:s23+$0xFFFFFF20]  }
0x177: {  	v20 =	vadd.f32 v38, v20;
	v21 =	vadd.f32 v33, v21;
	v33 =	vld [tilespmem:s23+$0xFFFFFF30]  }
0x178: {  	v19 =	vadd.f32 v32, v19;
	v37 =	vadd.f32 v37, v39;
	v32 =	vld [tilespmem:s23+$0xFFFFFF60]  }
0x179: {  	v20 =	vadd.f32 v36, v20;
	v21 =	vadd.f32 v31, v21;
	v31 =	vld [tilespmem:s23+$0xFFFFFF70]  }
0x17a: {  	v19 =	vadd.f32 v30, v19;
	v35 =	vadd.f32 v35, v37;
	v30 =	vld [tilespmem:s23+$0xFFFFFFA0]  }
0x17b: {  	v20 =	vadd.f32 v34, v20;
	v21 =	vadd.f32 v29, v21;
	v29 =	vld [tilespmem:s23+$0xFFFFFFB0]  }
0x17c: {  	v19 =	vadd.f32 v28, v19;
	v33 =	vadd.f32 v33, v35;
	v28 =	vld [tilespmem:s23+$0xFFFFFFE0]  }
0x17d: {  	v20 =	vadd.f32 v32, v20;
	v21 =	vadd.f32 v27, v21;
	v27 =	vld [tilespmem:s23+$0xFFFFFFF0]  }
0x17e: {  	v19 =	vadd.f32 v26, v19;
	v31 =	vadd.f32 v31, v33;
	v26 =	vld [tilespmem:s23+$0x20]  }
0x17f: {  	v20 =	vadd.f32 v30, v20;
	v21 =	vadd.f32 v25, v21;
	v25 =	vld [tilespmem:s23+$0x30]  }
0x180: {  	v19 =	vadd.f32 v24, v19;
	v29 =	vadd.f32 v29, v31;
	v24 =	vld [tilespmem:s23+$0x60]  }
0x181: {  	v20 =	vadd.f32 v28, v20;
	v21 =	vadd.f32 v23, v21;
	v23 =	vld [tilespmem:s23+$0x70]  }
0x182: {  	v19 =	vadd.f32 v22, v19;
	v27 =	vadd.f32 v27, v29;
	v22 =	vld [tilespmem:s23+$0xA0]  }
0x183: {  	v20 =	vadd.f32 v26, v20;
	v18 =	vadd.f32 v18, v21;
	v21 =	vld [tilespmem:s23+$0xB0]  }
0x184: {  	v17 =	vadd.f32 v17, v19;
	v25 =	vadd.f32 v25, v27;
	v19 =	vld [tilespmem:s23+$0xE0]  }
0x185: {  	v20 =	vadd.f32 v24, v20;
	v16 =	vadd.f32 v16, v18;
	v18 =	vld [tilespmem:s23+$0xF0]  }
0x186: {  	v15 =	vadd.f32 v15, v17;
	v23 =	vadd.f32 v23, v25;
	v17 =	vld [tilespmem:s23+$0x120]  }
0x187: {  	v20 =	vadd.f32 v22, v20;
	v14 =	vadd.f32 v14, v16;
	v16 =	vld [tilespmem:s23+$0x130]  }
0x188: {  	v13 =	vadd.f32 v13, v15;
	v21 =	vadd.f32 v21, v23;
	v15 =	vld [tilespmem:s23+$0x160]  }
0x189: {  	v19 =	vadd.f32 v19, v20;
	v12 =	vadd.f32 v12, v14;
	v14 =	vld [tilespmem:s23+$0x170]  }
0x18a: {  	v11 =	vadd.f32 v11, v13;
	v18 =	vadd.f32 v18, v21;
	v13 =	vld [tilespmem:s23+$0x1A0]  }
0x18b: {  	v17 =	vadd.f32 v17, v19;
	v10 =	vadd.f32 v10, v12;
	v12 =	vld [tilespmem:s23+$0x1B0]  }
0x18c: {  	v9 =	vadd.f32 v9, v11;
	v16 =	vadd.f32 v16, v18;
	v11 =	vld [tilespmem:s23+$0x1E0]  }
0x18d: {  	v15 =	vadd.f32 v15, v17;
	v8 =	vadd.f32 v8, v10;
	v10 =	vld [tilespmem:s23+$0x1F0]  }
0x18e: {  	v7 =	vadd.f32 v7, v9;
	v14 =	vadd.f32 v14, v16;
	v9 =	vld [tilespmem:s23+$0x220]  }
0x18f: {  	v13 =	vadd.f32 v13, v15;
	v6 =	vadd.f32 v6, v8;
	v8 =	vld [tilespmem:s23+$0x230]  }
0x190: {  	v5 =	vadd.f32 v5, v7;
	v12 =	vadd.f32 v12, v14;
	v7 =	vld [tilespmem:s23+$0x260]  }
0x191: {  	v11 =	vadd.f32 v11, v13;
	v4 =	vadd.f32 v4, v6;
	v6 =	vld [tilespmem:s23+$0x270]  }
0x192: {  	v3 =	vadd.f32 v3, v5;
	v10 =	vadd.f32 v10, v12  }
.Ltmp1:
0x193: {  	v5 =	vadd.f32 v9, v11;
	v2 =	vadd.f32 v2, v4;
	(pc) =	sbr.rel @p0 .LBB2_5-.Ltmp1, $4  }
0x194: {  	s25 =	sshra.s32 s25, $0x2;
	v3 =	vadd.f32 v1, v3;
	v4 =	vadd.f32 v8, v10  }
0x195: {  	v5 =	vadd.f32 v7, v5;
	[tilespmem:v0+s25+$0xFFFFFFD0 ss:$0x1] =	vst.idx.msk $0xffff, v2  }
0x196: {  	v1 =	vadd.f32 v6, v4;
	[tilespmem:v0+s25+$0xFFFFFFE0 ss:$0x1] =	vst.idx.msk $0xffff, v3  }
0x197: {  	[tilespmem:v0+s25+$0xFFFFFFF0 ss:$0x1] =	vst.idx.msk $0xffff, v5  }
0x198: {  	s22 =	sadd.s32 $0x1, s22  }
0x199: {  	p0 =	sne.s32 s22, $0x10  }
.Ltmp2:
0x19a: {  	_ = 	snop;
	(pc) =	sbr.rel @p0 .LBB2_2-.Ltmp2, $2  }
0x19b: {  	_ =	sdelay $0x2  }
0x19c: {  	[tilespmem:v0+s25+$0x0 ss:$0x1] =	vst.idx.msk $0xffff, v1;
	s20 =	sadd.s32 $0x800, s20;
	s21 =	sadd.s32 $0x800, s21  }
0x19d: {  	s19 =	sadd.s32 $0x1, s19  }
0x19e: {  	p0 =	sne.s32 s19, s6  }
.Ltmp3:
0x19f: {  	_ = 	snop;
	(pc) =	sbr.rel @p0 .LBB2_1-.Ltmp3, $4  }
0x1a0: {  	[hbm4b:s5+s2] =	stream.linear.scatter [tilespmem:s18], [sflag:$0x2], $0x8000, $0x38;
	[tilespmem:$0x14800] =	vst v63  }
0x1a1: {  	_ =	swait.ge [sflag:s7], $0x8000  }
0x1a2: {  	[sflag:s7] =	ssyncset.done $0x0  }
0x1a3: {  	[sflag:s7] =	ssyncadd.s32 $0xFFFF8000  }
0x1a4: {  	_ =	sfence.sel $0x180000  }
0x1a5: {  	[bflag:$0x0] =	sbarrier.arrive $0xFFFF  }
0x1a6: {  	p0 =	sne.s32 s0, $0x0;
	_ =	strace $0x90000047  }
0x1a7: {  	s0 =	sadd.s32 @!p0 $0x100000, s1;
	[bflag:$0x2] =	sbarrier.arrive $0xFFFF  }
0x1a8: {  	[sflag:s0] =	ssyncadd.tile.s32 @!p0 $0x1;
	_ =	shalt  }
.Lfunc_end2:
_tile_overlayer_lowered:
.L_overlay_start_2:
0x1a9: {  	(tag) =	ssettag $0x2  }
0x1aa: {  	s0 =	rddreg [dreg:$0x0];
	s2 =	stileid.u32  }
0x1ab: {  	s1 =	rddreg [dreg:$0x1];
	p0 =	sne.s32 s2, $0x0  }
0x1ac: {  	s3 =	rddreg [dreg:$0x2];
	[bflag:$0x3] =	sbarrier.arrive $0xFFFF;
	s2 =	simm.s32 @!p0 $0x1C02  }
0x1ad: {  	[timem:s3], [sflag:s2] =	dma.local @!p0 [hbm:s0], s1  }
0x1ae: {  	s0 =	simm.s32 @!p0 $0x2  }
0x1af: {  	_ =	swait.ge @!p0 [sflag:s0], s1  }
0x1b0: {  	s1 =	ssub.s32 @!p0 $0x0, s1;
	[sflag:s0] =	ssyncset.done @!p0 $0x0  }
0x1b1: {  	[sflag:s0] =	ssyncadd.s32 @!p0 s1  }
0x1b2: {  	[bflag:$0x3] =	sbarrier.arrive $0xFFFF  }
0x1b3: {  	_ =	shalt  }

// kernel: kernel.8.cloned.1.call-start
scs
__scs_entry_jumppad:
0x0: {  	(pc) =	sbr.rel $0x88, $3  }
0x1: {  	(tag) =	ssettag $0x0;
	lr =	simm.s32 $0x1  }
0x2: {  	[smem:$0x3F9C] =	sst lr;
	_ =	strace $0xD0000000  }
0x3: {  	_ = 	snop  }
0x4: {  	_ = 	snop  }
0x5: {  	_ = 	snop  }
0x6: {  	_ = 	snop  }
0x7: {  	_ = 	snop  }
__scs_overlays_trampoline_lowered:
0x8: {  	[smem:$0x3FAB] =	sst s0  }
0x9: {  	[smem:$0x3FAC] =	sst s1  }
0xa: {  	[smem:$0x3FAD] =	sst s2  }
0xb: {  	[smem:$0x3FAE] =	sst s3  }
0xc: {  	[smem:$0x3FAF] =	sst s4  }
0xd: {  	[smem:$0x3FB0] =	sst s5  }
0xe: {  	[smem:$0x3FB1] =	sst s6  }
0xf: {  	[smem:$0x3FB2] =	sst s7  }
0x10: {  	[smem:$0x3FB3] =	sst s8  }
0x11: {  	[smem:$0x3FB4] =	sst s9;
	s0 =	simm.s32 @!p0 $0x0  }
0x12: {  	s1 =	sld [smem:$0x3F9A];
	s0 =	simm.s32 @p0 $0x1  }
0x13: {  	[smem:$0x3FB5] =	sst s0;
	s0 =	simm.s32 @!p1 $0x0  }
0x14: {  	s2 =	sld [smem:$0x3F99];
	s0 =	simm.s32 @p1 $0x1  }
0x15: {  	[smem:$0x3FB6] =	sst s0;
	s0 =	simm.s32 @!p2 $0x0  }
0x16: {  	s3 =	sld [smem:$0x3FDB];
	s0 =	simm.s32 @p2 $0x1  }
0x17: {  	s4 =	simm.s32 $0x1BF5;
	[smem:$0x3FB8] =	sst s0  }
0x18: {  	s0 =	sld [smem:$0x3F9B];
	_ =	swait.ge [sflag:s4], $0x0  }
0x19: {  	s7 =	sld [smem:$0x3F9C]  }
0x1a: {  	s8 =	sadd.s32 $0xFFFFE003, lr  }
0x1b: {  	s9 =	sadd.s32 $0xFFFFFEF7, lr;
	s5 =	simm.s32 $0xFFFFFFFF;
	p2 =	slt.u32 s8, $0xFFFFF086  }
0x1c: {  	p1 =	slt.u32 s9, $0xF7A;
	s5 =	simm.s32 @!p2 $0x0  }
0x1d: {  	s5 =	simm.s32 @p1 $0x1;
	p0 =	seq.s32 s7, s2  }
0x1e: {  	s7 =	smul.u32 @!p0 $0xF7A, s2;
	p2 =	seq.s32 @!p0 s5, $0x0  }
0x1f: {  	s9 =	smul.u32 $0xF7A, s1;
	s8 =	simm.s32 @!p0 $0x1BF5;
	p2 =	por !p2, p0  }
0x20: {  	[sflag:s8] =	ssyncset.s32 @!p0 $0xFFFFF086;
	s6 =	sadd.s32 @!p0 s3, s7;
	s7 =	simm.s32 @!p0 $0x108  }
0x21: {  	s3 =	sadd.s32 s3, s9;
	s6 =	sadd.s32 @!p0 $0x88, s6;
	s7 =	simm.s32 @p2 $0x1082  }
0x22: {  	[simem:s7], [sflag:s8] =	dma.local @!p0 [hbm:s6], $0xF7A  }
0x23: {  	s9 =	sor.u32 $0xD0000000, s2;
	s6 =	simm.s32 $0x108;
	_ =	swait.ge @!p0 [sflag:s8], $0x0  }
0x24: {  	s3 =	sadd.s32 $0x88, s3;
	s6 =	simm.s32 @!p1 $0x1082;
	[sflag:s4] =	ssyncset.s32 $0xFFFFF086  }
0x25: {  	[simem:s6], [sflag:s4] =	dma.local [hbm:s3], $0xF7A  }
0x26: {  	[smem:$0x3F9C] =	sst s1;
	(tag) =	ssettag s2;
	_ =	strace s9  }
0x27: {  	s1 =	sld [smem:$0x3FAC]  }
0x28: {  	s2 =	sld [smem:$0x3FAD]  }
0x29: {  	s4 =	sld [smem:$0x3FAF]  }
0x2a: {  	p0 =	seq.s32 s5, $0x0;
	s5 =	sld [smem:$0x3FB0]  }
0x2b: {  	s6 =	sld [smem:$0x3FB1]  }
0x2c: {  	s7 =	sld [smem:$0x3FB2]  }
0x2d: {  	s3 =	simm.s32 $0x108;
	s8 =	sld [smem:$0x3FB3]  }
0x2e: {  	s3 =	simm.s32 @!p0 $0x1082;
	s9 =	sld [smem:$0x3FB4]  }
0x2f: {  	lr =	sadd.s32 s0, s3;
	s0 =	sld [smem:$0x3FAB]  }
0x30: {  	s3 =	sld [smem:$0x3FAE]  }
0x31: {  	[smem:$0x3FB7] =	sst s10  }
0x32: {  	s10 =	sld [smem:$0x3FB5];
	_ =	sdelay $0x3  }
0x33: {  	p0 =	seq.s32 s10, $0x1;
	s10 =	sld [smem:$0x3FB7];
	_ =	sdelay $0x3  }
0x34: {  	[smem:$0x3FB7] =	sst s10  }
0x35: {  	s10 =	sld [smem:$0x3FB6];
	_ =	sdelay $0x3  }
0x36: {  	p1 =	seq.s32 s10, $0x1;
	s10 =	sld [smem:$0x3FB7];
	_ =	sdelay $0x3  }
0x37: {  	[smem:$0x3FB7] =	sst s10  }
0x38: {  	s10 =	sld [smem:$0x3FB8]  }
0x39: {  	_ = 	snop;
	(pc) =	sbr.ind lr, $3  }
0x3a: {  	_ = 	snop  }
0x3b: {  	_ = 	snop  }
0x3c: {  	p2 =	seq.s32 s10, $0x1;
	s10 =	sld [smem:$0x3FB7]  }
0x3d: {  	_ =	shalt  }
0x3e: {  	_ =	shalt  }
0x3f: {  	_ =	shalt  }
0x40: {  	_ =	shalt  }
0x41: {  	_ =	shalt  }
0x42: {  	_ =	shalt  }
0x43: {  	_ =	shalt  }
0x44: {  	_ =	shalt  }
0x45: {  	_ =	shalt  }
0x46: {  	_ =	shalt  }
0x47: {  	_ =	shalt  }
0x48: {  	_ =	shalt  }
0x49: {  	_ =	shalt  }
0x4a: {  	_ =	shalt  }
0x4b: {  	_ =	shalt  }
0x4c: {  	_ =	shalt  }
0x4d: {  	_ =	shalt  }
0x4e: {  	_ =	shalt  }
0x4f: {  	_ =	shalt  }
0x50: {  	_ =	shalt  }
0x51: {  	_ =	shalt  }
0x52: {  	_ =	shalt  }
0x53: {  	_ =	shalt  }
0x54: {  	_ =	shalt  }
0x55: {  	_ =	shalt  }
0x56: {  	_ =	shalt  }
0x57: {  	_ =	shalt  }
0x58: {  	_ =	shalt  }
0x59: {  	_ =	shalt  }
0x5a: {  	_ =	shalt  }
0x5b: {  	_ =	shalt  }
0x5c: {  	_ =	shalt  }
0x5d: {  	_ =	shalt  }
0x5e: {  	_ =	shalt  }
0x5f: {  	_ =	shalt  }
0x60: {  	_ =	shalt  }
0x61: {  	_ =	shalt  }
0x62: {  	_ =	shalt  }
0x63: {  	_ =	shalt  }
0x64: {  	_ =	shalt  }
0x65: {  	_ =	shalt  }
0x66: {  	_ =	shalt  }
0x67: {  	_ =	shalt  }
0x68: {  	_ =	shalt  }
0x69: {  	_ =	shalt  }
0x6a: {  	_ =	shalt  }
0x6b: {  	_ =	shalt  }
0x6c: {  	_ =	shalt  }
0x6d: {  	_ =	shalt  }
0x6e: {  	_ =	shalt  }
0x6f: {  	_ =	shalt  }
0x70: {  	_ =	shalt  }
0x71: {  	_ =	shalt  }
0x72: {  	_ =	shalt  }
0x73: {  	_ =	shalt  }
0x74: {  	_ =	shalt  }
0x75: {  	_ =	shalt  }
0x76: {  	_ =	shalt  }
0x77: {  	_ =	shalt  }
0x78: {  	_ =	shalt  }
0x79: {  	_ =	shalt  }
0x7a: {  	_ =	shalt  }
0x7b: {  	_ =	shalt  }
0x7c: {  	_ =	shalt  }
0x7d: {  	_ =	shalt  }
0x7e: {  	_ =	shalt  }
0x7f: {  	_ =	shalt  }
0x80: {  	_ =	shalt  }
0x81: {  	_ =	shalt  }
0x82: {  	_ =	shalt  }
0x83: {  	_ =	shalt  }
0x84: {  	_ =	shalt  }
0x85: {  	_ =	shalt  }
0x86: {  	_ =	shalt  }
0x87: {  	_ =	shalt  }
.Lfunc_end0:
.L_simem_size_0:
called_computation.1_lowered:
.L_overlay_start_0:
0x88: {  	s2 =	sld [smem:$0x3FD9]  }
0x89: {  	s3 =	sld [smem:$0x3FFE];
	_ =	sdelay $0x1  }
0x8a: {  	s1 =	srdreg.scid  }
0x8b: {  	s0 =	sand.u32 $0x1, s1  }
0x8c: {  	s17 =	sshll.u32 s0, $0xA;
	s2 =	sadd.s32 s3, s2  }
0x8d: {  	s2 =	sadd.s32 s2, s17  }
0x8e: {  	[smem:$0x3FC3] =	sst s2  }
0x8f: {  	_ = 	snop  }
0x90: {  	s2 =	sld [smem:$0x3FC8];
	(tm) =	ssettm $0x1  }
0x91: {  	s18 =	sld [smem:$0x3FFB];
	_ =	sdelay $0x3  }
0x92: {  	_ =	strace s18  }
0x93: {  	s3 =	sld [smem:$0x3FFC];
	_ =	sdelay $0x3  }
0x94: {  	_ =	strace s3  }
0x95: {  	s3 =	sld [smem:$0x3FFD];
	_ =	sdelay $0x3  }
0x96: {  	_ =	strace s3  }
0x97: {  	_ =	strace $0x8FFFFFFF  }
0x98: {  	s19 =	sld [smem:$0x3FDB];
	_ =	sdelay $0x1  }
0x99: {  	s4 =	simm.s32 $_scs_section_size  }
0x9a: {  	s5 =	simm.s32 $_size__tile_overlayer_lowered;
	s6 =	simm.s32 $_tile_overlayer_lowered  }
0x9b: {  	s22 =	simm.s32 $0x1BFF;
	s21 =	sshll.u32 s6, $0x1;
	s3 =	sadd.s32 s4, s19  }
0x9c: {  	s7 =	simm.s32 $0x0;
	s20 =	sshll.u32 s5, $0x1;
	s5 =	sadd.s32 s21, s3  }
0x9d: {  	[timem:s7], [sflag:s22] =	dma.local [hbm:s5], s20  }
0x9e: {  	_ =	swait.ge [sflag:s22], s20  }
0x9f: {  	s4 =	ssub.s32 $0x0, s20;
	[sflag:s22] =	ssyncset.done $0x0  }
0xa0: {  	[sflag:s22] =	ssyncadd.s32 s4;
	_ =	sdelay $0x1  }
0xa1: {  	s23 =	simm.s32 $0x1B8B  }
0xa2: {  	_ =	swait.ge [sflag:s23], $0x1  }
0xa3: {  	[sflag:s23] =	ssyncset.done $0x0  }
0xa4: {  	s25 =	simm.s32 $0x1B8E;
	s24 =	sld [smem:$0x3FFE];
	[sflag:s23] =	ssyncadd.s32 $0xFFFFFFFF  }
0xa5: {  	s26 =	simm.s32 $execute0_lowered;
	[smem:$0x3FD2] =	sst s25  }
0xa6: {  	s5 =	sshll.u32 s26, $0x1;
	_ =	strace $0x80000049;
	[dreg:$0x1] =	wrdreg $0xFFFFFFFF  }
0xa7: {  	s28 =	simm.s32 $_size_execute0_lowered;
	s3 =	sadd.s32 s3, s5;
	[dreg:$0x0] =	wrdreg $0x0  }
0xa8: {  	s5 =	sshll.u32 s28, $0x1;
	[dreg:$0x2] =	wrdreg s3  }
0xa9: {  	[dreg:$0x3] =	wrdreg s5  }
0xaa: {  	[dreg:$0x4] =	wrdreg $0xC0  }
0xab: {  	_ =	task [dreg:s7], $0x5FFFF  }
0xac: {  	[dreg:$0x1] =	wrdreg $0xFFFFFFFF  }
0xad: {  	[dreg:$0x0] =	wrdreg $0x60  }
0xae: {  	[dreg:$0x2] =	wrdreg s24  }
0xaf: {  	[dreg:$0x3] =	wrdreg s2  }
0xb0: {  	[dreg:$0x4] =	wrdreg $0x9  }
0xb1: {  	_ =	task.clear_ibuf [dreg:s7], $0x5FFFF;
	_ =	strace $0x90000049  }
0xb2: {  	s29 =	simm.s32 $0x9;
	_ =	strace $0x8000004B  }
0xb3: {  	_ =	swait.ge [sflag:s29], $0x1  }
0xb4: {  	[sflag:s29] =	ssyncadd.s32 $0xFFFFFFFF  }
0xb5: {  	_ =	strace $0x9000004B  }
0xb6: {  	_ =	sfence  }
0xb7: {  	s30 =	sld [smem:$0x0];
	_ =	sdelay $0x2  }
0xb8: {  	s31 =	sshll.u32 s1, $0xD;
	s1 =	sshrl.u32 s1, $0x2  }
0xb9: {  	s3 =	sand.u32 $0x4000, s31;
	s1 =	sadd.s32 s1, s30  }
0xba: {  	s0 =	sor.u32 s3, s0;
	s1 =	sshll.u32 s1, $0x11  }
0xbb: {  	s0 =	sor.u32 s1, s0  }
0xbc: {  	s0 =	sadd.s32 $0x8F2B, s0  }
0xbd: {  	[sflag:s0] =	ssyncadd.remote.s32 $0x1  }
0xbe: {  	_ =	sfence.sel $0xFFFF  }
0xbf: {  	[dreg:$0x0] =	wrdreg $0xFFFFFFFF;
	(pc) =	sbr.abs _section_cstart, $3  }
0xc0: {  	[dreg:$0x1] =	wrdreg $0xFFFFFFFF  }
0xc1: {  	_ =	task.clear_ibuf [dreg:s7], $0x2FFFF;
	_ =	strace $0x9FFFFFFF  }
0xc2: {  	(tm) =	ssettm $0x7FFFFFFF  }
0xc3: {  	_ =	shalt  }
tec
execute0_lowered:
.L_overlay_start_1:
0x0: {  	(tag) =	ssettag $0x1  }
0x1: {  	s0 =	srdreg.scid;
	s1 =	rddreg [dreg:$0x0]  }
0x2: {  	s2 =	stileid.u32;
	s4 =	rddreg [dreg:$0x1];
	v0 =	vimm.s32 $0xFEDCBA98;
	v1 =	vimm.s32 $0x76543210  }
0x3: {  	v2 =	vimm.s32 $0x3210FEDC;
	v3 =	vimm.s32 $0xBA987654;
	s10 =	simm.s32 $0x2;
	s13 =	simm.s32 $0x50;
	s14 =	simm.s32 $0x2A00  }
0x4: {  	v4 =	vimm.s32 $0x10FEDCBA;
	s15 =	simm.s32 $0x3E00;
	s16 =	simm.s32 $0x5200;
	s17 =	simm.s32 $0x6600  }
0x5: {  	v5 =	vimm.s32 $0x98765432;
	v6 =	vimm.s32 $0xFEDCBA9;
	s18 =	simm.s32 $0x10;
	s19 =	simm.s32 $0xCA00;
	s20 =	simm.s32 $0x7A00  }
0x6: {  	v7 =	vimm.s32 $0x87654321;
	s21 =	simm.s32 $0x8E00;
	s22 =	simm.s32 $0xA200;
	s23 =	simm.s32 $0xB600  }
0x7: {  	s24 =	simm.s32 $0xCE00;
	s0 =	sand.u32 $0x1, s0;
	s2 =	sshll.u32 s2, $0x1;
	v0 =	vunpack.c.l.s4.s8 v0;
	v1 =	vunpack.c.l.s4.s8 v1;
	v2 =	vunpack.c.l.s4.s8 v2  }
0x8: {  	s25 =	simm.s32 $0x1;
	s29 =	simm.s32 $0x0;
	v3 =	vunpack.c.l.s4.s8 v3;
	v4 =	vunpack.c.l.s4.s8 v4;
	v5 =	vunpack.c.l.s4.s8 v5;
	s5 =	sor.u32 s0, s2  }
0x9: {  	v6 =	vunpack.c.l.s4.s8 v6;
	v7 =	vunpack.c.l.s4.s8 v7;
	s2 =	simm.s32 $0x0;
	s0 =	ssub.s32 $0x2, s0;
	s3 =	smul.u32 $0x500, s5;
	v0 =	vunpack.c.0.s8.s32 v0  }
0xa: {  	[smem:$0x7FF] =	sst s2;
	s7 =	sshll.u32 s5, $0xC;
	s5 =	sshll.u32 s5, $0x6;
	v2 =	vunpack.c.0.s8.s32 v2;
	v3 =	vunpack.c.0.s8.s32 v3;
	v4 =	vunpack.c.0.s8.s32 v4  }
0xb: {  	s8 =	sshrl.u32 s0, $0x1;
	v5 =	vunpack.c.0.s8.s32 v5;
	v6 =	vunpack.c.0.s8.s32 v6;
	v7 =	vunpack.c.0.s8.s32 v7;
	_ =	strace $0x8000004A;
	s7 =	sadd.s32 s7, s1  }
0xc: {  	v1 =	vunpack.c.0.s8.s32 v1;
	s0 =	ssub.s32 s0, s8;
	s6 =	sadd.s32 s3, s1;
	s3 =	sadd.s32 $0x2B400, s1;
	v2 =	vcombine.low v3, v2  }
0xd: {  	s1 =	sadd.s32 s5, s1;
	s31 =	sadd.s32 $0xB400, s7;
	s7 =	sadd.s32 s4, s5;
	v3 =	vcombine.low v5, v4;
	v4 =	vand.u32 $0xF, v0;
	v5 =	vcombine.low v7, v6  }
0xe: {  	s9 =	smax.u32 s0, $0x1;
	v0 =	vlaneseq.u32;
	s6 =	sadd.s32 $0x7CC600, s6;
	[dreg:$0x4] =	wrdreg s31;
	v1 =	vcombine.low v4, v1  }
0xf: {  	s8 =	sadd.s32 $0x1C00, s1;
	[dreg:$0x3] =	wrdreg s6;
	s6 =	sadd.s32 $0x1400, s1;
	v2 =	vand.u32 $0xF, v2;
	v3 =	vand.u32 $0xF, v3;
	v4 =	vand.u32 $0xF, v5  }
.LBB2_1:
0x10: {  	s0 =	rddreg [dreg:$0x3]  }
0x11: {  	[tilespmem:s2], [sflag:$0x2] =	stream.linear.gather [hbm4b:s0+s2], $0x2800, $0x38;
	[tilespmem:$0x15600] =	vst v63  }
0x12: {  	_ =	swait.ge [sflag:s10], $0x2800  }
0x13: {  	[sflag:s10] =	ssyncset.done $0x0  }
0x14: {  	s28 =	simm.s32 $0x2800;
	[sflag:s10] =	ssyncadd.s32 $0xFFFFD800  }
0x15: {  	[tilespmem:s28], [sflag:$0x2] =	stream.linear.gather [hbm4b:s7+s2], $0x200, $0x38;
	[tilespmem:$0x15600] =	vst v63  }
0x16: {  	_ =	swait.ge [sflag:s10], $0x200  }
0x17: {  	[sflag:s10] =	ssyncset.done $0x0  }
0x18: {  	s1 =	simm.s32 $0xD200;
	s30 =	rddreg [dreg:$0x4];
	[sflag:s10] =	ssyncadd.s32 $0xFFFFFE00  }
0x19: {  	[tilespmem:s1], [sflag:$0x2] =	stream.linear.gather [hbm4b:s30+s2], $0x8000, $0x38;
	[tilespmem:$0x15600] =	vst v63  }
0x1a: {  	_ =	swait.ge [sflag:s10], $0x8000  }
0x1b: {  	s4 =	simm.s32 $0xD220;
	[sflag:s10] =	ssyncset.done $0x0  }
0x1c: {  	s31 =	simm.s32 $0xD630;
	s1 =	simm.s32 $0x0;
	[sflag:s10] =	ssyncadd.s32 $0xFFFF8000  }
.LBB2_2:
0x1d: {  	s0 =	smul.u32 $0xA00, s1;
	_ =	sdelay $0x1  }
0x1e: {  	s0 =	sshra.s32 s0, $0x2  }
0x1f: {  	[tilespmem:s14], [sflag:$0x1] =	stream.indirect.gather [hbm4b:s3+s13], $0x40, s0, s13, $0xb8;
	[tilespmem:$0x15600] =	vst v63  }
0x20: {  	s5 =	sor.u32 $0x50, s0  }
0x21: {  	[tilespmem:s15], [sflag:$0x1] =	stream.indirect.gather [hbm4b:s3+s13], $0x40, s5, s13, $0xb8;
	[tilespmem:$0x15600] =	vst v63  }
0x22: {  	s12 =	sadd.s32 $0xA0, s0  }
0x23: {  	[tilespmem:s16], [sflag:$0x1] =	stream.indirect.gather [hbm4b:s3+s13], $0x40, s12, s13, $0xb8;
	[tilespmem:$0x15600] =	vst v63  }
0x24: {  	s0 =	sadd.s32 $0xF0, s0  }
0x25: {  	[tilespmem:s17], [sflag:$0x1] =	stream.indirect.gather [hbm4b:s3+s13], $0x40, s0, s13, $0xb8;
	[tilespmem:$0x15600] =	vst v63  }
0x26: {  	s11 =	sshll.u32 s1, $0x5;
	s0 =	sshllo.u32 s1, $0x1  }
0x27: {  	s26 =	sadd.s32 $0x2800, s11;
	s12 =	smul.u32 $0x500, s0  }
0x28: {  	[tilespmem:s19], [sflag:$0x1] =	stream.indirect.gather [hbm4b:s3+s18], $0x40, s26, s18, $0xb8;
	[tilespmem:$0x15600] =	vst v63  }
0x29: {  	s5 =	sshra.s32 s12, $0x2  }
0x2a: {  	[tilespmem:s20], [sflag:$0x1] =	stream.indirect.gather [hbm4b:s3+s13], $0x40, s5, s13, $0xb8;
	[tilespmem:$0x15600] =	vst v63  }
0x2b: {  	s12 =	sadd.s32 $0x50, s5  }
0x2c: {  	[tilespmem:s21], [sflag:$0x1] =	stream.indirect.gather [hbm4b:s3+s13], $0x40, s12, s13, $0xb8;
	[tilespmem:$0x15600] =	vst v63  }
0x2d: {  	s26 =	sadd.s32 $0xA0, s5  }
0x2e: {  	[tilespmem:s22], [sflag:$0x1] =	stream.indirect.gather [hbm4b:s3+s13], $0x40, s26, s13, $0xb8;
	[tilespmem:$0x15600] =	vst v63  }
0x2f: {  	s0 =	sshll.u32 s0, $0x4;
	s5 =	sadd.s32 $0xF0, s5  }
0x30: {  	[tilespmem:s23], [sflag:$0x1] =	stream.indirect.gather [hbm4b:s3+s13], $0x40, s5, s13, $0xb8;
	[tilespmem:$0x15600] =	vst v63  }
0x31: {  	s12 =	sadd.s32 $0x2800, s0  }
0x32: {  	[tilespmem:s24], [sflag:$0x1] =	stream.indirect.gather [hbm4b:s3+s18], $0x40, s12, s18, $0xb8;
	[tilespmem:$0x15600] =	vst v63  }
0x33: {  	_ =	swait.ge [sflag:s25], $0x1400  }
0x34: {  	[sflag:s25] =	ssyncset.done $0x0  }
0x35: {  	[sflag:s25] =	ssyncadd.s32 $0xFFFFEC00  }
0x36: {  	_ =	swait.ge [sflag:s25], $0x1400  }
0x37: {  	[sflag:s25] =	ssyncset.done $0x0  }
0x38: {  	[sflag:s25] =	ssyncadd.s32 $0xFFFFEC00  }
0x39: {  	_ =	swait.ge [sflag:s25], $0x1400  }
0x3a: {  	[sflag:s25] =	ssyncset.done $0x0  }
0x3b: {  	[sflag:s25] =	ssyncadd.s32 $0xFFFFEC00  }
0x3c: {  	_ =	swait.ge [sflag:s25], $0x1400  }
0x3d: {  	[sflag:s25] =	ssyncset.done $0x0  }
0x3e: {  	[sflag:s25] =	ssyncadd.s32 $0xFFFFEC00  }
0x3f: {  	_ =	swait.ge [sflag:s25], $0x400  }
0x40: {  	[sflag:s25] =	ssyncset.done $0x0  }
0x41: {  	s5 =	simm.s32 $0xCA20;
	[sflag:s25] =	ssyncadd.s32 $0xFFFFFC00  }
0x42: {  	s26 =	simm.s32 $0x2C80;
	v5 =	vld [tilespmem:s5+$0x10]  }
0x43: {  	v22 =	vld [tilespmem:s26+$0x1F0]  }
0x44: {  	v21 =	vld [tilespmem:s26+$0x220]  }
0x45: {  	v20 =	vld [tilespmem:s26+$0x1B0]  }
0x46: {  	v19 =	vld [tilespmem:s26+$0x1E0]  }
0x47: {  	v18 =	vld [tilespmem:s26+$0x170]  }
0x48: {  	v17 =	vld [tilespmem:s26+$0x1A0]  }
0x49: {  	v16 =	vld [tilespmem:s26+$0x130]  }
0x4a: {  	v15 =	vld [tilespmem:s26+$0x160]  }
0x4b: {  	v14 =	vld [tilespmem:s26+$0xF0]  }
0x4c: {  	v13 =	vld [tilespmem:s26+$0x120]  }
0x4d: {  	v12 =	vld [tilespmem:s26+$0xB0]  }
0x4e: {  	v11 =	vld [tilespmem:s26+$0xE0]  }
0x4f: {  	v10 =	vld [tilespmem:s26+$0x70]  }
0x50: {  	v9 =	vld [tilespmem:s26+$0xA0]  }
0x51: {  	v23 =	vld [tilespmem:s26+$0x30]  }
0x52: {  	v24 =	vld [tilespmem:s26+$0x60]  }
0x53: {  	v25 =	vld [tilespmem:s26+$0xFFFFFFF0]  }
0x54: {  	v26 =	vld [tilespmem:s26+$0x20]  }
0x55: {  	v27 =	vld [tilespmem:s26+$0xFFFFFFB0]  }
0x56: {  	v28 =	vld [tilespmem:s26+$0xFFFFFFE0]  }
0x57: {  	v29 =	vld [tilespmem:s26+$0xFFFFFF70]  }
0x58: {  	v30 =	vld [tilespmem:s26+$0xFFFFFFA0]  }
0x59: {  	v31 =	vld [tilespmem:s26+$0xFFFFFF30]  }
0x5a: {  	v32 =	vld [tilespmem:s26+$0xFFFFFF60]  }
0x5b: {  	v33 =	vld [tilespmem:s26+$0xFFFFFEF0]  }
0x5c: {  	v34 =	vld [tilespmem:s26+$0xFFFFFF20]  }
0x5d: {  	v35 =	vld [tilespmem:s26+$0xFFFFFEB0]  }
0x5e: {  	v36 =	vld [tilespmem:s26+$0xFFFFFEE0]  }
0x5f: {  	v37 =	vld [tilespmem:s26+$0xFFFFFE70]  }
0x60: {  	v38 =	vld [tilespmem:s26+$0xFFFFFEA0]  }
0x61: {  	v39 =	vld [tilespmem:s26+$0xFFFFFE30]  }
0x62: {  	v40 =	vld [tilespmem:s26+$0xFFFFFE60]  }
0x63: {  	v41 =	vld [tilespmem:s26+$0xFFFFFDF0]  }
0x64: {  	v42 =	vld [tilespmem:s26+$0xFFFFFE20]  }
0x65: {  	v43 =	vld [tilespmem:s26+$0xFFFFFDB0]  }
0x66: {  	v44 =	vld [tilespmem:s26+$0xFFFFFDE0]  }
0x67: {  	v45 =	vld [tilespmem:s26+$0xFFFFFDA0]  }
0x68: {  	v46 =	vld [tilespmem:s26+$0xFFFFFD80]  }
0x69: {  	v47 =	vld [tilespmem:s26+$0xFFFFFD90]  }
0x6a: {  	v48 =	vld [tilespmem:s26+$0xFFFFFDC0]  }
0x6b: {  	v49 =	vld [tilespmem:s26+$0xFFFFFDD0]  }
0x6c: {  	v50 =	vld [tilespmem:s26+$0xFFFFFE00]  }
0x6d: {  	v51 =	vld [tilespmem:s26+$0xFFFFFE10]  }
0x6e: {  	v52 =	vld [tilespmem:s26+$0xFFFFFE40]  }
0x6f: {  	v53 =	vld [tilespmem:s26+$0xFFFFFE50]  }
0x70: {  	v54 =	vld [tilespmem:s26+$0xFFFFFE80]  }
0x71: {  	v55 =	vld [tilespmem:s26+$0xFFFFFE90]  }
0x72: {  	v56 =	vld [tilespmem:s26+$0xFFFFFEC0]  }
0x73: {  	v57 =	vld [tilespmem:s26+$0xFFFFFED0]  }
0x74: {  	v58 =	vld [tilespmem:s26+$0xFFFFFF00]  }
0x75: {  	v59 =	vld [tilespmem:s26+$0xFFFFFF10]  }
0x76: {  	v60 =	vld [tilespmem:s26+$0xFFFFFF40]  }
0x77: {  	v61 =	vld [tilespmem:s26+$0xFFFFFF50]  }
0x78: {  	[tilespmem:$0x1FFF0] =	vst v5;
	v5 =	vld [tilespmem:s5+$0xFFFFFFF0]  }
0x79: {  	v62 =	vld [tilespmem:s26+$0xFFFFFF80]  }
0x7a: {  	v63 =	vld [tilespmem:s26+$0xFFFFFF90];
	v46 =	vadd.f32 $0.0e+00, v46  }
0x7b: {  	v6 =	vld [tilespmem:s26+$0xFFFFFFD0]  }
0x7c: {  	v7 =	vld [tilespmem:s26+$0x0];
	v46 =	vadd.f32 v48, v46  }
0x7d: {  	v45 =	vadd.f32 $0.0e+00, v45;
	[tilespmem:$0x1FFE0] =	vst v5;
	v5 =	vld [tilespmem:s5+$0xFFFFFFE0]  }
0x7e: {  	v8 =	vld [tilespmem:s26+$0x40];
	v47 =	vadd.f32 $0.0e+00, v47;
	v46 =	vadd.f32 v50, v46  }
0x7f: {  	v43 =	vadd.f32 $0.0e+00, v43;
	v48 =	vld [tilespmem:s26+$0x10];
	v44 =	vadd.f32 v44, v45  }
0x80: {  	v47 =	vadd.f32 v49, v47;
	v49 =	vld [tilespmem:s26+$0x50];
	v46 =	vadd.f32 v52, v46  }
0x81: {  	v45 =	vld [tilespmem:s26+$0x80];
	v41 =	vadd.f32 v41, v43;
	v42 =	vadd.f32 v42, v44  }
0x82: {  	v47 =	vadd.f32 v51, v47;
	v46 =	vadd.f32 v54, v46;
	[tilespmem:$0x1FFC0] =	vst v5;
	v5 =	vld [tilespmem:s26+$0x230]  }
0x83: {  	v50 =	vld [tilespmem:s26+$0x90];
	v39 =	vadd.f32 v39, v41;
	v40 =	vadd.f32 v40, v42  }
0x84: {  	v44 =	vld [tilespmem:s26+$0xC0];
	v47 =	vadd.f32 v53, v47;
	v46 =	vadd.f32 v56, v46  }
0x85: {  	v51 =	vld [tilespmem:s26+$0xD0];
	v37 =	vadd.f32 v37, v39;
	v38 =	vadd.f32 v38, v40  }
0x86: {  	v42 =	vld [tilespmem:s26+$0x100];
	v55 =	vadd.f32 v55, v47;
	v53 =	vadd.f32 v58, v46  }
0x87: {  	v35 =	vadd.f32 v35, v37;
	v36 =	vadd.f32 v36, v38;
	[tilespmem:$0x1FFD0] =	vst v5;
	v5 =	vld [tilespmem:s26+$0xFFFFFFC0]  }
0x88: {  	v47 =	vld [tilespmem:s26+$0x110];
	v52 =	vadd.f32 v57, v55;
	v55 =	vadd.f32 v60, v53  }
0x89: {  	v40 =	vld [tilespmem:s26+$0x140];
	v33 =	vadd.f32 v33, v35;
	v34 =	vadd.f32 v34, v36  }
0x8a: {  	v38 =	vld [tilespmem:s26+$0x180];
	v54 =	vadd.f32 v59, v52;
	v59 =	vadd.f32 v62, v55  }
0x8b: {  	v56 =	vld [tilespmem:s26+$0x190];
	v32 =	vadd.f32 v32, v34  }
0x8c: {  	v57 =	vld [tilespmem:s26+$0x1C0];
	v31 =	vadd.f32 v31, v33;
	v5 =	vadd.f32 v5, v59  }
0x8d: {  	v46 =	vld [tilespmem:s26+$0x150];
	v58 =	vadd.f32 v61, v54;
	v30 =	vadd.f32 v30, v32  }
0x8e: {  	v52 =	vld [tilespmem:s26+$0x240];
	v5 =	vadd.f32 v7, v5;
	v7 =	vadd.f32 v29, v31  }
0x8f: {  	v60 =	vld [tilespmem:s26+$0x1D0];
	v28 =	vadd.f32 v28, v30  }
0x90: {  	v61 =	vld [tilespmem:s26+$0x200];
	v62 =	vadd.f32 v63, v58;
	v7 =	vadd.f32 v27, v7  }
0x91: {  	v53 =	vld [tilespmem:s26+$0x250];
	v5 =	vadd.f32 v8, v5;
	v8 =	vadd.f32 v26, v28  }
0x92: {  	v63 =	vld [tilespmem:s26+$0x210];
	v6 =	vadd.f32 v6, v62;
	v7 =	vadd.f32 v25, v7  }
0x93: {  	v30 =	vld [tilespmem:s26+$0x260];
	v8 =	vadd.f32 v24, v8  }
0x94: {  	v6 =	vadd.f32 v48, v6;
	v29 =	vld [tilespmem:s4+$0xFFFFFFE0];
	v7 =	vadd.f32 v23, v7  }
0x95: {  	v26 =	vld [tilespmem:s4+$0xFFFFFFF0];
	v5 =	vadd.f32 v45, v5;
	v8 =	vadd.f32 v9, v8  }
0x96: {  	v6 =	vadd.f32 v49, v6;
	v27 =	vld [tilespmem:s26+$0x270];
	v10 =	vadd.f32 v10, v7  }
0x97: {  	v28 =	vld [tilespmem:s4+$0x10];
	s26 =	simm.s32 $0x3180;
	v5 =	vadd.f32 v44, v5;
	v8 =	vadd.f32 v11, v8  }
0x98: {  	v6 =	vadd.f32 v50, v6;
	v32 =	vld [tilespmem:s26+$0xFFFFFFA0];
	v10 =	vadd.f32 v12, v10  }
0x99: {  	v33 =	vld [tilespmem:s26+$0xFFFFFF30];
	v23 =	vadd.f32 v42, v5;
	v12 =	vadd.f32 v13, v8  }
0x9a: {  	v34 =	vld [tilespmem:s26+$0xFFFFFF60];
	v9 =	vadd.f32 v51, v6;
	v14 =	vadd.f32 v14, v10  }
0x9b: {  	v35 =	vld [tilespmem:s26+$0xFFFFFEF0];
	v11 =	vadd.f32 v40, v23;
	v12 =	vadd.f32 v15, v12  }
0x9c: {  	v36 =	vld [tilespmem:s26+$0xFFFFFF20];
	v9 =	vadd.f32 v47, v9;
	v16 =	vadd.f32 v16, v14  }
0x9d: {  	v37 =	vld [tilespmem:s26+$0xFFFFFEB0];
	v11 =	vadd.f32 v38, v11;
	v12 =	vadd.f32 v17, v12  }
0x9e: {  	v39 =	vld [tilespmem:s26+$0xFFFFFE70];
	v13 =	vadd.f32 v46, v9;
	v18 =	vadd.f32 v18, v16  }
0x9f: {  	v41 =	vld [tilespmem:s26+$0xFFFFFE30];
	v11 =	vadd.f32 v57, v11;
	v12 =	vadd.f32 v19, v12  }
0xa0: {  	v43 =	vld [tilespmem:s26+$0xFFFFFDF0];
	v15 =	vadd.f32 v56, v13;
	v20 =	vadd.f32 v20, v18  }
0xa1: {  	v48 =	vld [tilespmem:s26+$0xFFFFFD80];
	v11 =	vadd.f32 v61, v11;
	v12 =	vadd.f32 v21, v12  }
0xa2: {  	v17 =	vadd.f32 v60, v15;
	v22 =	vadd.f32 v22, v20;
	v20 =	vld [tilespmem:$0x1FFC0]  }
0xa3: {  	v11 =	vadd.f32 v52, v11;
	v12 =	vadd.f32 v30, v12;
	v30 =	vld [tilespmem:$0x1FFD0]  }
0xa4: {  	v24 =	vld [tilespmem:s4+$0x0];
	v19 =	vadd.f32 v63, v17  }
0xa5: {  	v25 =	vld [tilespmem:s5+$0x0];
	v11 =	vmul.f32 v29, v11  }
0xa6: {  	s12 =	simm.s32 $0xCA60;
	v45 =	vld [tilespmem:s26+$0xFFFFFDB0];
	v21 =	vadd.f32 v53, v19  }
0xa7: {  	v6 =	vld [tilespmem:s12+$0xFFFFFFF0];
	v11 =	vadd.f32 $0.0e+00, v11  }
0xa8: {  	v23 =	vmul.f32 v20, v29;
	v29 =	vmul.f32 v26, v21;
	v30 =	vadd.f32 v30, v22;
	v22 =	vld [tilespmem:$0x1FFE0]  }
0xa9: {  	v44 =	vld [tilespmem:s26+$0xFFFFFE20]  }
0xaa: {  	v5 =	vld [tilespmem:s12+$0x10];
	v12 =	vmul.f32 v24, v12;
	v11 =	vadd.f32 v29, v11  }
0xab: {  	v7 =	vld [tilespmem:s12+$0xFFFFFFE0]  }
0xac: {  	v11 =	vadd.f32 v12, v11;
	v12 =	vld [tilespmem:$0x1FFF0]  }
0xad: {  	v42 =	vld [tilespmem:s26+$0xFFFFFE60];
	v31 =	vadd.f32 $0.0e+00, v23;
	v26 =	vmul.f32 v22, v26  }
0xae: {  	v47 =	vld [tilespmem:s26+$0xFFFFFDA0]  }
0xaf: {  	v8 =	vld [tilespmem:s26+$0x230];
	v27 =	vadd.f32 v27, v30;
	v29 =	vmul.f32 v25, v24;
	v26 =	vadd.f32 v26, v31  }
0xb0: {  	v9 =	vld [tilespmem:s26+$0x1F0]  }
0xb1: {  	v40 =	vld [tilespmem:s26+$0xFFFFFEA0];
	v12 =	vmul.f32 v12, v28;
	v28 =	vmul.f32 v28, v27;
	v29 =	vadd.f32 v29, v26  }
0xb2: {  	v46 =	vld [tilespmem:s26+$0xFFFFFDE0]  }
0xb3: {  	v10 =	vld [tilespmem:s26+$0x220];
	v11 =	vadd.f32 v28, v11;
	v12 =	vadd.f32 v12, v29  }
0xb4: {  	v13 =	vld [tilespmem:s26+$0x1B0]  }
0xb5: {  	v38 =	vld [tilespmem:s26+$0xFFFFFEE0];
	v54 =	vperm.xlane v11, v1;
	v55 =	vperm.xlane v12, v1  }
0xb6: {  	v14 =	vld [tilespmem:s26+$0x1E0]  }
0xb7: {  	v15 =	vld [tilespmem:s26+$0x170];
	v11 =	vadd.f32 v54, v11;
	v12 =	vadd.f32 v12, v55  }
0xb8: {  	v16 =	vld [tilespmem:s26+$0x1A0]  }
0xb9: {  	v17 =	vld [tilespmem:s26+$0x130];
	v56 =	vperm.xlane v11, v2;
	v57 =	vperm.xlane v12, v2  }
0xba: {  	v18 =	vld [tilespmem:s26+$0x160]  }
0xbb: {  	v19 =	vld [tilespmem:s26+$0xF0];
	v11 =	vadd.f32 v56, v11;
	v12 =	vadd.f32 v12, v57  }
0xbc: {  	v20 =	vld [tilespmem:s26+$0x120]  }
0xbd: {  	v21 =	vld [tilespmem:s26+$0xB0];
	v58 =	vperm.xlane v11, v3;
	v59 =	vperm.xlane v12, v3  }
0xbe: {  	v23 =	vld [tilespmem:s26+$0x70]  }
0xbf: {  	v24 =	vld [tilespmem:s26+$0xA0];
	v11 =	vadd.f32 v58, v11;
	v12 =	vadd.f32 v12, v59  }
0xc0: {  	v25 =	vld [tilespmem:s26+$0x30]  }
0xc1: {  	v30 =	vld [tilespmem:s26+$0xFFFFFFE0];
	v60 =	vperm.xlane v11, v4;
	v61 =	vperm.xlane v12, v4  }
0xc2: {  	v22 =	vld [tilespmem:s26+$0xE0]  }
0xc3: {  	v31 =	vld [tilespmem:s26+$0xFFFFFF70];
	v11 =	vadd.f32 v60, v11;
	v12 =	vadd.f32 v12, v61  }
0xc4: {  	s5 =	simm.s32 $0x0;
	v26 =	vld [tilespmem:s26+$0x60]  }
0xc5: {  	v62 =	vmov s5;
	v27 =	vld [tilespmem:s26+$0xFFFFFFF0];
	v11 =	vmul.f32 $5.000000070e-02, v11;
	v12 =	vmul.f32 $5.000000070e-02, v12  }
0xc6: {  	vm0 =	veq.s32 v62, v0;
	v63 =	vimm.f32 $0.0e+00;
	v28 =	vld [tilespmem:s26+$0x20]  }
0xc7: {  	s28 =	simm.s32 $0x1;
	s30 =	smov.u32 s4;
	s5 =	simm.s32 $0x2;
	v29 =	vld [tilespmem:s26+$0xFFFFFFB0];
	v11 =	vsel vm0, v11, v63;
	v12 =	vsel vm0, v12, v63  }
.LBB2_3:
0xc8: {  	p0 =	sne.s32 s5, $0xF;
	v49 =	vld [tilespmem:s26+$0xFFFFFD90]  }
0xc9: {  	v50 =	vld [tilespmem:s26+$0xFFFFFDC0]  }
0xca: {  	v51 =	vld [tilespmem:s26+$0xFFFFFDD0]  }
0xcb: {  	v52 =	vld [tilespmem:s26+$0xFFFFFE00]  }
0xcc: {  	v48 =	vadd.f32 $0.0e+00, v48;
	v53 =	vld [tilespmem:s26+$0xFFFFFE10]  }
0xcd: {  	v54 =	vld [tilespmem:s26+$0xFFFFFE40]  }
0xce: {  	v49 =	vadd.f32 $0.0e+00, v49;
	v48 =	vadd.f32 v50, v48;
	v50 =	vld [tilespmem:s26+$0xFFFFFE50]  }
0xcf: {  	v47 =	vadd.f32 $0.0e+00, v47;
	v55 =	vld [tilespmem:s26+$0xFFFFFE80]  }
0xd0: {  	v49 =	vadd.f32 v51, v49;
	v48 =	vadd.f32 v52, v48;
	v51 =	vld [tilespmem:s26+$0xFFFFFE90]  }
0xd1: {  	v45 =	vadd.f32 $0.0e+00, v45;
	v46 =	vadd.f32 v46, v47;
	v47 =	vld [tilespmem:s26+$0xFFFFFEC0]  }
0xd2: {  	v49 =	vadd.f32 v53, v49;
	v48 =	vadd.f32 v54, v48;
	v52 =	vld [tilespmem:s26+$0xFFFFFED0]  }
0xd3: {  	v43 =	vadd.f32 v43, v45;
	v44 =	vadd.f32 v44, v46;
	v45 =	vld [tilespmem:s26+$0xFFFFFF00]  }
0xd4: {  	v46 =	vadd.f32 v50, v49;
	v48 =	vadd.f32 v55, v48;
	v49 =	vld [tilespmem:s26+$0xFFFFFF10]  }
0xd5: {  	v41 =	vadd.f32 v41, v43;
	v42 =	vadd.f32 v42, v44;
	v43 =	vld [tilespmem:s26+$0xFFFFFF40]  }
0xd6: {  	v44 =	vadd.f32 v51, v46;
	v46 =	vadd.f32 v47, v48;
	v47 =	vld [tilespmem:s26+$0xFFFFFF50]  }
0xd7: {  	v39 =	vadd.f32 v39, v41;
	v40 =	vadd.f32 v40, v42;
	v41 =	vld [tilespmem:s26+$0xFFFFFF80]  }
0xd8: {  	v42 =	vadd.f32 v52, v44;
	v44 =	vadd.f32 v45, v46;
	v45 =	vld [tilespmem:s26+$0xFFFFFF90]  }
0xd9: {  	v37 =	vadd.f32 v37, v39;
	v38 =	vadd.f32 v38, v40;
	v39 =	vld [tilespmem:s26+$0xFFFFFFC0]  }
0xda: {  	v40 =	vadd.f32 v49, v42;
	v42 =	vadd.f32 v43, v44;
	v43 =	vld [tilespmem:s26+$0xFFFFFFD0]  }
0xdb: {  	v35 =	vadd.f32 v35, v37;
	v36 =	vadd.f32 v36, v38;
	v37 =	vld [tilespmem:s26+$0x0]  }
0xdc: {  	v38 =	vadd.f32 v47, v40;
	v40 =	vadd.f32 v41, v42;
	v41 =	vld [tilespmem:s26+$0x10]  }
0xdd: {  	v33 =	vadd.f32 v33, v35;
	v34 =	vadd.f32 v34, v36;
	v35 =	vld [tilespmem:s26+$0x40]  }
0xde: {  	v36 =	vadd.f32 v45, v38;
	v38 =	vadd.f32 v39, v40;
	v39 =	vld [tilespmem:s26+$0x50]  }
0xdf: {  	v31 =	vadd.f32 v31, v33;
	v32 =	vadd.f32 v32, v34;
	v33 =	vld [tilespmem:s26+$0x80]  }
0xe0: {  	v34 =	vadd.f32 v43, v36;
	v36 =	vadd.f32 v37, v38;
	v37 =	vld [tilespmem:s26+$0x90]  }
0xe1: {  	v29 =	vadd.f32 v29, v31;
	v30 =	vadd.f32 v30, v32;
	v31 =	vld [tilespmem:s26+$0xC0]  }
0xe2: {  	v32 =	vadd.f32 v41, v34;
	v34 =	vadd.f32 v35, v36;
	v35 =	vld [tilespmem:s26+$0xD0]  }
0xe3: {  	v27 =	vadd.f32 v27, v29;
	v28 =	vadd.f32 v28, v30;
	v29 =	vld [tilespmem:s26+$0x100]  }
0xe4: {  	v30 =	vadd.f32 v39, v32;
	v32 =	vadd.f32 v33, v34;
	v33 =	vld [tilespmem:s26+$0x110]  }
0xe5: {  	v25 =	vadd.f32 v25, v27;
	v26 =	vadd.f32 v26, v28;
	v27 =	vld [tilespmem:s26+$0x140]  }
0xe6: {  	v28 =	vadd.f32 v37, v30;
	v30 =	vadd.f32 v31, v32;
	v31 =	vld [tilespmem:s26+$0x150]  }
0xe7: {  	v23 =	vadd.f32 v23, v25;
	v24 =	vadd.f32 v24, v26;
	v25 =	vld [tilespmem:s26+$0x180]  }
0xe8: {  	v26 =	vadd.f32 v35, v28;
	v28 =	vadd.f32 v29, v30;
	v29 =	vld [tilespmem:s26+$0x190]  }
0xe9: {  	v21 =	vadd.f32 v21, v23;
	v22 =	vadd.f32 v22, v24;
	v23 =	vld [tilespmem:s26+$0x1C0]  }
0xea: {  	v24 =	vadd.f32 v33, v26;
	v26 =	vadd.f32 v27, v28;
	v27 =	vld [tilespmem:s26+$0x1D0]  }
0xeb: {  	v19 =	vadd.f32 v19, v21;
	v20 =	vadd.f32 v20, v22;
	v21 =	vld [tilespmem:s26+$0x200]  }
0xec: {  	v22 =	vadd.f32 v31, v24;
	v24 =	vadd.f32 v25, v26;
	v25 =	vld [tilespmem:s26+$0x210]  }
0xed: {  	v17 =	vadd.f32 v17, v19;
	v18 =	vadd.f32 v18, v20;
	v19 =	vld [tilespmem:s26+$0x240]  }
0xee: {  	s30 =	sadd.s32 $0x40, s30;
	v20 =	vadd.f32 v29, v22;
	v22 =	vadd.f32 v23, v24;
	v23 =	vld [tilespmem:s26+$0x250]  }
0xef: {  	v15 =	vadd.f32 v15, v17;
	v16 =	vadd.f32 v16, v18;
	v17 =	vld [tilespmem:s30+$0xFFFFFFE0]  }
0xf0: {  	v18 =	vadd.f32 v27, v20;
	v20 =	vadd.f32 v21, v22;
	v21 =	vld [tilespmem:s26+$0x260]  }
0xf1: {  	v13 =	vadd.f32 v13, v15;
	v14 =	vadd.f32 v14, v16;
	v15 =	vld [tilespmem:s30+$0xFFFFFFF0]  }
0xf2: {  	v16 =	vadd.f32 v25, v18;
	v18 =	vadd.f32 v19, v20;
	v19 =	vld [tilespmem:s26+$0x270]  }
0xf3: {  	v9 =	vadd.f32 v9, v13;
	v13 =	vld [tilespmem:s30+$0x0]  }
0xf4: {  	v10 =	vadd.f32 v10, v14;
	v14 =	vadd.f32 v23, v16;
	v16 =	vmul.f32 v17, v18;
	v18 =	vld [tilespmem:s12+$0x0]  }
0xf5: {  	v8 =	vadd.f32 v8, v9;
	v7 =	vmul.f32 v7, v17;
	s12 =	sadd.s32 $0x40, s12;
	v17 =	vld [tilespmem:s30+$0x10]  }
0xf6: {  	v9 =	vadd.f32 v21, v10;
	v20 =	vld [tilespmem:s12+$0x10];
	v10 =	vadd.f32 $0.0e+00, v16;
	v14 =	vmul.f32 v15, v14  }
0xf7: {  	v16 =	vadd.f32 $0.0e+00, v7;
	v15 =	vmul.f32 v6, v15;
	v6 =	vld [tilespmem:s12+$0xFFFFFFF0]  }
0xf8: {  	s26 =	sadd.s32 $0x500, s26;
	v19 =	vadd.f32 v19, v8;
	v7 =	vld [tilespmem:s12+$0xFFFFFFE0];
	v10 =	vadd.f32 v14, v10;
	v14 =	vmul.f32 v13, v9  }
0xf9: {  	v15 =	vadd.f32 v15, v16;
	v8 =	vld [tilespmem:s26+$0x230];
	v13 =	vmul.f32 v18, v13  }
0xfa: {  	v9 =	vld [tilespmem:s26+$0x1F0];
	v14 =	vadd.f32 v14, v10;
	v16 =	vmul.f32 v5, v17;
	v17 =	vmul.f32 v17, v19  }
0xfb: {  	v10 =	vld [tilespmem:s26+$0x220];
	v15 =	vadd.f32 v13, v15;
	v5 =	vmov v20  }
0xfc: {  	v13 =	vld [tilespmem:s26+$0x1B0];
	v18 =	vadd.f32 v17, v14  }
0xfd: {  	v14 =	vld [tilespmem:s26+$0x1E0];
	v19 =	vadd.f32 v16, v15  }
0xfe: {  	v15 =	vld [tilespmem:s26+$0x170];
	v20 =	vperm.xlane v18, v1  }
0xff: {  	v16 =	vld [tilespmem:s26+$0x1A0];
	v21 =	vperm.xlane v19, v1  }
0x100: {  	v17 =	vld [tilespmem:s26+$0x130];
	v22 =	vadd.f32 v20, v18  }
0x101: {  	v18 =	vld [tilespmem:s26+$0x160];
	v23 =	vadd.f32 v19, v21  }
0x102: {  	v19 =	vld [tilespmem:s26+$0xF0];
	v24 =	vperm.xlane v22, v2  }
0x103: {  	v20 =	vld [tilespmem:s26+$0x120];
	v25 =	vperm.xlane v23, v2  }
0x104: {  	v21 =	vld [tilespmem:s26+$0xB0];
	v26 =	vadd.f32 v24, v22  }
0x105: {  	v22 =	vld [tilespmem:s26+$0xE0];
	v27 =	vadd.f32 v23, v25  }
0x106: {  	v23 =	vld [tilespmem:s26+$0x70];
	v28 =	vperm.xlane v26, v3  }
0x107: {  	v24 =	vld [tilespmem:s26+$0xA0];
	v29 =	vperm.xlane v27, v3  }
0x108: {  	v25 =	vld [tilespmem:s26+$0x30];
	v30 =	vadd.f32 v28, v26  }
0x109: {  	v26 =	vld [tilespmem:s26+$0x60];
	v31 =	vadd.f32 v27, v29  }
0x10a: {  	v27 =	vld [tilespmem:s26+$0xFFFFFFF0];
	v32 =	vperm.xlane v30, v4  }
0x10b: {  	v28 =	vld [tilespmem:s26+$0x20];
	v33 =	vperm.xlane v31, v4  }
0x10c: {  	v29 =	vld [tilespmem:s26+$0xFFFFFFB0];
	v32 =	vadd.f32 v32, v30  }
0x10d: {  	v30 =	vld [tilespmem:s26+$0xFFFFFFE0];
	v33 =	vadd.f32 v31, v33  }
0x10e: {  	v34 =	vmov s28;
	s28 =	smov.u32 s5;
	v31 =	vld [tilespmem:s26+$0xFFFFFF70];
	v35 =	vmul.f32 $5.000000070e-02, v32  }
0x10f: {  	vm0 =	veq.s32 v34, v0;
	v32 =	vld [tilespmem:s26+$0xFFFFFFA0];
	v36 =	vmul.f32 $5.000000070e-02, v33  }
0x110: {  	v33 =	vld [tilespmem:s26+$0xFFFFFF30];
	v11 =	vsel vm0, v35, v11  }
0x111: {  	v34 =	vld [tilespmem:s26+$0xFFFFFF60];
	v12 =	vsel vm0, v36, v12  }
0x112: {  	v35 =	vld [tilespmem:s26+$0xFFFFFEF0]  }
0x113: {  	v36 =	vld [tilespmem:s26+$0xFFFFFF20]  }
0x114: {  	v37 =	vld [tilespmem:s26+$0xFFFFFEB0]  }
0x115: {  	v38 =	vld [tilespmem:s26+$0xFFFFFEE0]  }
0x116: {  	v39 =	vld [tilespmem:s26+$0xFFFFFE70]  }
0x117: {  	v40 =	vld [tilespmem:s26+$0xFFFFFEA0]  }
0x118: {  	v41 =	vld [tilespmem:s26+$0xFFFFFE30]  }
0x119: {  	v42 =	vld [tilespmem:s26+$0xFFFFFE60]  }
0x11a: {  	v43 =	vld [tilespmem:s26+$0xFFFFFDF0]  }
.Ltmp0:
0x11b: {  	v44 =	vld [tilespmem:s26+$0xFFFFFE20];
	(pc) =	sbr.rel @p0 .LBB2_3-.Ltmp0, $4  }
0x11c: {  	v45 =	vld [tilespmem:s26+$0xFFFFFDB0]  }
0x11d: {  	v46 =	vld [tilespmem:s26+$0xFFFFFDE0]  }
0x11e: {  	v47 =	vld [tilespmem:s26+$0xFFFFFDA0]  }
0x11f: {  	s5 =	sadd.s32 $0x1, s5;
	v48 =	vld [tilespmem:s26+$0xFFFFFD80]  }
0x120: {  	v49 =	vld [tilespmem:s26+$0xFFFFFD90]  }
0x121: {  	v50 =	vld [tilespmem:s26+$0xFFFFFDC0]  }
0x122: {  	v51 =	vld [tilespmem:s26+$0xFFFFFDD0]  }
0x123: {  	v52 =	vld [tilespmem:s26+$0xFFFFFE00]  }
0x124: {  	v53 =	vld [tilespmem:s26+$0xFFFFFE10]  }
0x125: {  	v54 =	vld [tilespmem:s26+$0xFFFFFE40];
	v48 =	vadd.f32 $0.0e+00, v48  }
0x126: {  	v55 =	vld [tilespmem:s26+$0xFFFFFE50]  }
0x127: {  	v61 =	vld [tilespmem:s26+$0xFFFFFE80];
	v49 =	vadd.f32 $0.0e+00, v49;
	v48 =	vadd.f32 v50, v48  }
0x128: {  	v56 =	vld [tilespmem:s26+$0xFFFFFE90];
	v45 =	vadd.f32 $0.0e+00, v45;
	v47 =	vadd.f32 $0.0e+00, v47  }
0x129: {  	v62 =	vld [tilespmem:s26+$0xFFFFFEC0];
	v49 =	vadd.f32 v51, v49;
	v48 =	vadd.f32 v52, v48  }
0x12a: {  	v63 =	vld [tilespmem:s26+$0xFFFFFED0];
	v43 =	vadd.f32 v43, v45;
	v46 =	vadd.f32 v46, v47  }
0x12b: {  	v57 =	vld [tilespmem:s26+$0xFFFFFF40];
	v49 =	vadd.f32 v53, v49;
	v48 =	vadd.f32 v54, v48  }
0x12c: {  	v41 =	vadd.f32 v41, v43;
	v44 =	vadd.f32 v44, v46;
	v52 =	vld [tilespmem:s26+$0xFFFFFF00]  }
0x12d: {  	v58 =	vld [tilespmem:s26+$0xFFFFFF50];
	v55 =	vadd.f32 v55, v49;
	v48 =	vadd.f32 v61, v48  }
0x12e: {  	v39 =	vadd.f32 v39, v41;
	v42 =	vadd.f32 v42, v44;
	v54 =	vld [tilespmem:s26+$0xFFFFFF10]  }
0x12f: {  	v45 =	vld [tilespmem:s26+$0x90];
	v59 =	vadd.f32 v56, v55;
	v60 =	vadd.f32 v62, v48  }
0x130: {  	v37 =	vadd.f32 v37, v39;
	v40 =	vadd.f32 v40, v42;
	v61 =	vld [tilespmem:s26+$0xFFFFFF80]  }
0x131: {  	v51 =	vld [tilespmem:s26+$0xFFFFFFC0];
	v63 =	vadd.f32 v63, v59;
	v50 =	vadd.f32 v52, v60  }
0x132: {  	v35 =	vadd.f32 v35, v37;
	v38 =	vadd.f32 v38, v40;
	v62 =	vld [tilespmem:s26+$0xFFFFFF90]  }
0x133: {  	v55 =	vld [tilespmem:s26+$0x0];
	v53 =	vadd.f32 v54, v63;
	v54 =	vadd.f32 v57, v50  }
0x134: {  	v33 =	vadd.f32 v33, v35;
	v36 =	vadd.f32 v36, v38;
	v52 =	vld [tilespmem:s26+$0xFFFFFFD0]  }
0x135: {  	v56 =	vld [tilespmem:s26+$0x10];
	v57 =	vadd.f32 v58, v53;
	v58 =	vadd.f32 v61, v54  }
0x136: {  	v59 =	vld [tilespmem:s26+$0x40];
	v31 =	vadd.f32 v31, v33;
	v34 =	vadd.f32 v34, v36  }
0x137: {  	v60 =	vld [tilespmem:s26+$0x50];
	v61 =	vadd.f32 v62, v57;
	v62 =	vadd.f32 v51, v58  }
0x138: {  	v63 =	vld [tilespmem:s26+$0x80];
	v29 =	vadd.f32 v29, v31;
	v32 =	vadd.f32 v32, v34  }
0x139: {  	v48 =	vld [tilespmem:s26+$0xC0];
	v46 =	vadd.f32 v52, v61;
	v47 =	vadd.f32 v55, v62  }
0x13a: {  	v31 =	vld [tilespmem:s26+$0xD0];
	v27 =	vadd.f32 v27, v29;
	v30 =	vadd.f32 v30, v32  }
0x13b: {  	v29 =	vld [tilespmem:s26+$0x110];
	v49 =	vadd.f32 v56, v46;
	v50 =	vadd.f32 v59, v47  }
0x13c: {  	v25 =	vadd.f32 v25, v27;
	v51 =	vld [tilespmem:s26+$0x100];
	v28 =	vadd.f32 v28, v30  }
0x13d: {  	v53 =	vld [tilespmem:s26+$0x140];
	v30 =	vadd.f32 v60, v49;
	v52 =	vadd.f32 v63, v50  }
0x13e: {  	v54 =	vld [tilespmem:s26+$0x180];
	v23 =	vadd.f32 v23, v25;
	v26 =	vadd.f32 v26, v28  }
0x13f: {  	v27 =	vld [tilespmem:s26+$0x150];
	v28 =	vadd.f32 v45, v30;
	v30 =	vadd.f32 v48, v52  }
0x140: {  	v25 =	vld [tilespmem:s26+$0x190];
	v21 =	vadd.f32 v21, v23;
	v24 =	vadd.f32 v24, v26  }
0x141: {  	v23 =	vld [tilespmem:s26+$0x1D0];
	v26 =	vadd.f32 v31, v28;
	v28 =	vadd.f32 v51, v30  }
0x142: {  	v19 =	vadd.f32 v19, v21;
	v22 =	vadd.f32 v22, v24;
	v30 =	vld [tilespmem:s26+$0x1C0]  }
0x143: {  	v21 =	vld [tilespmem:s26+$0x210];
	v24 =	vadd.f32 v29, v26;
	v26 =	vadd.f32 v53, v28  }
0x144: {  	v17 =	vadd.f32 v17, v19;
	v20 =	vadd.f32 v20, v22;
	v28 =	vld [tilespmem:s26+$0x200]  }
0x145: {  	v19 =	vld [tilespmem:s26+$0x250];
	v22 =	vadd.f32 v27, v24;
	v24 =	vadd.f32 v54, v26  }
0x146: {  	s5 =	sadd.s32 $0x40, s30;
	v18 =	vadd.f32 v18, v20;
	v26 =	vld [tilespmem:s26+$0x240]  }
0x147: {  	v20 =	vadd.f32 v25, v22;
	v22 =	vadd.f32 v30, v24;
	v24 =	vld [tilespmem:s5+$0xFFFFFFE0]  }
0x148: {  	v15 =	vadd.f32 v15, v17;
	v17 =	vld [tilespmem:s26+$0x260];
	v16 =	vadd.f32 v16, v18  }
0x149: {  	v18 =	vadd.f32 v23, v20;
	v20 =	vadd.f32 v28, v22;
	v22 =	vld [tilespmem:s5+$0xFFFFFFF0]  }
0x14a: {  	v13 =	vadd.f32 v13, v15;
	v15 =	vld [tilespmem:s5+$0x0];
	v14 =	vadd.f32 v14, v16  }
0x14b: {  	v16 =	vadd.f32 v21, v18;
	v18 =	vadd.f32 v26, v20;
	v20 =	vld [tilespmem:s12+$0x0]  }
0x14c: {  	v9 =	vadd.f32 v9, v13;
	v21 =	vld [tilespmem:s26+$0x270];
	v7 =	vmul.f32 v7, v24  }
0x14d: {  	v10 =	vadd.f32 v10, v14;
	v13 =	vadd.f32 v19, v16;
	v16 =	vld [tilespmem:s5+$0x10];
	v14 =	vmul.f32 v24, v18  }
0x14e: {  	v8 =	vadd.f32 v8, v9;
	v7 =	vadd.f32 $0.0e+00, v7;
	v6 =	vmul.f32 v6, v22  }
0x14f: {  	v9 =	vadd.f32 v17, v10;
	v13 =	vmul.f32 v22, v13;
	v10 =	vadd.f32 $0.0e+00, v14  }
0x150: {  	v6 =	vadd.f32 v6, v7;
	v7 =	vmul.f32 v20, v15  }
0x151: {  	v9 =	vmul.f32 v15, v9;
	v8 =	vadd.f32 v21, v8;
	v10 =	vadd.f32 v13, v10  }
0x152: {  	v5 =	vmul.f32 v5, v16;
	v6 =	vadd.f32 v7, v6  }
0x153: {  	v8 =	vmul.f32 v16, v8;
	v7 =	vadd.f32 v9, v10  }
0x154: {  	v5 =	vadd.f32 v5, v6  }
0x155: {  	v6 =	vadd.f32 v8, v7  }
0x156: {  	v7 =	vperm.xlane v5, v1  }
0x157: {  	v8 =	vperm.xlane v6, v1  }
0x158: {  	v5 =	vadd.f32 v5, v7  }
0x159: {  	v6 =	vadd.f32 v8, v6  }
0x15a: {  	v7 =	vperm.xlane v5, v2  }
0x15b: {  	v8 =	vperm.xlane v6, v2  }
0x15c: {  	v5 =	vadd.f32 v5, v7  }
0x15d: {  	v6 =	vadd.f32 v8, v6  }
0x15e: {  	v7 =	vperm.xlane v5, v3  }
0x15f: {  	v8 =	vperm.xlane v6, v3  }
0x160: {  	v5 =	vadd.f32 v5, v7  }
0x161: {  	v6 =	vadd.f32 v8, v6  }
0x162: {  	v7 =	vperm.xlane v5, v4  }
0x163: {  	v8 =	vperm.xlane v6, v4  }
0x164: {  	v5 =	vadd.f32 v5, v7  }
0x165: {  	v6 =	vadd.f32 v8, v6  }
0x166: {  	v7 =	vmov s28;
	v5 =	vmul.f32 $5.000000070e-02, v5  }
0x167: {  	vm0 =	veq.s32 v7, v0;
	v6 =	vmul.f32 $5.000000070e-02, v6  }
0x168: {  	v5 =	vsel vm0, v5, v12  }
0x169: {  	v6 =	vsel vm0, v6, v11;
	[tilespmem:s11+$0x15200] =	vst v5  }
0x16a: {  	[tilespmem:s11+$0x15400] =	vst v6  }
0x16b: {  	_ =	swait.ge [sflag:s25], $0x1400  }
0x16c: {  	[sflag:s25] =	ssyncset.done $0x0  }
0x16d: {  	[sflag:s25] =	ssyncadd.s32 $0xFFFFEC00  }
0x16e: {  	_ =	swait.ge [sflag:s25], $0x1400  }
0x16f: {  	[sflag:s25] =	ssyncset.done $0x0  }
0x170: {  	[sflag:s25] =	ssyncadd.s32 $0xFFFFEC00  }
0x171: {  	_ =	swait.ge [sflag:s25], $0x1400  }
0x172: {  	[sflag:s25] =	ssyncset.done $0x0  }
0x173: {  	[sflag:s25] =	ssyncadd.s32 $0xFFFFEC00  }
0x174: {  	_ =	swait.ge [sflag:s25], $0x1400  }
0x175: {  	[sflag:s25] =	ssyncset.done $0x0  }
0x176: {  	[sflag:s25] =	ssyncadd.s32 $0xFFFFEC00  }
0x177: {  	_ =	swait.ge [sflag:s25], $0x400  }
0x178: {  	[sflag:s25] =	ssyncset.done $0x0  }
0x179: {  	s12 =	simm.s32 $0xCE20;
	[sflag:s25] =	ssyncadd.s32 $0xFFFFFC00  }
0x17a: {  	s26 =	simm.s32 $0x7C80;
	v5 =	vld [tilespmem:s12+$0x10]  }
0x17b: {  	v22 =	vld [tilespmem:s26+$0x1F0]  }
0x17c: {  	v21 =	vld [tilespmem:s26+$0x220]  }
0x17d: {  	v20 =	vld [tilespmem:s26+$0x1B0]  }
0x17e: {  	v19 =	vld [tilespmem:s26+$0x1E0]  }
0x17f: {  	v18 =	vld [tilespmem:s26+$0x170]  }
0x180: {  	v17 =	vld [tilespmem:s26+$0x1A0]  }
0x181: {  	v16 =	vld [tilespmem:s26+$0x130]  }
0x182: {  	v15 =	vld [tilespmem:s26+$0x160]  }
0x183: {  	v14 =	vld [tilespmem:s26+$0xF0]  }
0x184: {  	v13 =	vld [tilespmem:s26+$0x120]  }
0x185: {  	v12 =	vld [tilespmem:s26+$0xB0]  }
0x186: {  	v11 =	vld [tilespmem:s26+$0xE0]  }
0x187: {  	v10 =	vld [tilespmem:s26+$0x70]  }
0x188: {  	v9 =	vld [tilespmem:s26+$0xA0]  }
0x189: {  	v23 =	vld [tilespmem:s26+$0x30]  }
0x18a: {  	v24 =	vld [tilespmem:s26+$0x60]  }
0x18b: {  	v25 =	vld [tilespmem:s26+$0xFFFFFFF0]  }
0x18c: {  	v26 =	vld [tilespmem:s26+$0x20]  }
0x18d: {  	v27 =	vld [tilespmem:s26+$0xFFFFFFB0]  }
0x18e: {  	v28 =	vld [tilespmem:s26+$0xFFFFFFE0]  }
0x18f: {  	v29 =	vld [tilespmem:s26+$0xFFFFFF70]  }
0x190: {  	v30 =	vld [tilespmem:s26+$0xFFFFFFA0]  }
0x191: {  	v31 =	vld [tilespmem:s26+$0xFFFFFF30]  }
0x192: {  	v32 =	vld [tilespmem:s26+$0xFFFFFF60]  }
0x193: {  	v33 =	vld [tilespmem:s26+$0xFFFFFEF0]  }
0x194: {  	v34 =	vld [tilespmem:s26+$0xFFFFFF20]  }
0x195: {  	v35 =	vld [tilespmem:s26+$0xFFFFFEB0]  }
0x196: {  	v36 =	vld [tilespmem:s26+$0xFFFFFEE0]  }
0x197: {  	v37 =	vld [tilespmem:s26+$0xFFFFFE70]  }
0x198: {  	v38 =	vld [tilespmem:s26+$0xFFFFFEA0]  }
0x199: {  	v39 =	vld [tilespmem:s26+$0xFFFFFE30]  }
0x19a: {  	v40 =	vld [tilespmem:s26+$0xFFFFFE60]  }
0x19b: {  	v41 =	vld [tilespmem:s26+$0xFFFFFDF0]  }
0x19c: {  	v42 =	vld [tilespmem:s26+$0xFFFFFE20]  }
0x19d: {  	v43 =	vld [tilespmem:s26+$0xFFFFFDB0]  }
0x19e: {  	v44 =	vld [tilespmem:s26+$0xFFFFFDE0]  }
0x19f: {  	v45 =	vld [tilespmem:s26+$0xFFFFFDA0]  }
0x1a0: {  	v46 =	vld [tilespmem:s26+$0xFFFFFD80]  }
0x1a1: {  	v47 =	vld [tilespmem:s26+$0xFFFFFD90]  }
0x1a2: {  	v48 =	vld [tilespmem:s26+$0xFFFFFDC0]  }
0x1a3: {  	v49 =	vld [tilespmem:s26+$0xFFFFFDD0]  }
0x1a4: {  	v50 =	vld [tilespmem:s26+$0xFFFFFE00]  }
0x1a5: {  	v51 =	vld [tilespmem:s26+$0xFFFFFE10]  }
0x1a6: {  	v52 =	vld [tilespmem:s26+$0xFFFFFE40]  }
0x1a7: {  	v53 =	vld [tilespmem:s26+$0xFFFFFE50]  }
0x1a8: {  	v54 =	vld [tilespmem:s26+$0xFFFFFE80]  }
0x1a9: {  	v55 =	vld [tilespmem:s26+$0xFFFFFE90]  }
0x1aa: {  	v56 =	vld [tilespmem:s26+$0xFFFFFEC0]  }
0x1ab: {  	v57 =	vld [tilespmem:s26+$0xFFFFFED0]  }
0x1ac: {  	v58 =	vld [tilespmem:s26+$0xFFFFFF00]  }
0x1ad: {  	v59 =	vld [tilespmem:s26+$0xFFFFFF10]  }
0x1ae: {  	v60 =	vld [tilespmem:s26+$0xFFFFFF40]  }
0x1af: {  	v61 =	vld [tilespmem:s26+$0xFFFFFF50]  }
0x1b0: {  	[tilespmem:$0x1FFB0] =	vst v5;
	v5 =	vld [tilespmem:s12+$0xFFFFFFF0]  }
0x1b1: {  	v62 =	vld [tilespmem:s26+$0xFFFFFF80]  }
0x1b2: {  	v63 =	vld [tilespmem:s26+$0xFFFFFF90];
	v46 =	vadd.f32 $0.0e+00, v46  }
0x1b3: {  	v6 =	vld [tilespmem:s26+$0xFFFFFFD0]  }
0x1b4: {  	v7 =	vld [tilespmem:s26+$0x0];
	v46 =	vadd.f32 v48, v46  }
0x1b5: {  	v45 =	vadd.f32 $0.0e+00, v45;
	[tilespmem:$0x1FFA0] =	vst v5;
	v5 =	vld [tilespmem:s12+$0xFFFFFFE0]  }
0x1b6: {  	v8 =	vld [tilespmem:s26+$0x40];
	v47 =	vadd.f32 $0.0e+00, v47;
	v46 =	vadd.f32 v50, v46  }
0x1b7: {  	v43 =	vadd.f32 $0.0e+00, v43;
	v48 =	vld [tilespmem:s26+$0x10];
	v44 =	vadd.f32 v44, v45  }
0x1b8: {  	v47 =	vadd.f32 v49, v47;
	v49 =	vld [tilespmem:s26+$0x50];
	v46 =	vadd.f32 v52, v46  }
0x1b9: {  	v45 =	vld [tilespmem:s26+$0x80];
	v41 =	vadd.f32 v41, v43;
	v42 =	vadd.f32 v42, v44  }
0x1ba: {  	v47 =	vadd.f32 v51, v47;
	v46 =	vadd.f32 v54, v46;
	[tilespmem:$0x1FF80] =	vst v5;
	v5 =	vld [tilespmem:s26+$0x230]  }
0x1bb: {  	v50 =	vld [tilespmem:s26+$0x90];
	v39 =	vadd.f32 v39, v41;
	v40 =	vadd.f32 v40, v42  }
0x1bc: {  	v44 =	vld [tilespmem:s26+$0xC0];
	v47 =	vadd.f32 v53, v47;
	v46 =	vadd.f32 v56, v46  }
0x1bd: {  	v51 =	vld [tilespmem:s26+$0xD0];
	v37 =	vadd.f32 v37, v39;
	v38 =	vadd.f32 v38, v40  }
0x1be: {  	v42 =	vld [tilespmem:s26+$0x100];
	v55 =	vadd.f32 v55, v47;
	v53 =	vadd.f32 v58, v46  }
0x1bf: {  	v35 =	vadd.f32 v35, v37;
	v36 =	vadd.f32 v36, v38;
	[tilespmem:$0x1FF90] =	vst v5;
	v5 =	vld [tilespmem:s26+$0xFFFFFFC0]  }
0x1c0: {  	v47 =	vld [tilespmem:s26+$0x110];
	v52 =	vadd.f32 v57, v55;
	v55 =	vadd.f32 v60, v53  }
0x1c1: {  	v40 =	vld [tilespmem:s26+$0x140];
	v33 =	vadd.f32 v33, v35;
	v34 =	vadd.f32 v34, v36  }
0x1c2: {  	v38 =	vld [tilespmem:s26+$0x180];
	v54 =	vadd.f32 v59, v52;
	v59 =	vadd.f32 v62, v55  }
0x1c3: {  	v56 =	vld [tilespmem:s26+$0x190];
	v32 =	vadd.f32 v32, v34  }
0x1c4: {  	v57 =	vld [tilespmem:s26+$0x1C0];
	v31 =	vadd.f32 v31, v33;
	v5 =	vadd.f32 v5, v59  }
0x1c5: {  	v46 =	vld [tilespmem:s26+$0x150];
	v58 =	vadd.f32 v61, v54;
	v30 =	vadd.f32 v30, v32  }
0x1c6: {  	v52 =	vld [tilespmem:s26+$0x240];
	v5 =	vadd.f32 v7, v5;
	v7 =	vadd.f32 v29, v31  }
0x1c7: {  	v60 =	vld [tilespmem:s26+$0x1D0];
	v28 =	vadd.f32 v28, v30  }
0x1c8: {  	v61 =	vld [tilespmem:s26+$0x200];
	v62 =	vadd.f32 v63, v58;
	v7 =	vadd.f32 v27, v7  }
0x1c9: {  	v53 =	vld [tilespmem:s26+$0x250];
	v5 =	vadd.f32 v8, v5;
	v8 =	vadd.f32 v26, v28  }
0x1ca: {  	v63 =	vld [tilespmem:s26+$0x210];
	v6 =	vadd.f32 v6, v62;
	v7 =	vadd.f32 v25, v7  }
0x1cb: {  	v30 =	vld [tilespmem:s26+$0x260];
	v8 =	vadd.f32 v24, v8  }
0x1cc: {  	v6 =	vadd.f32 v48, v6;
	v29 =	vld [tilespmem:s31+$0xFFFFFFD0];
	v7 =	vadd.f32 v23, v7  }
0x1cd: {  	v26 =	vld [tilespmem:s31+$0xFFFFFFE0];
	v5 =	vadd.f32 v45, v5;
	v8 =	vadd.f32 v9, v8  }
0x1ce: {  	v6 =	vadd.f32 v49, v6;
	v27 =	vld [tilespmem:s26+$0x270];
	v10 =	vadd.f32 v10, v7  }
0x1cf: {  	v28 =	vld [tilespmem:s31+$0x0];
	v5 =	vadd.f32 v44, v5;
	v8 =	vadd.f32 v11, v8  }
0x1d0: {  	v6 =	vadd.f32 v50, v6;
	v24 =	vld [tilespmem:s31+$0xFFFFFFF0];
	v10 =	vadd.f32 v12, v10  }
0x1d1: {  	v25 =	vld [tilespmem:s12+$0x0];
	s12 =	simm.s32 $0x8180;
	v23 =	vadd.f32 v42, v5;
	v12 =	vadd.f32 v13, v8  }
0x1d2: {  	v32 =	vld [tilespmem:s12+$0xFFFFFFA0];
	v9 =	vadd.f32 v51, v6;
	v14 =	vadd.f32 v14, v10  }
0x1d3: {  	v33 =	vld [tilespmem:s12+$0xFFFFFF30];
	v11 =	vadd.f32 v40, v23;
	v12 =	vadd.f32 v15, v12  }
0x1d4: {  	v34 =	vld [tilespmem:s12+$0xFFFFFF60];
	v9 =	vadd.f32 v47, v9;
	v16 =	vadd.f32 v16, v14  }
0x1d5: {  	v35 =	vld [tilespmem:s12+$0xFFFFFEF0];
	v11 =	vadd.f32 v38, v11;
	v12 =	vadd.f32 v17, v12  }
0x1d6: {  	v36 =	vld [tilespmem:s12+$0xFFFFFF20];
	v13 =	vadd.f32 v46, v9;
	v18 =	vadd.f32 v18, v16  }
0x1d7: {  	v37 =	vld [tilespmem:s12+$0xFFFFFEB0];
	v11 =	vadd.f32 v57, v11;
	v12 =	vadd.f32 v19, v12  }
0x1d8: {  	v39 =	vld [tilespmem:s12+$0xFFFFFE70];
	v15 =	vadd.f32 v56, v13;
	v20 =	vadd.f32 v20, v18  }
0x1d9: {  	v41 =	vld [tilespmem:s12+$0xFFFFFE30];
	v11 =	vadd.f32 v61, v11;
	v12 =	vadd.f32 v21, v12  }
0x1da: {  	v17 =	vadd.f32 v60, v15;
	v22 =	vadd.f32 v22, v20;
	v20 =	vld [tilespmem:$0x1FF80]  }
0x1db: {  	v11 =	vadd.f32 v52, v11;
	v12 =	vadd.f32 v30, v12;
	v30 =	vld [tilespmem:$0x1FF90]  }
0x1dc: {  	v43 =	vld [tilespmem:s12+$0xFFFFFDF0];
	v19 =	vadd.f32 v63, v17  }
0x1dd: {  	v45 =	vld [tilespmem:s12+$0xFFFFFDB0];
	v11 =	vmul.f32 v29, v11  }
0x1de: {  	s11 =	simm.s32 $0xCE60;
	v48 =	vld [tilespmem:s12+$0xFFFFFD80];
	v21 =	vadd.f32 v53, v19  }
0x1df: {  	v6 =	vld [tilespmem:s11+$0xFFFFFFF0];
	v11 =	vadd.f32 $0.0e+00, v11  }
0x1e0: {  	v23 =	vmul.f32 v20, v29;
	v29 =	vmul.f32 v26, v21;
	v30 =	vadd.f32 v30, v22;
	v22 =	vld [tilespmem:$0x1FFA0]  }
0x1e1: {  	v44 =	vld [tilespmem:s12+$0xFFFFFE20]  }
0x1e2: {  	v5 =	vld [tilespmem:s11+$0x10];
	v12 =	vmul.f32 v24, v12;
	v11 =	vadd.f32 v29, v11  }
0x1e3: {  	v7 =	vld [tilespmem:s11+$0xFFFFFFE0]  }
0x1e4: {  	v11 =	vadd.f32 v12, v11;
	v12 =	vld [tilespmem:$0x1FFB0]  }
0x1e5: {  	v42 =	vld [tilespmem:s12+$0xFFFFFE60];
	v31 =	vadd.f32 $0.0e+00, v23;
	v26 =	vmul.f32 v22, v26  }
0x1e6: {  	v47 =	vld [tilespmem:s12+$0xFFFFFDA0]  }
0x1e7: {  	v8 =	vld [tilespmem:s12+$0x230];
	v27 =	vadd.f32 v27, v30;
	v29 =	vmul.f32 v25, v24;
	v26 =	vadd.f32 v26, v31  }
0x1e8: {  	v9 =	vld [tilespmem:s12+$0x1F0]  }
0x1e9: {  	v40 =	vld [tilespmem:s12+$0xFFFFFEA0];
	v12 =	vmul.f32 v12, v28;
	v28 =	vmul.f32 v28, v27;
	v29 =	vadd.f32 v29, v26  }
0x1ea: {  	v46 =	vld [tilespmem:s12+$0xFFFFFDE0]  }
0x1eb: {  	v10 =	vld [tilespmem:s12+$0x220];
	v11 =	vadd.f32 v28, v11;
	v12 =	vadd.f32 v12, v29  }
0x1ec: {  	v13 =	vld [tilespmem:s12+$0x1B0]  }
0x1ed: {  	v38 =	vld [tilespmem:s12+$0xFFFFFEE0];
	v54 =	vperm.xlane v11, v1;
	v55 =	vperm.xlane v12, v1  }
0x1ee: {  	v14 =	vld [tilespmem:s12+$0x1E0]  }
0x1ef: {  	v15 =	vld [tilespmem:s12+$0x170];
	v11 =	vadd.f32 v54, v11;
	v12 =	vadd.f32 v12, v55  }
0x1f0: {  	v16 =	vld [tilespmem:s12+$0x1A0]  }
0x1f1: {  	v17 =	vld [tilespmem:s12+$0x130];
	v56 =	vperm.xlane v11, v2;
	v57 =	vperm.xlane v12, v2  }
0x1f2: {  	v18 =	vld [tilespmem:s12+$0x160]  }
0x1f3: {  	v19 =	vld [tilespmem:s12+$0xF0];
	v11 =	vadd.f32 v56, v11;
	v12 =	vadd.f32 v12, v57  }
0x1f4: {  	v20 =	vld [tilespmem:s12+$0x120]  }
0x1f5: {  	v21 =	vld [tilespmem:s12+$0xB0];
	v58 =	vperm.xlane v11, v3;
	v59 =	vperm.xlane v12, v3  }
0x1f6: {  	v23 =	vld [tilespmem:s12+$0x70]  }
0x1f7: {  	v24 =	vld [tilespmem:s12+$0xA0];
	v11 =	vadd.f32 v58, v11;
	v12 =	vadd.f32 v12, v59  }
0x1f8: {  	v25 =	vld [tilespmem:s12+$0x30]  }
0x1f9: {  	v30 =	vld [tilespmem:s12+$0xFFFFFFE0];
	v60 =	vperm.xlane v11, v4;
	v61 =	vperm.xlane v12, v4  }
0x1fa: {  	v22 =	vld [tilespmem:s12+$0xE0]  }
0x1fb: {  	v31 =	vld [tilespmem:s12+$0xFFFFFF70];
	v11 =	vadd.f32 v60, v11;
	v12 =	vadd.f32 v12, v61  }
0x1fc: {  	s30 =	simm.s32 $0x0;
	v26 =	vld [tilespmem:s12+$0x60]  }
0x1fd: {  	v62 =	vmov s30;
	v27 =	vld [tilespmem:s12+$0xFFFFFFF0];
	v11 =	vmul.f32 $5.000000070e-02, v11;
	v12 =	vmul.f32 $5.000000070e-02, v12  }
0x1fe: {  	vm15 =	veq.s32 v62, v0;
	v63 =	vimm.f32 $0.0e+00;
	v28 =	vld [tilespmem:s12+$0x20]  }
0x1ff: {  	s5 =	simm.s32 $0x2;
	s28 =	smov.u32 s31;
	s26 =	simm.s32 $0x1;
	v29 =	vld [tilespmem:s12+$0xFFFFFFB0];
	v11 =	vsel vm15, v11, v63;
	v12 =	vsel vm15, v12, v63  }
.LBB2_5:
0x200: {  	p0 =	sne.s32 s5, $0xF;
	v49 =	vld [tilespmem:s12+$0xFFFFFD90]  }
0x201: {  	v50 =	vld [tilespmem:s12+$0xFFFFFDC0]  }
0x202: {  	v51 =	vld [tilespmem:s12+$0xFFFFFDD0]  }
0x203: {  	v52 =	vld [tilespmem:s12+$0xFFFFFE00]  }
0x204: {  	v48 =	vadd.f32 $0.0e+00, v48;
	v53 =	vld [tilespmem:s12+$0xFFFFFE10]  }
0x205: {  	v54 =	vld [tilespmem:s12+$0xFFFFFE40]  }
0x206: {  	v49 =	vadd.f32 $0.0e+00, v49;
	v48 =	vadd.f32 v50, v48;
	v50 =	vld [tilespmem:s12+$0xFFFFFE50]  }
0x207: {  	v47 =	vadd.f32 $0.0e+00, v47;
	v55 =	vld [tilespmem:s12+$0xFFFFFE80]  }
0x208: {  	v49 =	vadd.f32 v51, v49;
	v48 =	vadd.f32 v52, v48;
	v51 =	vld [tilespmem:s12+$0xFFFFFE90]  }
0x209: {  	v45 =	vadd.f32 $0.0e+00, v45;
	v46 =	vadd.f32 v46, v47;
	v47 =	vld [tilespmem:s12+$0xFFFFFEC0]  }
0x20a: {  	v49 =	vadd.f32 v53, v49;
	v48 =	vadd.f32 v54, v48;
	v52 =	vld [tilespmem:s12+$0xFFFFFED0]  }
0x20b: {  	v43 =	vadd.f32 v43, v45;
	v44 =	vadd.f32 v44, v46;
	v45 =	vld [tilespmem:s12+$0xFFFFFF00]  }
0x20c: {  	v46 =	vadd.f32 v50, v49;
	v48 =	vadd.f32 v55, v48;
	v49 =	vld [tilespmem:s12+$0xFFFFFF10]  }
0x20d: {  	v41 =	vadd.f32 v41, v43;
	v42 =	vadd.f32 v42, v44;
	v43 =	vld [tilespmem:s12+$0xFFFFFF40]  }
0x20e: {  	v44 =	vadd.f32 v51, v46;
	v46 =	vadd.f32 v47, v48;
	v47 =	vld [tilespmem:s12+$0xFFFFFF50]  }
0x20f: {  	v39 =	vadd.f32 v39, v41;
	v40 =	vadd.f32 v40, v42;
	v41 =	vld [tilespmem:s12+$0xFFFFFF80]  }
0x210: {  	v42 =	vadd.f32 v52, v44;
	v44 =	vadd.f32 v45, v46;
	v45 =	vld [tilespmem:s12+$0xFFFFFF90]  }
0x211: {  	v37 =	vadd.f32 v37, v39;
	v38 =	vadd.f32 v38, v40;
	v39 =	vld [tilespmem:s12+$0xFFFFFFC0]  }
0x212: {  	v40 =	vadd.f32 v49, v42;
	v42 =	vadd.f32 v43, v44;
	v43 =	vld [tilespmem:s12+$0xFFFFFFD0]  }
0x213: {  	v35 =	vadd.f32 v35, v37;
	v36 =	vadd.f32 v36, v38;
	v37 =	vld [tilespmem:s12+$0x0]  }
0x214: {  	v38 =	vadd.f32 v47, v40;
	v40 =	vadd.f32 v41, v42;
	v41 =	vld [tilespmem:s12+$0x10]  }
0x215: {  	v33 =	vadd.f32 v33, v35;
	v34 =	vadd.f32 v34, v36;
	v35 =	vld [tilespmem:s12+$0x40]  }
0x216: {  	v36 =	vadd.f32 v45, v38;
	v38 =	vadd.f32 v39, v40;
	v39 =	vld [tilespmem:s12+$0x50]  }
0x217: {  	v31 =	vadd.f32 v31, v33;
	v32 =	vadd.f32 v32, v34;
	v33 =	vld [tilespmem:s12+$0x80]  }
0x218: {  	v34 =	vadd.f32 v43, v36;
	v36 =	vadd.f32 v37, v38;
	v37 =	vld [tilespmem:s12+$0x90]  }
0x219: {  	v29 =	vadd.f32 v29, v31;
	v30 =	vadd.f32 v30, v32;
	v31 =	vld [tilespmem:s12+$0xC0]  }
0x21a: {  	v32 =	vadd.f32 v41, v34;
	v34 =	vadd.f32 v35, v36;
	v35 =	vld [tilespmem:s12+$0xD0]  }
0x21b: {  	v27 =	vadd.f32 v27, v29;
	v28 =	vadd.f32 v28, v30;
	v29 =	vld [tilespmem:s12+$0x100]  }
0x21c: {  	v30 =	vadd.f32 v39, v32;
	v32 =	vadd.f32 v33, v34;
	v33 =	vld [tilespmem:s12+$0x110]  }
0x21d: {  	v25 =	vadd.f32 v25, v27;
	v26 =	vadd.f32 v26, v28;
	v27 =	vld [tilespmem:s12+$0x140]  }
0x21e: {  	v28 =	vadd.f32 v37, v30;
	v30 =	vadd.f32 v31, v32;
	v31 =	vld [tilespmem:s12+$0x150]  }
0x21f: {  	v23 =	vadd.f32 v23, v25;
	v24 =	vadd.f32 v24, v26;
	v25 =	vld [tilespmem:s12+$0x180]  }
0x220: {  	v26 =	vadd.f32 v35, v28;
	v28 =	vadd.f32 v29, v30;
	v29 =	vld [tilespmem:s12+$0x190]  }
0x221: {  	v21 =	vadd.f32 v21, v23;
	v22 =	vadd.f32 v22, v24;
	v23 =	vld [tilespmem:s12+$0x1C0]  }
0x222: {  	v24 =	vadd.f32 v33, v26;
	v26 =	vadd.f32 v27, v28;
	v27 =	vld [tilespmem:s12+$0x1D0]  }
0x223: {  	v19 =	vadd.f32 v19, v21;
	v20 =	vadd.f32 v20, v22;
	v21 =	vld [tilespmem:s12+$0x200]  }
0x224: {  	v22 =	vadd.f32 v31, v24;
	v24 =	vadd.f32 v25, v26;
	v25 =	vld [tilespmem:s12+$0x210]  }
0x225: {  	v17 =	vadd.f32 v17, v19;
	v18 =	vadd.f32 v18, v20;
	v19 =	vld [tilespmem:s12+$0x240]  }
0x226: {  	s28 =	sadd.s32 $0x40, s28;
	v20 =	vadd.f32 v29, v22;
	v22 =	vadd.f32 v23, v24;
	v23 =	vld [tilespmem:s12+$0x250]  }
0x227: {  	v15 =	vadd.f32 v15, v17;
	v16 =	vadd.f32 v16, v18;
	v17 =	vld [tilespmem:s28+$0xFFFFFFD0]  }
0x228: {  	v18 =	vadd.f32 v27, v20;
	v20 =	vadd.f32 v21, v22;
	v21 =	vld [tilespmem:s12+$0x260]  }
0x229: {  	v13 =	vadd.f32 v13, v15;
	v14 =	vadd.f32 v14, v16;
	v15 =	vld [tilespmem:s28+$0xFFFFFFE0]  }
0x22a: {  	v16 =	vadd.f32 v25, v18;
	v18 =	vadd.f32 v19, v20;
	v19 =	vld [tilespmem:s12+$0x270]  }
0x22b: {  	v9 =	vadd.f32 v9, v13;
	v13 =	vld [tilespmem:s28+$0xFFFFFFF0]  }
0x22c: {  	v10 =	vadd.f32 v10, v14;
	v14 =	vadd.f32 v23, v16;
	v16 =	vmul.f32 v17, v18;
	v18 =	vld [tilespmem:s11+$0x0]  }
0x22d: {  	v8 =	vadd.f32 v8, v9;
	v7 =	vmul.f32 v7, v17;
	s11 =	sadd.s32 $0x40, s11;
	v17 =	vld [tilespmem:s28+$0x0]  }
0x22e: {  	v9 =	vadd.f32 v21, v10;
	v20 =	vld [tilespmem:s11+$0x10];
	v10 =	vadd.f32 $0.0e+00, v16;
	v14 =	vmul.f32 v15, v14  }
0x22f: {  	v16 =	vadd.f32 $0.0e+00, v7;
	v15 =	vmul.f32 v6, v15;
	v6 =	vld [tilespmem:s11+$0xFFFFFFF0]  }
0x230: {  	s12 =	sadd.s32 $0x500, s12;
	v19 =	vadd.f32 v19, v8;
	v7 =	vld [tilespmem:s11+$0xFFFFFFE0];
	v10 =	vadd.f32 v14, v10;
	v14 =	vmul.f32 v13, v9  }
0x231: {  	v15 =	vadd.f32 v15, v16;
	v8 =	vld [tilespmem:s12+$0x230];
	v13 =	vmul.f32 v18, v13  }
0x232: {  	v9 =	vld [tilespmem:s12+$0x1F0];
	v14 =	vadd.f32 v14, v10;
	v16 =	vmul.f32 v5, v17;
	v17 =	vmul.f32 v17, v19  }
0x233: {  	v10 =	vld [tilespmem:s12+$0x220];
	v15 =	vadd.f32 v13, v15;
	v5 =	vmov v20  }
0x234: {  	v13 =	vld [tilespmem:s12+$0x1B0];
	v18 =	vadd.f32 v17, v14  }
0x235: {  	v14 =	vld [tilespmem:s12+$0x1E0];
	v19 =	vadd.f32 v16, v15  }
0x236: {  	v15 =	vld [tilespmem:s12+$0x170];
	v20 =	vperm.xlane v18, v1  }
0x237: {  	v16 =	vld [tilespmem:s12+$0x1A0];
	v21 =	vperm.xlane v19, v1  }
0x238: {  	v17 =	vld [tilespmem:s12+$0x130];
	v22 =	vadd.f32 v20, v18  }
0x239: {  	v18 =	vld [tilespmem:s12+$0x160];
	v23 =	vadd.f32 v19, v21  }
0x23a: {  	v19 =	vld [tilespmem:s12+$0xF0];
	v24 =	vperm.xlane v22, v2  }
0x23b: {  	v20 =	vld [tilespmem:s12+$0x120];
	v25 =	vperm.xlane v23, v2  }
0x23c: {  	v21 =	vld [tilespmem:s12+$0xB0];
	v26 =	vadd.f32 v24, v22  }
0x23d: {  	v22 =	vld [tilespmem:s12+$0xE0];
	v27 =	vadd.f32 v23, v25  }
0x23e: {  	v23 =	vld [tilespmem:s12+$0x70];
	v28 =	vperm.xlane v26, v3  }
0x23f: {  	v24 =	vld [tilespmem:s12+$0xA0];
	v29 =	vperm.xlane v27, v3  }
0x240: {  	v25 =	vld [tilespmem:s12+$0x30];
	v30 =	vadd.f32 v28, v26  }
0x241: {  	v26 =	vld [tilespmem:s12+$0x60];
	v31 =	vadd.f32 v27, v29  }
0x242: {  	v27 =	vld [tilespmem:s12+$0xFFFFFFF0];
	v32 =	vperm.xlane v30, v4  }
0x243: {  	v28 =	vld [tilespmem:s12+$0x20];
	v33 =	vperm.xlane v31, v4  }
0x244: {  	v29 =	vld [tilespmem:s12+$0xFFFFFFB0];
	v32 =	vadd.f32 v32, v30  }
0x245: {  	v30 =	vld [tilespmem:s12+$0xFFFFFFE0];
	v33 =	vadd.f32 v31, v33  }
0x246: {  	v34 =	vmov s26;
	s26 =	smov.u32 s5;
	v31 =	vld [tilespmem:s12+$0xFFFFFF70];
	v35 =	vmul.f32 $5.000000070e-02, v32  }
0x247: {  	vm0 =	veq.s32 v34, v0;
	v32 =	vld [tilespmem:s12+$0xFFFFFFA0];
	v36 =	vmul.f32 $5.000000070e-02, v33  }
0x248: {  	v33 =	vld [tilespmem:s12+$0xFFFFFF30];
	v11 =	vsel vm0, v35, v11  }
0x249: {  	v34 =	vld [tilespmem:s12+$0xFFFFFF60];
	v12 =	vsel vm0, v36, v12  }
0x24a: {  	v35 =	vld [tilespmem:s12+$0xFFFFFEF0]  }
0x24b: {  	v36 =	vld [tilespmem:s12+$0xFFFFFF20]  }
0x24c: {  	v37 =	vld [tilespmem:s12+$0xFFFFFEB0]  }
0x24d: {  	v38 =	vld [tilespmem:s12+$0xFFFFFEE0]  }
0x24e: {  	v39 =	vld [tilespmem:s12+$0xFFFFFE70]  }
0x24f: {  	v40 =	vld [tilespmem:s12+$0xFFFFFEA0]  }
0x250: {  	v41 =	vld [tilespmem:s12+$0xFFFFFE30]  }
0x251: {  	v42 =	vld [tilespmem:s12+$0xFFFFFE60]  }
0x252: {  	v43 =	vld [tilespmem:s12+$0xFFFFFDF0]  }
.Ltmp1:
0x253: {  	v44 =	vld [tilespmem:s12+$0xFFFFFE20];
	(pc) =	sbr.rel @p0 .LBB2_5-.Ltmp1, $4  }
0x254: {  	v45 =	vld [tilespmem:s12+$0xFFFFFDB0]  }
0x255: {  	v46 =	vld [tilespmem:s12+$0xFFFFFDE0]  }
0x256: {  	v47 =	vld [tilespmem:s12+$0xFFFFFDA0]  }
0x257: {  	s5 =	sadd.s32 $0x1, s5;
	v48 =	vld [tilespmem:s12+$0xFFFFFD80]  }
0x258: {  	v49 =	vld [tilespmem:s12+$0xFFFFFD90]  }
0x259: {  	v50 =	vld [tilespmem:s12+$0xFFFFFDC0]  }
0x25a: {  	v51 =	vld [tilespmem:s12+$0xFFFFFDD0]  }
0x25b: {  	v52 =	vld [tilespmem:s12+$0xFFFFFE00]  }
0x25c: {  	v53 =	vld [tilespmem:s12+$0xFFFFFE10]  }
0x25d: {  	v54 =	vld [tilespmem:s12+$0xFFFFFE40];
	v48 =	vadd.f32 $0.0e+00, v48  }
0x25e: {  	v55 =	vld [tilespmem:s12+$0xFFFFFE50]  }
0x25f: {  	v62 =	vld [tilespmem:s12+$0xFFFFFE80];
	v49 =	vadd.f32 $0.0e+00, v49;
	v48 =	vadd.f32 v50, v48  }
0x260: {  	v56 =	vld [tilespmem:s12+$0xFFFFFE90];
	v47 =	vadd.f32 $0.0e+00, v47  }
0x261: {  	v63 =	vld [tilespmem:s12+$0xFFFFFEC0];
	v49 =	vadd.f32 v51, v49;
	v48 =	vadd.f32 v52, v48  }
0x262: {  	v57 =	vld [tilespmem:s12+$0xFFFFFF10];
	v45 =	vadd.f32 $0.0e+00, v45;
	v46 =	vadd.f32 v46, v47  }
0x263: {  	v47 =	vld [tilespmem:s12+$0xFFFFFED0];
	v49 =	vadd.f32 v53, v49;
	v48 =	vadd.f32 v54, v48  }
0x264: {  	v43 =	vadd.f32 v43, v45;
	v44 =	vadd.f32 v44, v46;
	v52 =	vld [tilespmem:s12+$0xFFFFFF00]  }
0x265: {  	v59 =	vld [tilespmem:s12+$0xFFFFFF40];
	v58 =	vadd.f32 v55, v49;
	v48 =	vadd.f32 v62, v48  }
0x266: {  	v60 =	vld [tilespmem:s12+$0xFFFFFF50];
	v41 =	vadd.f32 v41, v43;
	v42 =	vadd.f32 v42, v44  }
0x267: {  	v50 =	vld [tilespmem:s12+$0xFFFFFF90];
	v61 =	vadd.f32 v56, v58;
	v62 =	vadd.f32 v63, v48  }
0x268: {  	v39 =	vadd.f32 v39, v41;
	v40 =	vadd.f32 v40, v42;
	v63 =	vld [tilespmem:s12+$0xFFFFFF80]  }
0x269: {  	v41 =	vld [tilespmem:s12+$0x200];
	v51 =	vadd.f32 v47, v61;
	v53 =	vadd.f32 v52, v62  }
0x26a: {  	v37 =	vadd.f32 v37, v39;
	v54 =	vld [tilespmem:s12+$0xFFFFFFC0];
	v38 =	vadd.f32 v38, v40  }
0x26b: {  	v55 =	vld [tilespmem:s12+$0xFFFFFFD0];
	v56 =	vadd.f32 v57, v51;
	v57 =	vadd.f32 v59, v53  }
0x26c: {  	v35 =	vadd.f32 v35, v37;
	v58 =	vld [tilespmem:s12+$0x0];
	v36 =	vadd.f32 v36, v38  }
0x26d: {  	v62 =	vld [tilespmem:s12+$0x40];
	v60 =	vadd.f32 v60, v56;
	v61 =	vadd.f32 v63, v57  }
0x26e: {  	v33 =	vadd.f32 v33, v35;
	v34 =	vadd.f32 v34, v36;
	v59 =	vld [tilespmem:s12+$0x10]  }
0x26f: {  	v47 =	vld [tilespmem:s12+$0x80];
	v45 =	vadd.f32 v50, v60;
	v46 =	vadd.f32 v54, v61  }
0x270: {  	v31 =	vadd.f32 v31, v33;
	v32 =	vadd.f32 v32, v34;
	v63 =	vld [tilespmem:s12+$0x50]  }
0x271: {  	v48 =	vld [tilespmem:s12+$0x90];
	v49 =	vadd.f32 v55, v45;
	v50 =	vadd.f32 v58, v46  }
0x272: {  	v51 =	vld [tilespmem:s12+$0xC0];
	v29 =	vadd.f32 v29, v31;
	v30 =	vadd.f32 v30, v32  }
0x273: {  	v52 =	vld [tilespmem:s12+$0xD0];
	v53 =	vadd.f32 v59, v49;
	v54 =	vadd.f32 v62, v50  }
0x274: {  	v27 =	vadd.f32 v27, v29;
	v55 =	vld [tilespmem:s12+$0x100];
	v28 =	vadd.f32 v28, v30  }
0x275: {  	v56 =	vld [tilespmem:s12+$0x110];
	v57 =	vadd.f32 v63, v53;
	v58 =	vadd.f32 v47, v54  }
0x276: {  	v25 =	vadd.f32 v25, v27;
	v59 =	vld [tilespmem:s12+$0x140];
	v26 =	vadd.f32 v26, v28  }
0x277: {  	v60 =	vld [tilespmem:s12+$0x150];
	v61 =	vadd.f32 v48, v57;
	v62 =	vadd.f32 v51, v58  }
0x278: {  	v23 =	vadd.f32 v23, v25;
	v63 =	vld [tilespmem:s12+$0x180];
	v24 =	vadd.f32 v24, v26  }
0x279: {  	v37 =	vld [tilespmem:s12+$0x1C0];
	v35 =	vadd.f32 v52, v61;
	v36 =	vadd.f32 v55, v62  }
0x27a: {  	v33 =	vld [tilespmem:s12+$0x190];
	v21 =	vadd.f32 v21, v23;
	v22 =	vadd.f32 v22, v24  }
0x27b: {  	v42 =	vld [tilespmem:s12+$0x210];
	v39 =	vadd.f32 v56, v35;
	v40 =	vadd.f32 v59, v36  }
0x27c: {  	v38 =	vld [tilespmem:s12+$0x1D0];
	v19 =	vadd.f32 v19, v21;
	v20 =	vadd.f32 v20, v22  }
0x27d: {  	v45 =	vld [tilespmem:s12+$0x240];
	v43 =	vadd.f32 v60, v39;
	v44 =	vadd.f32 v63, v40  }
0x27e: {  	s5 =	sadd.s32 $0x40, s28;
	v46 =	vld [tilespmem:s12+$0x250];
	v17 =	vadd.f32 v17, v19;
	v18 =	vadd.f32 v18, v20  }
0x27f: {  	v49 =	vld [tilespmem:s5+$0xFFFFFFD0];
	v47 =	vadd.f32 v33, v43;
	v48 =	vadd.f32 v37, v44  }
0x280: {  	v50 =	vld [tilespmem:s12+$0x260];
	v15 =	vadd.f32 v15, v17;
	v16 =	vadd.f32 v16, v18  }
0x281: {  	v53 =	vld [tilespmem:s5+$0xFFFFFFE0];
	v51 =	vadd.f32 v38, v47;
	v52 =	vadd.f32 v41, v48  }
0x282: {  	v54 =	vld [tilespmem:s5+$0xFFFFFFF0];
	v13 =	vadd.f32 v13, v15;
	v14 =	vadd.f32 v14, v16  }
0x283: {  	v57 =	vld [tilespmem:s11+$0x0];
	v55 =	vadd.f32 v42, v51;
	v56 =	vadd.f32 v45, v52  }
0x284: {  	v58 =	vld [tilespmem:s12+$0x270];
	v7 =	vmul.f32 v7, v49;
	v9 =	vadd.f32 v9, v13  }
0x285: {  	v61 =	vld [tilespmem:s5+$0x0];
	v10 =	vadd.f32 v10, v14;
	v59 =	vadd.f32 v46, v55;
	v60 =	vmul.f32 v49, v56  }
0x286: {  	v7 =	vadd.f32 $0.0e+00, v7;
	v6 =	vmul.f32 v6, v53;
	v8 =	vadd.f32 v8, v9  }
0x287: {  	v62 =	vadd.f32 v50, v10;
	v13 =	vmul.f32 v53, v59;
	v63 =	vadd.f32 $0.0e+00, v60  }
0x288: {  	v6 =	vadd.f32 v6, v7;
	v7 =	vmul.f32 v57, v54  }
0x289: {  	v8 =	vadd.f32 v58, v8;
	v9 =	vmul.f32 v54, v62;
	v10 =	vadd.f32 v13, v63  }
0x28a: {  	v5 =	vmul.f32 v5, v61;
	v6 =	vadd.f32 v7, v6  }
0x28b: {  	v8 =	vmul.f32 v61, v8;
	v7 =	vadd.f32 v9, v10  }
0x28c: {  	v5 =	vadd.f32 v5, v6  }
0x28d: {  	v6 =	vadd.f32 v8, v7  }
0x28e: {  	v7 =	vperm.xlane v5, v1  }
0x28f: {  	v8 =	vperm.xlane v6, v1  }
0x290: {  	v5 =	vadd.f32 v5, v7  }
0x291: {  	v6 =	vadd.f32 v8, v6  }
0x292: {  	v7 =	vperm.xlane v5, v2  }
0x293: {  	v8 =	vperm.xlane v6, v2  }
0x294: {  	v5 =	vadd.f32 v5, v7  }
0x295: {  	v6 =	vadd.f32 v8, v6  }
0x296: {  	v7 =	vperm.xlane v5, v3  }
0x297: {  	v8 =	vperm.xlane v6, v3  }
0x298: {  	v5 =	vadd.f32 v5, v7  }
0x299: {  	v6 =	vadd.f32 v8, v6  }
0x29a: {  	v7 =	vperm.xlane v5, v4  }
0x29b: {  	v8 =	vperm.xlane v6, v4  }
0x29c: {  	s1 =	sadd.s32 $0x1, s1;
	v5 =	vadd.f32 v5, v7  }
0x29d: {  	p0 =	sne.s32 s1, $0x10;
	v6 =	vadd.f32 v8, v6  }
.Ltmp2:
0x29e: {  	v7 =	vmov s26;
	v5 =	vmul.f32 $5.000000070e-02, v5;
	(pc) =	sbr.rel @p0 .LBB2_2-.Ltmp2, $4  }
0x29f: {  	vm0 =	veq.s32 v7, v0;
	v6 =	vmul.f32 $5.000000070e-02, v6  }
0x2a0: {  	v5 =	vsel vm0, v5, v12  }
0x2a1: {  	[tilespmem:s0+$0x15200] =	vst v5;
	v6 =	vsel vm0, v6, v11  }
0x2a2: {  	s4 =	sadd.s32 $0x800, s4;
	s31 =	sadd.s32 $0x800, s31;
	[tilespmem:s0+$0x15400] =	vst v6  }
0x2a3: {  	s0 =	simm.s32 $0x15200  }
0x2a4: {  	[hbm4b:s6+s2] =	stream.linear.scatter [tilespmem:s0], [sflag:$0x2], $0x200, $0x38;
	[tilespmem:$0x15600] =	vst v63  }
0x2a5: {  	s29 =	sadd.s32 $0x1, s29;
	_ =	swait.ge [sflag:s10], $0x200  }
0x2a6: {  	p0 =	sne.s32 s29, s9;
	[sflag:s10] =	ssyncset.done $0x0  }
.Ltmp3:
0x2a7: {  	s31 =	simm.s32 $0x15400;
	[sflag:s10] =	ssyncadd.s32 $0xFFFFFE00;
	(pc) =	sbr.rel @p0 .LBB2_1-.Ltmp3, $4  }
0x2a8: {  	[hbm4b:s8+s2] =	stream.linear.scatter [tilespmem:s31], [sflag:$0x2], $0x200, $0x38;
	[tilespmem:$0x15600] =	vst v63  }
0x2a9: {  	_ =	swait.ge [sflag:s10], $0x200  }
0x2aa: {  	[sflag:s10] =	ssyncset.done $0x0  }
0x2ab: {  	[sflag:s10] =	ssyncadd.s32 $0xFFFFFE00  }
0x2ac: {  	_ =	sfence.sel $0x180000  }
0x2ad: {  	[bflag:$0x0] =	sbarrier.arrive $0xFFFF  }
0x2ae: {  	_ =	strace $0x9000004A  }
0x2af: {  	s0 =	stileid.u32;
	[bflag:$0x2] =	sbarrier.arrive $0xFFFF  }
0x2b0: {  	p0 =	sne.s32 s0, $0x0;
	s0 =	rddreg [dreg:$0x2]  }
0x2b1: {  	s0 =	sadd.s32 @!p0 $0x100000, s0  }
0x2b2: {  	[sflag:s0] =	ssyncadd.tile.s32 @!p0 $0x1;
	_ =	shalt  }
.Lfunc_end2:
_tile_overlayer_lowered:
.L_overlay_start_2:
0x2b3: {  	(tag) =	ssettag $0x2  }
0x2b4: {  	s0 =	rddreg [dreg:$0x0];
	s2 =	stileid.u32  }
0x2b5: {  	s1 =	rddreg [dreg:$0x1];
	p0 =	sne.s32 s2, $0x0  }
0x2b6: {  	s3 =	rddreg [dreg:$0x2];
	[bflag:$0x3] =	sbarrier.arrive $0xFFFF;
	s2 =	simm.s32 @!p0 $0x1C02  }
0x2b7: {  	[timem:s3], [sflag:s2] =	dma.local @!p0 [hbm:s0], s1  }
0x2b8: {  	s0 =	simm.s32 @!p0 $0x2  }
0x2b9: {  	_ =	swait.ge @!p0 [sflag:s0], s1  }
0x2ba: {  	s1 =	ssub.s32 @!p0 $0x0, s1;
	[sflag:s0] =	ssyncset.done @!p0 $0x0  }
0x2bb: {  	[sflag:s0] =	ssyncadd.s32 @!p0 s1  }
0x2bc: {  	[bflag:$0x3] =	sbarrier.arrive $0xFFFF  }
0x2bd: {  	_ =	shalt  }

</sc_bundles>
